<compile_context>
chip_gen: v7x
topology: tpu7x:2x2x1
jax: 0.10.2.dev20260603
libtpu: 0.0.44.dev20260713+nightly
codegen_flags: <defaults>
</compile_context>

<pallas_src>
import functools

import numpy as np
import jax
import jax.numpy as jnp
from jax import lax
from jax.experimental import pallas as pl
from jax.experimental.pallas import tpu as pltpu

HEADS = 8
_PREC = None
DEPTH = 6
N_HASHES = 4
BUCKET = 64
HH = HEADS * N_HASHES


def _pe_table(T, D):
    pos = jnp.arange(T, dtype=jnp.float32)[:, None]
    div = jnp.exp(jnp.arange(0, D, 2, dtype=jnp.float32) * (-np.log(10000.0) / D))
    pe = jnp.zeros((T, D), dtype=jnp.float32)
    pe = pe.at[:, 0::2].set(jnp.sin(pos * div))
    pe = pe.at[:, 1::2].set(jnp.cos(pos * div))
    return pe


def _ln(x, g, b):
    m = jnp.mean(x, axis=-1, keepdims=True)
    v = jnp.mean((x - m) ** 2, axis=-1, keepdims=True)
    return (x - m) / jnp.sqrt(v + 1e-5) * g + b


def _proj_body(xt_ref, wpt_ref, bp_ref, pe_ref, h_ref):
    h_ref[...] = (
        jnp.dot(xt_ref[...], wpt_ref[...], preferred_element_type=jnp.float32, precision=_PREC)
        + bp_ref[...]
        + pe_ref[...]
    )


def _proj(xt, wpt, bp2, pe):
    T, D = pe.shape
    return pl.pallas_call(
        _proj_body,
        out_shape=jax.ShapeDtypeStruct((T, D), jnp.float32),
    )(xt, wpt, bp2, pe)


def _qkv_body(ln_ref, wqk_ref, wv_ref, nrm_ref, qkv_ref):
    ln = ln_ref[...]
    qk = jnp.dot(ln, wqk_ref[...], preferred_element_type=jnp.float32, precision=_PREC)
    v = jnp.dot(ln, wv_ref[...], preferred_element_type=jnp.float32, precision=_PREC)
    dh = qk.shape[1] // HEADS
    for h in range(HEADS):
        qkv_ref[h, :, :dh] = qk[:, h * dh:(h + 1) * dh]
        qkv_ref[h, :, dh:2 * dh] = v[:, h * dh:(h + 1) * dh]
        qkv_ref[h, :, 2 * dh:2 * dh + 1] = nrm_ref[h]
        qkv_ref[h, :, 2 * dh + 1:] = jnp.zeros((ln.shape[0], 15), jnp.float32)


def _qkv(ln2, wqk, wv, nrm):
    T, D = ln2.shape
    dh = D // HEADS
    NPROG = 8
    TB = T // NPROG
    return pl.pallas_call(
        _qkv_body,
        grid=(NPROG,),
        in_specs=[
            pl.BlockSpec((TB, D), lambda i: (i, 0)),
            pl.BlockSpec((D, D), lambda i: (0, 0)),
            pl.BlockSpec((D, D), lambda i: (0, 0)),
            pl.BlockSpec((HEADS, TB, 1), lambda i: (0, i, 0)),
        ],
        out_specs=pl.BlockSpec((HEADS, TB, 2 * dh + 16), lambda i: (0, i, 0)),
        out_shape=jax.ShapeDtypeStruct((HEADS, T, 2 * dh + 16), jnp.float32),
    )(ln2, wqk, wv, nrm)


def _rank_body(kc_ref, kr_ref, ranks_ref, ranksf_ref):
    kc = kc_ref[0]
    kr = kr_ref[0]
    T = kc.shape[0]
    acc = jnp.zeros((T, 1), jnp.int32)
    CH = 256
    for j in range(T // CH):
        blk = kr[:, j * CH:(j + 1) * CH]
        cmp = (blk < kc).astype(jnp.int32)
        acc = acc + jnp.sum(cmp, axis=1, keepdims=True)
    ranks_ref[0] = acc
    ranksf_ref[0] = acc + pl.program_id(0) * T


def _ranks(keys_col, keys_row):
    T = keys_col.shape[1]
    return pl.pallas_call(
        _rank_body,
        grid=(HH,),
        in_specs=[
            pl.BlockSpec((1, T, 1), lambda i: (i, 0, 0)),
            pl.BlockSpec((1, 1, T), lambda i: (i, 0, 0)),
        ],
        out_specs=[
            pl.BlockSpec((1, T, 1), lambda i: (i, 0, 0)),
            pl.BlockSpec((1, T, 1), lambda i: (i, 0, 0)),
        ],
        out_shape=[
            jax.ShapeDtypeStruct((HH, T, 1), jnp.int32),
            jax.ShapeDtypeStruct((HH, T, 1), jnp.int32),
        ],
    )(keys_col, keys_row)


def _attn_body(s_ref, o_ref):
    s = s_ref[0]
    T, d2 = s.shape
    dh = (d2 - 16) // 2
    nc = T // BUCKET
    scale = dh ** -0.5
    row = lax.broadcasted_iota(jnp.int32, (BUCKET, 2 * BUCKET), 0)
    col = lax.broadcasted_iota(jnp.int32, (BUCKET, 2 * BUCKET), 1)
    self_mask = col == row + BUCKET
    for c in range(nc):
        p = (c - 1) % nc
        cq = s[c * BUCKET:(c + 1) * BUCKET, :dh]
        kk = jnp.concatenate(
            [s[p * BUCKET:(p + 1) * BUCKET, :dh], cq], axis=0)
        vv = jnp.concatenate(
            [s[p * BUCKET:(p + 1) * BUCKET, dh:2 * dh],
             s[c * BUCKET:(c + 1) * BUCKET, dh:2 * dh]], axis=0)
        nrm = jnp.concatenate(
            [s[p * BUCKET:(p + 1) * BUCKET, 2 * dh:2 * dh + 1],
             s[c * BUCKET:(c + 1) * BUCKET, 2 * dh:2 * dh + 1]], axis=0)
        kn = kk / (nrm + 1e-9)
        logits = lax.dot_general(
            cq, kn, (((1,), (1,)), ((), ())), preferred_element_type=jnp.float32, precision=_PREC
        ) * scale
        logits = jnp.where(self_mask, -1e5, logits)
        m = jnp.max(logits, axis=1, keepdims=True)
        e = jnp.exp(logits - m)
        ssum = jnp.sum(e, axis=1, keepdims=True)
        lse = m + jnp.log(ssum)
        probs = jnp.exp(logits - lse)
        o = jnp.dot(probs, vv, preferred_element_type=jnp.float32, precision=_PREC)
        o_ref[0, c * BUCKET:(c + 1) * BUCKET, :dh] = o
        o_ref[0, c * BUCKET:(c + 1) * BUCKET, dh:dh + 1] = lse
        o_ref[0, c * BUCKET:(c + 1) * BUCKET, dh + 1:] = jnp.zeros(
            (BUCKET, o_ref.shape[2] - dh - 1), jnp.float32)


def _attn(sorted_qkv, dh):
    _, T, _ = sorted_qkv.shape
    DO = dh + 16
    return pl.pallas_call(
        _attn_body,
        grid=(HH,),
        in_specs=[pl.BlockSpec((1, T, 2 * dh + 16), lambda i: (i, 0, 0))],
        out_specs=pl.BlockSpec((1, T, DO), lambda i: (i, 0, 0)),
        out_shape=jax.ShapeDtypeStruct((HH, T, DO), jnp.float32),
    )(sorted_qkv)


def _combine_body(o_ref, att_ref):
    dh = att_ref.shape[2]
    lses = [o_ref[0, r, :, dh:dh + 1] for r in range(N_HASHES)]
    m = lses[0]
    for r in range(1, N_HASHES):
        m = jnp.maximum(m, lses[r])
    es = [jnp.exp(l - m) for l in lses]
    ssum = es[0]
    for r in range(1, N_HASHES):
        ssum = ssum + es[r]
    acc = es[0] * o_ref[0, 0, :, :dh]
    for r in range(1, N_HASHES):
        acc = acc + es[r] * o_ref[0, r, :, :dh]
    att_ref[0] = acc / ssum


def _combine(o_unsorted, dh):
    _, _, T, DO = o_unsorted.shape
    return pl.pallas_call(
        _combine_body,
        grid=(HEADS,),
        in_specs=[pl.BlockSpec((1, N_HASHES, T, DO), lambda i: (i, 0, 0, 0))],
        out_specs=pl.BlockSpec((1, T, dh), lambda i: (i, 0, 0)),
        out_shape=jax.ShapeDtypeStruct((HEADS, T, dh), jnp.float32),
    )(o_unsorted)


def _post1_body(att_ref, x1_ref, wo_ref, x1o_ref):
    a = jnp.dot(att_ref[...], wo_ref[...], preferred_element_type=jnp.float32, precision=_PREC)
    x1o_ref[...] = x1_ref[...] + a


def _post1(attcat, x1, wo):
    T, D = x1.shape
    NPROG = 8
    TB = T // NPROG
    return pl.pallas_call(
        _post1_body,
        grid=(NPROG,),
        in_specs=[
            pl.BlockSpec((TB, D), lambda i: (i, 0)),
            pl.BlockSpec((TB, D), lambda i: (i, 0)),
            pl.BlockSpec((D, D), lambda i: (0, 0)),
        ],
        out_specs=pl.BlockSpec((TB, D), lambda i: (i, 0)),
        out_shape=jax.ShapeDtypeStruct((T, D), jnp.float32),
    )(attcat, x1, wo)


def _post2_body(ln_ref, x2_ref, w1_ref, b1_ref, w2_ref, b2_ref, x2o_ref):
    h1 = jax.nn.gelu(
        jnp.dot(ln_ref[...], w1_ref[...], preferred_element_type=jnp.float32, precision=_PREC) + b1_ref[...])
    ff = jnp.dot(h1, w2_ref[...], preferred_element_type=jnp.float32, precision=_PREC) + b2_ref[...]
    x2o_ref[...] = x2_ref[...] + ff


def _post2(ln1, x2, w1, b1, w2, b2):
    T, D = x2.shape
    F = w1.shape[1]
    NPROG = 8
    TB = T // NPROG
    return pl.pallas_call(
        _post2_body,
        grid=(NPROG,),
        in_specs=[
            pl.BlockSpec((TB, D), lambda i: (i, 0)),
            pl.BlockSpec((TB, D), lambda i: (i, 0)),
            pl.BlockSpec((D, F), lambda i: (0, 0)),
            pl.BlockSpec((1, F), lambda i: (0, 0)),
            pl.BlockSpec((F, D), lambda i: (0, 0)),
            pl.BlockSpec((1, D), lambda i: (0, 0)),
        ],
        out_specs=pl.BlockSpec((TB, D), lambda i: (i, 0)),
        out_shape=jax.ShapeDtypeStruct((T, D), jnp.float32),
    )(ln1, x2, w1, b1, w2, b2)


def _avg_body(a_ref, b_ref, o_ref):
    o_ref[...] = (a_ref[...] + b_ref[...]) * 0.5


def _avg(x1, x2):
    return pl.pallas_call(
        _avg_body,
        out_shape=jax.ShapeDtypeStruct(x1.shape, jnp.float32),
    )(x1, x2)


def _permute(qkv8, osor, ranks, ranks_flat, dh):
    del ranks_flat
    HHl, T, _ = osor.shape if osor is not None else (HH, qkv8.shape[1], 0)
    if qkv8 is not None:
        sidx = jnp.argsort(ranks, axis=-1)
        qkv_hh = jnp.broadcast_to(
            qkv8[:, None], (HEADS, N_HASHES) + qkv8.shape[1:]
        ).reshape(HH, qkv8.shape[1], qkv8.shape[2])
        return jnp.take_along_axis(qkv_hh, sidx[..., None], axis=1)
    return jnp.take_along_axis(osor, ranks[..., None], axis=1)


def kernel(x, Wp, bp, Wqk, Wv, Wo, g_attn, b_attn, W1, b1, W2, b2, g_ff, b_ff,
           rotations):
    B, C, T = x.shape
    D = Wp.shape[0]
    dh = D // HEADS
    pe = _pe_table(T, D)
    g_attn2 = g_attn.reshape(1, D)
    b_attn2 = b_attn.reshape(1, D)
    g_ff2 = g_ff.reshape(1, D)
    b_ff2 = b_ff.reshape(1, D)
    b1r = b1.reshape(1, -1)
    b2r = b2.reshape(1, D)
    bp2 = bp.reshape(1, D)

    h_full = jnp.einsum('bct,dc->btd', x, Wp) + bp + pe[None]
    outs = []
    for bi in range(B):
        x1 = h_full[bi]
        x2 = h_full[bi]
        for _ in range(DEPTH):
            ln2 = _ln(x2, g_attn, b_attn)
            qk_flat = ln2 @ Wqk
            qkh = qk_flat.reshape(T, HEADS, dh).transpose(1, 0, 2)
            rotated = jax.vmap(
                lambda q: jnp.einsum('td,dhr->htr', q, rotations))(qkh)
            rotated = jnp.concatenate([rotated, -rotated], axis=-1)
            buckets = jnp.argmax(rotated, axis=-1).astype(jnp.int32)
            keys = buckets * T + jnp.arange(T, dtype=jnp.int32)
            keys_col = keys.reshape(HH, T, 1)
            keys_row = keys.reshape(HH, 1, T)
            nrm = jnp.linalg.norm(qkh, axis=-1).reshape(HEADS, T, 1)
            qkv8 = _qkv(ln2, Wqk, Wv, nrm)
            ranks_col, ranksf_col = _ranks(keys_col, keys_row)
            ranks = ranks_col.reshape(HH, T)
            sorted_qkv = _permute(qkv8, None, ranks, None, dh)
            osor = _attn(sorted_qkv, dh)
            oun = _permute(None, osor, ranks, None, dh)
            oun = oun.reshape(HEADS, N_HASHES, T, osor.shape[2])
            att = _combine(oun, dh)
            attcat = att.transpose(1, 0, 2).reshape(T, D)
            x1 = _post1(attcat, x1, Wo)
            ln1 = _ln(x1, g_ff, b_ff)
            x2 = _post2(ln1, x2, W1, b1r, W2, b2r)
        outs.append(_avg(x1, x2))
    return jnp.stack(outs, axis=0)

# --- scband reference (transcript-rebuilt; emitter-appended) ---
"""Pipeline reference for scband-masked-symbol-transformer-44641890075303 (READ-ONLY COPY).

The authoritative reference and input builder live on the scoring server;
editing this copy changes nothing except your own understanding.
"""

import jax, jax.numpy as jnp
import numpy as np

HEADS = 8
DEPTH = 6
N_HASHES = 4
BUCKET_SIZE = 64


def layer_norm(x, g, b):
    m = x.mean(-1, keepdims=True)
    v = ((x - m) ** 2).mean(-1, keepdims=True)
    return (x - m) / jnp.sqrt(v + 1e-5) * g + b


def positional_encoding(T, D):
    pos = jnp.arange(T, dtype=jnp.float32)[:, None]
    div = jnp.exp(jnp.arange(0, D, 2, dtype=jnp.float32) * (-np.log(10000.0) / D))
    pe = jnp.zeros((T, D), dtype=jnp.float32)
    pe = pe.at[:, 0::2].set(jnp.sin(pos * div))
    pe = pe.at[:, 1::2].set(jnp.cos(pos * div))
    return pe


def lsh_attention_head(qk, v, rotations):
    # qk, v: [T, dh]; rotations: [dh, n_hashes, n_buckets//2]
    T, dh = qk.shape
    rotated = jnp.einsum('td,dhr->htr', qk, rotations)
    rotated = jnp.concatenate([rotated, -rotated], axis=-1)  # [n_hashes, T, n_buckets]
    buckets = jnp.argmax(rotated, axis=-1)  # [n_hashes, T]
    ticker = jnp.arange(T)

    def one_round(bk):
        # stable sort tokens by bucket id (position used as tiebreak)
        sidx = jnp.argsort(bk * T + ticker)
        undo = jnp.argsort(sidx)
        sq = qk[sidx]
        sv = v[sidx]
        spos = ticker[sidx]
        nc = T // BUCKET_SIZE
        cq = sq.reshape(nc, BUCKET_SIZE, dh)
        # shared-QK: keys are L2-normalized queries
        ck = cq / (jnp.linalg.norm(cq, axis=-1, keepdims=True) + 1e-9)
        cv = sv.reshape(nc, BUCKET_SIZE, dh)
        cpos = spos.reshape(nc, BUCKET_SIZE)
        # look one chunk back (circular, as in Reformer)
        kk = jnp.concatenate([jnp.roll(ck, 1, axis=0), ck], axis=1)
        vv = jnp.concatenate([jnp.roll(cv, 1, axis=0), cv], axis=1)
        kpos = jnp.concatenate([jnp.roll(cpos, 1, axis=0), cpos], axis=1)
        logits = jnp.einsum('cqd,ckd->cqk', cq, kk) * (dh ** -0.5)
        self_mask = cpos[:, :, None] == kpos[:, None, :]
        logits = jnp.where(self_mask, -1e5, logits)
        lse = jax.scipy.special.logsumexp(logits, axis=-1)
        probs = jnp.exp(logits - lse[..., None])
        o = jnp.einsum('cqk,ckd->cqd', probs, vv).reshape(T, dh)
        return o[undo], lse.reshape(T)[undo]

    outs, lses = jax.vmap(one_round)(buckets)  # [n_hashes, T, dh], [n_hashes, T]
    w = jax.nn.softmax(lses, axis=0)
    return jnp.sum(outs * w[..., None], axis=0)


def lsh_self_attention(x, Wqk, Wv, Wo, rotations):
    T, D = x.shape
    dh = D // HEADS
    qk = (x @ Wqk).reshape(T, HEADS, dh).transpose(1, 0, 2)
    v = (x @ Wv).reshape(T, HEADS, dh).transpose(1, 0, 2)
    out = jax.vmap(lambda q_, v_: lsh_attention_head(q_, v_, rotations))(qk, v)
    out = out.transpose(1, 0, 2).reshape(T, D)
    return out @ Wo


def feed_forward(x, W1, b1, W2, b2):
    return jax.nn.gelu(x @ W1 + b1) @ W2 + b2


def forward(x, Wp, bp, Wqk, Wv, Wo, g_attn, b_attn, W1, b1, W2, b2, g_ff, b_ff, rotations):
    B, C, T = x.shape
    D = Wp.shape[0]
    # 1x1 conv input projection (channel mixing)
    h = jnp.einsum('bct,dc->btd', x, Wp) + bp
    # fixed sinusoidal positional encoding
    h = h + positional_encoding(T, D)[None]

    def encode_seq(seq):
        # reversible Reformer stack with weight tying (same attn/ff weights each block)
        x1 = seq
        x2 = seq
        for _ in range(DEPTH):
            x1 = x1 + lsh_self_attention(layer_norm(x2, g_attn, b_attn), Wqk, Wv, Wo, rotations)
            x2 = x2 + feed_forward(layer_norm(x1, g_ff, b_ff), W1, b1, W2, b2)
        return (x1 + x2) * 0.5

    return jax.vmap(encode_seq)(h)


def setup_inputs(seed: int = 0):
    key = jax.random.key(seed)
    B, C, T, D = 1, 2, 2048, 768
    dh = D // HEADS
    n_buckets = T // BUCKET_SIZE
    ks = jax.random.split(key, 16)
    return {
        "x": jax.random.normal(ks[0], (B, C, T), dtype=jnp.float32),
        "Wp": jax.random.normal(ks[1], (D, C), dtype=jnp.float32) * 0.02,
        "bp": jnp.zeros((D,), dtype=jnp.float32),
        "Wqk": jax.random.normal(ks[2], (D, D), dtype=jnp.float32) * 0.02,
        "Wv": jax.random.normal(ks[3], (D, D), dtype=jnp.float32) * 0.02,
        "Wo": jax.random.normal(ks[4], (D, D), dtype=jnp.float32) * 0.02,
        "g_attn": jnp.ones((D,), dtype=jnp.float32),
        "b_attn": jnp.zeros((D,), dtype=jnp.float32),
        "W1": jax.random.normal(ks[5], (D, 4 * D), dtype=jnp.float32) * 0.02,
        "b1": jnp.zeros((4 * D,), dtype=jnp.float32),
        "W2": jax.random.normal(ks[6], (4 * D, D), dtype=jnp.float32) * 0.02,
        "b2": jnp.zeros((D,), dtype=jnp.float32),
        "g_ff": jnp.ones((D,), dtype=jnp.float32),
        "b_ff": jnp.zeros((D,), dtype=jnp.float32),
        "rotations": jax.random.normal(ks[7], (dh, N_HASHES, n_buckets // 2), dtype=jnp.float32),
    }


def reference(x, Wp, bp, Wqk, Wv, Wo, g_attn, b_attn, W1, b1, W2, b2, g_ff, b_ff, rotations):
    return forward(x, Wp, bp, Wqk, Wv, Wo, g_attn, b_attn, W1, b1, W2, b2, g_ff, b_ff, rotations)

if __name__ == "__main__":
    import jax
    _d = setup_inputs()
    print(jax.jit(kernel)(*tuple(_d.values())))

</pallas_src>

<mosaic_0001>
module attributes {stable_mosaic.version = 14 : i64} {
  func.func @_rank_body(%arg0: i32, %arg1: memref<1x2048x1xi32, #tpu.memory_space<vmem>>, %arg2: memref<1x1x2048xi32, #tpu.memory_space<vmem>>, %arg3: memref<1x2048x1xi32, #tpu.memory_space<vmem>>, %arg4: memref<1x2048x1xi32, #tpu.memory_space<vmem>>) attributes {dimension_semantics = [#tpu.dimension_semantics<arbitrary>], iteration_bounds = array<i64: 32>, scalar_prefetch = 0 : i64, scratch_operands = 0 : i64, tpu.core_type = #tpu.core_type<tc>, window_params = [{transform_indices = @transform_0, window_bounds = array<i64: 1, 2048, 1>}, {transform_indices = @transform_1, window_bounds = array<i64: 1, 1, 2048>}, {transform_indices = @transform_2, window_bounds = array<i64: 1, 2048, 1>}, {transform_indices = @transform_3, window_bounds = array<i64: 1, 2048, 1>}]} {
    %get3A = arith.constant 0 : index
    %get3A_0 = arith.constant 0 : index
    %get3A_1 = arith.constant 0 : index
    %get3A_2 = vector.load %arg1[%get3A, %get3A_0, %get3A_1] : memref<1x2048x1xi32, #tpu.memory_space<vmem>>, vector<1x2048x1xi32>
    %get3A_3 = vector.shape_cast %get3A_2 : vector<1x2048x1xi32> to vector<2048x1xi32>
    %get3A_4 = arith.constant 0 : index
    %get3A_5 = arith.constant 0 : index
    %get3A_6 = arith.constant 0 : index
    %get3A_7 = vector.load %arg2[%get3A_4, %get3A_5, %get3A_6] : memref<1x1x2048xi32, #tpu.memory_space<vmem>>, vector<1x1x2048xi32>
    %get3A_8 = vector.shape_cast %get3A_7 : vector<1x1x2048xi32> to vector<1x2048xi32>
    %broadcast_in_dim3A = arith.constant 0 : i32
    %broadcast_in_dim3A_9 = vector.broadcast %broadcast_in_dim3A : i32 to vector<2048x1xi32>
    %slice3A = vector.extract_strided_slice %get3A_8 {offsets = [0, 0], sizes = [1, 256], strides = [1, 1]} : vector<1x2048xi32> to vector<1x256xi32>
    %lt3A = vector.broadcast %slice3A : vector<1x256xi32> to vector<2048x256xi32>
    %lt3A_10 = vector.broadcast %get3A_3 : vector<2048x1xi32> to vector<2048x256xi32>
    %lt3A_11 = arith.cmpi slt, %lt3A, %lt3A_10 : vector<2048x256xi32>
    %convert_element_type3A = arith.extui %lt3A_11 : vector<2048x256xi1> to vector<2048x256xi32>
    %reduce_sum3A = arith.constant dense<0> : vector<2048xi32>
    %reduce_sum3A_12 = vector.multi_reduction <add>, %convert_element_type3A, %reduce_sum3A [1] : vector<2048x256xi32> to vector<2048xi32>
    %broadcast_in_dim3A_13 = vector.shape_cast %reduce_sum3A_12 : vector<2048xi32> to vector<2048x1xi32>
    %add3A = arith.addi %broadcast_in_dim3A_9, %broadcast_in_dim3A_13 : vector<2048x1xi32>
    %slice3A_14 = vector.extract_strided_slice %get3A_8 {offsets = [0, 256], sizes = [1, 256], strides = [1, 1]} : vector<1x2048xi32> to vector<1x256xi32>
    %lt3A_15 = vector.broadcast %slice3A_14 : vector<1x256xi32> to vector<2048x256xi32>
    %lt3A_16 = vector.broadcast %get3A_3 : vector<2048x1xi32> to vector<2048x256xi32>
    %lt3A_17 = arith.cmpi slt, %lt3A_15, %lt3A_16 : vector<2048x256xi32>
    %convert_element_type3A_18 = arith.extui %lt3A_17 : vector<2048x256xi1> to vector<2048x256xi32>
    %reduce_sum3A_19 = arith.constant dense<0> : vector<2048xi32>
    %reduce_sum3A_20 = vector.multi_reduction <add>, %convert_element_type3A_18, %reduce_sum3A_19 [1] : vector<2048x256xi32> to vector<2048xi32>
    %broadcast_in_dim3A_21 = vector.shape_cast %reduce_sum3A_20 : vector<2048xi32> to vector<2048x1xi32>
    %add3A_22 = arith.addi %add3A, %broadcast_in_dim3A_21 : vector<2048x1xi32>
    %slice3A_23 = vector.extract_strided_slice %get3A_8 {offsets = [0, 512], sizes = [1, 256], strides = [1, 1]} : vector<1x2048xi32> to vector<1x256xi32>
    %lt3A_24 = vector.broadcast %slice3A_23 : vector<1x256xi32> to vector<2048x256xi32>
    %lt3A_25 = vector.broadcast %get3A_3 : vector<2048x1xi32> to vector<2048x256xi32>
    %lt3A_26 = arith.cmpi slt, %lt3A_24, %lt3A_25 : vector<2048x256xi32>
    %convert_element_type3A_27 = arith.extui %lt3A_26 : vector<2048x256xi1> to vector<2048x256xi32>
    %reduce_sum3A_28 = arith.constant dense<0> : vector<2048xi32>
    %reduce_sum3A_29 = vector.multi_reduction <add>, %convert_element_type3A_27, %reduce_sum3A_28 [1] : vector<2048x256xi32> to vector<2048xi32>
    %broadcast_in_dim3A_30 = vector.shape_cast %reduce_sum3A_29 : vector<2048xi32> to vector<2048x1xi32>
    %add3A_31 = arith.addi %add3A_22, %broadcast_in_dim3A_30 : vector<2048x1xi32>
    %slice3A_32 = vector.extract_strided_slice %get3A_8 {offsets = [0, 768], sizes = [1, 256], strides = [1, 1]} : vector<1x2048xi32> to vector<1x256xi32>
    %lt3A_33 = vector.broadcast %slice3A_32 : vector<1x256xi32> to vector<2048x256xi32>
    %lt3A_34 = vector.broadcast %get3A_3 : vector<2048x1xi32> to vector<2048x256xi32>
    %lt3A_35 = arith.cmpi slt, %lt3A_33, %lt3A_34 : vector<2048x256xi32>
    %convert_element_type3A_36 = arith.extui %lt3A_35 : vector<2048x256xi1> to vector<2048x256xi32>
    %reduce_sum3A_37 = arith.constant dense<0> : vector<2048xi32>
    %reduce_sum3A_38 = vector.multi_reduction <add>, %convert_element_type3A_36, %reduce_sum3A_37 [1] : vector<2048x256xi32> to vector<2048xi32>
    %broadcast_in_dim3A_39 = vector.shape_cast %reduce_sum3A_38 : vector<2048xi32> to vector<2048x1xi32>
    %add3A_40 = arith.addi %add3A_31, %broadcast_in_dim3A_39 : vector<2048x1xi32>
    %slice3A_41 = vector.extract_strided_slice %get3A_8 {offsets = [0, 1024], sizes = [1, 256], strides = [1, 1]} : vector<1x2048xi32> to vector<1x256xi32>
    %lt3A_42 = vector.broadcast %slice3A_41 : vector<1x256xi32> to vector<2048x256xi32>
    %lt3A_43 = vector.broadcast %get3A_3 : vector<2048x1xi32> to vector<2048x256xi32>
    %lt3A_44 = arith.cmpi slt, %lt3A_42, %lt3A_43 : vector<2048x256xi32>
    %convert_element_type3A_45 = arith.extui %lt3A_44 : vector<2048x256xi1> to vector<2048x256xi32>
    %reduce_sum3A_46 = arith.constant dense<0> : vector<2048xi32>
    %reduce_sum3A_47 = vector.multi_reduction <add>, %convert_element_type3A_45, %reduce_sum3A_46 [1] : vector<2048x256xi32> to vector<2048xi32>
    %broadcast_in_dim3A_48 = vector.shape_cast %reduce_sum3A_47 : vector<2048xi32> to vector<2048x1xi32>
    %add3A_49 = arith.addi %add3A_40, %broadcast_in_dim3A_48 : vector<2048x1xi32>
    %slice3A_50 = vector.extract_strided_slice %get3A_8 {offsets = [0, 1280], sizes = [1, 256], strides = [1, 1]} : vector<1x2048xi32> to vector<1x256xi32>
    %lt3A_51 = vector.broadcast %slice3A_50 : vector<1x256xi32> to vector<2048x256xi32>
    %lt3A_52 = vector.broadcast %get3A_3 : vector<2048x1xi32> to vector<2048x256xi32>
    %lt3A_53 = arith.cmpi slt, %lt3A_51, %lt3A_52 : vector<2048x256xi32>
    %convert_element_type3A_54 = arith.extui %lt3A_53 : vector<2048x256xi1> to vector<2048x256xi32>
    %reduce_sum3A_55 = arith.constant dense<0> : vector<2048xi32>
    %reduce_sum3A_56 = vector.multi_reduction <add>, %convert_element_type3A_54, %reduce_sum3A_55 [1] : vector<2048x256xi32> to vector<2048xi32>
    %broadcast_in_dim3A_57 = vector.shape_cast %reduce_sum3A_56 : vector<2048xi32> to vector<2048x1xi32>
    %add3A_58 = arith.addi %add3A_49, %broadcast_in_dim3A_57 : vector<2048x1xi32>
    %slice3A_59 = vector.extract_strided_slice %get3A_8 {offsets = [0, 1536], sizes = [1, 256], strides = [1, 1]} : vector<1x2048xi32> to vector<1x256xi32>
    %lt3A_60 = vector.broadcast %slice3A_59 : vector<1x256xi32> to vector<2048x256xi32>
    %lt3A_61 = vector.broadcast %get3A_3 : vector<2048x1xi32> to vector<2048x256xi32>
    %lt3A_62 = arith.cmpi slt, %lt3A_60, %lt3A_61 : vector<2048x256xi32>
    %convert_element_type3A_63 = arith.extui %lt3A_62 : vector<2048x256xi1> to vector<2048x256xi32>
    %reduce_sum3A_64 = arith.constant dense<0> : vector<2048xi32>
    %reduce_sum3A_65 = vector.multi_reduction <add>, %convert_element_type3A_63, %reduce_sum3A_64 [1] : vector<2048x256xi32> to vector<2048xi32>
    %broadcast_in_dim3A_66 = vector.shape_cast %reduce_sum3A_65 : vector<2048xi32> to vector<2048x1xi32>
    %add3A_67 = arith.addi %add3A_58, %broadcast_in_dim3A_66 : vector<2048x1xi32>
    %slice3A_68 = vector.extract_strided_slice %get3A_8 {offsets = [0, 1792], sizes = [1, 256], strides = [1, 1]} : vector<1x2048xi32> to vector<1x256xi32>
    %lt3A_69 = vector.broadcast %slice3A_68 : vector<1x256xi32> to vector<2048x256xi32>
    %lt3A_70 = vector.broadcast %get3A_3 : vector<2048x1xi32> to vector<2048x256xi32>
    %lt3A_71 = arith.cmpi slt, %lt3A_69, %lt3A_70 : vector<2048x256xi32>
    %convert_element_type3A_72 = arith.extui %lt3A_71 : vector<2048x256xi1> to vector<2048x256xi32>
    %reduce_sum3A_73 = arith.constant dense<0> : vector<2048xi32>
    %reduce_sum3A_74 = vector.multi_reduction <add>, %convert_element_type3A_72, %reduce_sum3A_73 [1] : vector<2048x256xi32> to vector<2048xi32>
    %broadcast_in_dim3A_75 = vector.shape_cast %reduce_sum3A_74 : vector<2048xi32> to vector<2048x1xi32>
    %add3A_76 = arith.addi %add3A_67, %broadcast_in_dim3A_75 : vector<2048x1xi32>
    %swap3A = arith.constant 0 : index
    %swap3A_77 = arith.constant 0 : index
    %swap3A_78 = arith.constant 0 : index
    %swap3A_79 = vector.load %arg3[%swap3A, %swap3A_77, %swap3A_78] : memref<1x2048x1xi32, #tpu.memory_space<vmem>>, vector<1x2048x1xi32>
    %swap3A_80 = vector.shape_cast %swap3A_79 : vector<1x2048x1xi32> to vector<2048x1xi32>
    %swap3A_81 = vector.shape_cast %add3A_76 : vector<2048x1xi32> to vector<1x2048x1xi32>
    tpu.vector_store %arg3[%swap3A, %swap3A_77, %swap3A_78], %swap3A_81 {strides = array<i32>} : memref<1x2048x1xi32, #tpu.memory_space<vmem>>, vector<1x2048x1xi32>,
    %mul3A = arith.constant 2048 : i32
    %mul3A_82 = arith.muli %arg0, %mul3A : i32
    %add3A_83 = vector.broadcast %mul3A_82 : i32 to vector<2048x1xi32>
    %add3A_84 = arith.addi %add3A_76, %add3A_83 : vector<2048x1xi32>
    %swap3A_85 = arith.constant 0 : index
    %swap3A_86 = arith.constant 0 : index
    %swap3A_87 = arith.constant 0 : index
    %swap3A_88 = vector.load %arg4[%swap3A_85, %swap3A_86, %swap3A_87] : memref<1x2048x1xi32, #tpu.memory_space<vmem>>, vector<1x2048x1xi32>
    %swap3A_89 = vector.shape_cast %swap3A_88 : vector<1x2048x1xi32> to vector<2048x1xi32>
    %swap3A_90 = vector.shape_cast %add3A_84 : vector<2048x1xi32> to vector<1x2048x1xi32>
    tpu.vector_store %arg4[%swap3A_85, %swap3A_86, %swap3A_87], %swap3A_90 {strides = array<i32>} : memref<1x2048x1xi32, #tpu.memory_space<vmem>>, vector<1x2048x1xi32>,
    return
  }
  func.func @transform_0(%arg0: i32) -> (i32, i32, i32) {
    %c0_i32 = arith.constant 0 : i32
    %c0_i32_0 = arith.constant 0 : i32
    %c0_i32_1 = arith.constant 0 : i32
    return %arg0, %c0_i32, %c0_i32_0 : i32, i32, i32
  }
  func.func @transform_1(%arg0: i32) -> (i32, i32, i32) {
    %c0_i32 = arith.constant 0 : i32
    %c0_i32_0 = arith.constant 0 : i32
    %c0_i32_1 = arith.constant 0 : i32
    return %arg0, %c0_i32, %c0_i32_0 : i32, i32, i32
  }
  func.func @transform_2(%arg0: i32) -> (i32, i32, i32) {
    %c0_i32 = arith.constant 0 : i32
    %c0_i32_0 = arith.constant 0 : i32
    %c0_i32_1 = arith.constant 0 : i32
    return %arg0, %c0_i32, %c0_i32_0 : i32, i32, i32
  }
  func.func @transform_3(%arg0: i32) -> (i32, i32, i32) {
    %c0_i32 = arith.constant 0 : i32
    %c0_i32_0 = arith.constant 0 : i32
    %c0_i32_1 = arith.constant 0 : i32
    return %arg0, %c0_i32, %c0_i32_0 : i32, i32, i32
  }
}

module attributes {stable_mosaic.version = 14 : i64} {
  func.func @_qkv_body(%arg0: i32, %arg1: memref<256x768xf32, #tpu.memory_space<vmem>>, %arg2: memref<768x768xf32, #tpu.memory_space<vmem>>, %arg3: memref<768x768xf32, #tpu.memory_space<vmem>>, %arg4: memref<8x256x1xf32, #tpu.memory_space<vmem>>, %arg5: memref<8x256x208xf32, #tpu.memory_space<vmem>>) attributes {dimension_semantics = [#tpu.dimension_semantics<arbitrary>], iteration_bounds = array<i64: 8>, scalar_prefetch = 0 : i64, scratch_operands = 0 : i64, tpu.core_type = #tpu.core_type<tc>, window_params = [{transform_indices = @transform_0, window_bounds = array<i64: 256, 768>}, {pipeline_mode = #tpu.pipeline_mode<synchronous>, transform_indices = @transform_1, window_bounds = array<i64: 768, 768>}, {pipeline_mode = #tpu.pipeline_mode<synchronous>, transform_indices = @transform_2, window_bounds = array<i64: 768, 768>}, {transform_indices = @transform_3, window_bounds = array<i64: 8, 256, 1>}, {transform_indices = @transform_4, window_bounds = array<i64: 8, 256, 208>}]} {
    %get3A = arith.constant 0 : index
    %get3A_0 = arith.constant 0 : index
    %get3A_1 = vector.load %arg1[%get3A, %get3A_0] : memref<256x768xf32, #tpu.memory_space<vmem>>, vector<256x768xf32>
    %get3A_2 = arith.constant 0 : index
    %get3A_3 = arith.constant 0 : index
    %get3A_4 = vector.load %arg2[%get3A_2, %get3A_3] : memref<768x768xf32, #tpu.memory_space<vmem>>, vector<768x768xf32>
    %dot_general3A = arith.constant dense<0.000000e+00> : vector<256x768xf32>
    %dot_general3A_5 = tpu.matmul %get3A_1, %get3A_4, %dot_general3A {dimension_numbers = #tpu.dot_dimension_numbers<[1], [0], [0], [1], [0, 0, 1, 1], [], []>, transpose_lhs_hint = false} : vector<256x768xf32>, vector<768x768xf32>, vector<256x768xf32> -> vector<256x768xf32>
    %get3A_6 = arith.constant 0 : index
    %get3A_7 = arith.constant 0 : index
    %get3A_8 = vector.load %arg3[%get3A_6, %get3A_7] : memref<768x768xf32, #tpu.memory_space<vmem>>, vector<768x768xf32>
    %dot_general3A_9 = arith.constant dense<0.000000e+00> : vector<256x768xf32>
    %dot_general3A_10 = tpu.matmul %get3A_1, %get3A_8, %dot_general3A_9 {dimension_numbers = #tpu.dot_dimension_numbers<[1], [0], [0], [1], [0, 0, 1, 1], [], []>, transpose_lhs_hint = false} : vector<256x768xf32>, vector<768x768xf32>, vector<256x768xf32> -> vector<256x768xf32>
    %slice3A = vector.extract_strided_slice %dot_general3A_5 {offsets = [0, 0], sizes = [256, 96], strides = [1, 1]} : vector<256x768xf32> to vector<256x96xf32>
    %swap3A = arith.constant 0 : index
    %swap3A_11 = arith.constant 0 : index
    %swap3A_12 = arith.constant 0 : index
    %swap3A_13 = vector.load %arg5[%swap3A, %swap3A_11, %swap3A_12] : memref<8x256x208xf32, #tpu.memory_space<vmem>>, vector<1x256x96xf32>
    %swap3A_14 = vector.shape_cast %swap3A_13 : vector<1x256x96xf32> to vector<256x96xf32>
    %swap3A_15 = vector.shape_cast %slice3A : vector<256x96xf32> to vector<1x256x96xf32>
    tpu.vector_store %arg5[%swap3A, %swap3A_11, %swap3A_12], %swap3A_15 {strides = array<i32>} : memref<8x256x208xf32, #tpu.memory_space<vmem>>, vector<1x256x96xf32>,
    %slice3A_16 = vector.extract_strided_slice %dot_general3A_10 {offsets = [0, 0], sizes = [256, 96], strides = [1, 1]} : vector<256x768xf32> to vector<256x96xf32>
    %swap3A_17 = arith.constant 0 : index
    %swap3A_18 = arith.constant 0 : index
    %swap3A_19 = arith.constant 96 : index
    %swap3A_20 = vector.load %arg5[%swap3A_17, %swap3A_18, %swap3A_19] : memref<8x256x208xf32, #tpu.memory_space<vmem>>, vector<1x256x96xf32>
    %swap3A_21 = vector.shape_cast %swap3A_20 : vector<1x256x96xf32> to vector<256x96xf32>
    %swap3A_22 = vector.shape_cast %slice3A_16 : vector<256x96xf32> to vector<1x256x96xf32>
    tpu.vector_store %arg5[%swap3A_17, %swap3A_18, %swap3A_19], %swap3A_22 {strides = array<i32>} : memref<8x256x208xf32, #tpu.memory_space<vmem>>, vector<1x256x96xf32>,
    %get3A_23 = arith.constant 0 : index
    %get3A_24 = arith.constant 0 : index
    %get3A_25 = arith.constant 0 : index
    %get3A_26 = vector.load %arg4[%get3A_23, %get3A_24, %get3A_25] : memref<8x256x1xf32, #tpu.memory_space<vmem>>, vector<1x256x1xf32>
    %get3A_27 = vector.shape_cast %get3A_26 : vector<1x256x1xf32> to vector<256x1xf32>
    %swap3A_28 = arith.constant 0 : index
    %swap3A_29 = arith.constant 0 : index
    %swap3A_30 = arith.constant 192 : index
    %swap3A_31 = vector.load %arg5[%swap3A_28, %swap3A_29, %swap3A_30] : memref<8x256x208xf32, #tpu.memory_space<vmem>>, vector<1x256x1xf32>
    %swap3A_32 = vector.shape_cast %swap3A_31 : vector<1x256x1xf32> to vector<256x1xf32>
    %swap3A_33 = vector.shape_cast %get3A_27 : vector<256x1xf32> to vector<1x256x1xf32>
    tpu.vector_store %arg5[%swap3A_28, %swap3A_29, %swap3A_30], %swap3A_33 {strides = array<i32>} : memref<8x256x208xf32, #tpu.memory_space<vmem>>, vector<1x256x1xf32>,
    %broadcast_in_dim3A = arith.constant 0.000000e+00 : f32
    %broadcast_in_dim3A_34 = vector.broadcast %broadcast_in_dim3A : f32 to vector<256x15xf32>
    %swap3A_35 = arith.constant 0 : index
    %swap3A_36 = arith.constant 0 : index
    %swap3A_37 = arith.constant 193 : index
    %swap3A_38 = vector.load %arg5[%swap3A_35, %swap3A_36, %swap3A_37] : memref<8x256x208xf32, #tpu.memory_space<vmem>>, vector<1x256x15xf32>
    %swap3A_39 = vector.shape_cast %swap3A_38 : vector<1x256x15xf32> to vector<256x15xf32>
    %swap3A_40 = vector.shape_cast %broadcast_in_dim3A_34 : vector<256x15xf32> to vector<1x256x15xf32>
    tpu.vector_store %arg5[%swap3A_35, %swap3A_36, %swap3A_37], %swap3A_40 {strides = array<i32>} : memref<8x256x208xf32, #tpu.memory_space<vmem>>, vector<1x256x15xf32>,
    %slice3A_41 = vector.extract_strided_slice %dot_general3A_5 {offsets = [0, 96], sizes = [256, 96], strides = [1, 1]} : vector<256x768xf32> to vector<256x96xf32>
    %swap3A_42 = arith.constant 1 : index
    %swap3A_43 = arith.constant 0 : index
    %swap3A_44 = arith.constant 0 : index
    %swap3A_45 = vector.load %arg5[%swap3A_42, %swap3A_43, %swap3A_44] : memref<8x256x208xf32, #tpu.memory_space<vmem>>, vector<1x256x96xf32>
    %swap3A_46 = vector.shape_cast %swap3A_45 : vector<1x256x96xf32> to vector<256x96xf32>
    %swap3A_47 = vector.shape_cast %slice3A_41 : vector<256x96xf32> to vector<1x256x96xf32>
    tpu.vector_store %arg5[%swap3A_42, %swap3A_43, %swap3A_44], %swap3A_47 {strides = array<i32>} : memref<8x256x208xf32, #tpu.memory_space<vmem>>, vector<1x256x96xf32>,
    %slice3A_48 = vector.extract_strided_slice %dot_general3A_10 {offsets = [0, 96], sizes = [256, 96], strides = [1, 1]} : vector<256x768xf32> to vector<256x96xf32>
    %swap3A_49 = arith.constant 1 : index
    %swap3A_50 = arith.constant 0 : index
    %swap3A_51 = arith.constant 96 : index
    %swap3A_52 = vector.load %arg5[%swap3A_49, %swap3A_50, %swap3A_51] : memref<8x256x208xf32, #tpu.memory_space<vmem>>, vector<1x256x96xf32>
    %swap3A_53 = vector.shape_cast %swap3A_52 : vector<1x256x96xf32> to vector<256x96xf32>
    %swap3A_54 = vector.shape_cast %slice3A_48 : vector<256x96xf32> to vector<1x256x96xf32>
    tpu.vector_store %arg5[%swap3A_49, %swap3A_50, %swap3A_51], %swap3A_54 {strides = array<i32>} : memref<8x256x208xf32, #tpu.memory_space<vmem>>, vector<1x256x96xf32>,
    %get3A_55 = arith.constant 1 : index
    %get3A_56 = arith.constant 0 : index
    %get3A_57 = arith.constant 0 : index
    %get3A_58 = vector.load %arg4[%get3A_55, %get3A_56, %get3A_57] : memref<8x256x1xf32, #tpu.memory_space<vmem>>, vector<1x256x1xf32>
    %get3A_59 = vector.shape_cast %get3A_58 : vector<1x256x1xf32> to vector<256x1xf32>
    %swap3A_60 = arith.constant 1 : index
    %swap3A_61 = arith.constant 0 : index
    %swap3A_62 = arith.constant 192 : index
    %swap3A_63 = vector.load %arg5[%swap3A_60, %swap3A_61, %swap3A_62] : memref<8x256x208xf32, #tpu.memory_space<vmem>>, vector<1x256x1xf32>
    %swap3A_64 = vector.shape_cast %swap3A_63 : vector<1x256x1xf32> to vector<256x1xf32>
    %swap3A_65 = vector.shape_cast %get3A_59 : vector<256x1xf32> to vector<1x256x1xf32>
    tpu.vector_store %arg5[%swap3A_60, %swap3A_61, %swap3A_62], %swap3A_65 {strides = array<i32>} : memref<8x256x208xf32, #tpu.memory_space<vmem>>, vector<1x256x1xf32>,
    %broadcast_in_dim3A_66 = arith.constant 0.000000e+00 : f32
    %broadcast_in_dim3A_67 = vector.broadcast %broadcast_in_dim3A_66 : f32 to vector<256x15xf32>
    %swap3A_68 = arith.constant 1 : index
    %swap3A_69 = arith.constant 0 : index
    %swap3A_70 = arith.constant 193 : index
    %swap3A_71 = vector.load %arg5[%swap3A_68, %swap3A_69, %swap3A_70] : memref<8x256x208xf32, #tpu.memory_space<vmem>>, vector<1x256x15xf32>
    %swap3A_72 = vector.shape_cast %swap3A_71 : vector<1x256x15xf32> to vector<256x15xf32>
    %swap3A_73 = vector.shape_cast %broadcast_in_dim3A_67 : vector<256x15xf32> to vector<1x256x15xf32>
    tpu.vector_store %arg5[%swap3A_68, %swap3A_69, %swap3A_70], %swap3A_73 {strides = array<i32>} : memref<8x256x208xf32, #tpu.memory_space<vmem>>, vector<1x256x15xf32>,
    %slice3A_74 = vector.extract_strided_slice %dot_general3A_5 {offsets = [0, 192], sizes = [256, 96], strides = [1, 1]} : vector<256x768xf32> to vector<256x96xf32>
    %swap3A_75 = arith.constant 2 : index
    %swap3A_76 = arith.constant 0 : index
    %swap3A_77 = arith.constant 0 : index
    %swap3A_78 = vector.load %arg5[%swap3A_75, %swap3A_76, %swap3A_77] : memref<8x256x208xf32, #tpu.memory_space<vmem>>, vector<1x256x96xf32>
    %swap3A_79 = vector.shape_cast %swap3A_78 : vector<1x256x96xf32> to vector<256x96xf32>
    %swap3A_80 = vector.shape_cast %slice3A_74 : vector<256x96xf32> to vector<1x256x96xf32>
    tpu.vector_store %arg5[%swap3A_75, %swap3A_76, %swap3A_77], %swap3A_80 {strides = array<i32>} : memref<8x256x208xf32, #tpu.memory_space<vmem>>, vector<1x256x96xf32>,
    %slice3A_81 = vector.extract_strided_slice %dot_general3A_10 {offsets = [0, 192], sizes = [256, 96], strides = [1, 1]} : vector<256x768xf32> to vector<256x96xf32>
    %swap3A_82 = arith.constant 2 : index
    %swap3A_83 = arith.constant 0 : index
    %swap3A_84 = arith.constant 96 : index
    %swap3A_85 = vector.load %arg5[%swap3A_82, %swap3A_83, %swap3A_84] : memref<8x256x208xf32, #tpu.memory_space<vmem>>, vector<1x256x96xf32>
    %swap3A_86 = vector.shape_cast %swap3A_85 : vector<1x256x96xf32> to vector<256x96xf32>
    %swap3A_87 = vector.shape_cast %slice3A_81 : vector<256x96xf32> to vector<1x256x96xf32>
    tpu.vector_store %arg5[%swap3A_82, %swap3A_83, %swap3A_84], %swap3A_87 {strides = array<i32>} : memref<8x256x208xf32, #tpu.memory_space<vmem>>, vector<1x256x96xf32>,
    %get3A_88 = arith.constant 2 : index
    %get3A_89 = arith.constant 0 : index
    %get3A_90 = arith.constant 0 : index
    %get3A_91 = vector.load %arg4[%get3A_88, %get3A_89, %get3A_90] : memref<8x256x1xf32, #tpu.memory_space<vmem>>, vector<1x256x1xf32>
    %get3A_92 = vector.shape_cast %get3A_91 : vector<1x256x1xf32> to vector<256x1xf32>
    %swap3A_93 = arith.constant 2 : index
    %swap3A_94 = arith.constant 0 : index
    %swap3A_95 = arith.constant 192 : index
    %swap3A_96 = vector.load %arg5[%swap3A_93, %swap3A_94, %swap3A_95] : memref<8x256x208xf32, #tpu.memory_space<vmem>>, vector<1x256x1xf32>
    %swap3A_97 = vector.shape_cast %swap3A_96 : vector<1x256x1xf32> to vector<256x1xf32>
    %swap3A_98 = vector.shape_cast %get3A_92 : vector<256x1xf32> to vector<1x256x1xf32>
    tpu.vector_store %arg5[%swap3A_93, %swap3A_94, %swap3A_95], %swap3A_98 {strides = array<i32>} : memref<8x256x208xf32, #tpu.memory_space<vmem>>, vector<1x256x1xf32>,
    %broadcast_in_dim3A_99 = arith.constant 0.000000e+00 : f32
    %broadcast_in_dim3A_100 = vector.broadcast %broadcast_in_dim3A_99 : f32 to vector<256x15xf32>
    %swap3A_101 = arith.constant 2 : index
    %swap3A_102 = arith.constant 0 : index
    %swap3A_103 = arith.constant 193 : index
    %swap3A_104 = vector.load %arg5[%swap3A_101, %swap3A_102, %swap3A_103] : memref<8x256x208xf32, #tpu.memory_space<vmem>>, vector<1x256x15xf32>
    %swap3A_105 = vector.shape_cast %swap3A_104 : vector<1x256x15xf32> to vector<256x15xf32>
    %swap3A_106 = vector.shape_cast %broadcast_in_dim3A_100 : vector<256x15xf32> to vector<1x256x15xf32>
    tpu.vector_store %arg5[%swap3A_101, %swap3A_102, %swap3A_103], %swap3A_106 {strides = array<i32>} : memref<8x256x208xf32, #tpu.memory_space<vmem>>, vector<1x256x15xf32>,
    %slice3A_107 = vector.extract_strided_slice %dot_general3A_5 {offsets = [0, 288], sizes = [256, 96], strides = [1, 1]} : vector<256x768xf32> to vector<256x96xf32>
    %swap3A_108 = arith.constant 3 : index
    %swap3A_109 = arith.constant 0 : index
    %swap3A_110 = arith.constant 0 : index
    %swap3A_111 = vector.load %arg5[%swap3A_108, %swap3A_109, %swap3A_110] : memref<8x256x208xf32, #tpu.memory_space<vmem>>, vector<1x256x96xf32>
    %swap3A_112 = vector.shape_cast %swap3A_111 : vector<1x256x96xf32> to vector<256x96xf32>
    %swap3A_113 = vector.shape_cast %slice3A_107 : vector<256x96xf32> to vector<1x256x96xf32>
    tpu.vector_store %arg5[%swap3A_108, %swap3A_109, %swap3A_110], %swap3A_113 {strides = array<i32>} : memref<8x256x208xf32, #tpu.memory_space<vmem>>, vector<1x256x96xf32>,
    %slice3A_114 = vector.extract_strided_slice %dot_general3A_10 {offsets = [0, 288], sizes = [256, 96], strides = [1, 1]} : vector<256x768xf32> to vector<256x96xf32>
    %swap3A_115 = arith.constant 3 : index
    %swap3A_116 = arith.constant 0 : index
    %swap3A_117 = arith.constant 96 : index
    %swap3A_118 = vector.load %arg5[%swap3A_115, %swap3A_116, %swap3A_117] : memref<8x256x208xf32, #tpu.memory_space<vmem>>, vector<1x256x96xf32>
    %swap3A_119 = vector.shape_cast %swap3A_118 : vector<1x256x96xf32> to vector<256x96xf32>
    %swap3A_120 = vector.shape_cast %slice3A_114 : vector<256x96xf32> to vector<1x256x96xf32>
    tpu.vector_store %arg5[%swap3A_115, %swap3A_116, %swap3A_117], %swap3A_120 {strides = array<i32>} : memref<8x256x208xf32, #tpu.memory_space<vmem>>, vector<1x256x96xf32>,
    %get3A_121 = arith.constant 3 : index
    %get3A_122 = arith.constant 0 : index
    %get3A_123 = arith.constant 0 : index
    %get3A_124 = vector.load %arg4[%get3A_121, %get3A_122, %get3A_123] : memref<8x256x1xf32, #tpu.memory_space<vmem>>, vector<1x256x1xf32>
    %get3A_125 = vector.shape_cast %get3A_124 : vector<1x256x1xf32> to vector<256x1xf32>
    %swap3A_126 = arith.constant 3 : index
    %swap3A_127 = arith.constant 0 : index
    %swap3A_128 = arith.constant 192 : index
    %swap3A_129 = vector.load %arg5[%swap3A_126, %swap3A_127, %swap3A_128] : memref<8x256x208xf32, #tpu.memory_space<vmem>>, vector<1x256x1xf32>
    %swap3A_130 = vector.shape_cast %swap3A_129 : vector<1x256x1xf32> to vector<256x1xf32>
    %swap3A_131 = vector.shape_cast %get3A_125 : vector<256x1xf32> to vector<1x256x1xf32>
    tpu.vector_store %arg5[%swap3A_126, %swap3A_127, %swap3A_128], %swap3A_131 {strides = array<i32>} : memref<8x256x208xf32, #tpu.memory_space<vmem>>, vector<1x256x1xf32>,
    %broadcast_in_dim3A_132 = arith.constant 0.000000e+00 : f32
    %broadcast_in_dim3A_133 = vector.broadcast %broadcast_in_dim3A_132 : f32 to vector<256x15xf32>
    %swap3A_134 = arith.constant 3 : index
    %swap3A_135 = arith.constant 0 : index
    %swap3A_136 = arith.constant 193 : index
    %swap3A_137 = vector.load %arg5[%swap3A_134, %swap3A_135, %swap3A_136] : memref<8x256x208xf32, #tpu.memory_space<vmem>>, vector<1x256x15xf32>
    %swap3A_138 = vector.shape_cast %swap3A_137 : vector<1x256x15xf32> to vector<256x15xf32>
    %swap3A_139 = vector.shape_cast %broadcast_in_dim3A_133 : vector<256x15xf32> to vector<1x256x15xf32>
    tpu.vector_store %arg5[%swap3A_134, %swap3A_135, %swap3A_136], %swap3A_139 {strides = array<i32>} : memref<8x256x208xf32, #tpu.memory_space<vmem>>, vector<1x256x15xf32>,
    %slice3A_140 = vector.extract_strided_slice %dot_general3A_5 {offsets = [0, 384], sizes = [256, 96], strides = [1, 1]} : vector<256x768xf32> to vector<256x96xf32>
    %swap3A_141 = arith.constant 4 : index
    %swap3A_142 = arith.constant 0 : index
    %swap3A_143 = arith.constant 0 : index
    %swap3A_144 = vector.load %arg5[%swap3A_141, %swap3A_142, %swap3A_143] : memref<8x256x208xf32, #tpu.memory_space<vmem>>, vector<1x256x96xf32>
    %swap3A_145 = vector.shape_cast %swap3A_144 : vector<1x256x96xf32> to vector<256x96xf32>
    %swap3A_146 = vector.shape_cast %slice3A_140 : vector<256x96xf32> to vector<1x256x96xf32>
    tpu.vector_store %arg5[%swap3A_141, %swap3A_142, %swap3A_143], %swap3A_146 {strides = array<i32>} : memref<8x256x208xf32, #tpu.memory_space<vmem>>, vector<1x256x96xf32>,
    %slice3A_147 = vector.extract_strided_slice %dot_general3A_10 {offsets = [0, 384], sizes = [256, 96], strides = [1, 1]} : vector<256x768xf32> to vector<256x96xf32>
    %swap3A_148 = arith.constant 4 : index
    %swap3A_149 = arith.constant 0 : index
    %swap3A_150 = arith.constant 96 : index
    %swap3A_151 = vector.load %arg5[%swap3A_148, %swap3A_149, %swap3A_150] : memref<8x256x208xf32, #tpu.memory_space<vmem>>, vector<1x256x96xf32>
    %swap3A_152 = vector.shape_cast %swap3A_151 : vector<1x256x96xf32> to vector<256x96xf32>
    %swap3A_153 = vector.shape_cast %slice3A_147 : vector<256x96xf32> to vector<1x256x96xf32>
    tpu.vector_store %arg5[%swap3A_148, %swap3A_149, %swap3A_150], %swap3A_153 {strides = array<i32>} : memref<8x256x208xf32, #tpu.memory_space<vmem>>, vector<1x256x96xf32>,
    %get3A_154 = arith.constant 4 : index
    %get3A_155 = arith.constant 0 : index
    %get3A_156 = arith.constant 0 : index
    %get3A_157 = vector.load %arg4[%get3A_154, %get3A_155, %get3A_156] : memref<8x256x1xf32, #tpu.memory_space<vmem>>, vector<1x256x1xf32>
    %get3A_158 = vector.shape_cast %get3A_157 : vector<1x256x1xf32> to vector<256x1xf32>
    %swap3A_159 = arith.constant 4 : index
    %swap3A_160 = arith.constant 0 : index
    %swap3A_161 = arith.constant 192 : index
    %swap3A_162 = vector.load %arg5[%swap3A_159, %swap3A_160, %swap3A_161] : memref<8x256x208xf32, #tpu.memory_space<vmem>>, vector<1x256x1xf32>
    %swap3A_163 = vector.shape_cast %swap3A_162 : vector<1x256x1xf32> to vector<256x1xf32>
    %swap3A_164 = vector.shape_cast %get3A_158 : vector<256x1xf32> to vector<1x256x1xf32>
    tpu.vector_store %arg5[%swap3A_159, %swap3A_160, %swap3A_161], %swap3A_164 {strides = array<i32>} : memref<8x256x208xf32, #tpu.memory_space<vmem>>, vector<1x256x1xf32>,
    %broadcast_in_dim3A_165 = arith.constant 0.000000e+00 : f32
    %broadcast_in_dim3A_166 = vector.broadcast %broadcast_in_dim3A_165 : f32 to vector<256x15xf32>
    %swap3A_167 = arith.constant 4 : index
    %swap3A_168 = arith.constant 0 : index
    %swap3A_169 = arith.constant 193 : index
    %swap3A_170 = vector.load %arg5[%swap3A_167, %swap3A_168, %swap3A_169] : memref<8x256x208xf32, #tpu.memory_space<vmem>>, vector<1x256x15xf32>
    %swap3A_171 = vector.shape_cast %swap3A_170 : vector<1x256x15xf32> to vector<256x15xf32>
    %swap3A_172 = vector.shape_cast %broadcast_in_dim3A_166 : vector<256x15xf32> to vector<1x256x15xf32>
    tpu.vector_store %arg5[%swap3A_167, %swap3A_168, %swap3A_169], %swap3A_172 {strides = array<i32>} : memref<8x256x208xf32, #tpu.memory_space<vmem>>, vector<1x256x15xf32>,
    %slice3A_173 = vector.extract_strided_slice %dot_general3A_5 {offsets = [0, 480], sizes = [256, 96], strides = [1, 1]} : vector<256x768xf32> to vector<256x96xf32>
    %swap3A_174 = arith.constant 5 : index
    %swap3A_175 = arith.constant 0 : index
    %swap3A_176 = arith.constant 0 : index
    %swap3A_177 = vector.load %arg5[%swap3A_174, %swap3A_175, %swap3A_176] : memref<8x256x208xf32, #tpu.memory_space<vmem>>, vector<1x256x96xf32>
    %swap3A_178 = vector.shape_cast %swap3A_177 : vector<1x256x96xf32> to vector<256x96xf32>
    %swap3A_179 = vector.shape_cast %slice3A_173 : vector<256x96xf32> to vector<1x256x96xf32>
    tpu.vector_store %arg5[%swap3A_174, %swap3A_175, %swap3A_176], %swap3A_179 {strides = array<i32>} : memref<8x256x208xf32, #tpu.memory_space<vmem>>, vector<1x256x96xf32>,
    %slice3A_180 = vector.extract_strided_slice %dot_general3A_10 {offsets = [0, 480], sizes = [256, 96], strides = [1, 1]} : vector<256x768xf32> to vector<256x96xf32>
    %swap3A_181 = arith.constant 5 : index
    %swap3A_182 = arith.constant 0 : index
    %swap3A_183 = arith.constant 96 : index
    %swap3A_184 = vector.load %arg5[%swap3A_181, %swap3A_182, %swap3A_183] : memref<8x256x208xf32, #tpu.memory_space<vmem>>, vector<1x256x96xf32>
    %swap3A_185 = vector.shape_cast %swap3A_184 : vector<1x256x96xf32> to vector<256x96xf32>
    %swap3A_186 = vector.shape_cast %slice3A_180 : vector<256x96xf32> to vector<1x256x96xf32>
    tpu.vector_store %arg5[%swap3A_181, %swap3A_182, %swap3A_183], %swap3A_186 {strides = array<i32>} : memref<8x256x208xf32, #tpu.memory_space<vmem>>, vector<1x256x96xf32>,
    %get3A_187 = arith.constant 5 : index
    %get3A_188 = arith.constant 0 : index
    %get3A_189 = arith.constant 0 : index
    %get3A_190 = vector.load %arg4[%get3A_187, %get3A_188, %get3A_189] : memref<8x256x1xf32, #tpu.memory_space<vmem>>, vector<1x256x1xf32>
    %get3A_191 = vector.shape_cast %get3A_190 : vector<1x256x1xf32> to vector<256x1xf32>
    %swap3A_192 = arith.constant 5 : index
    %swap3A_193 = arith.constant 0 : index
    %swap3A_194 = arith.constant 192 : index
    %swap3A_195 = vector.load %arg5[%swap3A_192, %swap3A_193, %swap3A_194] : memref<8x256x208xf32, #tpu.memory_space<vmem>>, vector<1x256x1xf32>
    %swap3A_196 = vector.shape_cast %swap3A_195 : vector<1x256x1xf32> to vector<256x1xf32>
    %swap3A_197 = vector.shape_cast %get3A_191 : vector<256x1xf32> to vector<1x256x1xf32>
    tpu.vector_store %arg5[%swap3A_192, %swap3A_193, %swap3A_194], %swap3A_197 {strides = array<i32>} : memref<8x256x208xf32, #tpu.memory_space<vmem>>, vector<1x256x1xf32>,
    %broadcast_in_dim3A_198 = arith.constant 0.000000e+00 : f32
    %broadcast_in_dim3A_199 = vector.broadcast %broadcast_in_dim3A_198 : f32 to vector<256x15xf32>
    %swap3A_200 = arith.constant 5 : index
    %swap3A_201 = arith.constant 0 : index
    %swap3A_202 = arith.constant 193 : index
    %swap3A_203 = vector.load %arg5[%swap3A_200, %swap3A_201, %swap3A_202] : memref<8x256x208xf32, #tpu.memory_space<vmem>>, vector<1x256x15xf32>
    %swap3A_204 = vector.shape_cast %swap3A_203 : vector<1x256x15xf32> to vector<256x15xf32>
    %swap3A_205 = vector.shape_cast %broadcast_in_dim3A_199 : vector<256x15xf32> to vector<1x256x15xf32>
    tpu.vector_store %arg5[%swap3A_200, %swap3A_201, %swap3A_202], %swap3A_205 {strides = array<i32>} : memref<8x256x208xf32, #tpu.memory_space<vmem>>, vector<1x256x15xf32>,
    %slice3A_206 = vector.extract_strided_slice %dot_general3A_5 {offsets = [0, 576], sizes = [256, 96], strides = [1, 1]} : vector<256x768xf32> to vector<256x96xf32>
    %swap3A_207 = arith.constant 6 : index
    %swap3A_208 = arith.constant 0 : index
    %swap3A_209 = arith.constant 0 : index
    %swap3A_210 = vector.load %arg5[%swap3A_207, %swap3A_208, %swap3A_209] : memref<8x256x208xf32, #tpu.memory_space<vmem>>, vector<1x256x96xf32>
    %swap3A_211 = vector.shape_cast %swap3A_210 : vector<1x256x96xf32> to vector<256x96xf32>
    %swap3A_212 = vector.shape_cast %slice3A_206 : vector<256x96xf32> to vector<1x256x96xf32>
    tpu.vector_store %arg5[%swap3A_207, %swap3A_208, %swap3A_209], %swap3A_212 {strides = array<i32>} : memref<8x256x208xf32, #tpu.memory_space<vmem>>, vector<1x256x96xf32>,
    %slice3A_213 = vector.extract_strided_slice %dot_general3A_10 {offsets = [0, 576], sizes = [256, 96], strides = [1, 1]} : vector<256x768xf32> to vector<256x96xf32>
    %swap3A_214 = arith.constant 6 : index
    %swap3A_215 = arith.constant 0 : index
    %swap3A_216 = arith.constant 96 : index
    %swap3A_217 = vector.load %arg5[%swap3A_214, %swap3A_215, %swap3A_216] : memref<8x256x208xf32, #tpu.memory_space<vmem>>, vector<1x256x96xf32>
    %swap3A_218 = vector.shape_cast %swap3A_217 : vector<1x256x96xf32> to vector<256x96xf32>
    %swap3A_219 = vector.shape_cast %slice3A_213 : vector<256x96xf32> to vector<1x256x96xf32>
    tpu.vector_store %arg5[%swap3A_214, %swap3A_215, %swap3A_216], %swap3A_219 {strides = array<i32>} : memref<8x256x208xf32, #tpu.memory_space<vmem>>, vector<1x256x96xf32>,
    %get3A_220 = arith.constant 6 : index
    %get3A_221 = arith.constant 0 : index
    %get3A_222 = arith.constant 0 : index
    %get3A_223 = vector.load %arg4[%get3A_220, %get3A_221, %get3A_222] : memref<8x256x1xf32, #tpu.memory_space<vmem>>, vector<1x256x1xf32>
    %get3A_224 = vector.shape_cast %get3A_223 : vector<1x256x1xf32> to vector<256x1xf32>
    %swap3A_225 = arith.constant 6 : index
    %swap3A_226 = arith.constant 0 : index
    %swap3A_227 = arith.constant 192 : index
    %swap3A_228 = vector.load %arg5[%swap3A_225, %swap3A_226, %swap3A_227] : memref<8x256x208xf32, #tpu.memory_space<vmem>>, vector<1x256x1xf32>
    %swap3A_229 = vector.shape_cast %swap3A_228 : vector<1x256x1xf32> to vector<256x1xf32>
    %swap3A_230 = vector.shape_cast %get3A_224 : vector<256x1xf32> to vector<1x256x1xf32>
    tpu.vector_store %arg5[%swap3A_225, %swap3A_226, %swap3A_227], %swap3A_230 {strides = array<i32>} : memref<8x256x208xf32, #tpu.memory_space<vmem>>, vector<1x256x1xf32>,
    %broadcast_in_dim3A_231 = arith.constant 0.000000e+00 : f32
    %broadcast_in_dim3A_232 = vector.broadcast %broadcast_in_dim3A_231 : f32 to vector<256x15xf32>
    %swap3A_233 = arith.constant 6 : index
    %swap3A_234 = arith.constant 0 : index
    %swap3A_235 = arith.constant 193 : index
    %swap3A_236 = vector.load %arg5[%swap3A_233, %swap3A_234, %swap3A_235] : memref<8x256x208xf32, #tpu.memory_space<vmem>>, vector<1x256x15xf32>
    %swap3A_237 = vector.shape_cast %swap3A_236 : vector<1x256x15xf32> to vector<256x15xf32>
    %swap3A_238 = vector.shape_cast %broadcast_in_dim3A_232 : vector<256x15xf32> to vector<1x256x15xf32>
    tpu.vector_store %arg5[%swap3A_233, %swap3A_234, %swap3A_235], %swap3A_238 {strides = array<i32>} : memref<8x256x208xf32, #tpu.memory_space<vmem>>, vector<1x256x15xf32>,
    %slice3A_239 = vector.extract_strided_slice %dot_general3A_5 {offsets = [0, 672], sizes = [256, 96], strides = [1, 1]} : vector<256x768xf32> to vector<256x96xf32>
    %swap3A_240 = arith.constant 7 : index
    %swap3A_241 = arith.constant 0 : index
    %swap3A_242 = arith.constant 0 : index
    %swap3A_243 = vector.load %arg5[%swap3A_240, %swap3A_241, %swap3A_242] : memref<8x256x208xf32, #tpu.memory_space<vmem>>, vector<1x256x96xf32>
    %swap3A_244 = vector.shape_cast %swap3A_243 : vector<1x256x96xf32> to vector<256x96xf32>
    %swap3A_245 = vector.shape_cast %slice3A_239 : vector<256x96xf32> to vector<1x256x96xf32>
    tpu.vector_store %arg5[%swap3A_240, %swap3A_241, %swap3A_242], %swap3A_245 {strides = array<i32>} : memref<8x256x208xf32, #tpu.memory_space<vmem>>, vector<1x256x96xf32>,
    %slice3A_246 = vector.extract_strided_slice %dot_general3A_10 {offsets = [0, 672], sizes = [256, 96], strides = [1, 1]} : vector<256x768xf32> to vector<256x96xf32>
    %swap3A_247 = arith.constant 7 : index
    %swap3A_248 = arith.constant 0 : index
    %swap3A_249 = arith.constant 96 : index
    %swap3A_250 = vector.load %arg5[%swap3A_247, %swap3A_248, %swap3A_249] : memref<8x256x208xf32, #tpu.memory_space<vmem>>, vector<1x256x96xf32>
    %swap3A_251 = vector.shape_cast %swap3A_250 : vector<1x256x96xf32> to vector<256x96xf32>
    %swap3A_252 = vector.shape_cast %slice3A_246 : vector<256x96xf32> to vector<1x256x96xf32>
    tpu.vector_store %arg5[%swap3A_247, %swap3A_248, %swap3A_249], %swap3A_252 {strides = array<i32>} : memref<8x256x208xf32, #tpu.memory_space<vmem>>, vector<1x256x96xf32>,
    %get3A_253 = arith.constant 7 : index
    %get3A_254 = arith.constant 0 : index
    %get3A_255 = arith.constant 0 : index
    %get3A_256 = vector.load %arg4[%get3A_253, %get3A_254, %get3A_255] : memref<8x256x1xf32, #tpu.memory_space<vmem>>, vector<1x256x1xf32>
    %get3A_257 = vector.shape_cast %get3A_256 : vector<1x256x1xf32> to vector<256x1xf32>
    %swap3A_258 = arith.constant 7 : index
    %swap3A_259 = arith.constant 0 : index
    %swap3A_260 = arith.constant 192 : index
    %swap3A_261 = vector.load %arg5[%swap3A_258, %swap3A_259, %swap3A_260] : memref<8x256x208xf32, #tpu.memory_space<vmem>>, vector<1x256x1xf32>
    %swap3A_262 = vector.shape_cast %swap3A_261 : vector<1x256x1xf32> to vector<256x1xf32>
    %swap3A_263 = vector.shape_cast %get3A_257 : vector<256x1xf32> to vector<1x256x1xf32>
    tpu.vector_store %arg5[%swap3A_258, %swap3A_259, %swap3A_260], %swap3A_263 {strides = array<i32>} : memref<8x256x208xf32, #tpu.memory_space<vmem>>, vector<1x256x1xf32>,
    %broadcast_in_dim3A_264 = arith.constant 0.000000e+00 : f32
    %broadcast_in_dim3A_265 = vector.broadcast %broadcast_in_dim3A_264 : f32 to vector<256x15xf32>
    %swap3A_266 = arith.constant 7 : index
    %swap3A_267 = arith.constant 0 : index
    %swap3A_268 = arith.constant 193 : index
    %swap3A_269 = vector.load %arg5[%swap3A_266, %swap3A_267, %swap3A_268] : memref<8x256x208xf32, #tpu.memory_space<vmem>>, vector<1x256x15xf32>
    %swap3A_270 = vector.shape_cast %swap3A_269 : vector<1x256x15xf32> to vector<256x15xf32>
    %swap3A_271 = vector.shape_cast %broadcast_in_dim3A_265 : vector<256x15xf32> to vector<1x256x15xf32>
    tpu.vector_store %arg5[%swap3A_266, %swap3A_267, %swap3A_268], %swap3A_271 {strides = array<i32>} : memref<8x256x208xf32, #tpu.memory_space<vmem>>, vector<1x256x15xf32>,
    return
  }
  func.func @transform_0(%arg0: i32) -> (i32, i32) {
    %c0_i32 = arith.constant 0 : i32
    %c0_i32_0 = arith.constant 0 : i32
    return %arg0, %c0_i32 : i32, i32
  }
  func.func @transform_1(%arg0: i32) -> (i32, i32) {
    %c0_i32 = arith.constant 0 : i32
    %c0_i32_0 = arith.constant 0 : i32
    %c0_i32_1 = arith.constant 0 : i32
    return %c0_i32, %c0_i32_0 : i32, i32
  }
  func.func @transform_2(%arg0: i32) -> (i32, i32) {
    %c0_i32 = arith.constant 0 : i32
    %c0_i32_0 = arith.constant 0 : i32
    %c0_i32_1 = arith.constant 0 : i32
    return %c0_i32, %c0_i32_0 : i32, i32
  }
  func.func @transform_3(%arg0: i32) -> (i32, i32, i32) {
    %c0_i32 = arith.constant 0 : i32
    %c0_i32_0 = arith.constant 0 : i32
    %c0_i32_1 = arith.constant 0 : i32
    return %c0_i32, %arg0, %c0_i32_0 : i32, i32, i32
  }
  func.func @transform_4(%arg0: i32) -> (i32, i32, i32) {
    %c0_i32 = arith.constant 0 : i32
    %c0_i32_0 = arith.constant 0 : i32
    %c0_i32_1 = arith.constant 0 : i32
    return %c0_i32, %arg0, %c0_i32_0 : i32, i32, i32
  }
}

module attributes {stable_mosaic.version = 14 : i64} {
  func.func @_attn_body(%arg0: i32, %arg1: memref<1x2048x208xf32, #tpu.memory_space<vmem>>, %arg2: memref<1x2048x112xf32, #tpu.memory_space<vmem>>) attributes {dimension_semantics = [#tpu.dimension_semantics<arbitrary>], iteration_bounds = array<i64: 32>, scalar_prefetch = 0 : i64, scratch_operands = 0 : i64, tpu.core_type = #tpu.core_type<tc>, window_params = [{transform_indices = @transform_0, window_bounds = array<i64: 1, 2048, 208>}, {transform_indices = @transform_1, window_bounds = array<i64: 1, 2048, 112>}]} {
    %get3A = arith.constant 0 : index
    %get3A_0 = arith.constant 0 : index
    %get3A_1 = arith.constant 0 : index
    %get3A_2 = vector.load %arg1[%get3A, %get3A_0, %get3A_1] : memref<1x2048x208xf32, #tpu.memory_space<vmem>>, vector<1x2048x208xf32>
    %get3A_3 = vector.shape_cast %get3A_2 : vector<1x2048x208xf32> to vector<2048x208xf32>
    %iota3A = tpu.iota {dimensions = array<i32: 0>} : vector<64x128xi32>
    %iota3A_4 = tpu.iota {dimensions = array<i32: 1>} : vector<64x128xi32>
    %add3A = arith.constant 64 : i32
    %add3A_5 = vector.broadcast %add3A : i32 to vector<64x128xi32>
    %add3A_6 = arith.addi %iota3A, %add3A_5 : vector<64x128xi32>
    %eq3A = arith.cmpi eq, %iota3A_4, %add3A_6 : vector<64x128xi32>
    %slice3A = vector.extract_strided_slice %get3A_3 {offsets = [0, 0], sizes = [64, 96], strides = [1, 1]} : vector<2048x208xf32> to vector<64x96xf32>
    %slice3A_7 = vector.extract_strided_slice %get3A_3 {offsets = [1984, 0], sizes = [64, 96], strides = [1, 1]} : vector<2048x208xf32> to vector<64x96xf32>
    %concatenate3A = tpu.concatenate %slice3A_7, %slice3A in 0 : vector<64x96xf32>, vector<64x96xf32> -> vector<128x96xf32>
    %slice3A_8 = vector.extract_strided_slice %get3A_3 {offsets = [1984, 96], sizes = [64, 96], strides = [1, 1]} : vector<2048x208xf32> to vector<64x96xf32>
    %slice3A_9 = vector.extract_strided_slice %get3A_3 {offsets = [0, 96], sizes = [64, 96], strides = [1, 1]} : vector<2048x208xf32> to vector<64x96xf32>
    %concatenate3A_10 = tpu.concatenate %slice3A_8, %slice3A_9 in 0 : vector<64x96xf32>, vector<64x96xf32> -> vector<128x96xf32>
    %slice3A_11 = vector.extract_strided_slice %get3A_3 {offsets = [1984, 192], sizes = [64, 1], strides = [1, 1]} : vector<2048x208xf32> to vector<64x1xf32>
    %slice3A_12 = vector.extract_strided_slice %get3A_3 {offsets = [0, 192], sizes = [64, 1], strides = [1, 1]} : vector<2048x208xf32> to vector<64x1xf32>
    %concatenate3A_13 = tpu.concatenate %slice3A_11, %slice3A_12 in 0 : vector<64x1xf32>, vector<64x1xf32> -> vector<128x1xf32>
    %add3A_14 = arith.constant 9.99999971E-10 : f32
    %add3A_15 = vector.broadcast %add3A_14 : f32 to vector<128x1xf32>
    %add3A_16 = arith.addf %concatenate3A_13, %add3A_15 : vector<128x1xf32>
    %div3A = vector.broadcast %add3A_16 : vector<128x1xf32> to vector<128x96xf32>
    %div3A_17 = arith.divf %concatenate3A, %div3A : vector<128x96xf32>
    %dot_general3A = arith.constant dense<0.000000e+00> : vector<64x128xf32>
    %dot_general3A_18 = tpu.matmul %slice3A, %div3A_17, %dot_general3A {dimension_numbers = #tpu.dot_dimension_numbers<[1], [1], [0], [0], [0, 0, 1, 0], [], []>, transpose_lhs_hint = false} : vector<64x96xf32>, vector<128x96xf32>, vector<64x128xf32> -> vector<64x128xf32>
    %mul3A = arith.constant 0.102062076 : f32
    %mul3A_19 = vector.broadcast %mul3A : f32 to vector<64x128xf32>
    %mul3A_20 = arith.mulf %dot_general3A_18, %mul3A_19 : vector<64x128xf32>
    %jit3A = arith.constant -1.000000e+05 : f32
    %broadcast_in_dim3A = vector.broadcast %jit3A : f32 to vector<64x128xf32>
    %select_n3A = arith.select %eq3A, %broadcast_in_dim3A, %mul3A_20 : vector<64x128xi1>, vector<64x128xf32>
    %reduce_max3A = arith.constant dense<0xFF800000> : vector<64xf32>
    %reduce_max3A_21 = vector.multi_reduction <maximumf>, %select_n3A, %reduce_max3A [1] : vector<64x128xf32> to vector<64xf32>
    %broadcast_in_dim3A_22 = vector.shape_cast %reduce_max3A_21 : vector<64xf32> to vector<64x1xf32>
    %sub3A = vector.broadcast %broadcast_in_dim3A_22 : vector<64x1xf32> to vector<64x128xf32>
    %sub3A_23 = arith.subf %select_n3A, %sub3A : vector<64x128xf32>
    %exp3A = math.exp %sub3A_23 : vector<64x128xf32>
    %reduce_sum3A = arith.constant dense<0.000000e+00> : vector<64xf32>
    %reduce_sum3A_24 = vector.multi_reduction <add>, %exp3A, %reduce_sum3A [1] : vector<64x128xf32> to vector<64xf32>
    %broadcast_in_dim3A_25 = vector.shape_cast %reduce_sum3A_24 : vector<64xf32> to vector<64x1xf32>
    %log3A = math.log %broadcast_in_dim3A_25 : vector<64x1xf32>
    %add3A_26 = arith.addf %broadcast_in_dim3A_22, %log3A : vector<64x1xf32>
    %sub3A_27 = vector.broadcast %add3A_26 : vector<64x1xf32> to vector<64x128xf32>
    %sub3A_28 = arith.subf %select_n3A, %sub3A_27 : vector<64x128xf32>
    %exp3A_29 = math.exp %sub3A_28 : vector<64x128xf32>
    %dot_general3A_30 = arith.constant dense<0.000000e+00> : vector<64x96xf32>
    %dot_general3A_31 = tpu.matmul %exp3A_29, %concatenate3A_10, %dot_general3A_30 {dimension_numbers = #tpu.dot_dimension_numbers<[1], [0], [0], [1], [0, 0, 1, 1], [], []>, transpose_lhs_hint = false} : vector<64x128xf32>, vector<128x96xf32>, vector<64x96xf32> -> vector<64x96xf32>
    %swap3A = arith.constant 0 : index
    %swap3A_32 = arith.constant 0 : index
    %swap3A_33 = arith.constant 0 : index
    %swap3A_34 = vector.load %arg2[%swap3A, %swap3A_32, %swap3A_33] : memref<1x2048x112xf32, #tpu.memory_space<vmem>>, vector<1x64x96xf32>
    %swap3A_35 = vector.shape_cast %swap3A_34 : vector<1x64x96xf32> to vector<64x96xf32>
    %swap3A_36 = vector.shape_cast %dot_general3A_31 : vector<64x96xf32> to vector<1x64x96xf32>
    tpu.vector_store %arg2[%swap3A, %swap3A_32, %swap3A_33], %swap3A_36 {strides = array<i32>} : memref<1x2048x112xf32, #tpu.memory_space<vmem>>, vector<1x64x96xf32>,
    %swap3A_37 = arith.constant 0 : index
    %swap3A_38 = arith.constant 0 : index
    %swap3A_39 = arith.constant 96 : index
    %swap3A_40 = vector.load %arg2[%swap3A_37, %swap3A_38, %swap3A_39] : memref<1x2048x112xf32, #tpu.memory_space<vmem>>, vector<1x64x1xf32>
    %swap3A_41 = vector.shape_cast %swap3A_40 : vector<1x64x1xf32> to vector<64x1xf32>
    %swap3A_42 = vector.shape_cast %add3A_26 : vector<64x1xf32> to vector<1x64x1xf32>
    tpu.vector_store %arg2[%swap3A_37, %swap3A_38, %swap3A_39], %swap3A_42 {strides = array<i32>} : memref<1x2048x112xf32, #tpu.memory_space<vmem>>, vector<1x64x1xf32>,
    %broadcast_in_dim3A_43 = arith.constant 0.000000e+00 : f32
    %broadcast_in_dim3A_44 = vector.broadcast %broadcast_in_dim3A_43 : f32 to vector<64x15xf32>
    %swap3A_45 = arith.constant 0 : index
    %swap3A_46 = arith.constant 0 : index
    %swap3A_47 = arith.constant 97 : index
    %swap3A_48 = vector.load %arg2[%swap3A_45, %swap3A_46, %swap3A_47] : memref<1x2048x112xf32, #tpu.memory_space<vmem>>, vector<1x64x15xf32>
    %swap3A_49 = vector.shape_cast %swap3A_48 : vector<1x64x15xf32> to vector<64x15xf32>
    %swap3A_50 = vector.shape_cast %broadcast_in_dim3A_44 : vector<64x15xf32> to vector<1x64x15xf32>
    tpu.vector_store %arg2[%swap3A_45, %swap3A_46, %swap3A_47], %swap3A_50 {strides = array<i32>} : memref<1x2048x112xf32, #tpu.memory_space<vmem>>, vector<1x64x15xf32>,
    %slice3A_51 = vector.extract_strided_slice %get3A_3 {offsets = [64, 0], sizes = [64, 96], strides = [1, 1]} : vector<2048x208xf32> to vector<64x96xf32>
    %slice3A_52 = vector.extract_strided_slice %get3A_3 {offsets = [0, 0], sizes = [64, 96], strides = [1, 1]} : vector<2048x208xf32> to vector<64x96xf32>
    %concatenate3A_53 = tpu.concatenate %slice3A_52, %slice3A_51 in 0 : vector<64x96xf32>, vector<64x96xf32> -> vector<128x96xf32>
    %slice3A_54 = vector.extract_strided_slice %get3A_3 {offsets = [0, 96], sizes = [64, 96], strides = [1, 1]} : vector<2048x208xf32> to vector<64x96xf32>
    %slice3A_55 = vector.extract_strided_slice %get3A_3 {offsets = [64, 96], sizes = [64, 96], strides = [1, 1]} : vector<2048x208xf32> to vector<64x96xf32>
    %concatenate3A_56 = tpu.concatenate %slice3A_54, %slice3A_55 in 0 : vector<64x96xf32>, vector<64x96xf32> -> vector<128x96xf32>
    %slice3A_57 = vector.extract_strided_slice %get3A_3 {offsets = [0, 192], sizes = [64, 1], strides = [1, 1]} : vector<2048x208xf32> to vector<64x1xf32>
    %slice3A_58 = vector.extract_strided_slice %get3A_3 {offsets = [64, 192], sizes = [64, 1], strides = [1, 1]} : vector<2048x208xf32> to vector<64x1xf32>
    %concatenate3A_59 = tpu.concatenate %slice3A_57, %slice3A_58 in 0 : vector<64x1xf32>, vector<64x1xf32> -> vector<128x1xf32>
    %add3A_60 = arith.constant 9.99999971E-10 : f32
    %add3A_61 = vector.broadcast %add3A_60 : f32 to vector<128x1xf32>
    %add3A_62 = arith.addf %concatenate3A_59, %add3A_61 : vector<128x1xf32>
    %div3A_63 = vector.broadcast %add3A_62 : vector<128x1xf32> to vector<128x96xf32>
    %div3A_64 = arith.divf %concatenate3A_53, %div3A_63 : vector<128x96xf32>
    %dot_general3A_65 = arith.constant dense<0.000000e+00> : vector<64x128xf32>
    %dot_general3A_66 = tpu.matmul %slice3A_51, %div3A_64, %dot_general3A_65 {dimension_numbers = #tpu.dot_dimension_numbers<[1], [1], [0], [0], [0, 0, 1, 0], [], []>, transpose_lhs_hint = false} : vector<64x96xf32>, vector<128x96xf32>, vector<64x128xf32> -> vector<64x128xf32>
    %mul3A_67 = arith.constant 0.102062076 : f32
    %mul3A_68 = vector.broadcast %mul3A_67 : f32 to vector<64x128xf32>
    %mul3A_69 = arith.mulf %dot_general3A_66, %mul3A_68 : vector<64x128xf32>
    %jit3A_70 = arith.constant -1.000000e+05 : f32
    %broadcast_in_dim3A_71 = vector.broadcast %jit3A_70 : f32 to vector<64x128xf32>
    %select_n3A_72 = arith.select %eq3A, %broadcast_in_dim3A_71, %mul3A_69 : vector<64x128xi1>, vector<64x128xf32>
    %reduce_max3A_73 = arith.constant dense<0xFF800000> : vector<64xf32>
    %reduce_max3A_74 = vector.multi_reduction <maximumf>, %select_n3A_72, %reduce_max3A_73 [1] : vector<64x128xf32> to vector<64xf32>
    %broadcast_in_dim3A_75 = vector.shape_cast %reduce_max3A_74 : vector<64xf32> to vector<64x1xf32>
    %sub3A_76 = vector.broadcast %broadcast_in_dim3A_75 : vector<64x1xf32> to vector<64x128xf32>
    %sub3A_77 = arith.subf %select_n3A_72, %sub3A_76 : vector<64x128xf32>
    %exp3A_78 = math.exp %sub3A_77 : vector<64x128xf32>
    %reduce_sum3A_79 = arith.constant dense<0.000000e+00> : vector<64xf32>
    %reduce_sum3A_80 = vector.multi_reduction <add>, %exp3A_78, %reduce_sum3A_79 [1] : vector<64x128xf32> to vector<64xf32>
    %broadcast_in_dim3A_81 = vector.shape_cast %reduce_sum3A_80 : vector<64xf32> to vector<64x1xf32>
    %log3A_82 = math.log %broadcast_in_dim3A_81 : vector<64x1xf32>
    %add3A_83 = arith.addf %broadcast_in_dim3A_75, %log3A_82 : vector<64x1xf32>
    %sub3A_84 = vector.broadcast %add3A_83 : vector<64x1xf32> to vector<64x128xf32>
    %sub3A_85 = arith.subf %select_n3A_72, %sub3A_84 : vector<64x128xf32>
    %exp3A_86 = math.exp %sub3A_85 : vector<64x128xf32>
    %dot_general3A_87 = arith.constant dense<0.000000e+00> : vector<64x96xf32>
    %dot_general3A_88 = tpu.matmul %exp3A_86, %concatenate3A_56, %dot_general3A_87 {dimension_numbers = #tpu.dot_dimension_numbers<[1], [0], [0], [1], [0, 0, 1, 1], [], []>, transpose_lhs_hint = false} : vector<64x128xf32>, vector<128x96xf32>, vector<64x96xf32> -> vector<64x96xf32>
    %swap3A_89 = arith.constant 0 : index
    %swap3A_90 = arith.constant 64 : index
    %swap3A_91 = arith.constant 0 : index
    %swap3A_92 = vector.load %arg2[%swap3A_89, %swap3A_90, %swap3A_91] : memref<1x2048x112xf32, #tpu.memory_space<vmem>>, vector<1x64x96xf32>
    %swap3A_93 = vector.shape_cast %swap3A_92 : vector<1x64x96xf32> to vector<64x96xf32>
    %swap3A_94 = vector.shape_cast %dot_general3A_88 : vector<64x96xf32> to vector<1x64x96xf32>
    tpu.vector_store %arg2[%swap3A_89, %swap3A_90, %swap3A_91], %swap3A_94 {strides = array<i32>} : memref<1x2048x112xf32, #tpu.memory_space<vmem>>, vector<1x64x96xf32>,
    %swap3A_95 = arith.constant 0 : index
    %swap3A_96 = arith.constant 64 : index
    %swap3A_97 = arith.constant 96 : index
    %swap3A_98 = vector.load %arg2[%swap3A_95, %swap3A_96, %swap3A_97] : memref<1x2048x112xf32, #tpu.memory_space<vmem>>, vector<1x64x1xf32>
    %swap3A_99 = vector.shape_cast %swap3A_98 : vector<1x64x1xf32> to vector<64x1xf32>
    %swap3A_100 = vector.shape_cast %add3A_83 : vector<64x1xf32> to vector<1x64x1xf32>
    tpu.vector_store %arg2[%swap3A_95, %swap3A_96, %swap3A_97], %swap3A_100 {strides = array<i32>} : memref<1x2048x112xf32, #tpu.memory_space<vmem>>, vector<1x64x1xf32>,
    %broadcast_in_dim3A_101 = arith.constant 0.000000e+00 : f32
    %broadcast_in_dim3A_102 = vector.broadcast %broadcast_in_dim3A_101 : f32 to vector<64x15xf32>
    %swap3A_103 = arith.constant 0 : index
    %swap3A_104 = arith.constant 64 : index
    %swap3A_105 = arith.constant 97 : index
    %swap3A_106 = vector.load %arg2[%swap3A_103, %swap3A_104, %swap3A_105] : memref<1x2048x112xf32, #tpu.memory_space<vmem>>, vector<1x64x15xf32>
    %swap3A_107 = vector.shape_cast %swap3A_106 : vector<1x64x15xf32> to vector<64x15xf32>
    %swap3A_108 = vector.shape_cast %broadcast_in_dim3A_102 : vector<64x15xf32> to vector<1x64x15xf32>
    tpu.vector_store %arg2[%swap3A_103, %swap3A_104, %swap3A_105], %swap3A_108 {strides = array<i32>} : memref<1x2048x112xf32, #tpu.memory_space<vmem>>, vector<1x64x15xf32>,
    %slice3A_109 = vector.extract_strided_slice %get3A_3 {offsets = [128, 0], sizes = [64, 96], strides = [1, 1]} : vector<2048x208xf32> to vector<64x96xf32>
    %slice3A_110 = vector.extract_strided_slice %get3A_3 {offsets = [64, 0], sizes = [64, 96], strides = [1, 1]} : vector<2048x208xf32> to vector<64x96xf32>
    %concatenate3A_111 = tpu.concatenate %slice3A_110, %slice3A_109 in 0 : vector<64x96xf32>, vector<64x96xf32> -> vector<128x96xf32>
    %slice3A_112 = vector.extract_strided_slice %get3A_3 {offsets = [64, 96], sizes = [64, 96], strides = [1, 1]} : vector<2048x208xf32> to vector<64x96xf32>
    %slice3A_113 = vector.extract_strided_slice %get3A_3 {offsets = [128, 96], sizes = [64, 96], strides = [1, 1]} : vector<2048x208xf32> to vector<64x96xf32>
    %concatenate3A_114 = tpu.concatenate %slice3A_112, %slice3A_113 in 0 : vector<64x96xf32>, vector<64x96xf32> -> vector<128x96xf32>
    %slice3A_115 = vector.extract_strided_slice %get3A_3 {offsets = [64, 192], sizes = [64, 1], strides = [1, 1]} : vector<2048x208xf32> to vector<64x1xf32>
    %slice3A_116 = vector.extract_strided_slice %get3A_3 {offsets = [128, 192], sizes = [64, 1], strides = [1, 1]} : vector<2048x208xf32> to vector<64x1xf32>
    %concatenate3A_117 = tpu.concatenate %slice3A_115, %slice3A_116 in 0 : vector<64x1xf32>, vector<64x1xf32> -> vector<128x1xf32>
    %add3A_118 = arith.constant 9.99999971E-10 : f32
    %add3A_119 = vector.broadcast %add3A_118 : f32 to vector<128x1xf32>
    %add3A_120 = arith.addf %concatenate3A_117, %add3A_119 : vector<128x1xf32>
    %div3A_121 = vector.broadcast %add3A_120 : vector<128x1xf32> to vector<128x96xf32>
    %div3A_122 = arith.divf %concatenate3A_111, %div3A_121 : vector<128x96xf32>
    %dot_general3A_123 = arith.constant dense<0.000000e+00> : vector<64x128xf32>
    %dot_general3A_124 = tpu.matmul %slice3A_109, %div3A_122, %dot_general3A_123 {dimension_numbers = #tpu.dot_dimension_numbers<[1], [1], [0], [0], [0, 0, 1, 0], [], []>, transpose_lhs_hint = false} : vector<64x96xf32>, vector<128x96xf32>, vector<64x128xf32> -> vector<64x128xf32>
    %mul3A_125 = arith.constant 0.102062076 : f32
    %mul3A_126 = vector.broadcast %mul3A_125 : f32 to vector<64x128xf32>
    %mul3A_127 = arith.mulf %dot_general3A_124, %mul3A_126 : vector<64x128xf32>
    %jit3A_128 = arith.constant -1.000000e+05 : f32
    %broadcast_in_dim3A_129 = vector.broadcast %jit3A_128 : f32 to vector<64x128xf32>
    %select_n3A_130 = arith.select %eq3A, %broadcast_in_dim3A_129, %mul3A_127 : vector<64x128xi1>, vector<64x128xf32>
    %reduce_max3A_131 = arith.constant dense<0xFF800000> : vector<64xf32>
    %reduce_max3A_132 = vector.multi_reduction <maximumf>, %select_n3A_130, %reduce_max3A_131 [1] : vector<64x128xf32> to vector<64xf32>
    %broadcast_in_dim3A_133 = vector.shape_cast %reduce_max3A_132 : vector<64xf32> to vector<64x1xf32>
    %sub3A_134 = vector.broadcast %broadcast_in_dim3A_133 : vector<64x1xf32> to vector<64x128xf32>
    %sub3A_135 = arith.subf %select_n3A_130, %sub3A_134 : vector<64x128xf32>
    %exp3A_136 = math.exp %sub3A_135 : vector<64x128xf32>
    %reduce_sum3A_137 = arith.constant dense<0.000000e+00> : vector<64xf32>
    %reduce_sum3A_138 = vector.multi_reduction <add>, %exp3A_136, %reduce_sum3A_137 [1] : vector<64x128xf32> to vector<64xf32>
    %broadcast_in_dim3A_139 = vector.shape_cast %reduce_sum3A_138 : vector<64xf32> to vector<64x1xf32>
    %log3A_140 = math.log %broadcast_in_dim3A_139 : vector<64x1xf32>
    %add3A_141 = arith.addf %broadcast_in_dim3A_133, %log3A_140 : vector<64x1xf32>
    %sub3A_142 = vector.broadcast %add3A_141 : vector<64x1xf32> to vector<64x128xf32>
    %sub3A_143 = arith.subf %select_n3A_130, %sub3A_142 : vector<64x128xf32>
    %exp3A_144 = math.exp %sub3A_143 : vector<64x128xf32>
    %dot_general3A_145 = arith.constant dense<0.000000e+00> : vector<64x96xf32>
    %dot_general3A_146 = tpu.matmul %exp3A_144, %concatenate3A_114, %dot_general3A_145 {dimension_numbers = #tpu.dot_dimension_numbers<[1], [0], [0], [1], [0, 0, 1, 1], [], []>, transpose_lhs_hint = false} : vector<64x128xf32>, vector<128x96xf32>, vector<64x96xf32> -> vector<64x96xf32>
    %swap3A_147 = arith.constant 0 : index
    %swap3A_148 = arith.constant 128 : index
    %swap3A_149 = arith.constant 0 : index
    %swap3A_150 = vector.load %arg2[%swap3A_147, %swap3A_148, %swap3A_149] : memref<1x2048x112xf32, #tpu.memory_space<vmem>>, vector<1x64x96xf32>
    %swap3A_151 = vector.shape_cast %swap3A_150 : vector<1x64x96xf32> to vector<64x96xf32>
    %swap3A_152 = vector.shape_cast %dot_general3A_146 : vector<64x96xf32> to vector<1x64x96xf32>
    tpu.vector_store %arg2[%swap3A_147, %swap3A_148, %swap3A_149], %swap3A_152 {strides = array<i32>} : memref<1x2048x112xf32, #tpu.memory_space<vmem>>, vector<1x64x96xf32>,
    %swap3A_153 = arith.constant 0 : index
    %swap3A_154 = arith.constant 128 : index
    %swap3A_155 = arith.constant 96 : index
    %swap3A_156 = vector.load %arg2[%swap3A_153, %swap3A_154, %swap3A_155] : memref<1x2048x112xf32, #tpu.memory_space<vmem>>, vector<1x64x1xf32>
    %swap3A_157 = vector.shape_cast %swap3A_156 : vector<1x64x1xf32> to vector<64x1xf32>
    %swap3A_158 = vector.shape_cast %add3A_141 : vector<64x1xf32> to vector<1x64x1xf32>
    tpu.vector_store %arg2[%swap3A_153, %swap3A_154, %swap3A_155], %swap3A_158 {strides = array<i32>} : memref<1x2048x112xf32, #tpu.memory_space<vmem>>, vector<1x64x1xf32>,
    %broadcast_in_dim3A_159 = arith.constant 0.000000e+00 : f32
    %broadcast_in_dim3A_160 = vector.broadcast %broadcast_in_dim3A_159 : f32 to vector<64x15xf32>
    %swap3A_161 = arith.constant 0 : index
    %swap3A_162 = arith.constant 128 : index
    %swap3A_163 = arith.constant 97 : index
    %swap3A_164 = vector.load %arg2[%swap3A_161, %swap3A_162, %swap3A_163] : memref<1x2048x112xf32, #tpu.memory_space<vmem>>, vector<1x64x15xf32>
    %swap3A_165 = vector.shape_cast %swap3A_164 : vector<1x64x15xf32> to vector<64x15xf32>
    %swap3A_166 = vector.shape_cast %broadcast_in_dim3A_160 : vector<64x15xf32> to vector<1x64x15xf32>
    tpu.vector_store %arg2[%swap3A_161, %swap3A_162, %swap3A_163], %swap3A_166 {strides = array<i32>} : memref<1x2048x112xf32, #tpu.memory_space<vmem>>, vector<1x64x15xf32>,
    %slice3A_167 = vector.extract_strided_slice %get3A_3 {offsets = [192, 0], sizes = [64, 96], strides = [1, 1]} : vector<2048x208xf32> to vector<64x96xf32>
    %slice3A_168 = vector.extract_strided_slice %get3A_3 {offsets = [128, 0], sizes = [64, 96], strides = [1, 1]} : vector<2048x208xf32> to vector<64x96xf32>
    %concatenate3A_169 = tpu.concatenate %slice3A_168, %slice3A_167 in 0 : vector<64x96xf32>, vector<64x96xf32> -> vector<128x96xf32>
    %slice3A_170 = vector.extract_strided_slice %get3A_3 {offsets = [128, 96], sizes = [64, 96], strides = [1, 1]} : vector<2048x208xf32> to vector<64x96xf32>
    %slice3A_171 = vector.extract_strided_slice %get3A_3 {offsets = [192, 96], sizes = [64, 96], strides = [1, 1]} : vector<2048x208xf32> to vector<64x96xf32>
    %concatenate3A_172 = tpu.concatenate %slice3A_170, %slice3A_171 in 0 : vector<64x96xf32>, vector<64x96xf32> -> vector<128x96xf32>
    %slice3A_173 = vector.extract_strided_slice %get3A_3 {offsets = [128, 192], sizes = [64, 1], strides = [1, 1]} : vector<2048x208xf32> to vector<64x1xf32>
    %slice3A_174 = vector.extract_strided_slice %get3A_3 {offsets = [192, 192], sizes = [64, 1], strides = [1, 1]} : vector<2048x208xf32> to vector<64x1xf32>
    %concatenate3A_175 = tpu.concatenate %slice3A_173, %slice3A_174 in 0 : vector<64x1xf32>, vector<64x1xf32> -> vector<128x1xf32>
    %add3A_176 = arith.constant 9.99999971E-10 : f32
    %add3A_177 = vector.broadcast %add3A_176 : f32 to vector<128x1xf32>
    %add3A_178 = arith.addf %concatenate3A_175, %add3A_177 : vector<128x1xf32>
    %div3A_179 = vector.broadcast %add3A_178 : vector<128x1xf32> to vector<128x96xf32>
    %div3A_180 = arith.divf %concatenate3A_169, %div3A_179 : vector<128x96xf32>
    %dot_general3A_181 = arith.constant dense<0.000000e+00> : vector<64x128xf32>
    %dot_general3A_182 = tpu.matmul %slice3A_167, %div3A_180, %dot_general3A_181 {dimension_numbers = #tpu.dot_dimension_numbers<[1], [1], [0], [0], [0, 0, 1, 0], [], []>, transpose_lhs_hint = false} : vector<64x96xf32>, vector<128x96xf32>, vector<64x128xf32> -> vector<64x128xf32>
    %mul3A_183 = arith.constant 0.102062076 : f32
    %mul3A_184 = vector.broadcast %mul3A_183 : f32 to vector<64x128xf32>
    %mul3A_185 = arith.mulf %dot_general3A_182, %mul3A_184 : vector<64x128xf32>
    %jit3A_186 = arith.constant -1.000000e+05 : f32
    %broadcast_in_dim3A_187 = vector.broadcast %jit3A_186 : f32 to vector<64x128xf32>
    %select_n3A_188 = arith.select %eq3A, %broadcast_in_dim3A_187, %mul3A_185 : vector<64x128xi1>, vector<64x128xf32>
    %reduce_max3A_189 = arith.constant dense<0xFF800000> : vector<64xf32>
    %reduce_max3A_190 = vector.multi_reduction <maximumf>, %select_n3A_188, %reduce_max3A_189 [1] : vector<64x128xf32> to vector<64xf32>
    %broadcast_in_dim3A_191 = vector.shape_cast %reduce_max3A_190 : vector<64xf32> to vector<64x1xf32>
    %sub3A_192 = vector.broadcast %broadcast_in_dim3A_191 : vector<64x1xf32> to vector<64x128xf32>
    %sub3A_193 = arith.subf %select_n3A_188, %sub3A_192 : vector<64x128xf32>
    %exp3A_194 = math.exp %sub3A_193 : vector<64x128xf32>
    %reduce_sum3A_195 = arith.constant dense<0.000000e+00> : vector<64xf32>
    %reduce_sum3A_196 = vector.multi_reduction <add>, %exp3A_194, %reduce_sum3A_195 [1] : vector<64x128xf32> to vector<64xf32>
    %broadcast_in_dim3A_197 = vector.shape_cast %reduce_sum3A_196 : vector<64xf32> to vector<64x1xf32>
    %log3A_198 = math.log %broadcast_in_dim3A_197 : vector<64x1xf32>
    %add3A_199 = arith.addf %broadcast_in_dim3A_191, %log3A_198 : vector<64x1xf32>
    %sub3A_200 = vector.broadcast %add3A_199 : vector<64x1xf32> to vector<64x128xf32>
    %sub3A_201 = arith.subf %select_n3A_188, %sub3A_200 : vector<64x128xf32>
    %exp3A_202 = math.exp %sub3A_201 : vector<64x128xf32>
    %dot_general3A_203 = arith.constant dense<0.000000e+00> : vector<64x96xf32>
    %dot_general3A_204 = tpu.matmul %exp3A_202, %concatenate3A_172, %dot_general3A_203 {dimension_numbers = #tpu.dot_dimension_numbers<[1], [0], [0], [1], [0, 0, 1, 1], [], []>, transpose_lhs_hint = false} : vector<64x128xf32>, vector<128x96xf32>, vector<64x96xf32> -> vector<64x96xf32>
    %swap3A_205 = arith.constant 0 : index
    %swap3A_206 = arith.constant 192 : index
    %swap3A_207 = arith.constant 0 : index
    %swap3A_208 = vector.load %arg2[%swap3A_205, %swap3A_206, %swap3A_207] : memref<1x2048x112xf32, #tpu.memory_space<vmem>>, vector<1x64x96xf32>
    %swap3A_209 = vector.shape_cast %swap3A_208 : vector<1x64x96xf32> to vector<64x96xf32>
    %swap3A_210 = vector.shape_cast %dot_general3A_204 : vector<64x96xf32> to vector<1x64x96xf32>
    tpu.vector_store %arg2[%swap3A_205, %swap3A_206, %swap3A_207], %swap3A_210 {strides = array<i32>} : memref<1x2048x112xf32, #tpu.memory_space<vmem>>, vector<1x64x96xf32>,
    %swap3A_211 = arith.constant 0 : index
    %swap3A_212 = arith.constant 192 : index
    %swap3A_213 = arith.constant 96 : index
    %swap3A_214 = vector.load %arg2[%swap3A_211, %swap3A_212, %swap3A_213] : memref<1x2048x112xf32, #tpu.memory_space<vmem>>, vector<1x64x1xf32>
    %swap3A_215 = vector.shape_cast %swap3A_214 : vector<1x64x1xf32> to vector<64x1xf32>
    %swap3A_216 = vector.shape_cast %add3A_199 : vector<64x1xf32> to vector<1x64x1xf32>
    tpu.vector_store %arg2[%swap3A_211, %swap3A_212, %swap3A_213], %swap3A_216 {strides = array<i32>} : memref<1x2048x112xf32, #tpu.memory_space<vmem>>, vector<1x64x1xf32>,
    %broadcast_in_dim3A_217 = arith.constant 0.000000e+00 : f32
    %broadcast_in_dim3A_218 = vector.broadcast %broadcast_in_dim3A_217 : f32 to vector<64x15xf32>
    %swap3A_219 = arith.constant 0 : index
    %swap3A_220 = arith.constant 192 : index
    %swap3A_221 = arith.constant 97 : index
    %swap3A_222 = vector.load %arg2[%swap3A_219, %swap3A_220, %swap3A_221] : memref<1x2048x112xf32, #tpu.memory_space<vmem>>, vector<1x64x15xf32>
    %swap3A_223 = vector.shape_cast %swap3A_222 : vector<1x64x15xf32> to vector<64x15xf32>
    %swap3A_224 = vector.shape_cast %broadcast_in_dim3A_218 : vector<64x15xf32> to vector<1x64x15xf32>
    tpu.vector_store %arg2[%swap3A_219, %swap3A_220, %swap3A_221], %swap3A_224 {strides = array<i32>} : memref<1x2048x112xf32, #tpu.memory_space<vmem>>, vector<1x64x15xf32>,
    %slice3A_225 = vector.extract_strided_slice %get3A_3 {offsets = [256, 0], sizes = [64, 96], strides = [1, 1]} : vector<2048x208xf32> to vector<64x96xf32>
    %slice3A_226 = vector.extract_strided_slice %get3A_3 {offsets = [192, 0], sizes = [64, 96], strides = [1, 1]} : vector<2048x208xf32> to vector<64x96xf32>
    %concatenate3A_227 = tpu.concatenate %slice3A_226, %slice3A_225 in 0 : vector<64x96xf32>, vector<64x96xf32> -> vector<128x96xf32>
    %slice3A_228 = vector.extract_strided_slice %get3A_3 {offsets = [192, 96], sizes = [64, 96], strides = [1, 1]} : vector<2048x208xf32> to vector<64x96xf32>
    %slice3A_229 = vector.extract_strided_slice %get3A_3 {offsets = [256, 96], sizes = [64, 96], strides = [1, 1]} : vector<2048x208xf32> to vector<64x96xf32>
    %concatenate3A_230 = tpu.concatenate %slice3A_228, %slice3A_229 in 0 : vector<64x96xf32>, vector<64x96xf32> -> vector<128x96xf32>
    %slice3A_231 = vector.extract_strided_slice %get3A_3 {offsets = [192, 192], sizes = [64, 1], strides = [1, 1]} : vector<2048x208xf32> to vector<64x1xf32>
    %slice3A_232 = vector.extract_strided_slice %get3A_3 {offsets = [256, 192], sizes = [64, 1], strides = [1, 1]} : vector<2048x208xf32> to vector<64x1xf32>
    %concatenate3A_233 = tpu.concatenate %slice3A_231, %slice3A_232 in 0 : vector<64x1xf32>, vector<64x1xf32> -> vector<128x1xf32>
    %add3A_234 = arith.constant 9.99999971E-10 : f32
    %add3A_235 = vector.broadcast %add3A_234 : f32 to vector<128x1xf32>
    %add3A_236 = arith.addf %concatenate3A_233, %add3A_235 : vector<128x1xf32>
    %div3A_237 = vector.broadcast %add3A_236 : vector<128x1xf32> to vector<128x96xf32>
    %div3A_238 = arith.divf %concatenate3A_227, %div3A_237 : vector<128x96xf32>
    %dot_general3A_239 = arith.constant dense<0.000000e+00> : vector<64x128xf32>
    %dot_general3A_240 = tpu.matmul %slice3A_225, %div3A_238, %dot_general3A_239 {dimension_numbers = #tpu.dot_dimension_numbers<[1], [1], [0], [0], [0, 0, 1, 0], [], []>, transpose_lhs_hint = false} : vector<64x96xf32>, vector<128x96xf32>, vector<64x128xf32> -> vector<64x128xf32>
    %mul3A_241 = arith.constant 0.102062076 : f32
    %mul3A_242 = vector.broadcast %mul3A_241 : f32 to vector<64x128xf32>
    %mul3A_243 = arith.mulf %dot_general3A_240, %mul3A_242 : vector<64x128xf32>
    %jit3A_244 = arith.constant -1.000000e+05 : f32
    %broadcast_in_dim3A_245 = vector.broadcast %jit3A_244 : f32 to vector<64x128xf32>
    %select_n3A_246 = arith.select %eq3A, %broadcast_in_dim3A_245, %mul3A_243 : vector<64x128xi1>, vector<64x128xf32>
    %reduce_max3A_247 = arith.constant dense<0xFF800000> : vector<64xf32>
    %reduce_max3A_248 = vector.multi_reduction <maximumf>, %select_n3A_246, %reduce_max3A_247 [1] : vector<64x128xf32> to vector<64xf32>
    %broadcast_in_dim3A_249 = vector.shape_cast %reduce_max3A_248 : vector<64xf32> to vector<64x1xf32>
    %sub3A_250 = vector.broadcast %broadcast_in_dim3A_249 : vector<64x1xf32> to vector<64x128xf32>
    %sub3A_251 = arith.subf %select_n3A_246, %sub3A_250 : vector<64x128xf32>
    %exp3A_252 = math.exp %sub3A_251 : vector<64x128xf32>
    %reduce_sum3A_253 = arith.constant dense<0.000000e+00> : vector<64xf32>
    %reduce_sum3A_254 = vector.multi_reduction <add>, %exp3A_252, %reduce_sum3A_253 [1] : vector<64x128xf32> to vector<64xf32>
    %broadcast_in_dim3A_255 = vector.shape_cast %reduce_sum3A_254 : vector<64xf32> to vector<64x1xf32>
    %log3A_256 = math.log %broadcast_in_dim3A_255 : vector<64x1xf32>
    %add3A_257 = arith.addf %broadcast_in_dim3A_249, %log3A_256 : vector<64x1xf32>
    %sub3A_258 = vector.broadcast %add3A_257 : vector<64x1xf32> to vector<64x128xf32>
    %sub3A_259 = arith.subf %select_n3A_246, %sub3A_258 : vector<64x128xf32>
    %exp3A_260 = math.exp %sub3A_259 : vector<64x128xf32>
    %dot_general3A_261 = arith.constant dense<0.000000e+00> : vector<64x96xf32>
    %dot_general3A_262 = tpu.matmul %exp3A_260, %concatenate3A_230, %dot_general3A_261 {dimension_numbers = #tpu.dot_dimension_numbers<[1], [0], [0], [1], [0, 0, 1, 1], [], []>, transpose_lhs_hint = false} : vector<64x128xf32>, vector<128x96xf32>, vector<64x96xf32> -> vector<64x96xf32>
    %swap3A_263 = arith.constant 0 : index
    %swap3A_264 = arith.constant 256 : index
    %swap3A_265 = arith.constant 0 : index
    %swap3A_266 = vector.load %arg2[%swap3A_263, %swap3A_264, %swap3A_265] : memref<1x2048x112xf32, #tpu.memory_space<vmem>>, vector<1x64x96xf32>
    %swap3A_267 = vector.shape_cast %swap3A_266 : vector<1x64x96xf32> to vector<64x96xf32>
    %swap3A_268 = vector.shape_cast %dot_general3A_262 : vector<64x96xf32> to vector<1x64x96xf32>
    tpu.vector_store %arg2[%swap3A_263, %swap3A_264, %swap3A_265], %swap3A_268 {strides = array<i32>} : memref<1x2048x112xf32, #tpu.memory_space<vmem>>, vector<1x64x96xf32>,
    %swap3A_269 = arith.constant 0 : index
    %swap3A_270 = arith.constant 256 : index
    %swap3A_271 = arith.constant 96 : index
    %swap3A_272 = vector.load %arg2[%swap3A_269, %swap3A_270, %swap3A_271] : memref<1x2048x112xf32, #tpu.memory_space<vmem>>, vector<1x64x1xf32>
    %swap3A_273 = vector.shape_cast %swap3A_272 : vector<1x64x1xf32> to vector<64x1xf32>
    %swap3A_274 = vector.shape_cast %add3A_257 : vector<64x1xf32> to vector<1x64x1xf32>
    tpu.vector_store %arg2[%swap3A_269, %swap3A_270, %swap3A_271], %swap3A_274 {strides = array<i32>} : memref<1x2048x112xf32, #tpu.memory_space<vmem>>, vector<1x64x1xf32>,
    %broadcast_in_dim3A_275 = arith.constant 0.000000e+00 : f32
    %broadcast_in_dim3A_276 = vector.broadcast %broadcast_in_dim3A_275 : f32 to vector<64x15xf32>
    %swap3A_277 = arith.constant 0 : index
    %swap3A_278 = arith.constant 256 : index
    %swap3A_279 = arith.constant 97 : index
    %swap3A_280 = vector.load %arg2[%swap3A_277, %swap3A_278, %swap3A_279] : memref<1x2048x112xf32, #tpu.memory_space<vmem>>, vector<1x64x15xf32>
    %swap3A_281 = vector.shape_cast %swap3A_280 : vector<1x64x15xf32> to vector<64x15xf32>
    %swap3A_282 = vector.shape_cast %broadcast_in_dim3A_276 : vector<64x15xf32> to vector<1x64x15xf32>
    tpu.vector_store %arg2[%swap3A_277, %swap3A_278, %swap3A_279], %swap3A_282 {strides = array<i32>} : memref<1x2048x112xf32, #tpu.memory_space<vmem>>, vector<1x64x15xf32>,
    %slice3A_283 = vector.extract_strided_slice %get3A_3 {offsets = [320, 0], sizes = [64, 96], strides = [1, 1]} : vector<2048x208xf32> to vector<64x96xf32>
    %slice3A_284 = vector.extract_strided_slice %get3A_3 {offsets = [256, 0], sizes = [64, 96], strides = [1, 1]} : vector<2048x208xf32> to vector<64x96xf32>
    %concatenate3A_285 = tpu.concatenate %slice3A_284, %slice3A_283 in 0 : vector<64x96xf32>, vector<64x96xf32> -> vector<128x96xf32>
    %slice3A_286 = vector.extract_strided_slice %get3A_3 {offsets = [256, 96], sizes = [64, 96], strides = [1, 1]} : vector<2048x208xf32> to vector<64x96xf32>
    %slice3A_287 = vector.extract_strided_slice %get3A_3 {offsets = [320, 96], sizes = [64, 96], strides = [1, 1]} : vector<2048x208xf32> to vector<64x96xf32>
    %concatenate3A_288 = tpu.concatenate %slice3A_286, %slice3A_287 in 0 : vector<64x96xf32>, vector<64x96xf32> -> vector<128x96xf32>
    %slice3A_289 = vector.extract_strided_slice %get3A_3 {offsets = [256, 192], sizes = [64, 1], strides = [1, 1]} : vector<2048x208xf32> to vector<64x1xf32>
    %slice3A_290 = vector.extract_strided_slice %get3A_3 {offsets = [320, 192], sizes = [64, 1], strides = [1, 1]} : vector<2048x208xf32> to vector<64x1xf32>
    %concatenate3A_291 = tpu.concatenate %slice3A_289, %slice3A_290 in 0 : vector<64x1xf32>, vector<64x1xf32> -> vector<128x1xf32>
    %add3A_292 = arith.constant 9.99999971E-10 : f32
    %add3A_293 = vector.broadcast %add3A_292 : f32 to vector<128x1xf32>
    %add3A_294 = arith.addf %concatenate3A_291, %add3A_293 : vector<128x1xf32>
    %div3A_295 = vector.broadcast %add3A_294 : vector<128x1xf32> to vector<128x96xf32>
    %div3A_296 = arith.divf %concatenate3A_285, %div3A_295 : vector<128x96xf32>
    %dot_general3A_297 = arith.constant dense<0.000000e+00> : vector<64x128xf32>
    %dot_general3A_298 = tpu.matmul %slice3A_283, %div3A_296, %dot_general3A_297 {dimension_numbers = #tpu.dot_dimension_numbers<[1], [1], [0], [0], [0, 0, 1, 0], [], []>, transpose_lhs_hint = false} : vector<64x96xf32>, vector<128x96xf32>, vector<64x128xf32> -> vector<64x128xf32>
    %mul3A_299 = arith.constant 0.102062076 : f32
    %mul3A_300 = vector.broadcast %mul3A_299 : f32 to vector<64x128xf32>
    %mul3A_301 = arith.mulf %dot_general3A_298, %mul3A_300 : vector<64x128xf32>
    %jit3A_302 = arith.constant -1.000000e+05 : f32
    %broadcast_in_dim3A_303 = vector.broadcast %jit3A_302 : f32 to vector<64x128xf32>
    %select_n3A_304 = arith.select %eq3A, %broadcast_in_dim3A_303, %mul3A_301 : vector<64x128xi1>, vector<64x128xf32>
    %reduce_max3A_305 = arith.constant dense<0xFF800000> : vector<64xf32>
    %reduce_max3A_306 = vector.multi_reduction <maximumf>, %select_n3A_304, %reduce_max3A_305 [1] : vector<64x128xf32> to vector<64xf32>
    %broadcast_in_dim3A_307 = vector.shape_cast %reduce_max3A_306 : vector<64xf32> to vector<64x1xf32>
    %sub3A_308 = vector.broadcast %broadcast_in_dim3A_307 : vector<64x1xf32> to vector<64x128xf32>
    %sub3A_309 = arith.subf %select_n3A_304, %sub3A_308 : vector<64x128xf32>
    %exp3A_310 = math.exp %sub3A_309 : vector<64x128xf32>
    %reduce_sum3A_311 = arith.constant dense<0.000000e+00> : vector<64xf32>
    %reduce_sum3A_312 = vector.multi_reduction <add>, %exp3A_310, %reduce_sum3A_311 [1] : vector<64x128xf32> to vector<64xf32>
    %broadcast_in_dim3A_313 = vector.shape_cast %reduce_sum3A_312 : vector<64xf32> to vector<64x1xf32>
    %log3A_314 = math.log %broadcast_in_dim3A_313 : vector<64x1xf32>
    %add3A_315 = arith.addf %broadcast_in_dim3A_307, %log3A_314 : vector<64x1xf32>
    %sub3A_316 = vector.broadcast %add3A_315 : vector<64x1xf32> to vector<64x128xf32>
    %sub3A_317 = arith.subf %select_n3A_304, %sub3A_316 : vector<64x128xf32>
    %exp3A_318 = math.exp %sub3A_317 : vector<64x128xf32>
    %dot_general3A_319 = arith.constant dense<0.000000e+00> : vector<64x96xf32>
    %dot_general3A_320 = tpu.matmul %exp3A_318, %concatenate3A_288, %dot_general3A_319 {dimension_numbers = #tpu.dot_dimension_numbers<[1], [0], [0], [1], [0, 0, 1, 1], [], []>, transpose_lhs_hint = false} : vector<64x128xf32>, vector<128x96xf32>, vector<64x96xf32> -> vector<64x96xf32>
    %swap3A_321 = arith.constant 0 : index
    %swap3A_322 = arith.constant 320 : index
    %swap3A_323 = arith.constant 0 : index
    %swap3A_324 = vector.load %arg2[%swap3A_321, %swap3A_322, %swap3A_323] : memref<1x2048x112xf32, #tpu.memory_space<vmem>>, vector<1x64x96xf32>
    %swap3A_325 = vector.shape_cast %swap3A_324 : vector<1x64x96xf32> to vector<64x96xf32>
    %swap3A_326 = vector.shape_cast %dot_general3A_320 : vector<64x96xf32> to vector<1x64x96xf32>
    tpu.vector_store %arg2[%swap3A_321, %swap3A_322, %swap3A_323], %swap3A_326 {strides = array<i32>} : memref<1x2048x112xf32, #tpu.memory_space<vmem>>, vector<1x64x96xf32>,
    %swap3A_327 = arith.constant 0 : index
    %swap3A_328 = arith.constant 320 : index
    %swap3A_329 = arith.constant 96 : index
    %swap3A_330 = vector.load %arg2[%swap3A_327, %swap3A_328, %swap3A_329] : memref<1x2048x112xf32, #tpu.memory_space<vmem>>, vector<1x64x1xf32>
    %swap3A_331 = vector.shape_cast %swap3A_330 : vector<1x64x1xf32> to vector<64x1xf32>
    %swap3A_332 = vector.shape_cast %add3A_315 : vector<64x1xf32> to vector<1x64x1xf32>
    tpu.vector_store %arg2[%swap3A_327, %swap3A_328, %swap3A_329], %swap3A_332 {strides = array<i32>} : memref<1x2048x112xf32, #tpu.memory_space<vmem>>, vector<1x64x1xf32>,
    %broadcast_in_dim3A_333 = arith.constant 0.000000e+00 : f32
    %broadcast_in_dim3A_334 = vector.broadcast %broadcast_in_dim3A_333 : f32 to vector<64x15xf32>
    %swap3A_335 = arith.constant 0 : index
    %swap3A_336 = arith.constant 320 : index
    %swap3A_337 = arith.constant 97 : index
    %swap3A_338 = vector.load %arg2[%swap3A_335, %swap3A_336, %swap3A_337] : memref<1x2048x112xf32, #tpu.memory_space<vmem>>, vector<1x64x15xf32>
    %swap3A_339 = vector.shape_cast %swap3A_338 : vector<1x64x15xf32> to vector<64x15xf32>
    %swap3A_340 = vector.shape_cast %broadcast_in_dim3A_334 : vector<64x15xf32> to vector<1x64x15xf32>
    tpu.vector_store %arg2[%swap3A_335, %swap3A_336, %swap3A_337], %swap3A_340 {strides = array<i32>} : memref<1x2048x112xf32, #tpu.memory_space<vmem>>, vector<1x64x15xf32>,
    %slice3A_341 = vector.extract_strided_slice %get3A_3 {offsets = [384, 0], sizes = [64, 96], strides = [1, 1]} : vector<2048x208xf32> to vector<64x96xf32>
    %slice3A_342 = vector.extract_strided_slice %get3A_3 {offsets = [320, 0], sizes = [64, 96], strides = [1, 1]} : vector<2048x208xf32> to vector<64x96xf32>
    %concatenate3A_343 = tpu.concatenate %slice3A_342, %slice3A_341 in 0 : vector<64x96xf32>, vector<64x96xf32> -> vector<128x96xf32>
    %slice3A_344 = vector.extract_strided_slice %get3A_3 {offsets = [320, 96], sizes = [64, 96], strides = [1, 1]} : vector<2048x208xf32> to vector<64x96xf32>
    %slice3A_345 = vector.extract_strided_slice %get3A_3 {offsets = [384, 96], sizes = [64, 96], strides = [1, 1]} : vector<2048x208xf32> to vector<64x96xf32>
    %concatenate3A_346 = tpu.concatenate %slice3A_344, %slice3A_345 in 0 : vector<64x96xf32>, vector<64x96xf32> -> vector<128x96xf32>
    %slice3A_347 = vector.extract_strided_slice %get3A_3 {offsets = [320, 192], sizes = [64, 1], strides = [1, 1]} : vector<2048x208xf32> to vector<64x1xf32>
    %slice3A_348 = vector.extract_strided_slice %get3A_3 {offsets = [384, 192], sizes = [64, 1], strides = [1, 1]} : vector<2048x208xf32> to vector<64x1xf32>
    %concatenate3A_349 = tpu.concatenate %slice3A_347, %slice3A_348 in 0 : vector<64x1xf32>, vector<64x1xf32> -> vector<128x1xf32>
    %add3A_350 = arith.constant 9.99999971E-10 : f32
    %add3A_351 = vector.broadcast %add3A_350 : f32 to vector<128x1xf32>
    %add3A_352 = arith.addf %concatenate3A_349, %add3A_351 : vector<128x1xf32>
    %div3A_353 = vector.broadcast %add3A_352 : vector<128x1xf32> to vector<128x96xf32>
    %div3A_354 = arith.divf %concatenate3A_343, %div3A_353 : vector<128x96xf32>
    %dot_general3A_355 = arith.constant dense<0.000000e+00> : vector<64x128xf32>
    %dot_general3A_356 = tpu.matmul %slice3A_341, %div3A_354, %dot_general3A_355 {dimension_numbers = #tpu.dot_dimension_numbers<[1], [1], [0], [0], [0, 0, 1, 0], [], []>, transpose_lhs_hint = false} : vector<64x96xf32>, vector<128x96xf32>, vector<64x128xf32> -> vector<64x128xf32>
    %mul3A_357 = arith.constant 0.102062076 : f32
    %mul3A_358 = vector.broadcast %mul3A_357 : f32 to vector<64x128xf32>
    %mul3A_359 = arith.mulf %dot_general3A_356, %mul3A_358 : vector<64x128xf32>
    %jit3A_360 = arith.constant -1.000000e+05 : f32
    %broadcast_in_dim3A_361 = vector.broadcast %jit3A_360 : f32 to vector<64x128xf32>
    %select_n3A_362 = arith.select %eq3A, %broadcast_in_dim3A_361, %mul3A_359 : vector<64x128xi1>, vector<64x128xf32>
    %reduce_max3A_363 = arith.constant dense<0xFF800000> : vector<64xf32>
    %reduce_max3A_364 = vector.multi_reduction <maximumf>, %select_n3A_362, %reduce_max3A_363 [1] : vector<64x128xf32> to vector<64xf32>
    %broadcast_in_dim3A_365 = vector.shape_cast %reduce_max3A_364 : vector<64xf32> to vector<64x1xf32>
    %sub3A_366 = vector.broadcast %broadcast_in_dim3A_365 : vector<64x1xf32> to vector<64x128xf32>
    %sub3A_367 = arith.subf %select_n3A_362, %sub3A_366 : vector<64x128xf32>
    %exp3A_368 = math.exp %sub3A_367 : vector<64x128xf32>
    %reduce_sum3A_369 = arith.constant dense<0.000000e+00> : vector<64xf32>
    %reduce_sum3A_370 = vector.multi_reduction <add>, %exp3A_368, %reduce_sum3A_369 [1] : vector<64x128xf32> to vector<64xf32>
    %broadcast_in_dim3A_371 = vector.shape_cast %reduce_sum3A_370 : vector<64xf32> to vector<64x1xf32>
    %log3A_372 = math.log %broadcast_in_dim3A_371 : vector<64x1xf32>
    %add3A_373 = arith.addf %broadcast_in_dim3A_365, %log3A_372 : vector<64x1xf32>
    %sub3A_374 = vector.broadcast %add3A_373 : vector<64x1xf32> to vector<64x128xf32>
    %sub3A_375 = arith.subf %select_n3A_362, %sub3A_374 : vector<64x128xf32>
    %exp3A_376 = math.exp %sub3A_375 : vector<64x128xf32>
    %dot_general3A_377 = arith.constant dense<0.000000e+00> : vector<64x96xf32>
    %dot_general3A_378 = tpu.matmul %exp3A_376, %concatenate3A_346, %dot_general3A_377 {dimension_numbers = #tpu.dot_dimension_numbers<[1], [0], [0], [1], [0, 0, 1, 1], [], []>, transpose_lhs_hint = false} : vector<64x128xf32>, vector<128x96xf32>, vector<64x96xf32> -> vector<64x96xf32>
    %swap3A_379 = arith.constant 0 : index
    %swap3A_380 = arith.constant 384 : index
    %swap3A_381 = arith.constant 0 : index
    %swap3A_382 = vector.load %arg2[%swap3A_379, %swap3A_380, %swap3A_381] : memref<1x2048x112xf32, #tpu.memory_space<vmem>>, vector<1x64x96xf32>
    %swap3A_383 = vector.shape_cast %swap3A_382 : vector<1x64x96xf32> to vector<64x96xf32>
    %swap3A_384 = vector.shape_cast %dot_general3A_378 : vector<64x96xf32> to vector<1x64x96xf32>
    tpu.vector_store %arg2[%swap3A_379, %swap3A_380, %swap3A_381], %swap3A_384 {strides = array<i32>} : memref<1x2048x112xf32, #tpu.memory_space<vmem>>, vector<1x64x96xf32>,
    %swap3A_385 = arith.constant 0 : index
    %swap3A_386 = arith.constant 384 : index
    %swap3A_387 = arith.constant 96 : index
    %swap3A_388 = vector.load %arg2[%swap3A_385, %swap3A_386, %swap3A_387] : memref<1x2048x112xf32, #tpu.memory_space<vmem>>, vector<1x64x1xf32>
    %swap3A_389 = vector.shape_cast %swap3A_388 : vector<1x64x1xf32> to vector<64x1xf32>
    %swap3A_390 = vector.shape_cast %add3A_373 : vector<64x1xf32> to vector<1x64x1xf32>
    tpu.vector_store %arg2[%swap3A_385, %swap3A_386, %swap3A_387], %swap3A_390 {strides = array<i32>} : memref<1x2048x112xf32, #tpu.memory_space<vmem>>, vector<1x64x1xf32>,
    %broadcast_in_dim3A_391 = arith.constant 0.000000e+00 : f32
    %broadcast_in_dim3A_392 = vector.broadcast %broadcast_in_dim3A_391 : f32 to vector<64x15xf32>
    %swap3A_393 = arith.constant 0 : index
    %swap3A_394 = arith.constant 384 : index
    %swap3A_395 = arith.constant 97 : index
    %swap3A_396 = vector.load %arg2[%swap3A_393, %swap3A_394, %swap3A_395] : memref<1x2048x112xf32, #tpu.memory_space<vmem>>, vector<1x64x15xf32>
    %swap3A_397 = vector.shape_cast %swap3A_396 : vector<1x64x15xf32> to vector<64x15xf32>
    %swap3A_398 = vector.shape_cast %broadcast_in_dim3A_392 : vector<64x15xf32> to vector<1x64x15xf32>
    tpu.vector_store %arg2[%swap3A_393, %swap3A_394, %swap3A_395], %swap3A_398 {strides = array<i32>} : memref<1x2048x112xf32, #tpu.memory_space<vmem>>, vector<1x64x15xf32>,
    %slice3A_399 = vector.extract_strided_slice %get3A_3 {offsets = [448, 0], sizes = [64, 96], strides = [1, 1]} : vector<2048x208xf32> to vector<64x96xf32>
    %slice3A_400 = vector.extract_strided_slice %get3A_3 {offsets = [384, 0], sizes = [64, 96], strides = [1, 1]} : vector<2048x208xf32> to vector<64x96xf32>
    %concatenate3A_401 = tpu.concatenate %slice3A_400, %slice3A_399 in 0 : vector<64x96xf32>, vector<64x96xf32> -> vector<128x96xf32>
    %slice3A_402 = vector.extract_strided_slice %get3A_3 {offsets = [384, 96], sizes = [64, 96], strides = [1, 1]} : vector<2048x208xf32> to vector<64x96xf32>
    %slice3A_403 = vector.extract_strided_slice %get3A_3 {offsets = [448, 96], sizes = [64, 96], strides = [1, 1]} : vector<2048x208xf32> to vector<64x96xf32>
    %concatenate3A_404 = tpu.concatenate %slice3A_402, %slice3A_403 in 0 : vector<64x96xf32>, vector<64x96xf32> -> vector<128x96xf32>
    %slice3A_405 = vector.extract_strided_slice %get3A_3 {offsets = [384, 192], sizes = [64, 1], strides = [1, 1]} : vector<2048x208xf32> to vector<64x1xf32>
    %slice3A_406 = vector.extract_strided_slice %get3A_3 {offsets = [448, 192], sizes = [64, 1], strides = [1, 1]} : vector<2048x208xf32> to vector<64x1xf32>
    %concatenate3A_407 = tpu.concatenate %slice3A_405, %slice3A_406 in 0 : vector<64x1xf32>, vector<64x1xf32> -> vector<128x1xf32>
    %add3A_408 = arith.constant 9.99999971E-10 : f32
    %add3A_409 = vector.broadcast %add3A_408 : f32 to vector<128x1xf32>
    %add3A_410 = arith.addf %concatenate3A_407, %add3A_409 : vector<128x1xf32>
    %div3A_411 = vector.broadcast %add3A_410 : vector<128x1xf32> to vector<128x96xf32>
    %div3A_412 = arith.divf %concatenate3A_401, %div3A_411 : vector<128x96xf32>
    %dot_general3A_413 = arith.constant dense<0.000000e+00> : vector<64x128xf32>
    %dot_general3A_414 = tpu.matmul %slice3A_399, %div3A_412, %dot_general3A_413 {dimension_numbers = #tpu.dot_dimension_numbers<[1], [1], [0], [0], [0, 0, 1, 0], [], []>, transpose_lhs_hint = false} : vector<64x96xf32>, vector<128x96xf32>, vector<64x128xf32> -> vector<64x128xf32>
    %mul3A_415 = arith.constant 0.102062076 : f32
    %mul3A_416 = vector.broadcast %mul3A_415 : f32 to vector<64x128xf32>
    %mul3A_417 = arith.mulf %dot_general3A_414, %mul3A_416 : vector<64x128xf32>
    %jit3A_418 = arith.constant -1.000000e+05 : f32
    %broadcast_in_dim3A_419 = vector.broadcast %jit3A_418 : f32 to vector<64x128xf32>
    %select_n3A_420 = arith.select %eq3A, %broadcast_in_dim3A_419, %mul3A_417 : vector<64x128xi1>, vector<64x128xf32>
    %reduce_max3A_421 = arith.constant dense<0xFF800000> : vector<64xf32>
    %reduce_max3A_422 = vector.multi_reduction <maximumf>, %select_n3A_420, %reduce_max3A_421 [1] : vector<64x128xf32> to vector<64xf32>
    %broadcast_in_dim3A_423 = vector.shape_cast %reduce_max3A_422 : vector<64xf32> to vector<64x1xf32>
    %sub3A_424 = vector.broadcast %broadcast_in_dim3A_423 : vector<64x1xf32> to vector<64x128xf32>
    %sub3A_425 = arith.subf %select_n3A_420, %sub3A_424 : vector<64x128xf32>
    %exp3A_426 = math.exp %sub3A_425 : vector<64x128xf32>
    %reduce_sum3A_427 = arith.constant dense<0.000000e+00> : vector<64xf32>
    %reduce_sum3A_428 = vector.multi_reduction <add>, %exp3A_426, %reduce_sum3A_427 [1] : vector<64x128xf32> to vector<64xf32>
    %broadcast_in_dim3A_429 = vector.shape_cast %reduce_sum3A_428 : vector<64xf32> to vector<64x1xf32>
    %log3A_430 = math.log %broadcast_in_dim3A_429 : vector<64x1xf32>
    %add3A_431 = arith.addf %broadcast_in_dim3A_423, %log3A_430 : vector<64x1xf32>
    %sub3A_432 = vector.broadcast %add3A_431 : vector<64x1xf32> to vector<64x128xf32>
    %sub3A_433 = arith.subf %select_n3A_420, %sub3A_432 : vector<64x128xf32>
    %exp3A_434 = math.exp %sub3A_433 : vector<64x128xf32>
    %dot_general3A_435 = arith.constant dense<0.000000e+00> : vector<64x96xf32>
    %dot_general3A_436 = tpu.matmul %exp3A_434, %concatenate3A_404, %dot_general3A_435 {dimension_numbers = #tpu.dot_dimension_numbers<[1], [0], [0], [1], [0, 0, 1, 1], [], []>, transpose_lhs_hint = false} : vector<64x128xf32>, vector<128x96xf32>, vector<64x96xf32> -> vector<64x96xf32>
    %swap3A_437 = arith.constant 0 : index
    %swap3A_438 = arith.constant 448 : index
    %swap3A_439 = arith.constant 0 : index
    %swap3A_440 = vector.load %arg2[%swap3A_437, %swap3A_438, %swap3A_439] : memref<1x2048x112xf32, #tpu.memory_space<vmem>>, vector<1x64x96xf32>
    %swap3A_441 = vector.shape_cast %swap3A_440 : vector<1x64x96xf32> to vector<64x96xf32>
    %swap3A_442 = vector.shape_cast %dot_general3A_436 : vector<64x96xf32> to vector<1x64x96xf32>
    tpu.vector_store %arg2[%swap3A_437, %swap3A_438, %swap3A_439], %swap3A_442 {strides = array<i32>} : memref<1x2048x112xf32, #tpu.memory_space<vmem>>, vector<1x64x96xf32>,
    %swap3A_443 = arith.constant 0 : index
    %swap3A_444 = arith.constant 448 : index
    %swap3A_445 = arith.constant 96 : index
    %swap3A_446 = vector.load %arg2[%swap3A_443, %swap3A_444, %swap3A_445] : memref<1x2048x112xf32, #tpu.memory_space<vmem>>, vector<1x64x1xf32>
    %swap3A_447 = vector.shape_cast %swap3A_446 : vector<1x64x1xf32> to vector<64x1xf32>
    %swap3A_448 = vector.shape_cast %add3A_431 : vector<64x1xf32> to vector<1x64x1xf32>
    tpu.vector_store %arg2[%swap3A_443, %swap3A_444, %swap3A_445], %swap3A_448 {strides = array<i32>} : memref<1x2048x112xf32, #tpu.memory_space<vmem>>, vector<1x64x1xf32>,
    %broadcast_in_dim3A_449 = arith.constant 0.000000e+00 : f32
    %broadcast_in_dim3A_450 = vector.broadcast %broadcast_in_dim3A_449 : f32 to vector<64x15xf32>
    %swap3A_451 = arith.constant 0 : index
    %swap3A_452 = arith.constant 448 : index
    %swap3A_453 = arith.constant 97 : index
    %swap3A_454 = vector.load %arg2[%swap3A_451, %swap3A_452, %swap3A_453] : memref<1x2048x112xf32, #tpu.memory_space<vmem>>, vector<1x64x15xf32>
    %swap3A_455 = vector.shape_cast %swap3A_454 : vector<1x64x15xf32> to vector<64x15xf32>
    %swap3A_456 = vector.shape_cast %broadcast_in_dim3A_450 : vector<64x15xf32> to vector<1x64x15xf32>
    tpu.vector_store %arg2[%swap3A_451, %swap3A_452, %swap3A_453], %swap3A_456 {strides = array<i32>} : memref<1x2048x112xf32, #tpu.memory_space<vmem>>, vector<1x64x15xf32>,
    %slice3A_457 = vector.extract_strided_slice %get3A_3 {offsets = [512, 0], sizes = [64, 96], strides = [1, 1]} : vector<2048x208xf32> to vector<64x96xf32>
    %slice3A_458 = vector.extract_strided_slice %get3A_3 {offsets = [448, 0], sizes = [64, 96], strides = [1, 1]} : vector<2048x208xf32> to vector<64x96xf32>
    %concatenate3A_459 = tpu.concatenate %slice3A_458, %slice3A_457 in 0 : vector<64x96xf32>, vector<64x96xf32> -> vector<128x96xf32>
    %slice3A_460 = vector.extract_strided_slice %get3A_3 {offsets = [448, 96], sizes = [64, 96], strides = [1, 1]} : vector<2048x208xf32> to vector<64x96xf32>
    %slice3A_461 = vector.extract_strided_slice %get3A_3 {offsets = [512, 96], sizes = [64, 96], strides = [1, 1]} : vector<2048x208xf32> to vector<64x96xf32>
    %concatenate3A_462 = tpu.concatenate %slice3A_460, %slice3A_461 in 0 : vector<64x96xf32>, vector<64x96xf32> -> vector<128x96xf32>
    %slice3A_463 = vector.extract_strided_slice %get3A_3 {offsets = [448, 192], sizes = [64, 1], strides = [1, 1]} : vector<2048x208xf32> to vector<64x1xf32>
    %slice3A_464 = vector.extract_strided_slice %get3A_3 {offsets = [512, 192], sizes = [64, 1], strides = [1, 1]} : vector<2048x208xf32> to vector<64x1xf32>
    %concatenate3A_465 = tpu.concatenate %slice3A_463, %slice3A_464 in 0 : vector<64x1xf32>, vector<64x1xf32> -> vector<128x1xf32>
    %add3A_466 = arith.constant 9.99999971E-10 : f32
    %add3A_467 = vector.broadcast %add3A_466 : f32 to vector<128x1xf32>
    %add3A_468 = arith.addf %concatenate3A_465, %add3A_467 : vector<128x1xf32>
    %div3A_469 = vector.broadcast %add3A_468 : vector<128x1xf32> to vector<128x96xf32>
    %div3A_470 = arith.divf %concatenate3A_459, %div3A_469 : vector<128x96xf32>
    %dot_general3A_471 = arith.constant dense<0.000000e+00> : vector<64x128xf32>
    %dot_general3A_472 = tpu.matmul %slice3A_457, %div3A_470, %dot_general3A_471 {dimension_numbers = #tpu.dot_dimension_numbers<[1], [1], [0], [0], [0, 0, 1, 0], [], []>, transpose_lhs_hint = false} : vector<64x96xf32>, vector<128x96xf32>, vector<64x128xf32> -> vector<64x128xf32>
    %mul3A_473 = arith.constant 0.102062076 : f32
    %mul3A_474 = vector.broadcast %mul3A_473 : f32 to vector<64x128xf32>
    %mul3A_475 = arith.mulf %dot_general3A_472, %mul3A_474 : vector<64x128xf32>
    %jit3A_476 = arith.constant -1.000000e+05 : f32
    %broadcast_in_dim3A_477 = vector.broadcast %jit3A_476 : f32 to vector<64x128xf32>
    %select_n3A_478 = arith.select %eq3A, %broadcast_in_dim3A_477, %mul3A_475 : vector<64x128xi1>, vector<64x128xf32>
    %reduce_max3A_479 = arith.constant dense<0xFF800000> : vector<64xf32>
    %reduce_max3A_480 = vector.multi_reduction <maximumf>, %select_n3A_478, %reduce_max3A_479 [1] : vector<64x128xf32> to vector<64xf32>
    %broadcast_in_dim3A_481 = vector.shape_cast %reduce_max3A_480 : vector<64xf32> to vector<64x1xf32>
    %sub3A_482 = vector.broadcast %broadcast_in_dim3A_481 : vector<64x1xf32> to vector<64x128xf32>
    %sub3A_483 = arith.subf %select_n3A_478, %sub3A_482 : vector<64x128xf32>
    %exp3A_484 = math.exp %sub3A_483 : vector<64x128xf32>
    %reduce_sum3A_485 = arith.constant dense<0.000000e+00> : vector<64xf32>
    %reduce_sum3A_486 = vector.multi_reduction <add>, %exp3A_484, %reduce_sum3A_485 [1] : vector<64x128xf32> to vector<64xf32>
    %broadcast_in_dim3A_487 = vector.shape_cast %reduce_sum3A_486 : vector<64xf32> to vector<64x1xf32>
    %log3A_488 = math.log %broadcast_in_dim3A_487 : vector<64x1xf32>
    %add3A_489 = arith.addf %broadcast_in_dim3A_481, %log3A_488 : vector<64x1xf32>
    %sub3A_490 = vector.broadcast %add3A_489 : vector<64x1xf32> to vector<64x128xf32>
    %sub3A_491 = arith.subf %select_n3A_478, %sub3A_490 : vector<64x128xf32>
    %exp3A_492 = math.exp %sub3A_491 : vector<64x128xf32>
    %dot_general3A_493 = arith.constant dense<0.000000e+00> : vector<64x96xf32>
    %dot_general3A_494 = tpu.matmul %exp3A_492, %concatenate3A_462, %dot_general3A_493 {dimension_numbers = #tpu.dot_dimension_numbers<[1], [0], [0], [1], [0, 0, 1, 1], [], []>, transpose_lhs_hint = false} : vector<64x128xf32>, vector<128x96xf32>, vector<64x96xf32> -> vector<64x96xf32>
    %swap3A_495 = arith.constant 0 : index
    %swap3A_496 = arith.constant 512 : index
    %swap3A_497 = arith.constant 0 : index
    %swap3A_498 = vector.load %arg2[%swap3A_495, %swap3A_496, %swap3A_497] : memref<1x2048x112xf32, #tpu.memory_space<vmem>>, vector<1x64x96xf32>
    %swap3A_499 = vector.shape_cast %swap3A_498 : vector<1x64x96xf32> to vector<64x96xf32>
    %swap3A_500 = vector.shape_cast %dot_general3A_494 : vector<64x96xf32> to vector<1x64x96xf32>
    tpu.vector_store %arg2[%swap3A_495, %swap3A_496, %swap3A_497], %swap3A_500 {strides = array<i32>} : memref<1x2048x112xf32, #tpu.memory_space<vmem>>, vector<1x64x96xf32>,
    %swap3A_501 = arith.constant 0 : index
    %swap3A_502 = arith.constant 512 : index
    %swap3A_503 = arith.constant 96 : index
    %swap3A_504 = vector.load %arg2[%swap3A_501, %swap3A_502, %swap3A_503] : memref<1x2048x112xf32, #tpu.memory_space<vmem>>, vector<1x64x1xf32>
    %swap3A_505 = vector.shape_cast %swap3A_504 : vector<1x64x1xf32> to vector<64x1xf32>
    %swap3A_506 = vector.shape_cast %add3A_489 : vector<64x1xf32> to vector<1x64x1xf32>
    tpu.vector_store %arg2[%swap3A_501, %swap3A_502, %swap3A_503], %swap3A_506 {strides = array<i32>} : memref<1x2048x112xf32, #tpu.memory_space<vmem>>, vector<1x64x1xf32>,
    %broadcast_in_dim3A_507 = arith.constant 0.000000e+00 : f32
    %broadcast_in_dim3A_508 = vector.broadcast %broadcast_in_dim3A_507 : f32 to vector<64x15xf32>
    %swap3A_509 = arith.constant 0 : index
    %swap3A_510 = arith.constant 512 : index
    %swap3A_511 = arith.constant 97 : index
    %swap3A_512 = vector.load %arg2[%swap3A_509, %swap3A_510, %swap3A_511] : memref<1x2048x112xf32, #tpu.memory_space<vmem>>, vector<1x64x15xf32>
    %swap3A_513 = vector.shape_cast %swap3A_512 : vector<1x64x15xf32> to vector<64x15xf32>
    %swap3A_514 = vector.shape_cast %broadcast_in_dim3A_508 : vector<64x15xf32> to vector<1x64x15xf32>
    tpu.vector_store %arg2[%swap3A_509, %swap3A_510, %swap3A_511], %swap3A_514 {strides = array<i32>} : memref<1x2048x112xf32, #tpu.memory_space<vmem>>, vector<1x64x15xf32>,
    %slice3A_515 = vector.extract_strided_slice %get3A_3 {offsets = [576, 0], sizes = [64, 96], strides = [1, 1]} : vector<2048x208xf32> to vector<64x96xf32>
    %slice3A_516 = vector.extract_strided_slice %get3A_3 {offsets = [512, 0], sizes = [64, 96], strides = [1, 1]} : vector<2048x208xf32> to vector<64x96xf32>
    %concatenate3A_517 = tpu.concatenate %slice3A_516, %slice3A_515 in 0 : vector<64x96xf32>, vector<64x96xf32> -> vector<128x96xf32>
    %slice3A_518 = vector.extract_strided_slice %get3A_3 {offsets = [512, 96], sizes = [64, 96], strides = [1, 1]} : vector<2048x208xf32> to vector<64x96xf32>
    %slice3A_519 = vector.extract_strided_slice %get3A_3 {offsets = [576, 96], sizes = [64, 96], strides = [1, 1]} : vector<2048x208xf32> to vector<64x96xf32>
    %concatenate3A_520 = tpu.concatenate %slice3A_518, %slice3A_519 in 0 : vector<64x96xf32>, vector<64x96xf32> -> vector<128x96xf32>
    %slice3A_521 = vector.extract_strided_slice %get3A_3 {offsets = [512, 192], sizes = [64, 1], strides = [1, 1]} : vector<2048x208xf32> to vector<64x1xf32>
    %slice3A_522 = vector.extract_strided_slice %get3A_3 {offsets = [576, 192], sizes = [64, 1], strides = [1, 1]} : vector<2048x208xf32> to vector<64x1xf32>
    %concatenate3A_523 = tpu.concatenate %slice3A_521, %slice3A_522 in 0 : vector<64x1xf32>, vector<64x1xf32> -> vector<128x1xf32>
    %add3A_524 = arith.constant 9.99999971E-10 : f32
    %add3A_525 = vector.broadcast %add3A_524 : f32 to vector<128x1xf32>
    %add3A_526 = arith.addf %concatenate3A_523, %add3A_525 : vector<128x1xf32>
    %div3A_527 = vector.broadcast %add3A_526 : vector<128x1xf32> to vector<128x96xf32>
    %div3A_528 = arith.divf %concatenate3A_517, %div3A_527 : vector<128x96xf32>
    %dot_general3A_529 = arith.constant dense<0.000000e+00> : vector<64x128xf32>
    %dot_general3A_530 = tpu.matmul %slice3A_515, %div3A_528, %dot_general3A_529 {dimension_numbers = #tpu.dot_dimension_numbers<[1], [1], [0], [0], [0, 0, 1, 0], [], []>, transpose_lhs_hint = false} : vector<64x96xf32>, vector<128x96xf32>, vector<64x128xf32> -> vector<64x128xf32>
    %mul3A_531 = arith.constant 0.102062076 : f32
    %mul3A_532 = vector.broadcast %mul3A_531 : f32 to vector<64x128xf32>
    %mul3A_533 = arith.mulf %dot_general3A_530, %mul3A_532 : vector<64x128xf32>
    %jit3A_534 = arith.constant -1.000000e+05 : f32
    %broadcast_in_dim3A_535 = vector.broadcast %jit3A_534 : f32 to vector<64x128xf32>
    %select_n3A_536 = arith.select %eq3A, %broadcast_in_dim3A_535, %mul3A_533 : vector<64x128xi1>, vector<64x128xf32>
    %reduce_max3A_537 = arith.constant dense<0xFF800000> : vector<64xf32>
    %reduce_max3A_538 = vector.multi_reduction <maximumf>, %select_n3A_536, %reduce_max3A_537 [1] : vector<64x128xf32> to vector<64xf32>
    %broadcast_in_dim3A_539 = vector.shape_cast %reduce_max3A_538 : vector<64xf32> to vector<64x1xf32>
    %sub3A_540 = vector.broadcast %broadcast_in_dim3A_539 : vector<64x1xf32> to vector<64x128xf32>
    %sub3A_541 = arith.subf %select_n3A_536, %sub3A_540 : vector<64x128xf32>
    %exp3A_542 = math.exp %sub3A_541 : vector<64x128xf32>
    %reduce_sum3A_543 = arith.constant dense<0.000000e+00> : vector<64xf32>
    %reduce_sum3A_544 = vector.multi_reduction <add>, %exp3A_542, %reduce_sum3A_543 [1] : vector<64x128xf32> to vector<64xf32>
    %broadcast_in_dim3A_545 = vector.shape_cast %reduce_sum3A_544 : vector<64xf32> to vector<64x1xf32>
    %log3A_546 = math.log %broadcast_in_dim3A_545 : vector<64x1xf32>
    %add3A_547 = arith.addf %broadcast_in_dim3A_539, %log3A_546 : vector<64x1xf32>
    %sub3A_548 = vector.broadcast %add3A_547 : vector<64x1xf32> to vector<64x128xf32>
    %sub3A_549 = arith.subf %select_n3A_536, %sub3A_548 : vector<64x128xf32>
    %exp3A_550 = math.exp %sub3A_549 : vector<64x128xf32>
    %dot_general3A_551 = arith.constant dense<0.000000e+00> : vector<64x96xf32>
    %dot_general3A_552 = tpu.matmul %exp3A_550, %concatenate3A_520, %dot_general3A_551 {dimension_numbers = #tpu.dot_dimension_numbers<[1], [0], [0], [1], [0, 0, 1, 1], [], []>, transpose_lhs_hint = false} : vector<64x128xf32>, vector<128x96xf32>, vector<64x96xf32> -> vector<64x96xf32>
    %swap3A_553 = arith.constant 0 : index
    %swap3A_554 = arith.constant 576 : index
    %swap3A_555 = arith.constant 0 : index
    %swap3A_556 = vector.load %arg2[%swap3A_553, %swap3A_554, %swap3A_555] : memref<1x2048x112xf32, #tpu.memory_space<vmem>>, vector<1x64x96xf32>
    %swap3A_557 = vector.shape_cast %swap3A_556 : vector<1x64x96xf32> to vector<64x96xf32>
    %swap3A_558 = vector.shape_cast %dot_general3A_552 : vector<64x96xf32> to vector<1x64x96xf32>
    tpu.vector_store %arg2[%swap3A_553, %swap3A_554, %swap3A_555], %swap3A_558 {strides = array<i32>} : memref<1x2048x112xf32, #tpu.memory_space<vmem>>, vector<1x64x96xf32>,
    %swap3A_559 = arith.constant 0 : index
    %swap3A_560 = arith.constant 576 : index
    %swap3A_561 = arith.constant 96 : index
    %swap3A_562 = vector.load %arg2[%swap3A_559, %swap3A_560, %swap3A_561] : memref<1x2048x112xf32, #tpu.memory_space<vmem>>, vector<1x64x1xf32>
    %swap3A_563 = vector.shape_cast %swap3A_562 : vector<1x64x1xf32> to vector<64x1xf32>
    %swap3A_564 = vector.shape_cast %add3A_547 : vector<64x1xf32> to vector<1x64x1xf32>
    tpu.vector_store %arg2[%swap3A_559, %swap3A_560, %swap3A_561], %swap3A_564 {strides = array<i32>} : memref<1x2048x112xf32, #tpu.memory_space<vmem>>, vector<1x64x1xf32>,
    %broadcast_in_dim3A_565 = arith.constant 0.000000e+00 : f32
    %broadcast_in_dim3A_566 = vector.broadcast %broadcast_in_dim3A_565 : f32 to vector<64x15xf32>
    %swap3A_567 = arith.constant 0 : index
    %swap3A_568 = arith.constant 576 : index
    %swap3A_569 = arith.constant 97 : index
    %swap3A_570 = vector.load %arg2[%swap3A_567, %swap3A_568, %swap3A_569] : memref<1x2048x112xf32, #tpu.memory_space<vmem>>, vector<1x64x15xf32>
    %swap3A_571 = vector.shape_cast %swap3A_570 : vector<1x64x15xf32> to vector<64x15xf32>
    %swap3A_572 = vector.shape_cast %broadcast_in_dim3A_566 : vector<64x15xf32> to vector<1x64x15xf32>
    tpu.vector_store %arg2[%swap3A_567, %swap3A_568, %swap3A_569], %swap3A_572 {strides = array<i32>} : memref<1x2048x112xf32, #tpu.memory_space<vmem>>, vector<1x64x15xf32>,
    %slice3A_573 = vector.extract_strided_slice %get3A_3 {offsets = [640, 0], sizes = [64, 96], strides = [1, 1]} : vector<2048x208xf32> to vector<64x96xf32>
    %slice3A_574 = vector.extract_strided_slice %get3A_3 {offsets = [576, 0], sizes = [64, 96], strides = [1, 1]} : vector<2048x208xf32> to vector<64x96xf32>
    %concatenate3A_575 = tpu.concatenate %slice3A_574, %slice3A_573 in 0 : vector<64x96xf32>, vector<64x96xf32> -> vector<128x96xf32>
    %slice3A_576 = vector.extract_strided_slice %get3A_3 {offsets = [576, 96], sizes = [64, 96], strides = [1, 1]} : vector<2048x208xf32> to vector<64x96xf32>
    %slice3A_577 = vector.extract_strided_slice %get3A_3 {offsets = [640, 96], sizes = [64, 96], strides = [1, 1]} : vector<2048x208xf32> to vector<64x96xf32>
    %concatenate3A_578 = tpu.concatenate %slice3A_576, %slice3A_577 in 0 : vector<64x96xf32>, vector<64x96xf32> -> vector<128x96xf32>
    %slice3A_579 = vector.extract_strided_slice %get3A_3 {offsets = [576, 192], sizes = [64, 1], strides = [1, 1]} : vector<2048x208xf32> to vector<64x1xf32>
    %slice3A_580 = vector.extract_strided_slice %get3A_3 {offsets = [640, 192], sizes = [64, 1], strides = [1, 1]} : vector<2048x208xf32> to vector<64x1xf32>
    %concatenate3A_581 = tpu.concatenate %slice3A_579, %slice3A_580 in 0 : vector<64x1xf32>, vector<64x1xf32> -> vector<128x1xf32>
    %add3A_582 = arith.constant 9.99999971E-10 : f32
    %add3A_583 = vector.broadcast %add3A_582 : f32 to vector<128x1xf32>
    %add3A_584 = arith.addf %concatenate3A_581, %add3A_583 : vector<128x1xf32>
    %div3A_585 = vector.broadcast %add3A_584 : vector<128x1xf32> to vector<128x96xf32>
    %div3A_586 = arith.divf %concatenate3A_575, %div3A_585 : vector<128x96xf32>
    %dot_general3A_587 = arith.constant dense<0.000000e+00> : vector<64x128xf32>
    %dot_general3A_588 = tpu.matmul %slice3A_573, %div3A_586, %dot_general3A_587 {dimension_numbers = #tpu.dot_dimension_numbers<[1], [1], [0], [0], [0, 0, 1, 0], [], []>, transpose_lhs_hint = false} : vector<64x96xf32>, vector<128x96xf32>, vector<64x128xf32> -> vector<64x128xf32>
    %mul3A_589 = arith.constant 0.102062076 : f32
    %mul3A_590 = vector.broadcast %mul3A_589 : f32 to vector<64x128xf32>
    %mul3A_591 = arith.mulf %dot_general3A_588, %mul3A_590 : vector<64x128xf32>
    %jit3A_592 = arith.constant -1.000000e+05 : f32
    %broadcast_in_dim3A_593 = vector.broadcast %jit3A_592 : f32 to vector<64x128xf32>
    %select_n3A_594 = arith.select %eq3A, %broadcast_in_dim3A_593, %mul3A_591 : vector<64x128xi1>, vector<64x128xf32>
    %reduce_max3A_595 = arith.constant dense<0xFF800000> : vector<64xf32>
    %reduce_max3A_596 = vector.multi_reduction <maximumf>, %select_n3A_594, %reduce_max3A_595 [1] : vector<64x128xf32> to vector<64xf32>
    %broadcast_in_dim3A_597 = vector.shape_cast %reduce_max3A_596 : vector<64xf32> to vector<64x1xf32>
    %sub3A_598 = vector.broadcast %broadcast_in_dim3A_597 : vector<64x1xf32> to vector<64x128xf32>
    %sub3A_599 = arith.subf %select_n3A_594, %sub3A_598 : vector<64x128xf32>
    %exp3A_600 = math.exp %sub3A_599 : vector<64x128xf32>
    %reduce_sum3A_601 = arith.constant dense<0.000000e+00> : vector<64xf32>
    %reduce_sum3A_602 = vector.multi_reduction <add>, %exp3A_600, %reduce_sum3A_601 [1] : vector<64x128xf32> to vector<64xf32>
    %broadcast_in_dim3A_603 = vector.shape_cast %reduce_sum3A_602 : vector<64xf32> to vector<64x1xf32>
    %log3A_604 = math.log %broadcast_in_dim3A_603 : vector<64x1xf32>
    %add3A_605 = arith.addf %broadcast_in_dim3A_597, %log3A_604 : vector<64x1xf32>
    %sub3A_606 = vector.broadcast %add3A_605 : vector<64x1xf32> to vector<64x128xf32>
    %sub3A_607 = arith.subf %select_n3A_594, %sub3A_606 : vector<64x128xf32>
    %exp3A_608 = math.exp %sub3A_607 : vector<64x128xf32>
    %dot_general3A_609 = arith.constant dense<0.000000e+00> : vector<64x96xf32>
    %dot_general3A_610 = tpu.matmul %exp3A_608, %concatenate3A_578, %dot_general3A_609 {dimension_numbers = #tpu.dot_dimension_numbers<[1], [0], [0], [1], [0, 0, 1, 1], [], []>, transpose_lhs_hint = false} : vector<64x128xf32>, vector<128x96xf32>, vector<64x96xf32> -> vector<64x96xf32>
    %swap3A_611 = arith.constant 0 : index
    %swap3A_612 = arith.constant 640 : index
    %swap3A_613 = arith.constant 0 : index
    %swap3A_614 = vector.load %arg2[%swap3A_611, %swap3A_612, %swap3A_613] : memref<1x2048x112xf32, #tpu.memory_space<vmem>>, vector<1x64x96xf32>
    %swap3A_615 = vector.shape_cast %swap3A_614 : vector<1x64x96xf32> to vector<64x96xf32>
    %swap3A_616 = vector.shape_cast %dot_general3A_610 : vector<64x96xf32> to vector<1x64x96xf32>
    tpu.vector_store %arg2[%swap3A_611, %swap3A_612, %swap3A_613], %swap3A_616 {strides = array<i32>} : memref<1x2048x112xf32, #tpu.memory_space<vmem>>, vector<1x64x96xf32>,
    %swap3A_617 = arith.constant 0 : index
    %swap3A_618 = arith.constant 640 : index
    %swap3A_619 = arith.constant 96 : index
    %swap3A_620 = vector.load %arg2[%swap3A_617, %swap3A_618, %swap3A_619] : memref<1x2048x112xf32, #tpu.memory_space<vmem>>, vector<1x64x1xf32>
    %swap3A_621 = vector.shape_cast %swap3A_620 : vector<1x64x1xf32> to vector<64x1xf32>
    %swap3A_622 = vector.shape_cast %add3A_605 : vector<64x1xf32> to vector<1x64x1xf32>
    tpu.vector_store %arg2[%swap3A_617, %swap3A_618, %swap3A_619], %swap3A_622 {strides = array<i32>} : memref<1x2048x112xf32, #tpu.memory_space<vmem>>, vector<1x64x1xf32>,
    %broadcast_in_dim3A_623 = arith.constant 0.000000e+00 : f32
    %broadcast_in_dim3A_624 = vector.broadcast %broadcast_in_dim3A_623 : f32 to vector<64x15xf32>
    %swap3A_625 = arith.constant 0 : index
    %swap3A_626 = arith.constant 640 : index
    %swap3A_627 = arith.constant 97 : index
    %swap3A_628 = vector.load %arg2[%swap3A_625, %swap3A_626, %swap3A_627] : memref<1x2048x112xf32, #tpu.memory_space<vmem>>, vector<1x64x15xf32>
    %swap3A_629 = vector.shape_cast %swap3A_628 : vector<1x64x15xf32> to vector<64x15xf32>
    %swap3A_630 = vector.shape_cast %broadcast_in_dim3A_624 : vector<64x15xf32> to vector<1x64x15xf32>
    tpu.vector_store %arg2[%swap3A_625, %swap3A_626, %swap3A_627], %swap3A_630 {strides = array<i32>} : memref<1x2048x112xf32, #tpu.memory_space<vmem>>, vector<1x64x15xf32>,
    %slice3A_631 = vector.extract_strided_slice %get3A_3 {offsets = [704, 0], sizes = [64, 96], strides = [1, 1]} : vector<2048x208xf32> to vector<64x96xf32>
    %slice3A_632 = vector.extract_strided_slice %get3A_3 {offsets = [640, 0], sizes = [64, 96], strides = [1, 1]} : vector<2048x208xf32> to vector<64x96xf32>
    %concatenate3A_633 = tpu.concatenate %slice3A_632, %slice3A_631 in 0 : vector<64x96xf32>, vector<64x96xf32> -> vector<128x96xf32>
    %slice3A_634 = vector.extract_strided_slice %get3A_3 {offsets = [640, 96], sizes = [64, 96], strides = [1, 1]} : vector<2048x208xf32> to vector<64x96xf32>
    %slice3A_635 = vector.extract_strided_slice %get3A_3 {offsets = [704, 96], sizes = [64, 96], strides = [1, 1]} : vector<2048x208xf32> to vector<64x96xf32>
    %concatenate3A_636 = tpu.concatenate %slice3A_634, %slice3A_635 in 0 : vector<64x96xf32>, vector<64x96xf32> -> vector<128x96xf32>
    %slice3A_637 = vector.extract_strided_slice %get3A_3 {offsets = [640, 192], sizes = [64, 1], strides = [1, 1]} : vector<2048x208xf32> to vector<64x1xf32>
    %slice3A_638 = vector.extract_strided_slice %get3A_3 {offsets = [704, 192], sizes = [64, 1], strides = [1, 1]} : vector<2048x208xf32> to vector<64x1xf32>
    %concatenate3A_639 = tpu.concatenate %slice3A_637, %slice3A_638 in 0 : vector<64x1xf32>, vector<64x1xf32> -> vector<128x1xf32>
    %add3A_640 = arith.constant 9.99999971E-10 : f32
    %add3A_641 = vector.broadcast %add3A_640 : f32 to vector<128x1xf32>
    %add3A_642 = arith.addf %concatenate3A_639, %add3A_641 : vector<128x1xf32>
    %div3A_643 = vector.broadcast %add3A_642 : vector<128x1xf32> to vector<128x96xf32>
    %div3A_644 = arith.divf %concatenate3A_633, %div3A_643 : vector<128x96xf32>
    %dot_general3A_645 = arith.constant dense<0.000000e+00> : vector<64x128xf32>
    %dot_general3A_646 = tpu.matmul %slice3A_631, %div3A_644, %dot_general3A_645 {dimension_numbers = #tpu.dot_dimension_numbers<[1], [1], [0], [0], [0, 0, 1, 0], [], []>, transpose_lhs_hint = false} : vector<64x96xf32>, vector<128x96xf32>, vector<64x128xf32> -> vector<64x128xf32>
    %mul3A_647 = arith.constant 0.102062076 : f32
    %mul3A_648 = vector.broadcast %mul3A_647 : f32 to vector<64x128xf32>
    %mul3A_649 = arith.mulf %dot_general3A_646, %mul3A_648 : vector<64x128xf32>
    %jit3A_650 = arith.constant -1.000000e+05 : f32
    %broadcast_in_dim3A_651 = vector.broadcast %jit3A_650 : f32 to vector<64x128xf32>
    %select_n3A_652 = arith.select %eq3A, %broadcast_in_dim3A_651, %mul3A_649 : vector<64x128xi1>, vector<64x128xf32>
    %reduce_max3A_653 = arith.constant dense<0xFF800000> : vector<64xf32>
    %reduce_max3A_654 = vector.multi_reduction <maximumf>, %select_n3A_652, %reduce_max3A_653 [1] : vector<64x128xf32> to vector<64xf32>
    %broadcast_in_dim3A_655 = vector.shape_cast %reduce_max3A_654 : vector<64xf32> to vector<64x1xf32>
    %sub3A_656 = vector.broadcast %broadcast_in_dim3A_655 : vector<64x1xf32> to vector<64x128xf32>
    %sub3A_657 = arith.subf %select_n3A_652, %sub3A_656 : vector<64x128xf32>
    %exp3A_658 = math.exp %sub3A_657 : vector<64x128xf32>
    %reduce_sum3A_659 = arith.constant dense<0.000000e+00> : vector<64xf32>
    %reduce_sum3A_660 = vector.multi_reduction <add>, %exp3A_658, %reduce_sum3A_659 [1] : vector<64x128xf32> to vector<64xf32>
    %broadcast_in_dim3A_661 = vector.shape_cast %reduce_sum3A_660 : vector<64xf32> to vector<64x1xf32>
    %log3A_662 = math.log %broadcast_in_dim3A_661 : vector<64x1xf32>
    %add3A_663 = arith.addf %broadcast_in_dim3A_655, %log3A_662 : vector<64x1xf32>
    %sub3A_664 = vector.broadcast %add3A_663 : vector<64x1xf32> to vector<64x128xf32>
    %sub3A_665 = arith.subf %select_n3A_652, %sub3A_664 : vector<64x128xf32>
    %exp3A_666 = math.exp %sub3A_665 : vector<64x128xf32>
    %dot_general3A_667 = arith.constant dense<0.000000e+00> : vector<64x96xf32>
    %dot_general3A_668 = tpu.matmul %exp3A_666, %concatenate3A_636, %dot_general3A_667 {dimension_numbers = #tpu.dot_dimension_numbers<[1], [0], [0], [1], [0, 0, 1, 1], [], []>, transpose_lhs_hint = false} : vector<64x128xf32>, vector<128x96xf32>, vector<64x96xf32> -> vector<64x96xf32>
    %swap3A_669 = arith.constant 0 : index
    %swap3A_670 = arith.constant 704 : index
    %swap3A_671 = arith.constant 0 : index
    %swap3A_672 = vector.load %arg2[%swap3A_669, %swap3A_670, %swap3A_671] : memref<1x2048x112xf32, #tpu.memory_space<vmem>>, vector<1x64x96xf32>
    %swap3A_673 = vector.shape_cast %swap3A_672 : vector<1x64x96xf32> to vector<64x96xf32>
    %swap3A_674 = vector.shape_cast %dot_general3A_668 : vector<64x96xf32> to vector<1x64x96xf32>
    tpu.vector_store %arg2[%swap3A_669, %swap3A_670, %swap3A_671], %swap3A_674 {strides = array<i32>} : memref<1x2048x112xf32, #tpu.memory_space<vmem>>, vector<1x64x96xf32>,
    %swap3A_675 = arith.constant 0 : index
    %swap3A_676 = arith.constant 704 : index
    %swap3A_677 = arith.constant 96 : index
    %swap3A_678 = vector.load %arg2[%swap3A_675, %swap3A_676, %swap3A_677] : memref<1x2048x112xf32, #tpu.memory_space<vmem>>, vector<1x64x1xf32>
    %swap3A_679 = vector.shape_cast %swap3A_678 : vector<1x64x1xf32> to vector<64x1xf32>
    %swap3A_680 = vector.shape_cast %add3A_663 : vector<64x1xf32> to vector<1x64x1xf32>
    tpu.vector_store %arg2[%swap3A_675, %swap3A_676, %swap3A_677], %swap3A_680 {strides = array<i32>} : memref<1x2048x112xf32, #tpu.memory_space<vmem>>, vector<1x64x1xf32>,
    %broadcast_in_dim3A_681 = arith.constant 0.000000e+00 : f32
    %broadcast_in_dim3A_682 = vector.broadcast %broadcast_in_dim3A_681 : f32 to vector<64x15xf32>
    %swap3A_683 = arith.constant 0 : index
    %swap3A_684 = arith.constant 704 : index
    %swap3A_685 = arith.constant 97 : index
    %swap3A_686 = vector.load %arg2[%swap3A_683, %swap3A_684, %swap3A_685] : memref<1x2048x112xf32, #tpu.memory_space<vmem>>, vector<1x64x15xf32>
    %swap3A_687 = vector.shape_cast %swap3A_686 : vector<1x64x15xf32> to vector<64x15xf32>
    %swap3A_688 = vector.shape_cast %broadcast_in_dim3A_682 : vector<64x15xf32> to vector<1x64x15xf32>
    tpu.vector_store %arg2[%swap3A_683, %swap3A_684, %swap3A_685], %swap3A_688 {strides = array<i32>} : memref<1x2048x112xf32, #tpu.memory_space<vmem>>, vector<1x64x15xf32>,
    %slice3A_689 = vector.extract_strided_slice %get3A_3 {offsets = [768, 0], sizes = [64, 96], strides = [1, 1]} : vector<2048x208xf32> to vector<64x96xf32>
    %slice3A_690 = vector.extract_strided_slice %get3A_3 {offsets = [704, 0], sizes = [64, 96], strides = [1, 1]} : vector<2048x208xf32> to vector<64x96xf32>
    %concatenate3A_691 = tpu.concatenate %slice3A_690, %slice3A_689 in 0 : vector<64x96xf32>, vector<64x96xf32> -> vector<128x96xf32>
    %slice3A_692 = vector.extract_strided_slice %get3A_3 {offsets = [704, 96], sizes = [64, 96], strides = [1, 1]} : vector<2048x208xf32> to vector<64x96xf32>
    %slice3A_693 = vector.extract_strided_slice %get3A_3 {offsets = [768, 96], sizes = [64, 96], strides = [1, 1]} : vector<2048x208xf32> to vector<64x96xf32>
    %concatenate3A_694 = tpu.concatenate %slice3A_692, %slice3A_693 in 0 : vector<64x96xf32>, vector<64x96xf32> -> vector<128x96xf32>
    %slice3A_695 = vector.extract_strided_slice %get3A_3 {offsets = [704, 192], sizes = [64, 1], strides = [1, 1]} : vector<2048x208xf32> to vector<64x1xf32>
    %slice3A_696 = vector.extract_strided_slice %get3A_3 {offsets = [768, 192], sizes = [64, 1], strides = [1, 1]} : vector<2048x208xf32> to vector<64x1xf32>
    %concatenate3A_697 = tpu.concatenate %slice3A_695, %slice3A_696 in 0 : vector<64x1xf32>, vector<64x1xf32> -> vector<128x1xf32>
    %add3A_698 = arith.constant 9.99999971E-10 : f32
    %add3A_699 = vector.broadcast %add3A_698 : f32 to vector<128x1xf32>
    %add3A_700 = arith.addf %concatenate3A_697, %add3A_699 : vector<128x1xf32>
    %div3A_701 = vector.broadcast %add3A_700 : vector<128x1xf32> to vector<128x96xf32>
    %div3A_702 = arith.divf %concatenate3A_691, %div3A_701 : vector<128x96xf32>
    %dot_general3A_703 = arith.constant dense<0.000000e+00> : vector<64x128xf32>
    %dot_general3A_704 = tpu.matmul %slice3A_689, %div3A_702, %dot_general3A_703 {dimension_numbers = #tpu.dot_dimension_numbers<[1], [1], [0], [0], [0, 0, 1, 0], [], []>, transpose_lhs_hint = false} : vector<64x96xf32>, vector<128x96xf32>, vector<64x128xf32> -> vector<64x128xf32>
    %mul3A_705 = arith.constant 0.102062076 : f32
    %mul3A_706 = vector.broadcast %mul3A_705 : f32 to vector<64x128xf32>
    %mul3A_707 = arith.mulf %dot_general3A_704, %mul3A_706 : vector<64x128xf32>
    %jit3A_708 = arith.constant -1.000000e+05 : f32
    %broadcast_in_dim3A_709 = vector.broadcast %jit3A_708 : f32 to vector<64x128xf32>
    %select_n3A_710 = arith.select %eq3A, %broadcast_in_dim3A_709, %mul3A_707 : vector<64x128xi1>, vector<64x128xf32>
    %reduce_max3A_711 = arith.constant dense<0xFF800000> : vector<64xf32>
    %reduce_max3A_712 = vector.multi_reduction <maximumf>, %select_n3A_710, %reduce_max3A_711 [1] : vector<64x128xf32> to vector<64xf32>
    %broadcast_in_dim3A_713 = vector.shape_cast %reduce_max3A_712 : vector<64xf32> to vector<64x1xf32>
    %sub3A_714 = vector.broadcast %broadcast_in_dim3A_713 : vector<64x1xf32> to vector<64x128xf32>
    %sub3A_715 = arith.subf %select_n3A_710, %sub3A_714 : vector<64x128xf32>
    %exp3A_716 = math.exp %sub3A_715 : vector<64x128xf32>
    %reduce_sum3A_717 = arith.constant dense<0.000000e+00> : vector<64xf32>
    %reduce_sum3A_718 = vector.multi_reduction <add>, %exp3A_716, %reduce_sum3A_717 [1] : vector<64x128xf32> to vector<64xf32>
    %broadcast_in_dim3A_719 = vector.shape_cast %reduce_sum3A_718 : vector<64xf32> to vector<64x1xf32>
    %log3A_720 = math.log %broadcast_in_dim3A_719 : vector<64x1xf32>
    %add3A_721 = arith.addf %broadcast_in_dim3A_713, %log3A_720 : vector<64x1xf32>
    %sub3A_722 = vector.broadcast %add3A_721 : vector<64x1xf32> to vector<64x128xf32>
    %sub3A_723 = arith.subf %select_n3A_710, %sub3A_722 : vector<64x128xf32>
    %exp3A_724 = math.exp %sub3A_723 : vector<64x128xf32>
    %dot_general3A_725 = arith.constant dense<0.000000e+00> : vector<64x96xf32>
    %dot_general3A_726 = tpu.matmul %exp3A_724, %concatenate3A_694, %dot_general3A_725 {dimension_numbers = #tpu.dot_dimension_numbers<[1], [0], [0], [1], [0, 0, 1, 1], [], []>, transpose_lhs_hint = false} : vector<64x128xf32>, vector<128x96xf32>, vector<64x96xf32> -> vector<64x96xf32>
    %swap3A_727 = arith.constant 0 : index
    %swap3A_728 = arith.constant 768 : index
    %swap3A_729 = arith.constant 0 : index
    %swap3A_730 = vector.load %arg2[%swap3A_727, %swap3A_728, %swap3A_729] : memref<1x2048x112xf32, #tpu.memory_space<vmem>>, vector<1x64x96xf32>
    %swap3A_731 = vector.shape_cast %swap3A_730 : vector<1x64x96xf32> to vector<64x96xf32>
    %swap3A_732 = vector.shape_cast %dot_general3A_726 : vector<64x96xf32> to vector<1x64x96xf32>
    tpu.vector_store %arg2[%swap3A_727, %swap3A_728, %swap3A_729], %swap3A_732 {strides = array<i32>} : memref<1x2048x112xf32, #tpu.memory_space<vmem>>, vector<1x64x96xf32>,
    %swap3A_733 = arith.constant 0 : index
    %swap3A_734 = arith.constant 768 : index
    %swap3A_735 = arith.constant 96 : index
    %swap3A_736 = vector.load %arg2[%swap3A_733, %swap3A_734, %swap3A_735] : memref<1x2048x112xf32, #tpu.memory_space<vmem>>, vector<1x64x1xf32>
    %swap3A_737 = vector.shape_cast %swap3A_736 : vector<1x64x1xf32> to vector<64x1xf32>
    %swap3A_738 = vector.shape_cast %add3A_721 : vector<64x1xf32> to vector<1x64x1xf32>
    tpu.vector_store %arg2[%swap3A_733, %swap3A_734, %swap3A_735], %swap3A_738 {strides = array<i32>} : memref<1x2048x112xf32, #tpu.memory_space<vmem>>, vector<1x64x1xf32>,
    %broadcast_in_dim3A_739 = arith.constant 0.000000e+00 : f32
    %broadcast_in_dim3A_740 = vector.broadcast %broadcast_in_dim3A_739 : f32 to vector<64x15xf32>
    %swap3A_741 = arith.constant 0 : index
    %swap3A_742 = arith.constant 768 : index
    %swap3A_743 = arith.constant 97 : index
    %swap3A_744 = vector.load %arg2[%swap3A_741, %swap3A_742, %swap3A_743] : memref<1x2048x112xf32, #tpu.memory_space<vmem>>, vector<1x64x15xf32>
    %swap3A_745 = vector.shape_cast %swap3A_744 : vector<1x64x15xf32> to vector<64x15xf32>
    %swap3A_746 = vector.shape_cast %broadcast_in_dim3A_740 : vector<64x15xf32> to vector<1x64x15xf32>
    tpu.vector_store %arg2[%swap3A_741, %swap3A_742, %swap3A_743], %swap3A_746 {strides = array<i32>} : memref<1x2048x112xf32, #tpu.memory_space<vmem>>, vector<1x64x15xf32>,
    %slice3A_747 = vector.extract_strided_slice %get3A_3 {offsets = [832, 0], sizes = [64, 96], strides = [1, 1]} : vector<2048x208xf32> to vector<64x96xf32>
    %slice3A_748 = vector.extract_strided_slice %get3A_3 {offsets = [768, 0], sizes = [64, 96], strides = [1, 1]} : vector<2048x208xf32> to vector<64x96xf32>
    %concatenate3A_749 = tpu.concatenate %slice3A_748, %slice3A_747 in 0 : vector<64x96xf32>, vector<64x96xf32> -> vector<128x96xf32>
    %slice3A_750 = vector.extract_strided_slice %get3A_3 {offsets = [768, 96], sizes = [64, 96], strides = [1, 1]} : vector<2048x208xf32> to vector<64x96xf32>
    %slice3A_751 = vector.extract_strided_slice %get3A_3 {offsets = [832, 96], sizes = [64, 96], strides = [1, 1]} : vector<2048x208xf32> to vector<64x96xf32>
    %concatenate3A_752 = tpu.concatenate %slice3A_750, %slice3A_751 in 0 : vector<64x96xf32>, vector<64x96xf32> -> vector<128x96xf32>
    %slice3A_753 = vector.extract_strided_slice %get3A_3 {offsets = [768, 192], sizes = [64, 1], strides = [1, 1]} : vector<2048x208xf32> to vector<64x1xf32>
    %slice3A_754 = vector.extract_strided_slice %get3A_3 {offsets = [832, 192], sizes = [64, 1], strides = [1, 1]} : vector<2048x208xf32> to vector<64x1xf32>
    %concatenate3A_755 = tpu.concatenate %slice3A_753, %slice3A_754 in 0 : vector<64x1xf32>, vector<64x1xf32> -> vector<128x1xf32>
    %add3A_756 = arith.constant 9.99999971E-10 : f32
    %add3A_757 = vector.broadcast %add3A_756 : f32 to vector<128x1xf32>
    %add3A_758 = arith.addf %concatenate3A_755, %add3A_757 : vector<128x1xf32>
    %div3A_759 = vector.broadcast %add3A_758 : vector<128x1xf32> to vector<128x96xf32>
    %div3A_760 = arith.divf %concatenate3A_749, %div3A_759 : vector<128x96xf32>
    %dot_general3A_761 = arith.constant dense<0.000000e+00> : vector<64x128xf32>
    %dot_general3A_762 = tpu.matmul %slice3A_747, %div3A_760, %dot_general3A_761 {dimension_numbers = #tpu.dot_dimension_numbers<[1], [1], [0], [0], [0, 0, 1, 0], [], []>, transpose_lhs_hint = false} : vector<64x96xf32>, vector<128x96xf32>, vector<64x128xf32> -> vector<64x128xf32>
    %mul3A_763 = arith.constant 0.102062076 : f32
    %mul3A_764 = vector.broadcast %mul3A_763 : f32 to vector<64x128xf32>
    %mul3A_765 = arith.mulf %dot_general3A_762, %mul3A_764 : vector<64x128xf32>
    %jit3A_766 = arith.constant -1.000000e+05 : f32
    %broadcast_in_dim3A_767 = vector.broadcast %jit3A_766 : f32 to vector<64x128xf32>
    %select_n3A_768 = arith.select %eq3A, %broadcast_in_dim3A_767, %mul3A_765 : vector<64x128xi1>, vector<64x128xf32>
    %reduce_max3A_769 = arith.constant dense<0xFF800000> : vector<64xf32>
    %reduce_max3A_770 = vector.multi_reduction <maximumf>, %select_n3A_768, %reduce_max3A_769 [1] : vector<64x128xf32> to vector<64xf32>
    %broadcast_in_dim3A_771 = vector.shape_cast %reduce_max3A_770 : vector<64xf32> to vector<64x1xf32>
    %sub3A_772 = vector.broadcast %broadcast_in_dim3A_771 : vector<64x1xf32> to vector<64x128xf32>
    %sub3A_773 = arith.subf %select_n3A_768, %sub3A_772 : vector<64x128xf32>
    %exp3A_774 = math.exp %sub3A_773 : vector<64x128xf32>
    %reduce_sum3A_775 = arith.constant dense<0.000000e+00> : vector<64xf32>
    %reduce_sum3A_776 = vector.multi_reduction <add>, %exp3A_774, %reduce_sum3A_775 [1] : vector<64x128xf32> to vector<64xf32>
    %broadcast_in_dim3A_777 = vector.shape_cast %reduce_sum3A_776 : vector<64xf32> to vector<64x1xf32>
    %log3A_778 = math.log %broadcast_in_dim3A_777 : vector<64x1xf32>
    %add3A_779 = arith.addf %broadcast_in_dim3A_771, %log3A_778 : vector<64x1xf32>
    %sub3A_780 = vector.broadcast %add3A_779 : vector<64x1xf32> to vector<64x128xf32>
    %sub3A_781 = arith.subf %select_n3A_768, %sub3A_780 : vector<64x128xf32>
    %exp3A_782 = math.exp %sub3A_781 : vector<64x128xf32>
    %dot_general3A_783 = arith.constant dense<0.000000e+00> : vector<64x96xf32>
    %dot_general3A_784 = tpu.matmul %exp3A_782, %concatenate3A_752, %dot_general3A_783 {dimension_numbers = #tpu.dot_dimension_numbers<[1], [0], [0], [1], [0, 0, 1, 1], [], []>, transpose_lhs_hint = false} : vector<64x128xf32>, vector<128x96xf32>, vector<64x96xf32> -> vector<64x96xf32>
    %swap3A_785 = arith.constant 0 : index
    %swap3A_786 = arith.constant 832 : index
    %swap3A_787 = arith.constant 0 : index
    %swap3A_788 = vector.load %arg2[%swap3A_785, %swap3A_786, %swap3A_787] : memref<1x2048x112xf32, #tpu.memory_space<vmem>>, vector<1x64x96xf32>
    %swap3A_789 = vector.shape_cast %swap3A_788 : vector<1x64x96xf32> to vector<64x96xf32>
    %swap3A_790 = vector.shape_cast %dot_general3A_784 : vector<64x96xf32> to vector<1x64x96xf32>
    tpu.vector_store %arg2[%swap3A_785, %swap3A_786, %swap3A_787], %swap3A_790 {strides = array<i32>} : memref<1x2048x112xf32, #tpu.memory_space<vmem>>, vector<1x64x96xf32>,
    %swap3A_791 = arith.constant 0 : index
    %swap3A_792 = arith.constant 832 : index
    %swap3A_793 = arith.constant 96 : index
    %swap3A_794 = vector.load %arg2[%swap3A_791, %swap3A_792, %swap3A_793] : memref<1x2048x112xf32, #tpu.memory_space<vmem>>, vector<1x64x1xf32>
    %swap3A_795 = vector.shape_cast %swap3A_794 : vector<1x64x1xf32> to vector<64x1xf32>
    %swap3A_796 = vector.shape_cast %add3A_779 : vector<64x1xf32> to vector<1x64x1xf32>
    tpu.vector_store %arg2[%swap3A_791, %swap3A_792, %swap3A_793], %swap3A_796 {strides = array<i32>} : memref<1x2048x112xf32, #tpu.memory_space<vmem>>, vector<1x64x1xf32>,
    %broadcast_in_dim3A_797 = arith.constant 0.000000e+00 : f32
    %broadcast_in_dim3A_798 = vector.broadcast %broadcast_in_dim3A_797 : f32 to vector<64x15xf32>
    %swap3A_799 = arith.constant 0 : index
    %swap3A_800 = arith.constant 832 : index
    %swap3A_801 = arith.constant 97 : index
    %swap3A_802 = vector.load %arg2[%swap3A_799, %swap3A_800, %swap3A_801] : memref<1x2048x112xf32, #tpu.memory_space<vmem>>, vector<1x64x15xf32>
    %swap3A_803 = vector.shape_cast %swap3A_802 : vector<1x64x15xf32> to vector<64x15xf32>
    %swap3A_804 = vector.shape_cast %broadcast_in_dim3A_798 : vector<64x15xf32> to vector<1x64x15xf32>
    tpu.vector_store %arg2[%swap3A_799, %swap3A_800, %swap3A_801], %swap3A_804 {strides = array<i32>} : memref<1x2048x112xf32, #tpu.memory_space<vmem>>, vector<1x64x15xf32>,
    %slice3A_805 = vector.extract_strided_slice %get3A_3 {offsets = [896, 0], sizes = [64, 96], strides = [1, 1]} : vector<2048x208xf32> to vector<64x96xf32>
    %slice3A_806 = vector.extract_strided_slice %get3A_3 {offsets = [832, 0], sizes = [64, 96], strides = [1, 1]} : vector<2048x208xf32> to vector<64x96xf32>
    %concatenate3A_807 = tpu.concatenate %slice3A_806, %slice3A_805 in 0 : vector<64x96xf32>, vector<64x96xf32> -> vector<128x96xf32>
    %slice3A_808 = vector.extract_strided_slice %get3A_3 {offsets = [832, 96], sizes = [64, 96], strides = [1, 1]} : vector<2048x208xf32> to vector<64x96xf32>
    %slice3A_809 = vector.extract_strided_slice %get3A_3 {offsets = [896, 96], sizes = [64, 96], strides = [1, 1]} : vector<2048x208xf32> to vector<64x96xf32>
    %concatenate3A_810 = tpu.concatenate %slice3A_808, %slice3A_809 in 0 : vector<64x96xf32>, vector<64x96xf32> -> vector<128x96xf32>
    %slice3A_811 = vector.extract_strided_slice %get3A_3 {offsets = [832, 192], sizes = [64, 1], strides = [1, 1]} : vector<2048x208xf32> to vector<64x1xf32>
    %slice3A_812 = vector.extract_strided_slice %get3A_3 {offsets = [896, 192], sizes = [64, 1], strides = [1, 1]} : vector<2048x208xf32> to vector<64x1xf32>
    %concatenate3A_813 = tpu.concatenate %slice3A_811, %slice3A_812 in 0 : vector<64x1xf32>, vector<64x1xf32> -> vector<128x1xf32>
    %add3A_814 = arith.constant 9.99999971E-10 : f32
    %add3A_815 = vector.broadcast %add3A_814 : f32 to vector<128x1xf32>
    %add3A_816 = arith.addf %concatenate3A_813, %add3A_815 : vector<128x1xf32>
    %div3A_817 = vector.broadcast %add3A_816 : vector<128x1xf32> to vector<128x96xf32>
    %div3A_818 = arith.divf %concatenate3A_807, %div3A_817 : vector<128x96xf32>
    %dot_general3A_819 = arith.constant dense<0.000000e+00> : vector<64x128xf32>
    %dot_general3A_820 = tpu.matmul %slice3A_805, %div3A_818, %dot_general3A_819 {dimension_numbers = #tpu.dot_dimension_numbers<[1], [1], [0], [0], [0, 0, 1, 0], [], []>, transpose_lhs_hint = false} : vector<64x96xf32>, vector<128x96xf32>, vector<64x128xf32> -> vector<64x128xf32>
    %mul3A_821 = arith.constant 0.102062076 : f32
    %mul3A_822 = vector.broadcast %mul3A_821 : f32 to vector<64x128xf32>
    %mul3A_823 = arith.mulf %dot_general3A_820, %mul3A_822 : vector<64x128xf32>
    %jit3A_824 = arith.constant -1.000000e+05 : f32
    %broadcast_in_dim3A_825 = vector.broadcast %jit3A_824 : f32 to vector<64x128xf32>
    %select_n3A_826 = arith.select %eq3A, %broadcast_in_dim3A_825, %mul3A_823 : vector<64x128xi1>, vector<64x128xf32>
    %reduce_max3A_827 = arith.constant dense<0xFF800000> : vector<64xf32>
    %reduce_max3A_828 = vector.multi_reduction <maximumf>, %select_n3A_826, %reduce_max3A_827 [1] : vector<64x128xf32> to vector<64xf32>
    %broadcast_in_dim3A_829 = vector.shape_cast %reduce_max3A_828 : vector<64xf32> to vector<64x1xf32>
    %sub3A_830 = vector.broadcast %broadcast_in_dim3A_829 : vector<64x1xf32> to vector<64x128xf32>
    %sub3A_831 = arith.subf %select_n3A_826, %sub3A_830 : vector<64x128xf32>
    %exp3A_832 = math.exp %sub3A_831 : vector<64x128xf32>
    %reduce_sum3A_833 = arith.constant dense<0.000000e+00> : vector<64xf32>
    %reduce_sum3A_834 = vector.multi_reduction <add>, %exp3A_832, %reduce_sum3A_833 [1] : vector<64x128xf32> to vector<64xf32>
    %broadcast_in_dim3A_835 = vector.shape_cast %reduce_sum3A_834 : vector<64xf32> to vector<64x1xf32>
    %log3A_836 = math.log %broadcast_in_dim3A_835 : vector<64x1xf32>
    %add3A_837 = arith.addf %broadcast_in_dim3A_829, %log3A_836 : vector<64x1xf32>
    %sub3A_838 = vector.broadcast %add3A_837 : vector<64x1xf32> to vector<64x128xf32>
    %sub3A_839 = arith.subf %select_n3A_826, %sub3A_838 : vector<64x128xf32>
    %exp3A_840 = math.exp %sub3A_839 : vector<64x128xf32>
    %dot_general3A_841 = arith.constant dense<0.000000e+00> : vector<64x96xf32>
    %dot_general3A_842 = tpu.matmul %exp3A_840, %concatenate3A_810, %dot_general3A_841 {dimension_numbers = #tpu.dot_dimension_numbers<[1], [0], [0], [1], [0, 0, 1, 1], [], []>, transpose_lhs_hint = false} : vector<64x128xf32>, vector<128x96xf32>, vector<64x96xf32> -> vector<64x96xf32>
    %swap3A_843 = arith.constant 0 : index
    %swap3A_844 = arith.constant 896 : index
    %swap3A_845 = arith.constant 0 : index
    %swap3A_846 = vector.load %arg2[%swap3A_843, %swap3A_844, %swap3A_845] : memref<1x2048x112xf32, #tpu.memory_space<vmem>>, vector<1x64x96xf32>
    %swap3A_847 = vector.shape_cast %swap3A_846 : vector<1x64x96xf32> to vector<64x96xf32>
    %swap3A_848 = vector.shape_cast %dot_general3A_842 : vector<64x96xf32> to vector<1x64x96xf32>
    tpu.vector_store %arg2[%swap3A_843, %swap3A_844, %swap3A_845], %swap3A_848 {strides = array<i32>} : memref<1x2048x112xf32, #tpu.memory_space<vmem>>, vector<1x64x96xf32>,
    %swap3A_849 = arith.constant 0 : index
    %swap3A_850 = arith.constant 896 : index
    %swap3A_851 = arith.constant 96 : index
    %swap3A_852 = vector.load %arg2[%swap3A_849, %swap3A_850, %swap3A_851] : memref<1x2048x112xf32, #tpu.memory_space<vmem>>, vector<1x64x1xf32>
    %swap3A_853 = vector.shape_cast %swap3A_852 : vector<1x64x1xf32> to vector<64x1xf32>
    %swap3A_854 = vector.shape_cast %add3A_837 : vector<64x1xf32> to vector<1x64x1xf32>
    tpu.vector_store %arg2[%swap3A_849, %swap3A_850, %swap3A_851], %swap3A_854 {strides = array<i32>} : memref<1x2048x112xf32, #tpu.memory_space<vmem>>, vector<1x64x1xf32>,
    %broadcast_in_dim3A_855 = arith.constant 0.000000e+00 : f32
    %broadcast_in_dim3A_856 = vector.broadcast %broadcast_in_dim3A_855 : f32 to vector<64x15xf32>
    %swap3A_857 = arith.constant 0 : index
    %swap3A_858 = arith.constant 896 : index
    %swap3A_859 = arith.constant 97 : index
    %swap3A_860 = vector.load %arg2[%swap3A_857, %swap3A_858, %swap3A_859] : memref<1x2048x112xf32, #tpu.memory_space<vmem>>, vector<1x64x15xf32>
    %swap3A_861 = vector.shape_cast %swap3A_860 : vector<1x64x15xf32> to vector<64x15xf32>
    %swap3A_862 = vector.shape_cast %broadcast_in_dim3A_856 : vector<64x15xf32> to vector<1x64x15xf32>
    tpu.vector_store %arg2[%swap3A_857, %swap3A_858, %swap3A_859], %swap3A_862 {strides = array<i32>} : memref<1x2048x112xf32, #tpu.memory_space<vmem>>, vector<1x64x15xf32>,
    %slice3A_863 = vector.extract_strided_slice %get3A_3 {offsets = [960, 0], sizes = [64, 96], strides = [1, 1]} : vector<2048x208xf32> to vector<64x96xf32>
    %slice3A_864 = vector.extract_strided_slice %get3A_3 {offsets = [896, 0], sizes = [64, 96], strides = [1, 1]} : vector<2048x208xf32> to vector<64x96xf32>
    %concatenate3A_865 = tpu.concatenate %slice3A_864, %slice3A_863 in 0 : vector<64x96xf32>, vector<64x96xf32> -> vector<128x96xf32>
    %slice3A_866 = vector.extract_strided_slice %get3A_3 {offsets = [896, 96], sizes = [64, 96], strides = [1, 1]} : vector<2048x208xf32> to vector<64x96xf32>
    %slice3A_867 = vector.extract_strided_slice %get3A_3 {offsets = [960, 96], sizes = [64, 96], strides = [1, 1]} : vector<2048x208xf32> to vector<64x96xf32>
    %concatenate3A_868 = tpu.concatenate %slice3A_866, %slice3A_867 in 0 : vector<64x96xf32>, vector<64x96xf32> -> vector<128x96xf32>
    %slice3A_869 = vector.extract_strided_slice %get3A_3 {offsets = [896, 192], sizes = [64, 1], strides = [1, 1]} : vector<2048x208xf32> to vector<64x1xf32>
    %slice3A_870 = vector.extract_strided_slice %get3A_3 {offsets = [960, 192], sizes = [64, 1], strides = [1, 1]} : vector<2048x208xf32> to vector<64x1xf32>
    %concatenate3A_871 = tpu.concatenate %slice3A_869, %slice3A_870 in 0 : vector<64x1xf32>, vector<64x1xf32> -> vector<128x1xf32>
    %add3A_872 = arith.constant 9.99999971E-10 : f32
    %add3A_873 = vector.broadcast %add3A_872 : f32 to vector<128x1xf32>
    %add3A_874 = arith.addf %concatenate3A_871, %add3A_873 : vector<128x1xf32>
    %div3A_875 = vector.broadcast %add3A_874 : vector<128x1xf32> to vector<128x96xf32>
    %div3A_876 = arith.divf %concatenate3A_865, %div3A_875 : vector<128x96xf32>
    %dot_general3A_877 = arith.constant dense<0.000000e+00> : vector<64x128xf32>
    %dot_general3A_878 = tpu.matmul %slice3A_863, %div3A_876, %dot_general3A_877 {dimension_numbers = #tpu.dot_dimension_numbers<[1], [1], [0], [0], [0, 0, 1, 0], [], []>, transpose_lhs_hint = false} : vector<64x96xf32>, vector<128x96xf32>, vector<64x128xf32> -> vector<64x128xf32>
    %mul3A_879 = arith.constant 0.102062076 : f32
    %mul3A_880 = vector.broadcast %mul3A_879 : f32 to vector<64x128xf32>
    %mul3A_881 = arith.mulf %dot_general3A_878, %mul3A_880 : vector<64x128xf32>
    %jit3A_882 = arith.constant -1.000000e+05 : f32
    %broadcast_in_dim3A_883 = vector.broadcast %jit3A_882 : f32 to vector<64x128xf32>
    %select_n3A_884 = arith.select %eq3A, %broadcast_in_dim3A_883, %mul3A_881 : vector<64x128xi1>, vector<64x128xf32>
    %reduce_max3A_885 = arith.constant dense<0xFF800000> : vector<64xf32>
    %reduce_max3A_886 = vector.multi_reduction <maximumf>, %select_n3A_884, %reduce_max3A_885 [1] : vector<64x128xf32> to vector<64xf32>
    %broadcast_in_dim3A_887 = vector.shape_cast %reduce_max3A_886 : vector<64xf32> to vector<64x1xf32>
    %sub3A_888 = vector.broadcast %broadcast_in_dim3A_887 : vector<64x1xf32> to vector<64x128xf32>
    %sub3A_889 = arith.subf %select_n3A_884, %sub3A_888 : vector<64x128xf32>
    %exp3A_890 = math.exp %sub3A_889 : vector<64x128xf32>
    %reduce_sum3A_891 = arith.constant dense<0.000000e+00> : vector<64xf32>
    %reduce_sum3A_892 = vector.multi_reduction <add>, %exp3A_890, %reduce_sum3A_891 [1] : vector<64x128xf32> to vector<64xf32>
    %broadcast_in_dim3A_893 = vector.shape_cast %reduce_sum3A_892 : vector<64xf32> to vector<64x1xf32>
    %log3A_894 = math.log %broadcast_in_dim3A_893 : vector<64x1xf32>
    %add3A_895 = arith.addf %broadcast_in_dim3A_887, %log3A_894 : vector<64x1xf32>
    %sub3A_896 = vector.broadcast %add3A_895 : vector<64x1xf32> to vector<64x128xf32>
    %sub3A_897 = arith.subf %select_n3A_884, %sub3A_896 : vector<64x128xf32>
    %exp3A_898 = math.exp %sub3A_897 : vector<64x128xf32>
    %dot_general3A_899 = arith.constant dense<0.000000e+00> : vector<64x96xf32>
    %dot_general3A_900 = tpu.matmul %exp3A_898, %concatenate3A_868, %dot_general3A_899 {dimension_numbers = #tpu.dot_dimension_numbers<[1], [0], [0], [1], [0, 0, 1, 1], [], []>, transpose_lhs_hint = false} : vector<64x128xf32>, vector<128x96xf32>, vector<64x96xf32> -> vector<64x96xf32>
    %swap3A_901 = arith.constant 0 : index
    %swap3A_902 = arith.constant 960 : index
    %swap3A_903 = arith.constant 0 : index
    %swap3A_904 = vector.load %arg2[%swap3A_901, %swap3A_902, %swap3A_903] : memref<1x2048x112xf32, #tpu.memory_space<vmem>>, vector<1x64x96xf32>
    %swap3A_905 = vector.shape_cast %swap3A_904 : vector<1x64x96xf32> to vector<64x96xf32>
    %swap3A_906 = vector.shape_cast %dot_general3A_900 : vector<64x96xf32> to vector<1x64x96xf32>
    tpu.vector_store %arg2[%swap3A_901, %swap3A_902, %swap3A_903], %swap3A_906 {strides = array<i32>} : memref<1x2048x112xf32, #tpu.memory_space<vmem>>, vector<1x64x96xf32>,
    %swap3A_907 = arith.constant 0 : index
    %swap3A_908 = arith.constant 960 : index
    %swap3A_909 = arith.constant 96 : index
    %swap3A_910 = vector.load %arg2[%swap3A_907, %swap3A_908, %swap3A_909] : memref<1x2048x112xf32, #tpu.memory_space<vmem>>, vector<1x64x1xf32>
    %swap3A_911 = vector.shape_cast %swap3A_910 : vector<1x64x1xf32> to vector<64x1xf32>
    %swap3A_912 = vector.shape_cast %add3A_895 : vector<64x1xf32> to vector<1x64x1xf32>
    tpu.vector_store %arg2[%swap3A_907, %swap3A_908, %swap3A_909], %swap3A_912 {strides = array<i32>} : memref<1x2048x112xf32, #tpu.memory_space<vmem>>, vector<1x64x1xf32>,
    %broadcast_in_dim3A_913 = arith.constant 0.000000e+00 : f32
    %broadcast_in_dim3A_914 = vector.broadcast %broadcast_in_dim3A_913 : f32 to vector<64x15xf32>
    %swap3A_915 = arith.constant 0 : index
    %swap3A_916 = arith.constant 960 : index
    %swap3A_917 = arith.constant 97 : index
    %swap3A_918 = vector.load %arg2[%swap3A_915, %swap3A_916, %swap3A_917] : memref<1x2048x112xf32, #tpu.memory_space<vmem>>, vector<1x64x15xf32>
    %swap3A_919 = vector.shape_cast %swap3A_918 : vector<1x64x15xf32> to vector<64x15xf32>
    %swap3A_920 = vector.shape_cast %broadcast_in_dim3A_914 : vector<64x15xf32> to vector<1x64x15xf32>
    tpu.vector_store %arg2[%swap3A_915, %swap3A_916, %swap3A_917], %swap3A_920 {strides = array<i32>} : memref<1x2048x112xf32, #tpu.memory_space<vmem>>, vector<1x64x15xf32>,
    %slice3A_921 = vector.extract_strided_slice %get3A_3 {offsets = [1024, 0], sizes = [64, 96], strides = [1, 1]} : vector<2048x208xf32> to vector<64x96xf32>
    %slice3A_922 = vector.extract_strided_slice %get3A_3 {offsets = [960, 0], sizes = [64, 96], strides = [1, 1]} : vector<2048x208xf32> to vector<64x96xf32>
    %concatenate3A_923 = tpu.concatenate %slice3A_922, %slice3A_921 in 0 : vector<64x96xf32>, vector<64x96xf32> -> vector<128x96xf32>
    %slice3A_924 = vector.extract_strided_slice %get3A_3 {offsets = [960, 96], sizes = [64, 96], strides = [1, 1]} : vector<2048x208xf32> to vector<64x96xf32>
    %slice3A_925 = vector.extract_strided_slice %get3A_3 {offsets = [1024, 96], sizes = [64, 96], strides = [1, 1]} : vector<2048x208xf32> to vector<64x96xf32>
    %concatenate3A_926 = tpu.concatenate %slice3A_924, %slice3A_925 in 0 : vector<64x96xf32>, vector<64x96xf32> -> vector<128x96xf32>
    %slice3A_927 = vector.extract_strided_slice %get3A_3 {offsets = [960, 192], sizes = [64, 1], strides = [1, 1]} : vector<2048x208xf32> to vector<64x1xf32>
    %slice3A_928 = vector.extract_strided_slice %get3A_3 {offsets = [1024, 192], sizes = [64, 1], strides = [1, 1]} : vector<2048x208xf32> to vector<64x1xf32>
    %concatenate3A_929 = tpu.concatenate %slice3A_927, %slice3A_928 in 0 : vector<64x1xf32>, vector<64x1xf32> -> vector<128x1xf32>
    %add3A_930 = arith.constant 9.99999971E-10 : f32
    %add3A_931 = vector.broadcast %add3A_930 : f32 to vector<128x1xf32>
    %add3A_932 = arith.addf %concatenate3A_929, %add3A_931 : vector<128x1xf32>
    %div3A_933 = vector.broadcast %add3A_932 : vector<128x1xf32> to vector<128x96xf32>
    %div3A_934 = arith.divf %concatenate3A_923, %div3A_933 : vector<128x96xf32>
    %dot_general3A_935 = arith.constant dense<0.000000e+00> : vector<64x128xf32>
    %dot_general3A_936 = tpu.matmul %slice3A_921, %div3A_934, %dot_general3A_935 {dimension_numbers = #tpu.dot_dimension_numbers<[1], [1], [0], [0], [0, 0, 1, 0], [], []>, transpose_lhs_hint = false} : vector<64x96xf32>, vector<128x96xf32>, vector<64x128xf32> -> vector<64x128xf32>
    %mul3A_937 = arith.constant 0.102062076 : f32
    %mul3A_938 = vector.broadcast %mul3A_937 : f32 to vector<64x128xf32>
    %mul3A_939 = arith.mulf %dot_general3A_936, %mul3A_938 : vector<64x128xf32>
    %jit3A_940 = arith.constant -1.000000e+05 : f32
    %broadcast_in_dim3A_941 = vector.broadcast %jit3A_940 : f32 to vector<64x128xf32>
    %select_n3A_942 = arith.select %eq3A, %broadcast_in_dim3A_941, %mul3A_939 : vector<64x128xi1>, vector<64x128xf32>
    %reduce_max3A_943 = arith.constant dense<0xFF800000> : vector<64xf32>
    %reduce_max3A_944 = vector.multi_reduction <maximumf>, %select_n3A_942, %reduce_max3A_943 [1] : vector<64x128xf32> to vector<64xf32>
    %broadcast_in_dim3A_945 = vector.shape_cast %reduce_max3A_944 : vector<64xf32> to vector<64x1xf32>
    %sub3A_946 = vector.broadcast %broadcast_in_dim3A_945 : vector<64x1xf32> to vector<64x128xf32>
    %sub3A_947 = arith.subf %select_n3A_942, %sub3A_946 : vector<64x128xf32>
    %exp3A_948 = math.exp %sub3A_947 : vector<64x128xf32>
    %reduce_sum3A_949 = arith.constant dense<0.000000e+00> : vector<64xf32>
    %reduce_sum3A_950 = vector.multi_reduction <add>, %exp3A_948, %reduce_sum3A_949 [1] : vector<64x128xf32> to vector<64xf32>
    %broadcast_in_dim3A_951 = vector.shape_cast %reduce_sum3A_950 : vector<64xf32> to vector<64x1xf32>
    %log3A_952 = math.log %broadcast_in_dim3A_951 : vector<64x1xf32>
    %add3A_953 = arith.addf %broadcast_in_dim3A_945, %log3A_952 : vector<64x1xf32>
    %sub3A_954 = vector.broadcast %add3A_953 : vector<64x1xf32> to vector<64x128xf32>
    %sub3A_955 = arith.subf %select_n3A_942, %sub3A_954 : vector<64x128xf32>
    %exp3A_956 = math.exp %sub3A_955 : vector<64x128xf32>
    %dot_general3A_957 = arith.constant dense<0.000000e+00> : vector<64x96xf32>
    %dot_general3A_958 = tpu.matmul %exp3A_956, %concatenate3A_926, %dot_general3A_957 {dimension_numbers = #tpu.dot_dimension_numbers<[1], [0], [0], [1], [0, 0, 1, 1], [], []>, transpose_lhs_hint = false} : vector<64x128xf32>, vector<128x96xf32>, vector<64x96xf32> -> vector<64x96xf32>
    %swap3A_959 = arith.constant 0 : index
    %swap3A_960 = arith.constant 1024 : index
    %swap3A_961 = arith.constant 0 : index
    %swap3A_962 = vector.load %arg2[%swap3A_959, %swap3A_960, %swap3A_961] : memref<1x2048x112xf32, #tpu.memory_space<vmem>>, vector<1x64x96xf32>
    %swap3A_963 = vector.shape_cast %swap3A_962 : vector<1x64x96xf32> to vector<64x96xf32>
    %swap3A_964 = vector.shape_cast %dot_general3A_958 : vector<64x96xf32> to vector<1x64x96xf32>
    tpu.vector_store %arg2[%swap3A_959, %swap3A_960, %swap3A_961], %swap3A_964 {strides = array<i32>} : memref<1x2048x112xf32, #tpu.memory_space<vmem>>, vector<1x64x96xf32>,
    %swap3A_965 = arith.constant 0 : index
    %swap3A_966 = arith.constant 1024 : index
    %swap3A_967 = arith.constant 96 : index
    %swap3A_968 = vector.load %arg2[%swap3A_965, %swap3A_966, %swap3A_967] : memref<1x2048x112xf32, #tpu.memory_space<vmem>>, vector<1x64x1xf32>
    %swap3A_969 = vector.shape_cast %swap3A_968 : vector<1x64x1xf32> to vector<64x1xf32>
    %swap3A_970 = vector.shape_cast %add3A_953 : vector<64x1xf32> to vector<1x64x1xf32>
    tpu.vector_store %arg2[%swap3A_965, %swap3A_966, %swap3A_967], %swap3A_970 {strides = array<i32>} : memref<1x2048x112xf32, #tpu.memory_space<vmem>>, vector<1x64x1xf32>,
    %broadcast_in_dim3A_971 = arith.constant 0.000000e+00 : f32
    %broadcast_in_dim3A_972 = vector.broadcast %broadcast_in_dim3A_971 : f32 to vector<64x15xf32>
    %swap3A_973 = arith.constant 0 : index
    %swap3A_974 = arith.constant 1024 : index
    %swap3A_975 = arith.constant 97 : index
    %swap3A_976 = vector.load %arg2[%swap3A_973, %swap3A_974, %swap3A_975] : memref<1x2048x112xf32, #tpu.memory_space<vmem>>, vector<1x64x15xf32>
    %swap3A_977 = vector.shape_cast %swap3A_976 : vector<1x64x15xf32> to vector<64x15xf32>
    %swap3A_978 = vector.shape_cast %broadcast_in_dim3A_972 : vector<64x15xf32> to vector<1x64x15xf32>
    tpu.vector_store %arg2[%swap3A_973, %swap3A_974, %swap3A_975], %swap3A_978 {strides = array<i32>} : memref<1x2048x112xf32, #tpu.memory_space<vmem>>, vector<1x64x15xf32>,
    %slice3A_979 = vector.extract_strided_slice %get3A_3 {offsets = [1088, 0], sizes = [64, 96], strides = [1, 1]} : vector<2048x208xf32> to vector<64x96xf32>
    %slice3A_980 = vector.extract_strided_slice %get3A_3 {offsets = [1024, 0], sizes = [64, 96], strides = [1, 1]} : vector<2048x208xf32> to vector<64x96xf32>
    %concatenate3A_981 = tpu.concatenate %slice3A_980, %slice3A_979 in 0 : vector<64x96xf32>, vector<64x96xf32> -> vector<128x96xf32>
    %slice3A_982 = vector.extract_strided_slice %get3A_3 {offsets = [1024, 96], sizes = [64, 96], strides = [1, 1]} : vector<2048x208xf32> to vector<64x96xf32>
    %slice3A_983 = vector.extract_strided_slice %get3A_3 {offsets = [1088, 96], sizes = [64, 96], strides = [1, 1]} : vector<2048x208xf32> to vector<64x96xf32>
    %concatenate3A_984 = tpu.concatenate %slice3A_982, %slice3A_983 in 0 : vector<64x96xf32>, vector<64x96xf32> -> vector<128x96xf32>
    %slice3A_985 = vector.extract_strided_slice %get3A_3 {offsets = [1024, 192], sizes = [64, 1], strides = [1, 1]} : vector<2048x208xf32> to vector<64x1xf32>
    %slice3A_986 = vector.extract_strided_slice %get3A_3 {offsets = [1088, 192], sizes = [64, 1], strides = [1, 1]} : vector<2048x208xf32> to vector<64x1xf32>
    %concatenate3A_987 = tpu.concatenate %slice3A_985, %slice3A_986 in 0 : vector<64x1xf32>, vector<64x1xf32> -> vector<128x1xf32>
    %add3A_988 = arith.constant 9.99999971E-10 : f32
    %add3A_989 = vector.broadcast %add3A_988 : f32 to vector<128x1xf32>
    %add3A_990 = arith.addf %concatenate3A_987, %add3A_989 : vector<128x1xf32>
    %div3A_991 = vector.broadcast %add3A_990 : vector<128x1xf32> to vector<128x96xf32>
    %div3A_992 = arith.divf %concatenate3A_981, %div3A_991 : vector<128x96xf32>
    %dot_general3A_993 = arith.constant dense<0.000000e+00> : vector<64x128xf32>
    %dot_general3A_994 = tpu.matmul %slice3A_979, %div3A_992, %dot_general3A_993 {dimension_numbers = #tpu.dot_dimension_numbers<[1], [1], [0], [0], [0, 0, 1, 0], [], []>, transpose_lhs_hint = false} : vector<64x96xf32>, vector<128x96xf32>, vector<64x128xf32> -> vector<64x128xf32>
    %mul3A_995 = arith.constant 0.102062076 : f32
    %mul3A_996 = vector.broadcast %mul3A_995 : f32 to vector<64x128xf32>
    %mul3A_997 = arith.mulf %dot_general3A_994, %mul3A_996 : vector<64x128xf32>
    %jit3A_998 = arith.constant -1.000000e+05 : f32
    %broadcast_in_dim3A_999 = vector.broadcast %jit3A_998 : f32 to vector<64x128xf32>
    %select_n3A_1000 = arith.select %eq3A, %broadcast_in_dim3A_999, %mul3A_997 : vector<64x128xi1>, vector<64x128xf32>
    %reduce_max3A_1001 = arith.constant dense<0xFF800000> : vector<64xf32>
    %reduce_max3A_1002 = vector.multi_reduction <maximumf>, %select_n3A_1000, %reduce_max3A_1001 [1] : vector<64x128xf32> to vector<64xf32>
    %broadcast_in_dim3A_1003 = vector.shape_cast %reduce_max3A_1002 : vector<64xf32> to vector<64x1xf32>
    %sub3A_1004 = vector.broadcast %broadcast_in_dim3A_1003 : vector<64x1xf32> to vector<64x128xf32>
    %sub3A_1005 = arith.subf %select_n3A_1000, %sub3A_1004 : vector<64x128xf32>
    %exp3A_1006 = math.exp %sub3A_1005 : vector<64x128xf32>
    %reduce_sum3A_1007 = arith.constant dense<0.000000e+00> : vector<64xf32>
    %reduce_sum3A_1008 = vector.multi_reduction <add>, %exp3A_1006, %reduce_sum3A_1007 [1] : vector<64x128xf32> to vector<64xf32>
    %broadcast_in_dim3A_1009 = vector.shape_cast %reduce_sum3A_1008 : vector<64xf32> to vector<64x1xf32>
    %log3A_1010 = math.log %broadcast_in_dim3A_1009 : vector<64x1xf32>
    %add3A_1011 = arith.addf %broadcast_in_dim3A_1003, %log3A_1010 : vector<64x1xf32>
    %sub3A_1012 = vector.broadcast %add3A_1011 : vector<64x1xf32> to vector<64x128xf32>
    %sub3A_1013 = arith.subf %select_n3A_1000, %sub3A_1012 : vector<64x128xf32>
    %exp3A_1014 = math.exp %sub3A_1013 : vector<64x128xf32>
    %dot_general3A_1015 = arith.constant dense<0.000000e+00> : vector<64x96xf32>
    %dot_general3A_1016 = tpu.matmul %exp3A_1014, %concatenate3A_984, %dot_general3A_1015 {dimension_numbers = #tpu.dot_dimension_numbers<[1], [0], [0], [1], [0, 0, 1, 1], [], []>, transpose_lhs_hint = false} : vector<64x128xf32>, vector<128x96xf32>, vector<64x96xf32> -> vector<64x96xf32>
    %swap3A_1017 = arith.constant 0 : index
    %swap3A_1018 = arith.constant 1088 : index
    %swap3A_1019 = arith.constant 0 : index
    %swap3A_1020 = vector.load %arg2[%swap3A_1017, %swap3A_1018, %swap3A_1019] : memref<1x2048x112xf32, #tpu.memory_space<vmem>>, vector<1x64x96xf32>
    %swap3A_1021 = vector.shape_cast %swap3A_1020 : vector<1x64x96xf32> to vector<64x96xf32>
    %swap3A_1022 = vector.shape_cast %dot_general3A_1016 : vector<64x96xf32> to vector<1x64x96xf32>
    tpu.vector_store %arg2[%swap3A_1017, %swap3A_1018, %swap3A_1019], %swap3A_1022 {strides = array<i32>} : memref<1x2048x112xf32, #tpu.memory_space<vmem>>, vector<1x64x96xf32>,
    %swap3A_1023 = arith.constant 0 : index
    %swap3A_1024 = arith.constant 1088 : index
    %swap3A_1025 = arith.constant 96 : index
    %swap3A_1026 = vector.load %arg2[%swap3A_1023, %swap3A_1024, %swap3A_1025] : memref<1x2048x112xf32, #tpu.memory_space<vmem>>, vector<1x64x1xf32>
    %swap3A_1027 = vector.shape_cast %swap3A_1026 : vector<1x64x1xf32> to vector<64x1xf32>
    %swap3A_1028 = vector.shape_cast %add3A_1011 : vector<64x1xf32> to vector<1x64x1xf32>
    tpu.vector_store %arg2[%swap3A_1023, %swap3A_1024, %swap3A_1025], %swap3A_1028 {strides = array<i32>} : memref<1x2048x112xf32, #tpu.memory_space<vmem>>, vector<1x64x1xf32>,
    %broadcast_in_dim3A_1029 = arith.constant 0.000000e+00 : f32
    %broadcast_in_dim3A_1030 = vector.broadcast %broadcast_in_dim3A_1029 : f32 to vector<64x15xf32>
    %swap3A_1031 = arith.constant 0 : index
    %swap3A_1032 = arith.constant 1088 : index
    %swap3A_1033 = arith.constant 97 : index
    %swap3A_1034 = vector.load %arg2[%swap3A_1031, %swap3A_1032, %swap3A_1033] : memref<1x2048x112xf32, #tpu.memory_space<vmem>>, vector<1x64x15xf32>
    %swap3A_1035 = vector.shape_cast %swap3A_1034 : vector<1x64x15xf32> to vector<64x15xf32>
    %swap3A_1036 = vector.shape_cast %broadcast_in_dim3A_1030 : vector<64x15xf32> to vector<1x64x15xf32>
    tpu.vector_store %arg2[%swap3A_1031, %swap3A_1032, %swap3A_1033], %swap3A_1036 {strides = array<i32>} : memref<1x2048x112xf32, #tpu.memory_space<vmem>>, vector<1x64x15xf32>,
    %slice3A_1037 = vector.extract_strided_slice %get3A_3 {offsets = [1152, 0], sizes = [64, 96], strides = [1, 1]} : vector<2048x208xf32> to vector<64x96xf32>
    %slice3A_1038 = vector.extract_strided_slice %get3A_3 {offsets = [1088, 0], sizes = [64, 96], strides = [1, 1]} : vector<2048x208xf32> to vector<64x96xf32>
    %concatenate3A_1039 = tpu.concatenate %slice3A_1038, %slice3A_1037 in 0 : vector<64x96xf32>, vector<64x96xf32> -> vector<128x96xf32>
    %slice3A_1040 = vector.extract_strided_slice %get3A_3 {offsets = [1088, 96], sizes = [64, 96], strides = [1, 1]} : vector<2048x208xf32> to vector<64x96xf32>
    %slice3A_1041 = vector.extract_strided_slice %get3A_3 {offsets = [1152, 96], sizes = [64, 96], strides = [1, 1]} : vector<2048x208xf32> to vector<64x96xf32>
    %concatenate3A_1042 = tpu.concatenate %slice3A_1040, %slice3A_1041 in 0 : vector<64x96xf32>, vector<64x96xf32> -> vector<128x96xf32>
    %slice3A_1043 = vector.extract_strided_slice %get3A_3 {offsets = [1088, 192], sizes = [64, 1], strides = [1, 1]} : vector<2048x208xf32> to vector<64x1xf32>
    %slice3A_1044 = vector.extract_strided_slice %get3A_3 {offsets = [1152, 192], sizes = [64, 1], strides = [1, 1]} : vector<2048x208xf32> to vector<64x1xf32>
    %concatenate3A_1045 = tpu.concatenate %slice3A_1043, %slice3A_1044 in 0 : vector<64x1xf32>, vector<64x1xf32> -> vector<128x1xf32>
    %add3A_1046 = arith.constant 9.99999971E-10 : f32
    %add3A_1047 = vector.broadcast %add3A_1046 : f32 to vector<128x1xf32>
    %add3A_1048 = arith.addf %concatenate3A_1045, %add3A_1047 : vector<128x1xf32>
    %div3A_1049 = vector.broadcast %add3A_1048 : vector<128x1xf32> to vector<128x96xf32>
    %div3A_1050 = arith.divf %concatenate3A_1039, %div3A_1049 : vector<128x96xf32>
    %dot_general3A_1051 = arith.constant dense<0.000000e+00> : vector<64x128xf32>
    %dot_general3A_1052 = tpu.matmul %slice3A_1037, %div3A_1050, %dot_general3A_1051 {dimension_numbers = #tpu.dot_dimension_numbers<[1], [1], [0], [0], [0, 0, 1, 0], [], []>, transpose_lhs_hint = false} : vector<64x96xf32>, vector<128x96xf32>, vector<64x128xf32> -> vector<64x128xf32>
    %mul3A_1053 = arith.constant 0.102062076 : f32
    %mul3A_1054 = vector.broadcast %mul3A_1053 : f32 to vector<64x128xf32>
    %mul3A_1055 = arith.mulf %dot_general3A_1052, %mul3A_1054 : vector<64x128xf32>
    %jit3A_1056 = arith.constant -1.000000e+05 : f32
    %broadcast_in_dim3A_1057 = vector.broadcast %jit3A_1056 : f32 to vector<64x128xf32>
    %select_n3A_1058 = arith.select %eq3A, %broadcast_in_dim3A_1057, %mul3A_1055 : vector<64x128xi1>, vector<64x128xf32>
    %reduce_max3A_1059 = arith.constant dense<0xFF800000> : vector<64xf32>
    %reduce_max3A_1060 = vector.multi_reduction <maximumf>, %select_n3A_1058, %reduce_max3A_1059 [1] : vector<64x128xf32> to vector<64xf32>
    %broadcast_in_dim3A_1061 = vector.shape_cast %reduce_max3A_1060 : vector<64xf32> to vector<64x1xf32>
    %sub3A_1062 = vector.broadcast %broadcast_in_dim3A_1061 : vector<64x1xf32> to vector<64x128xf32>
    %sub3A_1063 = arith.subf %select_n3A_1058, %sub3A_1062 : vector<64x128xf32>
    %exp3A_1064 = math.exp %sub3A_1063 : vector<64x128xf32>
    %reduce_sum3A_1065 = arith.constant dense<0.000000e+00> : vector<64xf32>
    %reduce_sum3A_1066 = vector.multi_reduction <add>, %exp3A_1064, %reduce_sum3A_1065 [1] : vector<64x128xf32> to vector<64xf32>
    %broadcast_in_dim3A_1067 = vector.shape_cast %reduce_sum3A_1066 : vector<64xf32> to vector<64x1xf32>
    %log3A_1068 = math.log %broadcast_in_dim3A_1067 : vector<64x1xf32>
    %add3A_1069 = arith.addf %broadcast_in_dim3A_1061, %log3A_1068 : vector<64x1xf32>
    %sub3A_1070 = vector.broadcast %add3A_1069 : vector<64x1xf32> to vector<64x128xf32>
    %sub3A_1071 = arith.subf %select_n3A_1058, %sub3A_1070 : vector<64x128xf32>
    %exp3A_1072 = math.exp %sub3A_1071 : vector<64x128xf32>
    %dot_general3A_1073 = arith.constant dense<0.000000e+00> : vector<64x96xf32>
    %dot_general3A_1074 = tpu.matmul %exp3A_1072, %concatenate3A_1042, %dot_general3A_1073 {dimension_numbers = #tpu.dot_dimension_numbers<[1], [0], [0], [1], [0, 0, 1, 1], [], []>, transpose_lhs_hint = false} : vector<64x128xf32>, vector<128x96xf32>, vector<64x96xf32> -> vector<64x96xf32>
    %swap3A_1075 = arith.constant 0 : index
    %swap3A_1076 = arith.constant 1152 : index
    %swap3A_1077 = arith.constant 0 : index
    %swap3A_1078 = vector.load %arg2[%swap3A_1075, %swap3A_1076, %swap3A_1077] : memref<1x2048x112xf32, #tpu.memory_space<vmem>>, vector<1x64x96xf32>
    %swap3A_1079 = vector.shape_cast %swap3A_1078 : vector<1x64x96xf32> to vector<64x96xf32>
    %swap3A_1080 = vector.shape_cast %dot_general3A_1074 : vector<64x96xf32> to vector<1x64x96xf32>
    tpu.vector_store %arg2[%swap3A_1075, %swap3A_1076, %swap3A_1077], %swap3A_1080 {strides = array<i32>} : memref<1x2048x112xf32, #tpu.memory_space<vmem>>, vector<1x64x96xf32>,
    %swap3A_1081 = arith.constant 0 : index
    %swap3A_1082 = arith.constant 1152 : index
    %swap3A_1083 = arith.constant 96 : index
    %swap3A_1084 = vector.load %arg2[%swap3A_1081, %swap3A_1082, %swap3A_1083] : memref<1x2048x112xf32, #tpu.memory_space<vmem>>, vector<1x64x1xf32>
    %swap3A_1085 = vector.shape_cast %swap3A_1084 : vector<1x64x1xf32> to vector<64x1xf32>
    %swap3A_1086 = vector.shape_cast %add3A_1069 : vector<64x1xf32> to vector<1x64x1xf32>
    tpu.vector_store %arg2[%swap3A_1081, %swap3A_1082, %swap3A_1083], %swap3A_1086 {strides = array<i32>} : memref<1x2048x112xf32, #tpu.memory_space<vmem>>, vector<1x64x1xf32>,
    %broadcast_in_dim3A_1087 = arith.constant 0.000000e+00 : f32
    %broadcast_in_dim3A_1088 = vector.broadcast %broadcast_in_dim3A_1087 : f32 to vector<64x15xf32>
    %swap3A_1089 = arith.constant 0 : index
    %swap3A_1090 = arith.constant 1152 : index
    %swap3A_1091 = arith.constant 97 : index
    %swap3A_1092 = vector.load %arg2[%swap3A_1089, %swap3A_1090, %swap3A_1091] : memref<1x2048x112xf32, #tpu.memory_space<vmem>>, vector<1x64x15xf32>
    %swap3A_1093 = vector.shape_cast %swap3A_1092 : vector<1x64x15xf32> to vector<64x15xf32>
    %swap3A_1094 = vector.shape_cast %broadcast_in_dim3A_1088 : vector<64x15xf32> to vector<1x64x15xf32>
    tpu.vector_store %arg2[%swap3A_1089, %swap3A_1090, %swap3A_1091], %swap3A_1094 {strides = array<i32>} : memref<1x2048x112xf32, #tpu.memory_space<vmem>>, vector<1x64x15xf32>,
    %slice3A_1095 = vector.extract_strided_slice %get3A_3 {offsets = [1216, 0], sizes = [64, 96], strides = [1, 1]} : vector<2048x208xf32> to vector<64x96xf32>
    %slice3A_1096 = vector.extract_strided_slice %get3A_3 {offsets = [1152, 0], sizes = [64, 96], strides = [1, 1]} : vector<2048x208xf32> to vector<64x96xf32>
    %concatenate3A_1097 = tpu.concatenate %slice3A_1096, %slice3A_1095 in 0 : vector<64x96xf32>, vector<64x96xf32> -> vector<128x96xf32>
    %slice3A_1098 = vector.extract_strided_slice %get3A_3 {offsets = [1152, 96], sizes = [64, 96], strides = [1, 1]} : vector<2048x208xf32> to vector<64x96xf32>
    %slice3A_1099 = vector.extract_strided_slice %get3A_3 {offsets = [1216, 96], sizes = [64, 96], strides = [1, 1]} : vector<2048x208xf32> to vector<64x96xf32>
    %concatenate3A_1100 = tpu.concatenate %slice3A_1098, %slice3A_1099 in 0 : vector<64x96xf32>, vector<64x96xf32> -> vector<128x96xf32>
    %slice3A_1101 = vector.extract_strided_slice %get3A_3 {offsets = [1152, 192], sizes = [64, 1], strides = [1, 1]} : vector<2048x208xf32> to vector<64x1xf32>
    %slice3A_1102 = vector.extract_strided_slice %get3A_3 {offsets = [1216, 192], sizes = [64, 1], strides = [1, 1]} : vector<2048x208xf32> to vector<64x1xf32>
    %concatenate3A_1103 = tpu.concatenate %slice3A_1101, %slice3A_1102 in 0 : vector<64x1xf32>, vector<64x1xf32> -> vector<128x1xf32>
    %add3A_1104 = arith.constant 9.99999971E-10 : f32
    %add3A_1105 = vector.broadcast %add3A_1104 : f32 to vector<128x1xf32>
    %add3A_1106 = arith.addf %concatenate3A_1103, %add3A_1105 : vector<128x1xf32>
    %div3A_1107 = vector.broadcast %add3A_1106 : vector<128x1xf32> to vector<128x96xf32>
    %div3A_1108 = arith.divf %concatenate3A_1097, %div3A_1107 : vector<128x96xf32>
    %dot_general3A_1109 = arith.constant dense<0.000000e+00> : vector<64x128xf32>
    %dot_general3A_1110 = tpu.matmul %slice3A_1095, %div3A_1108, %dot_general3A_1109 {dimension_numbers = #tpu.dot_dimension_numbers<[1], [1], [0], [0], [0, 0, 1, 0], [], []>, transpose_lhs_hint = false} : vector<64x96xf32>, vector<128x96xf32>, vector<64x128xf32> -> vector<64x128xf32>
    %mul3A_1111 = arith.constant 0.102062076 : f32
    %mul3A_1112 = vector.broadcast %mul3A_1111 : f32 to vector<64x128xf32>
    %mul3A_1113 = arith.mulf %dot_general3A_1110, %mul3A_1112 : vector<64x128xf32>
    %jit3A_1114 = arith.constant -1.000000e+05 : f32
    %broadcast_in_dim3A_1115 = vector.broadcast %jit3A_1114 : f32 to vector<64x128xf32>
    %select_n3A_1116 = arith.select %eq3A, %broadcast_in_dim3A_1115, %mul3A_1113 : vector<64x128xi1>, vector<64x128xf32>
    %reduce_max3A_1117 = arith.constant dense<0xFF800000> : vector<64xf32>
    %reduce_max3A_1118 = vector.multi_reduction <maximumf>, %select_n3A_1116, %reduce_max3A_1117 [1] : vector<64x128xf32> to vector<64xf32>
    %broadcast_in_dim3A_1119 = vector.shape_cast %reduce_max3A_1118 : vector<64xf32> to vector<64x1xf32>
    %sub3A_1120 = vector.broadcast %broadcast_in_dim3A_1119 : vector<64x1xf32> to vector<64x128xf32>
    %sub3A_1121 = arith.subf %select_n3A_1116, %sub3A_1120 : vector<64x128xf32>
    %exp3A_1122 = math.exp %sub3A_1121 : vector<64x128xf32>
    %reduce_sum3A_1123 = arith.constant dense<0.000000e+00> : vector<64xf32>
    %reduce_sum3A_1124 = vector.multi_reduction <add>, %exp3A_1122, %reduce_sum3A_1123 [1] : vector<64x128xf32> to vector<64xf32>
    %broadcast_in_dim3A_1125 = vector.shape_cast %reduce_sum3A_1124 : vector<64xf32> to vector<64x1xf32>
    %log3A_1126 = math.log %broadcast_in_dim3A_1125 : vector<64x1xf32>
    %add3A_1127 = arith.addf %broadcast_in_dim3A_1119, %log3A_1126 : vector<64x1xf32>
    %sub3A_1128 = vector.broadcast %add3A_1127 : vector<64x1xf32> to vector<64x128xf32>
    %sub3A_1129 = arith.subf %select_n3A_1116, %sub3A_1128 : vector<64x128xf32>
    %exp3A_1130 = math.exp %sub3A_1129 : vector<64x128xf32>
    %dot_general3A_1131 = arith.constant dense<0.000000e+00> : vector<64x96xf32>
    %dot_general3A_1132 = tpu.matmul %exp3A_1130, %concatenate3A_1100, %dot_general3A_1131 {dimension_numbers = #tpu.dot_dimension_numbers<[1], [0], [0], [1], [0, 0, 1, 1], [], []>, transpose_lhs_hint = false} : vector<64x128xf32>, vector<128x96xf32>, vector<64x96xf32> -> vector<64x96xf32>
    %swap3A_1133 = arith.constant 0 : index
    %swap3A_1134 = arith.constant 1216 : index
    %swap3A_1135 = arith.constant 0 : index
    %swap3A_1136 = vector.load %arg2[%swap3A_1133, %swap3A_1134, %swap3A_1135] : memref<1x2048x112xf32, #tpu.memory_space<vmem>>, vector<1x64x96xf32>
    %swap3A_1137 = vector.shape_cast %swap3A_1136 : vector<1x64x96xf32> to vector<64x96xf32>
    %swap3A_1138 = vector.shape_cast %dot_general3A_1132 : vector<64x96xf32> to vector<1x64x96xf32>
    tpu.vector_store %arg2[%swap3A_1133, %swap3A_1134, %swap3A_1135], %swap3A_1138 {strides = array<i32>} : memref<1x2048x112xf32, #tpu.memory_space<vmem>>, vector<1x64x96xf32>,
    %swap3A_1139 = arith.constant 0 : index
    %swap3A_1140 = arith.constant 1216 : index
    %swap3A_1141 = arith.constant 96 : index
    %swap3A_1142 = vector.load %arg2[%swap3A_1139, %swap3A_1140, %swap3A_1141] : memref<1x2048x112xf32, #tpu.memory_space<vmem>>, vector<1x64x1xf32>
    %swap3A_1143 = vector.shape_cast %swap3A_1142 : vector<1x64x1xf32> to vector<64x1xf32>
    %swap3A_1144 = vector.shape_cast %add3A_1127 : vector<64x1xf32> to vector<1x64x1xf32>
    tpu.vector_store %arg2[%swap3A_1139, %swap3A_1140, %swap3A_1141], %swap3A_1144 {strides = array<i32>} : memref<1x2048x112xf32, #tpu.memory_space<vmem>>, vector<1x64x1xf32>,
    %broadcast_in_dim3A_1145 = arith.constant 0.000000e+00 : f32
    %broadcast_in_dim3A_1146 = vector.broadcast %broadcast_in_dim3A_1145 : f32 to vector<64x15xf32>
    %swap3A_1147 = arith.constant 0 : index
    %swap3A_1148 = arith.constant 1216 : index
    %swap3A_1149 = arith.constant 97 : index
    %swap3A_1150 = vector.load %arg2[%swap3A_1147, %swap3A_1148, %swap3A_1149] : memref<1x2048x112xf32, #tpu.memory_space<vmem>>, vector<1x64x15xf32>
    %swap3A_1151 = vector.shape_cast %swap3A_1150 : vector<1x64x15xf32> to vector<64x15xf32>
    %swap3A_1152 = vector.shape_cast %broadcast_in_dim3A_1146 : vector<64x15xf32> to vector<1x64x15xf32>
    tpu.vector_store %arg2[%swap3A_1147, %swap3A_1148, %swap3A_1149], %swap3A_1152 {strides = array<i32>} : memref<1x2048x112xf32, #tpu.memory_space<vmem>>, vector<1x64x15xf32>,
    %slice3A_1153 = vector.extract_strided_slice %get3A_3 {offsets = [1280, 0], sizes = [64, 96], strides = [1, 1]} : vector<2048x208xf32> to vector<64x96xf32>
    %slice3A_1154 = vector.extract_strided_slice %get3A_3 {offsets = [1216, 0], sizes = [64, 96], strides = [1, 1]} : vector<2048x208xf32> to vector<64x96xf32>
    %concatenate3A_1155 = tpu.concatenate %slice3A_1154, %slice3A_1153 in 0 : vector<64x96xf32>, vector<64x96xf32> -> vector<128x96xf32>
    %slice3A_1156 = vector.extract_strided_slice %get3A_3 {offsets = [1216, 96], sizes = [64, 96], strides = [1, 1]} : vector<2048x208xf32> to vector<64x96xf32>
    %slice3A_1157 = vector.extract_strided_slice %get3A_3 {offsets = [1280, 96], sizes = [64, 96], strides = [1, 1]} : vector<2048x208xf32> to vector<64x96xf32>
    %concatenate3A_1158 = tpu.concatenate %slice3A_1156, %slice3A_1157 in 0 : vector<64x96xf32>, vector<64x96xf32> -> vector<128x96xf32>
    %slice3A_1159 = vector.extract_strided_slice %get3A_3 {offsets = [1216, 192], sizes = [64, 1], strides = [1, 1]} : vector<2048x208xf32> to vector<64x1xf32>
    %slice3A_1160 = vector.extract_strided_slice %get3A_3 {offsets = [1280, 192], sizes = [64, 1], strides = [1, 1]} : vector<2048x208xf32> to vector<64x1xf32>
    %concatenate3A_1161 = tpu.concatenate %slice3A_1159, %slice3A_1160 in 0 : vector<64x1xf32>, vector<64x1xf32> -> vector<128x1xf32>
    %add3A_1162 = arith.constant 9.99999971E-10 : f32
    %add3A_1163 = vector.broadcast %add3A_1162 : f32 to vector<128x1xf32>
    %add3A_1164 = arith.addf %concatenate3A_1161, %add3A_1163 : vector<128x1xf32>
    %div3A_1165 = vector.broadcast %add3A_1164 : vector<128x1xf32> to vector<128x96xf32>
    %div3A_1166 = arith.divf %concatenate3A_1155, %div3A_1165 : vector<128x96xf32>
    %dot_general3A_1167 = arith.constant dense<0.000000e+00> : vector<64x128xf32>
    %dot_general3A_1168 = tpu.matmul %slice3A_1153, %div3A_1166, %dot_general3A_1167 {dimension_numbers = #tpu.dot_dimension_numbers<[1], [1], [0], [0], [0, 0, 1, 0], [], []>, transpose_lhs_hint = false} : vector<64x96xf32>, vector<128x96xf32>, vector<64x128xf32> -> vector<64x128xf32>
    %mul3A_1169 = arith.constant 0.102062076 : f32
    %mul3A_1170 = vector.broadcast %mul3A_1169 : f32 to vector<64x128xf32>
    %mul3A_1171 = arith.mulf %dot_general3A_1168, %mul3A_1170 : vector<64x128xf32>
    %jit3A_1172 = arith.constant -1.000000e+05 : f32
    %broadcast_in_dim3A_1173 = vector.broadcast %jit3A_1172 : f32 to vector<64x128xf32>
    %select_n3A_1174 = arith.select %eq3A, %broadcast_in_dim3A_1173, %mul3A_1171 : vector<64x128xi1>, vector<64x128xf32>
    %reduce_max3A_1175 = arith.constant dense<0xFF800000> : vector<64xf32>
    %reduce_max3A_1176 = vector.multi_reduction <maximumf>, %select_n3A_1174, %reduce_max3A_1175 [1] : vector<64x128xf32> to vector<64xf32>
    %broadcast_in_dim3A_1177 = vector.shape_cast %reduce_max3A_1176 : vector<64xf32> to vector<64x1xf32>
    %sub3A_1178 = vector.broadcast %broadcast_in_dim3A_1177 : vector<64x1xf32> to vector<64x128xf32>
    %sub3A_1179 = arith.subf %select_n3A_1174, %sub3A_1178 : vector<64x128xf32>
    %exp3A_1180 = math.exp %sub3A_1179 : vector<64x128xf32>
    %reduce_sum3A_1181 = arith.constant dense<0.000000e+00> : vector<64xf32>
    %reduce_sum3A_1182 = vector.multi_reduction <add>, %exp3A_1180, %reduce_sum3A_1181 [1] : vector<64x128xf32> to vector<64xf32>
    %broadcast_in_dim3A_1183 = vector.shape_cast %reduce_sum3A_1182 : vector<64xf32> to vector<64x1xf32>
    %log3A_1184 = math.log %broadcast_in_dim3A_1183 : vector<64x1xf32>
    %add3A_1185 = arith.addf %broadcast_in_dim3A_1177, %log3A_1184 : vector<64x1xf32>
    %sub3A_1186 = vector.broadcast %add3A_1185 : vector<64x1xf32> to vector<64x128xf32>
    %sub3A_1187 = arith.subf %select_n3A_1174, %sub3A_1186 : vector<64x128xf32>
    %exp3A_1188 = math.exp %sub3A_1187 : vector<64x128xf32>
    %dot_general3A_1189 = arith.constant dense<0.000000e+00> : vector<64x96xf32>
    %dot_general3A_1190 = tpu.matmul %exp3A_1188, %concatenate3A_1158, %dot_general3A_1189 {dimension_numbers = #tpu.dot_dimension_numbers<[1], [0], [0], [1], [0, 0, 1, 1], [], []>, transpose_lhs_hint = false} : vector<64x128xf32>, vector<128x96xf32>, vector<64x96xf32> -> vector<64x96xf32>
    %swap3A_1191 = arith.constant 0 : index
    %swap3A_1192 = arith.constant 1280 : index
    %swap3A_1193 = arith.constant 0 : index
    %swap3A_1194 = vector.load %arg2[%swap3A_1191, %swap3A_1192, %swap3A_1193] : memref<1x2048x112xf32, #tpu.memory_space<vmem>>, vector<1x64x96xf32>
    %swap3A_1195 = vector.shape_cast %swap3A_1194 : vector<1x64x96xf32> to vector<64x96xf32>
    %swap3A_1196 = vector.shape_cast %dot_general3A_1190 : vector<64x96xf32> to vector<1x64x96xf32>
    tpu.vector_store %arg2[%swap3A_1191, %swap3A_1192, %swap3A_1193], %swap3A_1196 {strides = array<i32>} : memref<1x2048x112xf32, #tpu.memory_space<vmem>>, vector<1x64x96xf32>,
    %swap3A_1197 = arith.constant 0 : index
    %swap3A_1198 = arith.constant 1280 : index
    %swap3A_1199 = arith.constant 96 : index
    %swap3A_1200 = vector.load %arg2[%swap3A_1197, %swap3A_1198, %swap3A_1199] : memref<1x2048x112xf32, #tpu.memory_space<vmem>>, vector<1x64x1xf32>
    %swap3A_1201 = vector.shape_cast %swap3A_1200 : vector<1x64x1xf32> to vector<64x1xf32>
    %swap3A_1202 = vector.shape_cast %add3A_1185 : vector<64x1xf32> to vector<1x64x1xf32>
    tpu.vector_store %arg2[%swap3A_1197, %swap3A_1198, %swap3A_1199], %swap3A_1202 {strides = array<i32>} : memref<1x2048x112xf32, #tpu.memory_space<vmem>>, vector<1x64x1xf32>,
    %broadcast_in_dim3A_1203 = arith.constant 0.000000e+00 : f32
    %broadcast_in_dim3A_1204 = vector.broadcast %broadcast_in_dim3A_1203 : f32 to vector<64x15xf32>
    %swap3A_1205 = arith.constant 0 : index
    %swap3A_1206 = arith.constant 1280 : index
    %swap3A_1207 = arith.constant 97 : index
    %swap3A_1208 = vector.load %arg2[%swap3A_1205, %swap3A_1206, %swap3A_1207] : memref<1x2048x112xf32, #tpu.memory_space<vmem>>, vector<1x64x15xf32>
    %swap3A_1209 = vector.shape_cast %swap3A_1208 : vector<1x64x15xf32> to vector<64x15xf32>
    %swap3A_1210 = vector.shape_cast %broadcast_in_dim3A_1204 : vector<64x15xf32> to vector<1x64x15xf32>
    tpu.vector_store %arg2[%swap3A_1205, %swap3A_1206, %swap3A_1207], %swap3A_1210 {strides = array<i32>} : memref<1x2048x112xf32, #tpu.memory_space<vmem>>, vector<1x64x15xf32>,
    %slice3A_1211 = vector.extract_strided_slice %get3A_3 {offsets = [1344, 0], sizes = [64, 96], strides = [1, 1]} : vector<2048x208xf32> to vector<64x96xf32>
    %slice3A_1212 = vector.extract_strided_slice %get3A_3 {offsets = [1280, 0], sizes = [64, 96], strides = [1, 1]} : vector<2048x208xf32> to vector<64x96xf32>
    %concatenate3A_1213 = tpu.concatenate %slice3A_1212, %slice3A_1211 in 0 : vector<64x96xf32>, vector<64x96xf32> -> vector<128x96xf32>
    %slice3A_1214 = vector.extract_strided_slice %get3A_3 {offsets = [1280, 96], sizes = [64, 96], strides = [1, 1]} : vector<2048x208xf32> to vector<64x96xf32>
    %slice3A_1215 = vector.extract_strided_slice %get3A_3 {offsets = [1344, 96], sizes = [64, 96], strides = [1, 1]} : vector<2048x208xf32> to vector<64x96xf32>
    %concatenate3A_1216 = tpu.concatenate %slice3A_1214, %slice3A_1215 in 0 : vector<64x96xf32>, vector<64x96xf32> -> vector<128x96xf32>
    %slice3A_1217 = vector.extract_strided_slice %get3A_3 {offsets = [1280, 192], sizes = [64, 1], strides = [1, 1]} : vector<2048x208xf32> to vector<64x1xf32>
    %slice3A_1218 = vector.extract_strided_slice %get3A_3 {offsets = [1344, 192], sizes = [64, 1], strides = [1, 1]} : vector<2048x208xf32> to vector<64x1xf32>
    %concatenate3A_1219 = tpu.concatenate %slice3A_1217, %slice3A_1218 in 0 : vector<64x1xf32>, vector<64x1xf32> -> vector<128x1xf32>
    %add3A_1220 = arith.constant 9.99999971E-10 : f32
    %add3A_1221 = vector.broadcast %add3A_1220 : f32 to vector<128x1xf32>
    %add3A_1222 = arith.addf %concatenate3A_1219, %add3A_1221 : vector<128x1xf32>
    %div3A_1223 = vector.broadcast %add3A_1222 : vector<128x1xf32> to vector<128x96xf32>
    %div3A_1224 = arith.divf %concatenate3A_1213, %div3A_1223 : vector<128x96xf32>
    %dot_general3A_1225 = arith.constant dense<0.000000e+00> : vector<64x128xf32>
    %dot_general3A_1226 = tpu.matmul %slice3A_1211, %div3A_1224, %dot_general3A_1225 {dimension_numbers = #tpu.dot_dimension_numbers<[1], [1], [0], [0], [0, 0, 1, 0], [], []>, transpose_lhs_hint = false} : vector<64x96xf32>, vector<128x96xf32>, vector<64x128xf32> -> vector<64x128xf32>
    %mul3A_1227 = arith.constant 0.102062076 : f32
    %mul3A_1228 = vector.broadcast %mul3A_1227 : f32 to vector<64x128xf32>
    %mul3A_1229 = arith.mulf %dot_general3A_1226, %mul3A_1228 : vector<64x128xf32>
    %jit3A_1230 = arith.constant -1.000000e+05 : f32
    %broadcast_in_dim3A_1231 = vector.broadcast %jit3A_1230 : f32 to vector<64x128xf32>
    %select_n3A_1232 = arith.select %eq3A, %broadcast_in_dim3A_1231, %mul3A_1229 : vector<64x128xi1>, vector<64x128xf32>
    %reduce_max3A_1233 = arith.constant dense<0xFF800000> : vector<64xf32>
    %reduce_max3A_1234 = vector.multi_reduction <maximumf>, %select_n3A_1232, %reduce_max3A_1233 [1] : vector<64x128xf32> to vector<64xf32>
    %broadcast_in_dim3A_1235 = vector.shape_cast %reduce_max3A_1234 : vector<64xf32> to vector<64x1xf32>
    %sub3A_1236 = vector.broadcast %broadcast_in_dim3A_1235 : vector<64x1xf32> to vector<64x128xf32>
    %sub3A_1237 = arith.subf %select_n3A_1232, %sub3A_1236 : vector<64x128xf32>
    %exp3A_1238 = math.exp %sub3A_1237 : vector<64x128xf32>
    %reduce_sum3A_1239 = arith.constant dense<0.000000e+00> : vector<64xf32>
    %reduce_sum3A_1240 = vector.multi_reduction <add>, %exp3A_1238, %reduce_sum3A_1239 [1] : vector<64x128xf32> to vector<64xf32>
    %broadcast_in_dim3A_1241 = vector.shape_cast %reduce_sum3A_1240 : vector<64xf32> to vector<64x1xf32>
    %log3A_1242 = math.log %broadcast_in_dim3A_1241 : vector<64x1xf32>
    %add3A_1243 = arith.addf %broadcast_in_dim3A_1235, %log3A_1242 : vector<64x1xf32>
    %sub3A_1244 = vector.broadcast %add3A_1243 : vector<64x1xf32> to vector<64x128xf32>
    %sub3A_1245 = arith.subf %select_n3A_1232, %sub3A_1244 : vector<64x128xf32>
    %exp3A_1246 = math.exp %sub3A_1245 : vector<64x128xf32>
    %dot_general3A_1247 = arith.constant dense<0.000000e+00> : vector<64x96xf32>
    %dot_general3A_1248 = tpu.matmul %exp3A_1246, %concatenate3A_1216, %dot_general3A_1247 {dimension_numbers = #tpu.dot_dimension_numbers<[1], [0], [0], [1], [0, 0, 1, 1], [], []>, transpose_lhs_hint = false} : vector<64x128xf32>, vector<128x96xf32>, vector<64x96xf32> -> vector<64x96xf32>
    %swap3A_1249 = arith.constant 0 : index
    %swap3A_1250 = arith.constant 1344 : index
    %swap3A_1251 = arith.constant 0 : index
    %swap3A_1252 = vector.load %arg2[%swap3A_1249, %swap3A_1250, %swap3A_1251] : memref<1x2048x112xf32, #tpu.memory_space<vmem>>, vector<1x64x96xf32>
    %swap3A_1253 = vector.shape_cast %swap3A_1252 : vector<1x64x96xf32> to vector<64x96xf32>
    %swap3A_1254 = vector.shape_cast %dot_general3A_1248 : vector<64x96xf32> to vector<1x64x96xf32>
    tpu.vector_store %arg2[%swap3A_1249, %swap3A_1250, %swap3A_1251], %swap3A_1254 {strides = array<i32>} : memref<1x2048x112xf32, #tpu.memory_space<vmem>>, vector<1x64x96xf32>,
    %swap3A_1255 = arith.constant 0 : index
    %swap3A_1256 = arith.constant 1344 : index
    %swap3A_1257 = arith.constant 96 : index
    %swap3A_1258 = vector.load %arg2[%swap3A_1255, %swap3A_1256, %swap3A_1257] : memref<1x2048x112xf32, #tpu.memory_space<vmem>>, vector<1x64x1xf32>
    %swap3A_1259 = vector.shape_cast %swap3A_1258 : vector<1x64x1xf32> to vector<64x1xf32>
    %swap3A_1260 = vector.shape_cast %add3A_1243 : vector<64x1xf32> to vector<1x64x1xf32>
    tpu.vector_store %arg2[%swap3A_1255, %swap3A_1256, %swap3A_1257], %swap3A_1260 {strides = array<i32>} : memref<1x2048x112xf32, #tpu.memory_space<vmem>>, vector<1x64x1xf32>,
    %broadcast_in_dim3A_1261 = arith.constant 0.000000e+00 : f32
    %broadcast_in_dim3A_1262 = vector.broadcast %broadcast_in_dim3A_1261 : f32 to vector<64x15xf32>
    %swap3A_1263 = arith.constant 0 : index
    %swap3A_1264 = arith.constant 1344 : index
    %swap3A_1265 = arith.constant 97 : index
    %swap3A_1266 = vector.load %arg2[%swap3A_1263, %swap3A_1264, %swap3A_1265] : memref<1x2048x112xf32, #tpu.memory_space<vmem>>, vector<1x64x15xf32>
    %swap3A_1267 = vector.shape_cast %swap3A_1266 : vector<1x64x15xf32> to vector<64x15xf32>
    %swap3A_1268 = vector.shape_cast %broadcast_in_dim3A_1262 : vector<64x15xf32> to vector<1x64x15xf32>
    tpu.vector_store %arg2[%swap3A_1263, %swap3A_1264, %swap3A_1265], %swap3A_1268 {strides = array<i32>} : memref<1x2048x112xf32, #tpu.memory_space<vmem>>, vector<1x64x15xf32>,
    %slice3A_1269 = vector.extract_strided_slice %get3A_3 {offsets = [1408, 0], sizes = [64, 96], strides = [1, 1]} : vector<2048x208xf32> to vector<64x96xf32>
    %slice3A_1270 = vector.extract_strided_slice %get3A_3 {offsets = [1344, 0], sizes = [64, 96], strides = [1, 1]} : vector<2048x208xf32> to vector<64x96xf32>
    %concatenate3A_1271 = tpu.concatenate %slice3A_1270, %slice3A_1269 in 0 : vector<64x96xf32>, vector<64x96xf32> -> vector<128x96xf32>
    %slice3A_1272 = vector.extract_strided_slice %get3A_3 {offsets = [1344, 96], sizes = [64, 96], strides = [1, 1]} : vector<2048x208xf32> to vector<64x96xf32>
    %slice3A_1273 = vector.extract_strided_slice %get3A_3 {offsets = [1408, 96], sizes = [64, 96], strides = [1, 1]} : vector<2048x208xf32> to vector<64x96xf32>
    %concatenate3A_1274 = tpu.concatenate %slice3A_1272, %slice3A_1273 in 0 : vector<64x96xf32>, vector<64x96xf32> -> vector<128x96xf32>
    %slice3A_1275 = vector.extract_strided_slice %get3A_3 {offsets = [1344, 192], sizes = [64, 1], strides = [1, 1]} : vector<2048x208xf32> to vector<64x1xf32>
    %slice3A_1276 = vector.extract_strided_slice %get3A_3 {offsets = [1408, 192], sizes = [64, 1], strides = [1, 1]} : vector<2048x208xf32> to vector<64x1xf32>
    %concatenate3A_1277 = tpu.concatenate %slice3A_1275, %slice3A_1276 in 0 : vector<64x1xf32>, vector<64x1xf32> -> vector<128x1xf32>
    %add3A_1278 = arith.constant 9.99999971E-10 : f32
    %add3A_1279 = vector.broadcast %add3A_1278 : f32 to vector<128x1xf32>
    %add3A_1280 = arith.addf %concatenate3A_1277, %add3A_1279 : vector<128x1xf32>
    %div3A_1281 = vector.broadcast %add3A_1280 : vector<128x1xf32> to vector<128x96xf32>
    %div3A_1282 = arith.divf %concatenate3A_1271, %div3A_1281 : vector<128x96xf32>
    %dot_general3A_1283 = arith.constant dense<0.000000e+00> : vector<64x128xf32>
    %dot_general3A_1284 = tpu.matmul %slice3A_1269, %div3A_1282, %dot_general3A_1283 {dimension_numbers = #tpu.dot_dimension_numbers<[1], [1], [0], [0], [0, 0, 1, 0], [], []>, transpose_lhs_hint = false} : vector<64x96xf32>, vector<128x96xf32>, vector<64x128xf32> -> vector<64x128xf32>
    %mul3A_1285 = arith.constant 0.102062076 : f32
    %mul3A_1286 = vector.broadcast %mul3A_1285 : f32 to vector<64x128xf32>
    %mul3A_1287 = arith.mulf %dot_general3A_1284, %mul3A_1286 : vector<64x128xf32>
    %jit3A_1288 = arith.constant -1.000000e+05 : f32
    %broadcast_in_dim3A_1289 = vector.broadcast %jit3A_1288 : f32 to vector<64x128xf32>
    %select_n3A_1290 = arith.select %eq3A, %broadcast_in_dim3A_1289, %mul3A_1287 : vector<64x128xi1>, vector<64x128xf32>
    %reduce_max3A_1291 = arith.constant dense<0xFF800000> : vector<64xf32>
    %reduce_max3A_1292 = vector.multi_reduction <maximumf>, %select_n3A_1290, %reduce_max3A_1291 [1] : vector<64x128xf32> to vector<64xf32>
    %broadcast_in_dim3A_1293 = vector.shape_cast %reduce_max3A_1292 : vector<64xf32> to vector<64x1xf32>
    %sub3A_1294 = vector.broadcast %broadcast_in_dim3A_1293 : vector<64x1xf32> to vector<64x128xf32>
    %sub3A_1295 = arith.subf %select_n3A_1290, %sub3A_1294 : vector<64x128xf32>
    %exp3A_1296 = math.exp %sub3A_1295 : vector<64x128xf32>
    %reduce_sum3A_1297 = arith.constant dense<0.000000e+00> : vector<64xf32>
    %reduce_sum3A_1298 = vector.multi_reduction <add>, %exp3A_1296, %reduce_sum3A_1297 [1] : vector<64x128xf32> to vector<64xf32>
    %broadcast_in_dim3A_1299 = vector.shape_cast %reduce_sum3A_1298 : vector<64xf32> to vector<64x1xf32>
    %log3A_1300 = math.log %broadcast_in_dim3A_1299 : vector<64x1xf32>
    %add3A_1301 = arith.addf %broadcast_in_dim3A_1293, %log3A_1300 : vector<64x1xf32>
    %sub3A_1302 = vector.broadcast %add3A_1301 : vector<64x1xf32> to vector<64x128xf32>
    %sub3A_1303 = arith.subf %select_n3A_1290, %sub3A_1302 : vector<64x128xf32>
    %exp3A_1304 = math.exp %sub3A_1303 : vector<64x128xf32>
    %dot_general3A_1305 = arith.constant dense<0.000000e+00> : vector<64x96xf32>
    %dot_general3A_1306 = tpu.matmul %exp3A_1304, %concatenate3A_1274, %dot_general3A_1305 {dimension_numbers = #tpu.dot_dimension_numbers<[1], [0], [0], [1], [0, 0, 1, 1], [], []>, transpose_lhs_hint = false} : vector<64x128xf32>, vector<128x96xf32>, vector<64x96xf32> -> vector<64x96xf32>
    %swap3A_1307 = arith.constant 0 : index
    %swap3A_1308 = arith.constant 1408 : index
    %swap3A_1309 = arith.constant 0 : index
    %swap3A_1310 = vector.load %arg2[%swap3A_1307, %swap3A_1308, %swap3A_1309] : memref<1x2048x112xf32, #tpu.memory_space<vmem>>, vector<1x64x96xf32>
    %swap3A_1311 = vector.shape_cast %swap3A_1310 : vector<1x64x96xf32> to vector<64x96xf32>
    %swap3A_1312 = vector.shape_cast %dot_general3A_1306 : vector<64x96xf32> to vector<1x64x96xf32>
    tpu.vector_store %arg2[%swap3A_1307, %swap3A_1308, %swap3A_1309], %swap3A_1312 {strides = array<i32>} : memref<1x2048x112xf32, #tpu.memory_space<vmem>>, vector<1x64x96xf32>,
    %swap3A_1313 = arith.constant 0 : index
    %swap3A_1314 = arith.constant 1408 : index
    %swap3A_1315 = arith.constant 96 : index
    %swap3A_1316 = vector.load %arg2[%swap3A_1313, %swap3A_1314, %swap3A_1315] : memref<1x2048x112xf32, #tpu.memory_space<vmem>>, vector<1x64x1xf32>
    %swap3A_1317 = vector.shape_cast %swap3A_1316 : vector<1x64x1xf32> to vector<64x1xf32>
    %swap3A_1318 = vector.shape_cast %add3A_1301 : vector<64x1xf32> to vector<1x64x1xf32>
    tpu.vector_store %arg2[%swap3A_1313, %swap3A_1314, %swap3A_1315], %swap3A_1318 {strides = array<i32>} : memref<1x2048x112xf32, #tpu.memory_space<vmem>>, vector<1x64x1xf32>,
    %broadcast_in_dim3A_1319 = arith.constant 0.000000e+00 : f32
    %broadcast_in_dim3A_1320 = vector.broadcast %broadcast_in_dim3A_1319 : f32 to vector<64x15xf32>
    %swap3A_1321 = arith.constant 0 : index
    %swap3A_1322 = arith.constant 1408 : index
    %swap3A_1323 = arith.constant 97 : index
    %swap3A_1324 = vector.load %arg2[%swap3A_1321, %swap3A_1322, %swap3A_1323] : memref<1x2048x112xf32, #tpu.memory_space<vmem>>, vector<1x64x15xf32>
    %swap3A_1325 = vector.shape_cast %swap3A_1324 : vector<1x64x15xf32> to vector<64x15xf32>
    %swap3A_1326 = vector.shape_cast %broadcast_in_dim3A_1320 : vector<64x15xf32> to vector<1x64x15xf32>
    tpu.vector_store %arg2[%swap3A_1321, %swap3A_1322, %swap3A_1323], %swap3A_1326 {strides = array<i32>} : memref<1x2048x112xf32, #tpu.memory_space<vmem>>, vector<1x64x15xf32>,
    %slice3A_1327 = vector.extract_strided_slice %get3A_3 {offsets = [1472, 0], sizes = [64, 96], strides = [1, 1]} : vector<2048x208xf32> to vector<64x96xf32>
    %slice3A_1328 = vector.extract_strided_slice %get3A_3 {offsets = [1408, 0], sizes = [64, 96], strides = [1, 1]} : vector<2048x208xf32> to vector<64x96xf32>
    %concatenate3A_1329 = tpu.concatenate %slice3A_1328, %slice3A_1327 in 0 : vector<64x96xf32>, vector<64x96xf32> -> vector<128x96xf32>
    %slice3A_1330 = vector.extract_strided_slice %get3A_3 {offsets = [1408, 96], sizes = [64, 96], strides = [1, 1]} : vector<2048x208xf32> to vector<64x96xf32>
    %slice3A_1331 = vector.extract_strided_slice %get3A_3 {offsets = [1472, 96], sizes = [64, 96], strides = [1, 1]} : vector<2048x208xf32> to vector<64x96xf32>
    %concatenate3A_1332 = tpu.concatenate %slice3A_1330, %slice3A_1331 in 0 : vector<64x96xf32>, vector<64x96xf32> -> vector<128x96xf32>
    %slice3A_1333 = vector.extract_strided_slice %get3A_3 {offsets = [1408, 192], sizes = [64, 1], strides = [1, 1]} : vector<2048x208xf32> to vector<64x1xf32>
    %slice3A_1334 = vector.extract_strided_slice %get3A_3 {offsets = [1472, 192], sizes = [64, 1], strides = [1, 1]} : vector<2048x208xf32> to vector<64x1xf32>
    %concatenate3A_1335 = tpu.concatenate %slice3A_1333, %slice3A_1334 in 0 : vector<64x1xf32>, vector<64x1xf32> -> vector<128x1xf32>
    %add3A_1336 = arith.constant 9.99999971E-10 : f32
    %add3A_1337 = vector.broadcast %add3A_1336 : f32 to vector<128x1xf32>
    %add3A_1338 = arith.addf %concatenate3A_1335, %add3A_1337 : vector<128x1xf32>
    %div3A_1339 = vector.broadcast %add3A_1338 : vector<128x1xf32> to vector<128x96xf32>
    %div3A_1340 = arith.divf %concatenate3A_1329, %div3A_1339 : vector<128x96xf32>
    %dot_general3A_1341 = arith.constant dense<0.000000e+00> : vector<64x128xf32>
    %dot_general3A_1342 = tpu.matmul %slice3A_1327, %div3A_1340, %dot_general3A_1341 {dimension_numbers = #tpu.dot_dimension_numbers<[1], [1], [0], [0], [0, 0, 1, 0], [], []>, transpose_lhs_hint = false} : vector<64x96xf32>, vector<128x96xf32>, vector<64x128xf32> -> vector<64x128xf32>
    %mul3A_1343 = arith.constant 0.102062076 : f32
    %mul3A_1344 = vector.broadcast %mul3A_1343 : f32 to vector<64x128xf32>
    %mul3A_1345 = arith.mulf %dot_general3A_1342, %mul3A_1344 : vector<64x128xf32>
    %jit3A_1346 = arith.constant -1.000000e+05 : f32
    %broadcast_in_dim3A_1347 = vector.broadcast %jit3A_1346 : f32 to vector<64x128xf32>
    %select_n3A_1348 = arith.select %eq3A, %broadcast_in_dim3A_1347, %mul3A_1345 : vector<64x128xi1>, vector<64x128xf32>
    %reduce_max3A_1349 = arith.constant dense<0xFF800000> : vector<64xf32>
    %reduce_max3A_1350 = vector.multi_reduction <maximumf>, %select_n3A_1348, %reduce_max3A_1349 [1] : vector<64x128xf32> to vector<64xf32>
    %broadcast_in_dim3A_1351 = vector.shape_cast %reduce_max3A_1350 : vector<64xf32> to vector<64x1xf32>
    %sub3A_1352 = vector.broadcast %broadcast_in_dim3A_1351 : vector<64x1xf32> to vector<64x128xf32>
    %sub3A_1353 = arith.subf %select_n3A_1348, %sub3A_1352 : vector<64x128xf32>
    %exp3A_1354 = math.exp %sub3A_1353 : vector<64x128xf32>
    %reduce_sum3A_1355 = arith.constant dense<0.000000e+00> : vector<64xf32>
    %reduce_sum3A_1356 = vector.multi_reduction <add>, %exp3A_1354, %reduce_sum3A_1355 [1] : vector<64x128xf32> to vector<64xf32>
    %broadcast_in_dim3A_1357 = vector.shape_cast %reduce_sum3A_1356 : vector<64xf32> to vector<64x1xf32>
    %log3A_1358 = math.log %broadcast_in_dim3A_1357 : vector<64x1xf32>
    %add3A_1359 = arith.addf %broadcast_in_dim3A_1351, %log3A_1358 : vector<64x1xf32>
    %sub3A_1360 = vector.broadcast %add3A_1359 : vector<64x1xf32> to vector<64x128xf32>
    %sub3A_1361 = arith.subf %select_n3A_1348, %sub3A_1360 : vector<64x128xf32>
    %exp3A_1362 = math.exp %sub3A_1361 : vector<64x128xf32>
    %dot_general3A_1363 = arith.constant dense<0.000000e+00> : vector<64x96xf32>
    %dot_general3A_1364 = tpu.matmul %exp3A_1362, %concatenate3A_1332, %dot_general3A_1363 {dimension_numbers = #tpu.dot_dimension_numbers<[1], [0], [0], [1], [0, 0, 1, 1], [], []>, transpose_lhs_hint = false} : vector<64x128xf32>, vector<128x96xf32>, vector<64x96xf32> -> vector<64x96xf32>
    %swap3A_1365 = arith.constant 0 : index
    %swap3A_1366 = arith.constant 1472 : index
    %swap3A_1367 = arith.constant 0 : index
    %swap3A_1368 = vector.load %arg2[%swap3A_1365, %swap3A_1366, %swap3A_1367] : memref<1x2048x112xf32, #tpu.memory_space<vmem>>, vector<1x64x96xf32>
    %swap3A_1369 = vector.shape_cast %swap3A_1368 : vector<1x64x96xf32> to vector<64x96xf32>
    %swap3A_1370 = vector.shape_cast %dot_general3A_1364 : vector<64x96xf32> to vector<1x64x96xf32>
    tpu.vector_store %arg2[%swap3A_1365, %swap3A_1366, %swap3A_1367], %swap3A_1370 {strides = array<i32>} : memref<1x2048x112xf32, #tpu.memory_space<vmem>>, vector<1x64x96xf32>,
    %swap3A_1371 = arith.constant 0 : index
    %swap3A_1372 = arith.constant 1472 : index
    %swap3A_1373 = arith.constant 96 : index
    %swap3A_1374 = vector.load %arg2[%swap3A_1371, %swap3A_1372, %swap3A_1373] : memref<1x2048x112xf32, #tpu.memory_space<vmem>>, vector<1x64x1xf32>
    %swap3A_1375 = vector.shape_cast %swap3A_1374 : vector<1x64x1xf32> to vector<64x1xf32>
    %swap3A_1376 = vector.shape_cast %add3A_1359 : vector<64x1xf32> to vector<1x64x1xf32>
    tpu.vector_store %arg2[%swap3A_1371, %swap3A_1372, %swap3A_1373], %swap3A_1376 {strides = array<i32>} : memref<1x2048x112xf32, #tpu.memory_space<vmem>>, vector<1x64x1xf32>,
    %broadcast_in_dim3A_1377 = arith.constant 0.000000e+00 : f32
    %broadcast_in_dim3A_1378 = vector.broadcast %broadcast_in_dim3A_1377 : f32 to vector<64x15xf32>
    %swap3A_1379 = arith.constant 0 : index
    %swap3A_1380 = arith.constant 1472 : index
    %swap3A_1381 = arith.constant 97 : index
    %swap3A_1382 = vector.load %arg2[%swap3A_1379, %swap3A_1380, %swap3A_1381] : memref<1x2048x112xf32, #tpu.memory_space<vmem>>, vector<1x64x15xf32>
    %swap3A_1383 = vector.shape_cast %swap3A_1382 : vector<1x64x15xf32> to vector<64x15xf32>
    %swap3A_1384 = vector.shape_cast %broadcast_in_dim3A_1378 : vector<64x15xf32> to vector<1x64x15xf32>
    tpu.vector_store %arg2[%swap3A_1379, %swap3A_1380, %swap3A_1381], %swap3A_1384 {strides = array<i32>} : memref<1x2048x112xf32, #tpu.memory_space<vmem>>, vector<1x64x15xf32>,
    %slice3A_1385 = vector.extract_strided_slice %get3A_3 {offsets = [1536, 0], sizes = [64, 96], strides = [1, 1]} : vector<2048x208xf32> to vector<64x96xf32>
    %slice3A_1386 = vector.extract_strided_slice %get3A_3 {offsets = [1472, 0], sizes = [64, 96], strides = [1, 1]} : vector<2048x208xf32> to vector<64x96xf32>
    %concatenate3A_1387 = tpu.concatenate %slice3A_1386, %slice3A_1385 in 0 : vector<64x96xf32>, vector<64x96xf32> -> vector<128x96xf32>
    %slice3A_1388 = vector.extract_strided_slice %get3A_3 {offsets = [1472, 96], sizes = [64, 96], strides = [1, 1]} : vector<2048x208xf32> to vector<64x96xf32>
    %slice3A_1389 = vector.extract_strided_slice %get3A_3 {offsets = [1536, 96], sizes = [64, 96], strides = [1, 1]} : vector<2048x208xf32> to vector<64x96xf32>
    %concatenate3A_1390 = tpu.concatenate %slice3A_1388, %slice3A_1389 in 0 : vector<64x96xf32>, vector<64x96xf32> -> vector<128x96xf32>
    %slice3A_1391 = vector.extract_strided_slice %get3A_3 {offsets = [1472, 192], sizes = [64, 1], strides = [1, 1]} : vector<2048x208xf32> to vector<64x1xf32>
    %slice3A_1392 = vector.extract_strided_slice %get3A_3 {offsets = [1536, 192], sizes = [64, 1], strides = [1, 1]} : vector<2048x208xf32> to vector<64x1xf32>
    %concatenate3A_1393 = tpu.concatenate %slice3A_1391, %slice3A_1392 in 0 : vector<64x1xf32>, vector<64x1xf32> -> vector<128x1xf32>
    %add3A_1394 = arith.constant 9.99999971E-10 : f32
    %add3A_1395 = vector.broadcast %add3A_1394 : f32 to vector<128x1xf32>
    %add3A_1396 = arith.addf %concatenate3A_1393, %add3A_1395 : vector<128x1xf32>
    %div3A_1397 = vector.broadcast %add3A_1396 : vector<128x1xf32> to vector<128x96xf32>
    %div3A_1398 = arith.divf %concatenate3A_1387, %div3A_1397 : vector<128x96xf32>
    %dot_general3A_1399 = arith.constant dense<0.000000e+00> : vector<64x128xf32>
    %dot_general3A_1400 = tpu.matmul %slice3A_1385, %div3A_1398, %dot_general3A_1399 {dimension_numbers = #tpu.dot_dimension_numbers<[1], [1], [0], [0], [0, 0, 1, 0], [], []>, transpose_lhs_hint = false} : vector<64x96xf32>, vector<128x96xf32>, vector<64x128xf32> -> vector<64x128xf32>
    %mul3A_1401 = arith.constant 0.102062076 : f32
    %mul3A_1402 = vector.broadcast %mul3A_1401 : f32 to vector<64x128xf32>
    %mul3A_1403 = arith.mulf %dot_general3A_1400, %mul3A_1402 : vector<64x128xf32>
    %jit3A_1404 = arith.constant -1.000000e+05 : f32
    %broadcast_in_dim3A_1405 = vector.broadcast %jit3A_1404 : f32 to vector<64x128xf32>
    %select_n3A_1406 = arith.select %eq3A, %broadcast_in_dim3A_1405, %mul3A_1403 : vector<64x128xi1>, vector<64x128xf32>
    %reduce_max3A_1407 = arith.constant dense<0xFF800000> : vector<64xf32>
    %reduce_max3A_1408 = vector.multi_reduction <maximumf>, %select_n3A_1406, %reduce_max3A_1407 [1] : vector<64x128xf32> to vector<64xf32>
    %broadcast_in_dim3A_1409 = vector.shape_cast %reduce_max3A_1408 : vector<64xf32> to vector<64x1xf32>
    %sub3A_1410 = vector.broadcast %broadcast_in_dim3A_1409 : vector<64x1xf32> to vector<64x128xf32>
    %sub3A_1411 = arith.subf %select_n3A_1406, %sub3A_1410 : vector<64x128xf32>
    %exp3A_1412 = math.exp %sub3A_1411 : vector<64x128xf32>
    %reduce_sum3A_1413 = arith.constant dense<0.000000e+00> : vector<64xf32>
    %reduce_sum3A_1414 = vector.multi_reduction <add>, %exp3A_1412, %reduce_sum3A_1413 [1] : vector<64x128xf32> to vector<64xf32>
    %broadcast_in_dim3A_1415 = vector.shape_cast %reduce_sum3A_1414 : vector<64xf32> to vector<64x1xf32>
    %log3A_1416 = math.log %broadcast_in_dim3A_1415 : vector<64x1xf32>
    %add3A_1417 = arith.addf %broadcast_in_dim3A_1409, %log3A_1416 : vector<64x1xf32>
    %sub3A_1418 = vector.broadcast %add3A_1417 : vector<64x1xf32> to vector<64x128xf32>
    %sub3A_1419 = arith.subf %select_n3A_1406, %sub3A_1418 : vector<64x128xf32>
    %exp3A_1420 = math.exp %sub3A_1419 : vector<64x128xf32>
    %dot_general3A_1421 = arith.constant dense<0.000000e+00> : vector<64x96xf32>
    %dot_general3A_1422 = tpu.matmul %exp3A_1420, %concatenate3A_1390, %dot_general3A_1421 {dimension_numbers = #tpu.dot_dimension_numbers<[1], [0], [0], [1], [0, 0, 1, 1], [], []>, transpose_lhs_hint = false} : vector<64x128xf32>, vector<128x96xf32>, vector<64x96xf32> -> vector<64x96xf32>
    %swap3A_1423 = arith.constant 0 : index
    %swap3A_1424 = arith.constant 1536 : index
    %swap3A_1425 = arith.constant 0 : index
    %swap3A_1426 = vector.load %arg2[%swap3A_1423, %swap3A_1424, %swap3A_1425] : memref<1x2048x112xf32, #tpu.memory_space<vmem>>, vector<1x64x96xf32>
    %swap3A_1427 = vector.shape_cast %swap3A_1426 : vector<1x64x96xf32> to vector<64x96xf32>
    %swap3A_1428 = vector.shape_cast %dot_general3A_1422 : vector<64x96xf32> to vector<1x64x96xf32>
    tpu.vector_store %arg2[%swap3A_1423, %swap3A_1424, %swap3A_1425], %swap3A_1428 {strides = array<i32>} : memref<1x2048x112xf32, #tpu.memory_space<vmem>>, vector<1x64x96xf32>,
    %swap3A_1429 = arith.constant 0 : index
    %swap3A_1430 = arith.constant 1536 : index
    %swap3A_1431 = arith.constant 96 : index
    %swap3A_1432 = vector.load %arg2[%swap3A_1429, %swap3A_1430, %swap3A_1431] : memref<1x2048x112xf32, #tpu.memory_space<vmem>>, vector<1x64x1xf32>
    %swap3A_1433 = vector.shape_cast %swap3A_1432 : vector<1x64x1xf32> to vector<64x1xf32>
    %swap3A_1434 = vector.shape_cast %add3A_1417 : vector<64x1xf32> to vector<1x64x1xf32>
    tpu.vector_store %arg2[%swap3A_1429, %swap3A_1430, %swap3A_1431], %swap3A_1434 {strides = array<i32>} : memref<1x2048x112xf32, #tpu.memory_space<vmem>>, vector<1x64x1xf32>,
    %broadcast_in_dim3A_1435 = arith.constant 0.000000e+00 : f32
    %broadcast_in_dim3A_1436 = vector.broadcast %broadcast_in_dim3A_1435 : f32 to vector<64x15xf32>
    %swap3A_1437 = arith.constant 0 : index
    %swap3A_1438 = arith.constant 1536 : index
    %swap3A_1439 = arith.constant 97 : index
    %swap3A_1440 = vector.load %arg2[%swap3A_1437, %swap3A_1438, %swap3A_1439] : memref<1x2048x112xf32, #tpu.memory_space<vmem>>, vector<1x64x15xf32>
    %swap3A_1441 = vector.shape_cast %swap3A_1440 : vector<1x64x15xf32> to vector<64x15xf32>
    %swap3A_1442 = vector.shape_cast %broadcast_in_dim3A_1436 : vector<64x15xf32> to vector<1x64x15xf32>
    tpu.vector_store %arg2[%swap3A_1437, %swap3A_1438, %swap3A_1439], %swap3A_1442 {strides = array<i32>} : memref<1x2048x112xf32, #tpu.memory_space<vmem>>, vector<1x64x15xf32>,
    %slice3A_1443 = vector.extract_strided_slice %get3A_3 {offsets = [1600, 0], sizes = [64, 96], strides = [1, 1]} : vector<2048x208xf32> to vector<64x96xf32>
    %slice3A_1444 = vector.extract_strided_slice %get3A_3 {offsets = [1536, 0], sizes = [64, 96], strides = [1, 1]} : vector<2048x208xf32> to vector<64x96xf32>
    %concatenate3A_1445 = tpu.concatenate %slice3A_1444, %slice3A_1443 in 0 : vector<64x96xf32>, vector<64x96xf32> -> vector<128x96xf32>
    %slice3A_1446 = vector.extract_strided_slice %get3A_3 {offsets = [1536, 96], sizes = [64, 96], strides = [1, 1]} : vector<2048x208xf32> to vector<64x96xf32>
    %slice3A_1447 = vector.extract_strided_slice %get3A_3 {offsets = [1600, 96], sizes = [64, 96], strides = [1, 1]} : vector<2048x208xf32> to vector<64x96xf32>
    %concatenate3A_1448 = tpu.concatenate %slice3A_1446, %slice3A_1447 in 0 : vector<64x96xf32>, vector<64x96xf32> -> vector<128x96xf32>
    %slice3A_1449 = vector.extract_strided_slice %get3A_3 {offsets = [1536, 192], sizes = [64, 1], strides = [1, 1]} : vector<2048x208xf32> to vector<64x1xf32>
    %slice3A_1450 = vector.extract_strided_slice %get3A_3 {offsets = [1600, 192], sizes = [64, 1], strides = [1, 1]} : vector<2048x208xf32> to vector<64x1xf32>
    %concatenate3A_1451 = tpu.concatenate %slice3A_1449, %slice3A_1450 in 0 : vector<64x1xf32>, vector<64x1xf32> -> vector<128x1xf32>
    %add3A_1452 = arith.constant 9.99999971E-10 : f32
    %add3A_1453 = vector.broadcast %add3A_1452 : f32 to vector<128x1xf32>
    %add3A_1454 = arith.addf %concatenate3A_1451, %add3A_1453 : vector<128x1xf32>
    %div3A_1455 = vector.broadcast %add3A_1454 : vector<128x1xf32> to vector<128x96xf32>
    %div3A_1456 = arith.divf %concatenate3A_1445, %div3A_1455 : vector<128x96xf32>
    %dot_general3A_1457 = arith.constant dense<0.000000e+00> : vector<64x128xf32>
    %dot_general3A_1458 = tpu.matmul %slice3A_1443, %div3A_1456, %dot_general3A_1457 {dimension_numbers = #tpu.dot_dimension_numbers<[1], [1], [0], [0], [0, 0, 1, 0], [], []>, transpose_lhs_hint = false} : vector<64x96xf32>, vector<128x96xf32>, vector<64x128xf32> -> vector<64x128xf32>
    %mul3A_1459 = arith.constant 0.102062076 : f32
    %mul3A_1460 = vector.broadcast %mul3A_1459 : f32 to vector<64x128xf32>
    %mul3A_1461 = arith.mulf %dot_general3A_1458, %mul3A_1460 : vector<64x128xf32>
    %jit3A_1462 = arith.constant -1.000000e+05 : f32
    %broadcast_in_dim3A_1463 = vector.broadcast %jit3A_1462 : f32 to vector<64x128xf32>
    %select_n3A_1464 = arith.select %eq3A, %broadcast_in_dim3A_1463, %mul3A_1461 : vector<64x128xi1>, vector<64x128xf32>
    %reduce_max3A_1465 = arith.constant dense<0xFF800000> : vector<64xf32>
    %reduce_max3A_1466 = vector.multi_reduction <maximumf>, %select_n3A_1464, %reduce_max3A_1465 [1] : vector<64x128xf32> to vector<64xf32>
    %broadcast_in_dim3A_1467 = vector.shape_cast %reduce_max3A_1466 : vector<64xf32> to vector<64x1xf32>
    %sub3A_1468 = vector.broadcast %broadcast_in_dim3A_1467 : vector<64x1xf32> to vector<64x128xf32>
    %sub3A_1469 = arith.subf %select_n3A_1464, %sub3A_1468 : vector<64x128xf32>
    %exp3A_1470 = math.exp %sub3A_1469 : vector<64x128xf32>
    %reduce_sum3A_1471 = arith.constant dense<0.000000e+00> : vector<64xf32>
    %reduce_sum3A_1472 = vector.multi_reduction <add>, %exp3A_1470, %reduce_sum3A_1471 [1] : vector<64x128xf32> to vector<64xf32>
    %broadcast_in_dim3A_1473 = vector.shape_cast %reduce_sum3A_1472 : vector<64xf32> to vector<64x1xf32>
    %log3A_1474 = math.log %broadcast_in_dim3A_1473 : vector<64x1xf32>
    %add3A_1475 = arith.addf %broadcast_in_dim3A_1467, %log3A_1474 : vector<64x1xf32>
    %sub3A_1476 = vector.broadcast %add3A_1475 : vector<64x1xf32> to vector<64x128xf32>
    %sub3A_1477 = arith.subf %select_n3A_1464, %sub3A_1476 : vector<64x128xf32>
    %exp3A_1478 = math.exp %sub3A_1477 : vector<64x128xf32>
    %dot_general3A_1479 = arith.constant dense<0.000000e+00> : vector<64x96xf32>
    %dot_general3A_1480 = tpu.matmul %exp3A_1478, %concatenate3A_1448, %dot_general3A_1479 {dimension_numbers = #tpu.dot_dimension_numbers<[1], [0], [0], [1], [0, 0, 1, 1], [], []>, transpose_lhs_hint = false} : vector<64x128xf32>, vector<128x96xf32>, vector<64x96xf32> -> vector<64x96xf32>
    %swap3A_1481 = arith.constant 0 : index
    %swap3A_1482 = arith.constant 1600 : index
    %swap3A_1483 = arith.constant 0 : index
    %swap3A_1484 = vector.load %arg2[%swap3A_1481, %swap3A_1482, %swap3A_1483] : memref<1x2048x112xf32, #tpu.memory_space<vmem>>, vector<1x64x96xf32>
    %swap3A_1485 = vector.shape_cast %swap3A_1484 : vector<1x64x96xf32> to vector<64x96xf32>
    %swap3A_1486 = vector.shape_cast %dot_general3A_1480 : vector<64x96xf32> to vector<1x64x96xf32>
    tpu.vector_store %arg2[%swap3A_1481, %swap3A_1482, %swap3A_1483], %swap3A_1486 {strides = array<i32>} : memref<1x2048x112xf32, #tpu.memory_space<vmem>>, vector<1x64x96xf32>,
    %swap3A_1487 = arith.constant 0 : index
    %swap3A_1488 = arith.constant 1600 : index
    %swap3A_1489 = arith.constant 96 : index
    %swap3A_1490 = vector.load %arg2[%swap3A_1487, %swap3A_1488, %swap3A_1489] : memref<1x2048x112xf32, #tpu.memory_space<vmem>>, vector<1x64x1xf32>
    %swap3A_1491 = vector.shape_cast %swap3A_1490 : vector<1x64x1xf32> to vector<64x1xf32>
    %swap3A_1492 = vector.shape_cast %add3A_1475 : vector<64x1xf32> to vector<1x64x1xf32>
    tpu.vector_store %arg2[%swap3A_1487, %swap3A_1488, %swap3A_1489], %swap3A_1492 {strides = array<i32>} : memref<1x2048x112xf32, #tpu.memory_space<vmem>>, vector<1x64x1xf32>,
    %broadcast_in_dim3A_1493 = arith.constant 0.000000e+00 : f32
    %broadcast_in_dim3A_1494 = vector.broadcast %broadcast_in_dim3A_1493 : f32 to vector<64x15xf32>
    %swap3A_1495 = arith.constant 0 : index
    %swap3A_1496 = arith.constant 1600 : index
    %swap3A_1497 = arith.constant 97 : index
    %swap3A_1498 = vector.load %arg2[%swap3A_1495, %swap3A_1496, %swap3A_1497] : memref<1x2048x112xf32, #tpu.memory_space<vmem>>, vector<1x64x15xf32>
    %swap3A_1499 = vector.shape_cast %swap3A_1498 : vector<1x64x15xf32> to vector<64x15xf32>
    %swap3A_1500 = vector.shape_cast %broadcast_in_dim3A_1494 : vector<64x15xf32> to vector<1x64x15xf32>
    tpu.vector_store %arg2[%swap3A_1495, %swap3A_1496, %swap3A_1497], %swap3A_1500 {strides = array<i32>} : memref<1x2048x112xf32, #tpu.memory_space<vmem>>, vector<1x64x15xf32>,
    %slice3A_1501 = vector.extract_strided_slice %get3A_3 {offsets = [1664, 0], sizes = [64, 96], strides = [1, 1]} : vector<2048x208xf32> to vector<64x96xf32>
    %slice3A_1502 = vector.extract_strided_slice %get3A_3 {offsets = [1600, 0], sizes = [64, 96], strides = [1, 1]} : vector<2048x208xf32> to vector<64x96xf32>
    %concatenate3A_1503 = tpu.concatenate %slice3A_1502, %slice3A_1501 in 0 : vector<64x96xf32>, vector<64x96xf32> -> vector<128x96xf32>
    %slice3A_1504 = vector.extract_strided_slice %get3A_3 {offsets = [1600, 96], sizes = [64, 96], strides = [1, 1]} : vector<2048x208xf32> to vector<64x96xf32>
    %slice3A_1505 = vector.extract_strided_slice %get3A_3 {offsets = [1664, 96], sizes = [64, 96], strides = [1, 1]} : vector<2048x208xf32> to vector<64x96xf32>
    %concatenate3A_1506 = tpu.concatenate %slice3A_1504, %slice3A_1505 in 0 : vector<64x96xf32>, vector<64x96xf32> -> vector<128x96xf32>
    %slice3A_1507 = vector.extract_strided_slice %get3A_3 {offsets = [1600, 192], sizes = [64, 1], strides = [1, 1]} : vector<2048x208xf32> to vector<64x1xf32>
    %slice3A_1508 = vector.extract_strided_slice %get3A_3 {offsets = [1664, 192], sizes = [64, 1], strides = [1, 1]} : vector<2048x208xf32> to vector<64x1xf32>
    %concatenate3A_1509 = tpu.concatenate %slice3A_1507, %slice3A_1508 in 0 : vector<64x1xf32>, vector<64x1xf32> -> vector<128x1xf32>
    %add3A_1510 = arith.constant 9.99999971E-10 : f32
    %add3A_1511 = vector.broadcast %add3A_1510 : f32 to vector<128x1xf32>
    %add3A_1512 = arith.addf %concatenate3A_1509, %add3A_1511 : vector<128x1xf32>
    %div3A_1513 = vector.broadcast %add3A_1512 : vector<128x1xf32> to vector<128x96xf32>
    %div3A_1514 = arith.divf %concatenate3A_1503, %div3A_1513 : vector<128x96xf32>
    %dot_general3A_1515 = arith.constant dense<0.000000e+00> : vector<64x128xf32>
    %dot_general3A_1516 = tpu.matmul %slice3A_1501, %div3A_1514, %dot_general3A_1515 {dimension_numbers = #tpu.dot_dimension_numbers<[1], [1], [0], [0], [0, 0, 1, 0], [], []>, transpose_lhs_hint = false} : vector<64x96xf32>, vector<128x96xf32>, vector<64x128xf32> -> vector<64x128xf32>
    %mul3A_1517 = arith.constant 0.102062076 : f32
    %mul3A_1518 = vector.broadcast %mul3A_1517 : f32 to vector<64x128xf32>
    %mul3A_1519 = arith.mulf %dot_general3A_1516, %mul3A_1518 : vector<64x128xf32>
    %jit3A_1520 = arith.constant -1.000000e+05 : f32
    %broadcast_in_dim3A_1521 = vector.broadcast %jit3A_1520 : f32 to vector<64x128xf32>
    %select_n3A_1522 = arith.select %eq3A, %broadcast_in_dim3A_1521, %mul3A_1519 : vector<64x128xi1>, vector<64x128xf32>
    %reduce_max3A_1523 = arith.constant dense<0xFF800000> : vector<64xf32>
    %reduce_max3A_1524 = vector.multi_reduction <maximumf>, %select_n3A_1522, %reduce_max3A_1523 [1] : vector<64x128xf32> to vector<64xf32>
    %broadcast_in_dim3A_1525 = vector.shape_cast %reduce_max3A_1524 : vector<64xf32> to vector<64x1xf32>
    %sub3A_1526 = vector.broadcast %broadcast_in_dim3A_1525 : vector<64x1xf32> to vector<64x128xf32>
    %sub3A_1527 = arith.subf %select_n3A_1522, %sub3A_1526 : vector<64x128xf32>
    %exp3A_1528 = math.exp %sub3A_1527 : vector<64x128xf32>
    %reduce_sum3A_1529 = arith.constant dense<0.000000e+00> : vector<64xf32>
    %reduce_sum3A_1530 = vector.multi_reduction <add>, %exp3A_1528, %reduce_sum3A_1529 [1] : vector<64x128xf32> to vector<64xf32>
    %broadcast_in_dim3A_1531 = vector.shape_cast %reduce_sum3A_1530 : vector<64xf32> to vector<64x1xf32>
    %log3A_1532 = math.log %broadcast_in_dim3A_1531 : vector<64x1xf32>
    %add3A_1533 = arith.addf %broadcast_in_dim3A_1525, %log3A_1532 : vector<64x1xf32>
    %sub3A_1534 = vector.broadcast %add3A_1533 : vector<64x1xf32> to vector<64x128xf32>
    %sub3A_1535 = arith.subf %select_n3A_1522, %sub3A_1534 : vector<64x128xf32>
    %exp3A_1536 = math.exp %sub3A_1535 : vector<64x128xf32>
    %dot_general3A_1537 = arith.constant dense<0.000000e+00> : vector<64x96xf32>
    %dot_general3A_1538 = tpu.matmul %exp3A_1536, %concatenate3A_1506, %dot_general3A_1537 {dimension_numbers = #tpu.dot_dimension_numbers<[1], [0], [0], [1], [0, 0, 1, 1], [], []>, transpose_lhs_hint = false} : vector<64x128xf32>, vector<128x96xf32>, vector<64x96xf32> -> vector<64x96xf32>
    %swap3A_1539 = arith.constant 0 : index
    %swap3A_1540 = arith.constant 1664 : index
    %swap3A_1541 = arith.constant 0 : index
    %swap3A_1542 = vector.load %arg2[%swap3A_1539, %swap3A_1540, %swap3A_1541] : memref<1x2048x112xf32, #tpu.memory_space<vmem>>, vector<1x64x96xf32>
    %swap3A_1543 = vector.shape_cast %swap3A_1542 : vector<1x64x96xf32> to vector<64x96xf32>
    %swap3A_1544 = vector.shape_cast %dot_general3A_1538 : vector<64x96xf32> to vector<1x64x96xf32>
    tpu.vector_store %arg2[%swap3A_1539, %swap3A_1540, %swap3A_1541], %swap3A_1544 {strides = array<i32>} : memref<1x2048x112xf32, #tpu.memory_space<vmem>>, vector<1x64x96xf32>,
    %swap3A_1545 = arith.constant 0 : index
    %swap3A_1546 = arith.constant 1664 : index
    %swap3A_1547 = arith.constant 96 : index
    %swap3A_1548 = vector.load %arg2[%swap3A_1545, %swap3A_1546, %swap3A_1547] : memref<1x2048x112xf32, #tpu.memory_space<vmem>>, vector<1x64x1xf32>
    %swap3A_1549 = vector.shape_cast %swap3A_1548 : vector<1x64x1xf32> to vector<64x1xf32>
    %swap3A_1550 = vector.shape_cast %add3A_1533 : vector<64x1xf32> to vector<1x64x1xf32>
    tpu.vector_store %arg2[%swap3A_1545, %swap3A_1546, %swap3A_1547], %swap3A_1550 {strides = array<i32>} : memref<1x2048x112xf32, #tpu.memory_space<vmem>>, vector<1x64x1xf32>,
    %broadcast_in_dim3A_1551 = arith.constant 0.000000e+00 : f32
    %broadcast_in_dim3A_1552 = vector.broadcast %broadcast_in_dim3A_1551 : f32 to vector<64x15xf32>
    %swap3A_1553 = arith.constant 0 : index
    %swap3A_1554 = arith.constant 1664 : index
    %swap3A_1555 = arith.constant 97 : index
    %swap3A_1556 = vector.load %arg2[%swap3A_1553, %swap3A_1554, %swap3A_1555] : memref<1x2048x112xf32, #tpu.memory_space<vmem>>, vector<1x64x15xf32>
    %swap3A_1557 = vector.shape_cast %swap3A_1556 : vector<1x64x15xf32> to vector<64x15xf32>
    %swap3A_1558 = vector.shape_cast %broadcast_in_dim3A_1552 : vector<64x15xf32> to vector<1x64x15xf32>
    tpu.vector_store %arg2[%swap3A_1553, %swap3A_1554, %swap3A_1555], %swap3A_1558 {strides = array<i32>} : memref<1x2048x112xf32, #tpu.memory_space<vmem>>, vector<1x64x15xf32>,
    %slice3A_1559 = vector.extract_strided_slice %get3A_3 {offsets = [1728, 0], sizes = [64, 96], strides = [1, 1]} : vector<2048x208xf32> to vector<64x96xf32>
    %slice3A_1560 = vector.extract_strided_slice %get3A_3 {offsets = [1664, 0], sizes = [64, 96], strides = [1, 1]} : vector<2048x208xf32> to vector<64x96xf32>
    %concatenate3A_1561 = tpu.concatenate %slice3A_1560, %slice3A_1559 in 0 : vector<64x96xf32>, vector<64x96xf32> -> vector<128x96xf32>
    %slice3A_1562 = vector.extract_strided_slice %get3A_3 {offsets = [1664, 96], sizes = [64, 96], strides = [1, 1]} : vector<2048x208xf32> to vector<64x96xf32>
    %slice3A_1563 = vector.extract_strided_slice %get3A_3 {offsets = [1728, 96], sizes = [64, 96], strides = [1, 1]} : vector<2048x208xf32> to vector<64x96xf32>
    %concatenate3A_1564 = tpu.concatenate %slice3A_1562, %slice3A_1563 in 0 : vector<64x96xf32>, vector<64x96xf32> -> vector<128x96xf32>
    %slice3A_1565 = vector.extract_strided_slice %get3A_3 {offsets = [1664, 192], sizes = [64, 1], strides = [1, 1]} : vector<2048x208xf32> to vector<64x1xf32>
    %slice3A_1566 = vector.extract_strided_slice %get3A_3 {offsets = [1728, 192], sizes = [64, 1], strides = [1, 1]} : vector<2048x208xf32> to vector<64x1xf32>
    %concatenate3A_1567 = tpu.concatenate %slice3A_1565, %slice3A_1566 in 0 : vector<64x1xf32>, vector<64x1xf32> -> vector<128x1xf32>
    %add3A_1568 = arith.constant 9.99999971E-10 : f32
    %add3A_1569 = vector.broadcast %add3A_1568 : f32 to vector<128x1xf32>
    %add3A_1570 = arith.addf %concatenate3A_1567, %add3A_1569 : vector<128x1xf32>
    %div3A_1571 = vector.broadcast %add3A_1570 : vector<128x1xf32> to vector<128x96xf32>
    %div3A_1572 = arith.divf %concatenate3A_1561, %div3A_1571 : vector<128x96xf32>
    %dot_general3A_1573 = arith.constant dense<0.000000e+00> : vector<64x128xf32>
    %dot_general3A_1574 = tpu.matmul %slice3A_1559, %div3A_1572, %dot_general3A_1573 {dimension_numbers = #tpu.dot_dimension_numbers<[1], [1], [0], [0], [0, 0, 1, 0], [], []>, transpose_lhs_hint = false} : vector<64x96xf32>, vector<128x96xf32>, vector<64x128xf32> -> vector<64x128xf32>
    %mul3A_1575 = arith.constant 0.102062076 : f32
    %mul3A_1576 = vector.broadcast %mul3A_1575 : f32 to vector<64x128xf32>
    %mul3A_1577 = arith.mulf %dot_general3A_1574, %mul3A_1576 : vector<64x128xf32>
    %jit3A_1578 = arith.constant -1.000000e+05 : f32
    %broadcast_in_dim3A_1579 = vector.broadcast %jit3A_1578 : f32 to vector<64x128xf32>
    %select_n3A_1580 = arith.select %eq3A, %broadcast_in_dim3A_1579, %mul3A_1577 : vector<64x128xi1>, vector<64x128xf32>
    %reduce_max3A_1581 = arith.constant dense<0xFF800000> : vector<64xf32>
    %reduce_max3A_1582 = vector.multi_reduction <maximumf>, %select_n3A_1580, %reduce_max3A_1581 [1] : vector<64x128xf32> to vector<64xf32>
    %broadcast_in_dim3A_1583 = vector.shape_cast %reduce_max3A_1582 : vector<64xf32> to vector<64x1xf32>
    %sub3A_1584 = vector.broadcast %broadcast_in_dim3A_1583 : vector<64x1xf32> to vector<64x128xf32>
    %sub3A_1585 = arith.subf %select_n3A_1580, %sub3A_1584 : vector<64x128xf32>
    %exp3A_1586 = math.exp %sub3A_1585 : vector<64x128xf32>
    %reduce_sum3A_1587 = arith.constant dense<0.000000e+00> : vector<64xf32>
    %reduce_sum3A_1588 = vector.multi_reduction <add>, %exp3A_1586, %reduce_sum3A_1587 [1] : vector<64x128xf32> to vector<64xf32>
    %broadcast_in_dim3A_1589 = vector.shape_cast %reduce_sum3A_1588 : vector<64xf32> to vector<64x1xf32>
    %log3A_1590 = math.log %broadcast_in_dim3A_1589 : vector<64x1xf32>
    %add3A_1591 = arith.addf %broadcast_in_dim3A_1583, %log3A_1590 : vector<64x1xf32>
    %sub3A_1592 = vector.broadcast %add3A_1591 : vector<64x1xf32> to vector<64x128xf32>
    %sub3A_1593 = arith.subf %select_n3A_1580, %sub3A_1592 : vector<64x128xf32>
    %exp3A_1594 = math.exp %sub3A_1593 : vector<64x128xf32>
    %dot_general3A_1595 = arith.constant dense<0.000000e+00> : vector<64x96xf32>
    %dot_general3A_1596 = tpu.matmul %exp3A_1594, %concatenate3A_1564, %dot_general3A_1595 {dimension_numbers = #tpu.dot_dimension_numbers<[1], [0], [0], [1], [0, 0, 1, 1], [], []>, transpose_lhs_hint = false} : vector<64x128xf32>, vector<128x96xf32>, vector<64x96xf32> -> vector<64x96xf32>
    %swap3A_1597 = arith.constant 0 : index
    %swap3A_1598 = arith.constant 1728 : index
    %swap3A_1599 = arith.constant 0 : index
    %swap3A_1600 = vector.load %arg2[%swap3A_1597, %swap3A_1598, %swap3A_1599] : memref<1x2048x112xf32, #tpu.memory_space<vmem>>, vector<1x64x96xf32>
    %swap3A_1601 = vector.shape_cast %swap3A_1600 : vector<1x64x96xf32> to vector<64x96xf32>
    %swap3A_1602 = vector.shape_cast %dot_general3A_1596 : vector<64x96xf32> to vector<1x64x96xf32>
    tpu.vector_store %arg2[%swap3A_1597, %swap3A_1598, %swap3A_1599], %swap3A_1602 {strides = array<i32>} : memref<1x2048x112xf32, #tpu.memory_space<vmem>>, vector<1x64x96xf32>,
    %swap3A_1603 = arith.constant 0 : index
    %swap3A_1604 = arith.constant 1728 : index
    %swap3A_1605 = arith.constant 96 : index
    %swap3A_1606 = vector.load %arg2[%swap3A_1603, %swap3A_1604, %swap3A_1605] : memref<1x2048x112xf32, #tpu.memory_space<vmem>>, vector<1x64x1xf32>
    %swap3A_1607 = vector.shape_cast %swap3A_1606 : vector<1x64x1xf32> to vector<64x1xf32>
    %swap3A_1608 = vector.shape_cast %add3A_1591 : vector<64x1xf32> to vector<1x64x1xf32>
    tpu.vector_store %arg2[%swap3A_1603, %swap3A_1604, %swap3A_1605], %swap3A_1608 {strides = array<i32>} : memref<1x2048x112xf32, #tpu.memory_space<vmem>>, vector<1x64x1xf32>,
    %broadcast_in_dim3A_1609 = arith.constant 0.000000e+00 : f32
    %broadcast_in_dim3A_1610 = vector.broadcast %broadcast_in_dim3A_1609 : f32 to vector<64x15xf32>
    %swap3A_1611 = arith.constant 0 : index
    %swap3A_1612 = arith.constant 1728 : index
    %swap3A_1613 = arith.constant 97 : index
    %swap3A_1614 = vector.load %arg2[%swap3A_1611, %swap3A_1612, %swap3A_1613] : memref<1x2048x112xf32, #tpu.memory_space<vmem>>, vector<1x64x15xf32>
    %swap3A_1615 = vector.shape_cast %swap3A_1614 : vector<1x64x15xf32> to vector<64x15xf32>
    %swap3A_1616 = vector.shape_cast %broadcast_in_dim3A_1610 : vector<64x15xf32> to vector<1x64x15xf32>
    tpu.vector_store %arg2[%swap3A_1611, %swap3A_1612, %swap3A_1613], %swap3A_1616 {strides = array<i32>} : memref<1x2048x112xf32, #tpu.memory_space<vmem>>, vector<1x64x15xf32>,
    %slice3A_1617 = vector.extract_strided_slice %get3A_3 {offsets = [1792, 0], sizes = [64, 96], strides = [1, 1]} : vector<2048x208xf32> to vector<64x96xf32>
    %slice3A_1618 = vector.extract_strided_slice %get3A_3 {offsets = [1728, 0], sizes = [64, 96], strides = [1, 1]} : vector<2048x208xf32> to vector<64x96xf32>
    %concatenate3A_1619 = tpu.concatenate %slice3A_1618, %slice3A_1617 in 0 : vector<64x96xf32>, vector<64x96xf32> -> vector<128x96xf32>
    %slice3A_1620 = vector.extract_strided_slice %get3A_3 {offsets = [1728, 96], sizes = [64, 96], strides = [1, 1]} : vector<2048x208xf32> to vector<64x96xf32>
    %slice3A_1621 = vector.extract_strided_slice %get3A_3 {offsets = [1792, 96], sizes = [64, 96], strides = [1, 1]} : vector<2048x208xf32> to vector<64x96xf32>
    %concatenate3A_1622 = tpu.concatenate %slice3A_1620, %slice3A_1621 in 0 : vector<64x96xf32>, vector<64x96xf32> -> vector<128x96xf32>
    %slice3A_1623 = vector.extract_strided_slice %get3A_3 {offsets = [1728, 192], sizes = [64, 1], strides = [1, 1]} : vector<2048x208xf32> to vector<64x1xf32>
    %slice3A_1624 = vector.extract_strided_slice %get3A_3 {offsets = [1792, 192], sizes = [64, 1], strides = [1, 1]} : vector<2048x208xf32> to vector<64x1xf32>
    %concatenate3A_1625 = tpu.concatenate %slice3A_1623, %slice3A_1624 in 0 : vector<64x1xf32>, vector<64x1xf32> -> vector<128x1xf32>
    %add3A_1626 = arith.constant 9.99999971E-10 : f32
    %add3A_1627 = vector.broadcast %add3A_1626 : f32 to vector<128x1xf32>
    %add3A_1628 = arith.addf %concatenate3A_1625, %add3A_1627 : vector<128x1xf32>
    %div3A_1629 = vector.broadcast %add3A_1628 : vector<128x1xf32> to vector<128x96xf32>
    %div3A_1630 = arith.divf %concatenate3A_1619, %div3A_1629 : vector<128x96xf32>
    %dot_general3A_1631 = arith.constant dense<0.000000e+00> : vector<64x128xf32>
    %dot_general3A_1632 = tpu.matmul %slice3A_1617, %div3A_1630, %dot_general3A_1631 {dimension_numbers = #tpu.dot_dimension_numbers<[1], [1], [0], [0], [0, 0, 1, 0], [], []>, transpose_lhs_hint = false} : vector<64x96xf32>, vector<128x96xf32>, vector<64x128xf32> -> vector<64x128xf32>
    %mul3A_1633 = arith.constant 0.102062076 : f32
    %mul3A_1634 = vector.broadcast %mul3A_1633 : f32 to vector<64x128xf32>
    %mul3A_1635 = arith.mulf %dot_general3A_1632, %mul3A_1634 : vector<64x128xf32>
    %jit3A_1636 = arith.constant -1.000000e+05 : f32
    %broadcast_in_dim3A_1637 = vector.broadcast %jit3A_1636 : f32 to vector<64x128xf32>
    %select_n3A_1638 = arith.select %eq3A, %broadcast_in_dim3A_1637, %mul3A_1635 : vector<64x128xi1>, vector<64x128xf32>
    %reduce_max3A_1639 = arith.constant dense<0xFF800000> : vector<64xf32>
    %reduce_max3A_1640 = vector.multi_reduction <maximumf>, %select_n3A_1638, %reduce_max3A_1639 [1] : vector<64x128xf32> to vector<64xf32>
    %broadcast_in_dim3A_1641 = vector.shape_cast %reduce_max3A_1640 : vector<64xf32> to vector<64x1xf32>
    %sub3A_1642 = vector.broadcast %broadcast_in_dim3A_1641 : vector<64x1xf32> to vector<64x128xf32>
    %sub3A_1643 = arith.subf %select_n3A_1638, %sub3A_1642 : vector<64x128xf32>
    %exp3A_1644 = math.exp %sub3A_1643 : vector<64x128xf32>
    %reduce_sum3A_1645 = arith.constant dense<0.000000e+00> : vector<64xf32>
    %reduce_sum3A_1646 = vector.multi_reduction <add>, %exp3A_1644, %reduce_sum3A_1645 [1] : vector<64x128xf32> to vector<64xf32>
    %broadcast_in_dim3A_1647 = vector.shape_cast %reduce_sum3A_1646 : vector<64xf32> to vector<64x1xf32>
    %log3A_1648 = math.log %broadcast_in_dim3A_1647 : vector<64x1xf32>
    %add3A_1649 = arith.addf %broadcast_in_dim3A_1641, %log3A_1648 : vector<64x1xf32>
    %sub3A_1650 = vector.broadcast %add3A_1649 : vector<64x1xf32> to vector<64x128xf32>
    %sub3A_1651 = arith.subf %select_n3A_1638, %sub3A_1650 : vector<64x128xf32>
    %exp3A_1652 = math.exp %sub3A_1651 : vector<64x128xf32>
    %dot_general3A_1653 = arith.constant dense<0.000000e+00> : vector<64x96xf32>
    %dot_general3A_1654 = tpu.matmul %exp3A_1652, %concatenate3A_1622, %dot_general3A_1653 {dimension_numbers = #tpu.dot_dimension_numbers<[1], [0], [0], [1], [0, 0, 1, 1], [], []>, transpose_lhs_hint = false} : vector<64x128xf32>, vector<128x96xf32>, vector<64x96xf32> -> vector<64x96xf32>
    %swap3A_1655 = arith.constant 0 : index
    %swap3A_1656 = arith.constant 1792 : index
    %swap3A_1657 = arith.constant 0 : index
    %swap3A_1658 = vector.load %arg2[%swap3A_1655, %swap3A_1656, %swap3A_1657] : memref<1x2048x112xf32, #tpu.memory_space<vmem>>, vector<1x64x96xf32>
    %swap3A_1659 = vector.shape_cast %swap3A_1658 : vector<1x64x96xf32> to vector<64x96xf32>
    %swap3A_1660 = vector.shape_cast %dot_general3A_1654 : vector<64x96xf32> to vector<1x64x96xf32>
    tpu.vector_store %arg2[%swap3A_1655, %swap3A_1656, %swap3A_1657], %swap3A_1660 {strides = array<i32>} : memref<1x2048x112xf32, #tpu.memory_space<vmem>>, vector<1x64x96xf32>,
    %swap3A_1661 = arith.constant 0 : index
    %swap3A_1662 = arith.constant 1792 : index
    %swap3A_1663 = arith.constant 96 : index
    %swap3A_1664 = vector.load %arg2[%swap3A_1661, %swap3A_1662, %swap3A_1663] : memref<1x2048x112xf32, #tpu.memory_space<vmem>>, vector<1x64x1xf32>
    %swap3A_1665 = vector.shape_cast %swap3A_1664 : vector<1x64x1xf32> to vector<64x1xf32>
    %swap3A_1666 = vector.shape_cast %add3A_1649 : vector<64x1xf32> to vector<1x64x1xf32>
    tpu.vector_store %arg2[%swap3A_1661, %swap3A_1662, %swap3A_1663], %swap3A_1666 {strides = array<i32>} : memref<1x2048x112xf32, #tpu.memory_space<vmem>>, vector<1x64x1xf32>,
    %broadcast_in_dim3A_1667 = arith.constant 0.000000e+00 : f32
    %broadcast_in_dim3A_1668 = vector.broadcast %broadcast_in_dim3A_1667 : f32 to vector<64x15xf32>
    %swap3A_1669 = arith.constant 0 : index
    %swap3A_1670 = arith.constant 1792 : index
    %swap3A_1671 = arith.constant 97 : index
    %swap3A_1672 = vector.load %arg2[%swap3A_1669, %swap3A_1670, %swap3A_1671] : memref<1x2048x112xf32, #tpu.memory_space<vmem>>, vector<1x64x15xf32>
    %swap3A_1673 = vector.shape_cast %swap3A_1672 : vector<1x64x15xf32> to vector<64x15xf32>
    %swap3A_1674 = vector.shape_cast %broadcast_in_dim3A_1668 : vector<64x15xf32> to vector<1x64x15xf32>
    tpu.vector_store %arg2[%swap3A_1669, %swap3A_1670, %swap3A_1671], %swap3A_1674 {strides = array<i32>} : memref<1x2048x112xf32, #tpu.memory_space<vmem>>, vector<1x64x15xf32>,
    %slice3A_1675 = vector.extract_strided_slice %get3A_3 {offsets = [1856, 0], sizes = [64, 96], strides = [1, 1]} : vector<2048x208xf32> to vector<64x96xf32>
    %slice3A_1676 = vector.extract_strided_slice %get3A_3 {offsets = [1792, 0], sizes = [64, 96], strides = [1, 1]} : vector<2048x208xf32> to vector<64x96xf32>
    %concatenate3A_1677 = tpu.concatenate %slice3A_1676, %slice3A_1675 in 0 : vector<64x96xf32>, vector<64x96xf32> -> vector<128x96xf32>
    %slice3A_1678 = vector.extract_strided_slice %get3A_3 {offsets = [1792, 96], sizes = [64, 96], strides = [1, 1]} : vector<2048x208xf32> to vector<64x96xf32>
    %slice3A_1679 = vector.extract_strided_slice %get3A_3 {offsets = [1856, 96], sizes = [64, 96], strides = [1, 1]} : vector<2048x208xf32> to vector<64x96xf32>
    %concatenate3A_1680 = tpu.concatenate %slice3A_1678, %slice3A_1679 in 0 : vector<64x96xf32>, vector<64x96xf32> -> vector<128x96xf32>
    %slice3A_1681 = vector.extract_strided_slice %get3A_3 {offsets = [1792, 192], sizes = [64, 1], strides = [1, 1]} : vector<2048x208xf32> to vector<64x1xf32>
    %slice3A_1682 = vector.extract_strided_slice %get3A_3 {offsets = [1856, 192], sizes = [64, 1], strides = [1, 1]} : vector<2048x208xf32> to vector<64x1xf32>
    %concatenate3A_1683 = tpu.concatenate %slice3A_1681, %slice3A_1682 in 0 : vector<64x1xf32>, vector<64x1xf32> -> vector<128x1xf32>
    %add3A_1684 = arith.constant 9.99999971E-10 : f32
    %add3A_1685 = vector.broadcast %add3A_1684 : f32 to vector<128x1xf32>
    %add3A_1686 = arith.addf %concatenate3A_1683, %add3A_1685 : vector<128x1xf32>
    %div3A_1687 = vector.broadcast %add3A_1686 : vector<128x1xf32> to vector<128x96xf32>
    %div3A_1688 = arith.divf %concatenate3A_1677, %div3A_1687 : vector<128x96xf32>
    %dot_general3A_1689 = arith.constant dense<0.000000e+00> : vector<64x128xf32>
    %dot_general3A_1690 = tpu.matmul %slice3A_1675, %div3A_1688, %dot_general3A_1689 {dimension_numbers = #tpu.dot_dimension_numbers<[1], [1], [0], [0], [0, 0, 1, 0], [], []>, transpose_lhs_hint = false} : vector<64x96xf32>, vector<128x96xf32>, vector<64x128xf32> -> vector<64x128xf32>
    %mul3A_1691 = arith.constant 0.102062076 : f32
    %mul3A_1692 = vector.broadcast %mul3A_1691 : f32 to vector<64x128xf32>
    %mul3A_1693 = arith.mulf %dot_general3A_1690, %mul3A_1692 : vector<64x128xf32>
    %jit3A_1694 = arith.constant -1.000000e+05 : f32
    %broadcast_in_dim3A_1695 = vector.broadcast %jit3A_1694 : f32 to vector<64x128xf32>
    %select_n3A_1696 = arith.select %eq3A, %broadcast_in_dim3A_1695, %mul3A_1693 : vector<64x128xi1>, vector<64x128xf32>
    %reduce_max3A_1697 = arith.constant dense<0xFF800000> : vector<64xf32>
    %reduce_max3A_1698 = vector.multi_reduction <maximumf>, %select_n3A_1696, %reduce_max3A_1697 [1] : vector<64x128xf32> to vector<64xf32>
    %broadcast_in_dim3A_1699 = vector.shape_cast %reduce_max3A_1698 : vector<64xf32> to vector<64x1xf32>
    %sub3A_1700 = vector.broadcast %broadcast_in_dim3A_1699 : vector<64x1xf32> to vector<64x128xf32>
    %sub3A_1701 = arith.subf %select_n3A_1696, %sub3A_1700 : vector<64x128xf32>
    %exp3A_1702 = math.exp %sub3A_1701 : vector<64x128xf32>
    %reduce_sum3A_1703 = arith.constant dense<0.000000e+00> : vector<64xf32>
    %reduce_sum3A_1704 = vector.multi_reduction <add>, %exp3A_1702, %reduce_sum3A_1703 [1] : vector<64x128xf32> to vector<64xf32>
    %broadcast_in_dim3A_1705 = vector.shape_cast %reduce_sum3A_1704 : vector<64xf32> to vector<64x1xf32>
    %log3A_1706 = math.log %broadcast_in_dim3A_1705 : vector<64x1xf32>
    %add3A_1707 = arith.addf %broadcast_in_dim3A_1699, %log3A_1706 : vector<64x1xf32>
    %sub3A_1708 = vector.broadcast %add3A_1707 : vector<64x1xf32> to vector<64x128xf32>
    %sub3A_1709 = arith.subf %select_n3A_1696, %sub3A_1708 : vector<64x128xf32>
    %exp3A_1710 = math.exp %sub3A_1709 : vector<64x128xf32>
    %dot_general3A_1711 = arith.constant dense<0.000000e+00> : vector<64x96xf32>
    %dot_general3A_1712 = tpu.matmul %exp3A_1710, %concatenate3A_1680, %dot_general3A_1711 {dimension_numbers = #tpu.dot_dimension_numbers<[1], [0], [0], [1], [0, 0, 1, 1], [], []>, transpose_lhs_hint = false} : vector<64x128xf32>, vector<128x96xf32>, vector<64x96xf32> -> vector<64x96xf32>
    %swap3A_1713 = arith.constant 0 : index
    %swap3A_1714 = arith.constant 1856 : index
    %swap3A_1715 = arith.constant 0 : index
    %swap3A_1716 = vector.load %arg2[%swap3A_1713, %swap3A_1714, %swap3A_1715] : memref<1x2048x112xf32, #tpu.memory_space<vmem>>, vector<1x64x96xf32>
    %swap3A_1717 = vector.shape_cast %swap3A_1716 : vector<1x64x96xf32> to vector<64x96xf32>
    %swap3A_1718 = vector.shape_cast %dot_general3A_1712 : vector<64x96xf32> to vector<1x64x96xf32>
    tpu.vector_store %arg2[%swap3A_1713, %swap3A_1714, %swap3A_1715], %swap3A_1718 {strides = array<i32>} : memref<1x2048x112xf32, #tpu.memory_space<vmem>>, vector<1x64x96xf32>,
    %swap3A_1719 = arith.constant 0 : index
    %swap3A_1720 = arith.constant 1856 : index
    %swap3A_1721 = arith.constant 96 : index
    %swap3A_1722 = vector.load %arg2[%swap3A_1719, %swap3A_1720, %swap3A_1721] : memref<1x2048x112xf32, #tpu.memory_space<vmem>>, vector<1x64x1xf32>
    %swap3A_1723 = vector.shape_cast %swap3A_1722 : vector<1x64x1xf32> to vector<64x1xf32>
    %swap3A_1724 = vector.shape_cast %add3A_1707 : vector<64x1xf32> to vector<1x64x1xf32>
    tpu.vector_store %arg2[%swap3A_1719, %swap3A_1720, %swap3A_1721], %swap3A_1724 {strides = array<i32>} : memref<1x2048x112xf32, #tpu.memory_space<vmem>>, vector<1x64x1xf32>,
    %broadcast_in_dim3A_1725 = arith.constant 0.000000e+00 : f32
    %broadcast_in_dim3A_1726 = vector.broadcast %broadcast_in_dim3A_1725 : f32 to vector<64x15xf32>
    %swap3A_1727 = arith.constant 0 : index
    %swap3A_1728 = arith.constant 1856 : index
    %swap3A_1729 = arith.constant 97 : index
    %swap3A_1730 = vector.load %arg2[%swap3A_1727, %swap3A_1728, %swap3A_1729] : memref<1x2048x112xf32, #tpu.memory_space<vmem>>, vector<1x64x15xf32>
    %swap3A_1731 = vector.shape_cast %swap3A_1730 : vector<1x64x15xf32> to vector<64x15xf32>
    %swap3A_1732 = vector.shape_cast %broadcast_in_dim3A_1726 : vector<64x15xf32> to vector<1x64x15xf32>
    tpu.vector_store %arg2[%swap3A_1727, %swap3A_1728, %swap3A_1729], %swap3A_1732 {strides = array<i32>} : memref<1x2048x112xf32, #tpu.memory_space<vmem>>, vector<1x64x15xf32>,
    %slice3A_1733 = vector.extract_strided_slice %get3A_3 {offsets = [1920, 0], sizes = [64, 96], strides = [1, 1]} : vector<2048x208xf32> to vector<64x96xf32>
    %slice3A_1734 = vector.extract_strided_slice %get3A_3 {offsets = [1856, 0], sizes = [64, 96], strides = [1, 1]} : vector<2048x208xf32> to vector<64x96xf32>
    %concatenate3A_1735 = tpu.concatenate %slice3A_1734, %slice3A_1733 in 0 : vector<64x96xf32>, vector<64x96xf32> -> vector<128x96xf32>
    %slice3A_1736 = vector.extract_strided_slice %get3A_3 {offsets = [1856, 96], sizes = [64, 96], strides = [1, 1]} : vector<2048x208xf32> to vector<64x96xf32>
    %slice3A_1737 = vector.extract_strided_slice %get3A_3 {offsets = [1920, 96], sizes = [64, 96], strides = [1, 1]} : vector<2048x208xf32> to vector<64x96xf32>
    %concatenate3A_1738 = tpu.concatenate %slice3A_1736, %slice3A_1737 in 0 : vector<64x96xf32>, vector<64x96xf32> -> vector<128x96xf32>
    %slice3A_1739 = vector.extract_strided_slice %get3A_3 {offsets = [1856, 192], sizes = [64, 1], strides = [1, 1]} : vector<2048x208xf32> to vector<64x1xf32>
    %slice3A_1740 = vector.extract_strided_slice %get3A_3 {offsets = [1920, 192], sizes = [64, 1], strides = [1, 1]} : vector<2048x208xf32> to vector<64x1xf32>
    %concatenate3A_1741 = tpu.concatenate %slice3A_1739, %slice3A_1740 in 0 : vector<64x1xf32>, vector<64x1xf32> -> vector<128x1xf32>
    %add3A_1742 = arith.constant 9.99999971E-10 : f32
    %add3A_1743 = vector.broadcast %add3A_1742 : f32 to vector<128x1xf32>
    %add3A_1744 = arith.addf %concatenate3A_1741, %add3A_1743 : vector<128x1xf32>
    %div3A_1745 = vector.broadcast %add3A_1744 : vector<128x1xf32> to vector<128x96xf32>
    %div3A_1746 = arith.divf %concatenate3A_1735, %div3A_1745 : vector<128x96xf32>
    %dot_general3A_1747 = arith.constant dense<0.000000e+00> : vector<64x128xf32>
    %dot_general3A_1748 = tpu.matmul %slice3A_1733, %div3A_1746, %dot_general3A_1747 {dimension_numbers = #tpu.dot_dimension_numbers<[1], [1], [0], [0], [0, 0, 1, 0], [], []>, transpose_lhs_hint = false} : vector<64x96xf32>, vector<128x96xf32>, vector<64x128xf32> -> vector<64x128xf32>
    %mul3A_1749 = arith.constant 0.102062076 : f32
    %mul3A_1750 = vector.broadcast %mul3A_1749 : f32 to vector<64x128xf32>
    %mul3A_1751 = arith.mulf %dot_general3A_1748, %mul3A_1750 : vector<64x128xf32>
    %jit3A_1752 = arith.constant -1.000000e+05 : f32
    %broadcast_in_dim3A_1753 = vector.broadcast %jit3A_1752 : f32 to vector<64x128xf32>
    %select_n3A_1754 = arith.select %eq3A, %broadcast_in_dim3A_1753, %mul3A_1751 : vector<64x128xi1>, vector<64x128xf32>
    %reduce_max3A_1755 = arith.constant dense<0xFF800000> : vector<64xf32>
    %reduce_max3A_1756 = vector.multi_reduction <maximumf>, %select_n3A_1754, %reduce_max3A_1755 [1] : vector<64x128xf32> to vector<64xf32>
    %broadcast_in_dim3A_1757 = vector.shape_cast %reduce_max3A_1756 : vector<64xf32> to vector<64x1xf32>
    %sub3A_1758 = vector.broadcast %broadcast_in_dim3A_1757 : vector<64x1xf32> to vector<64x128xf32>
    %sub3A_1759 = arith.subf %select_n3A_1754, %sub3A_1758 : vector<64x128xf32>
    %exp3A_1760 = math.exp %sub3A_1759 : vector<64x128xf32>
    %reduce_sum3A_1761 = arith.constant dense<0.000000e+00> : vector<64xf32>
    %reduce_sum3A_1762 = vector.multi_reduction <add>, %exp3A_1760, %reduce_sum3A_1761 [1] : vector<64x128xf32> to vector<64xf32>
    %broadcast_in_dim3A_1763 = vector.shape_cast %reduce_sum3A_1762 : vector<64xf32> to vector<64x1xf32>
    %log3A_1764 = math.log %broadcast_in_dim3A_1763 : vector<64x1xf32>
    %add3A_1765 = arith.addf %broadcast_in_dim3A_1757, %log3A_1764 : vector<64x1xf32>
    %sub3A_1766 = vector.broadcast %add3A_1765 : vector<64x1xf32> to vector<64x128xf32>
    %sub3A_1767 = arith.subf %select_n3A_1754, %sub3A_1766 : vector<64x128xf32>
    %exp3A_1768 = math.exp %sub3A_1767 : vector<64x128xf32>
    %dot_general3A_1769 = arith.constant dense<0.000000e+00> : vector<64x96xf32>
    %dot_general3A_1770 = tpu.matmul %exp3A_1768, %concatenate3A_1738, %dot_general3A_1769 {dimension_numbers = #tpu.dot_dimension_numbers<[1], [0], [0], [1], [0, 0, 1, 1], [], []>, transpose_lhs_hint = false} : vector<64x128xf32>, vector<128x96xf32>, vector<64x96xf32> -> vector<64x96xf32>
    %swap3A_1771 = arith.constant 0 : index
    %swap3A_1772 = arith.constant 1920 : index
    %swap3A_1773 = arith.constant 0 : index
    %swap3A_1774 = vector.load %arg2[%swap3A_1771, %swap3A_1772, %swap3A_1773] : memref<1x2048x112xf32, #tpu.memory_space<vmem>>, vector<1x64x96xf32>
    %swap3A_1775 = vector.shape_cast %swap3A_1774 : vector<1x64x96xf32> to vector<64x96xf32>
    %swap3A_1776 = vector.shape_cast %dot_general3A_1770 : vector<64x96xf32> to vector<1x64x96xf32>
    tpu.vector_store %arg2[%swap3A_1771, %swap3A_1772, %swap3A_1773], %swap3A_1776 {strides = array<i32>} : memref<1x2048x112xf32, #tpu.memory_space<vmem>>, vector<1x64x96xf32>,
    %swap3A_1777 = arith.constant 0 : index
    %swap3A_1778 = arith.constant 1920 : index
    %swap3A_1779 = arith.constant 96 : index
    %swap3A_1780 = vector.load %arg2[%swap3A_1777, %swap3A_1778, %swap3A_1779] : memref<1x2048x112xf32, #tpu.memory_space<vmem>>, vector<1x64x1xf32>
    %swap3A_1781 = vector.shape_cast %swap3A_1780 : vector<1x64x1xf32> to vector<64x1xf32>
    %swap3A_1782 = vector.shape_cast %add3A_1765 : vector<64x1xf32> to vector<1x64x1xf32>
    tpu.vector_store %arg2[%swap3A_1777, %swap3A_1778, %swap3A_1779], %swap3A_1782 {strides = array<i32>} : memref<1x2048x112xf32, #tpu.memory_space<vmem>>, vector<1x64x1xf32>,
    %broadcast_in_dim3A_1783 = arith.constant 0.000000e+00 : f32
    %broadcast_in_dim3A_1784 = vector.broadcast %broadcast_in_dim3A_1783 : f32 to vector<64x15xf32>
    %swap3A_1785 = arith.constant 0 : index
    %swap3A_1786 = arith.constant 1920 : index
    %swap3A_1787 = arith.constant 97 : index
    %swap3A_1788 = vector.load %arg2[%swap3A_1785, %swap3A_1786, %swap3A_1787] : memref<1x2048x112xf32, #tpu.memory_space<vmem>>, vector<1x64x15xf32>
    %swap3A_1789 = vector.shape_cast %swap3A_1788 : vector<1x64x15xf32> to vector<64x15xf32>
    %swap3A_1790 = vector.shape_cast %broadcast_in_dim3A_1784 : vector<64x15xf32> to vector<1x64x15xf32>
    tpu.vector_store %arg2[%swap3A_1785, %swap3A_1786, %swap3A_1787], %swap3A_1790 {strides = array<i32>} : memref<1x2048x112xf32, #tpu.memory_space<vmem>>, vector<1x64x15xf32>,
    %slice3A_1791 = vector.extract_strided_slice %get3A_3 {offsets = [1984, 0], sizes = [64, 96], strides = [1, 1]} : vector<2048x208xf32> to vector<64x96xf32>
    %slice3A_1792 = vector.extract_strided_slice %get3A_3 {offsets = [1920, 0], sizes = [64, 96], strides = [1, 1]} : vector<2048x208xf32> to vector<64x96xf32>
    %concatenate3A_1793 = tpu.concatenate %slice3A_1792, %slice3A_1791 in 0 : vector<64x96xf32>, vector<64x96xf32> -> vector<128x96xf32>
    %slice3A_1794 = vector.extract_strided_slice %get3A_3 {offsets = [1920, 96], sizes = [64, 96], strides = [1, 1]} : vector<2048x208xf32> to vector<64x96xf32>
    %slice3A_1795 = vector.extract_strided_slice %get3A_3 {offsets = [1984, 96], sizes = [64, 96], strides = [1, 1]} : vector<2048x208xf32> to vector<64x96xf32>
    %concatenate3A_1796 = tpu.concatenate %slice3A_1794, %slice3A_1795 in 0 : vector<64x96xf32>, vector<64x96xf32> -> vector<128x96xf32>
    %slice3A_1797 = vector.extract_strided_slice %get3A_3 {offsets = [1920, 192], sizes = [64, 1], strides = [1, 1]} : vector<2048x208xf32> to vector<64x1xf32>
    %slice3A_1798 = vector.extract_strided_slice %get3A_3 {offsets = [1984, 192], sizes = [64, 1], strides = [1, 1]} : vector<2048x208xf32> to vector<64x1xf32>
    %concatenate3A_1799 = tpu.concatenate %slice3A_1797, %slice3A_1798 in 0 : vector<64x1xf32>, vector<64x1xf32> -> vector<128x1xf32>
    %add3A_1800 = arith.constant 9.99999971E-10 : f32
    %add3A_1801 = vector.broadcast %add3A_1800 : f32 to vector<128x1xf32>
    %add3A_1802 = arith.addf %concatenate3A_1799, %add3A_1801 : vector<128x1xf32>
    %div3A_1803 = vector.broadcast %add3A_1802 : vector<128x1xf32> to vector<128x96xf32>
    %div3A_1804 = arith.divf %concatenate3A_1793, %div3A_1803 : vector<128x96xf32>
    %dot_general3A_1805 = arith.constant dense<0.000000e+00> : vector<64x128xf32>
    %dot_general3A_1806 = tpu.matmul %slice3A_1791, %div3A_1804, %dot_general3A_1805 {dimension_numbers = #tpu.dot_dimension_numbers<[1], [1], [0], [0], [0, 0, 1, 0], [], []>, transpose_lhs_hint = false} : vector<64x96xf32>, vector<128x96xf32>, vector<64x128xf32> -> vector<64x128xf32>
    %mul3A_1807 = arith.constant 0.102062076 : f32
    %mul3A_1808 = vector.broadcast %mul3A_1807 : f32 to vector<64x128xf32>
    %mul3A_1809 = arith.mulf %dot_general3A_1806, %mul3A_1808 : vector<64x128xf32>
    %jit3A_1810 = arith.constant -1.000000e+05 : f32
    %broadcast_in_dim3A_1811 = vector.broadcast %jit3A_1810 : f32 to vector<64x128xf32>
    %select_n3A_1812 = arith.select %eq3A, %broadcast_in_dim3A_1811, %mul3A_1809 : vector<64x128xi1>, vector<64x128xf32>
    %reduce_max3A_1813 = arith.constant dense<0xFF800000> : vector<64xf32>
    %reduce_max3A_1814 = vector.multi_reduction <maximumf>, %select_n3A_1812, %reduce_max3A_1813 [1] : vector<64x128xf32> to vector<64xf32>
    %broadcast_in_dim3A_1815 = vector.shape_cast %reduce_max3A_1814 : vector<64xf32> to vector<64x1xf32>
    %sub3A_1816 = vector.broadcast %broadcast_in_dim3A_1815 : vector<64x1xf32> to vector<64x128xf32>
    %sub3A_1817 = arith.subf %select_n3A_1812, %sub3A_1816 : vector<64x128xf32>
    %exp3A_1818 = math.exp %sub3A_1817 : vector<64x128xf32>
    %reduce_sum3A_1819 = arith.constant dense<0.000000e+00> : vector<64xf32>
    %reduce_sum3A_1820 = vector.multi_reduction <add>, %exp3A_1818, %reduce_sum3A_1819 [1] : vector<64x128xf32> to vector<64xf32>
    %broadcast_in_dim3A_1821 = vector.shape_cast %reduce_sum3A_1820 : vector<64xf32> to vector<64x1xf32>
    %log3A_1822 = math.log %broadcast_in_dim3A_1821 : vector<64x1xf32>
    %add3A_1823 = arith.addf %broadcast_in_dim3A_1815, %log3A_1822 : vector<64x1xf32>
    %sub3A_1824 = vector.broadcast %add3A_1823 : vector<64x1xf32> to vector<64x128xf32>
    %sub3A_1825 = arith.subf %select_n3A_1812, %sub3A_1824 : vector<64x128xf32>
    %exp3A_1826 = math.exp %sub3A_1825 : vector<64x128xf32>
    %dot_general3A_1827 = arith.constant dense<0.000000e+00> : vector<64x96xf32>
    %dot_general3A_1828 = tpu.matmul %exp3A_1826, %concatenate3A_1796, %dot_general3A_1827 {dimension_numbers = #tpu.dot_dimension_numbers<[1], [0], [0], [1], [0, 0, 1, 1], [], []>, transpose_lhs_hint = false} : vector<64x128xf32>, vector<128x96xf32>, vector<64x96xf32> -> vector<64x96xf32>
    %swap3A_1829 = arith.constant 0 : index
    %swap3A_1830 = arith.constant 1984 : index
    %swap3A_1831 = arith.constant 0 : index
    %swap3A_1832 = vector.load %arg2[%swap3A_1829, %swap3A_1830, %swap3A_1831] : memref<1x2048x112xf32, #tpu.memory_space<vmem>>, vector<1x64x96xf32>
    %swap3A_1833 = vector.shape_cast %swap3A_1832 : vector<1x64x96xf32> to vector<64x96xf32>
    %swap3A_1834 = vector.shape_cast %dot_general3A_1828 : vector<64x96xf32> to vector<1x64x96xf32>
    tpu.vector_store %arg2[%swap3A_1829, %swap3A_1830, %swap3A_1831], %swap3A_1834 {strides = array<i32>} : memref<1x2048x112xf32, #tpu.memory_space<vmem>>, vector<1x64x96xf32>,
    %swap3A_1835 = arith.constant 0 : index
    %swap3A_1836 = arith.constant 1984 : index
    %swap3A_1837 = arith.constant 96 : index
    %swap3A_1838 = vector.load %arg2[%swap3A_1835, %swap3A_1836, %swap3A_1837] : memref<1x2048x112xf32, #tpu.memory_space<vmem>>, vector<1x64x1xf32>
    %swap3A_1839 = vector.shape_cast %swap3A_1838 : vector<1x64x1xf32> to vector<64x1xf32>
    %swap3A_1840 = vector.shape_cast %add3A_1823 : vector<64x1xf32> to vector<1x64x1xf32>
    tpu.vector_store %arg2[%swap3A_1835, %swap3A_1836, %swap3A_1837], %swap3A_1840 {strides = array<i32>} : memref<1x2048x112xf32, #tpu.memory_space<vmem>>, vector<1x64x1xf32>,
    %broadcast_in_dim3A_1841 = arith.constant 0.000000e+00 : f32
    %broadcast_in_dim3A_1842 = vector.broadcast %broadcast_in_dim3A_1841 : f32 to vector<64x15xf32>
    %swap3A_1843 = arith.constant 0 : index
    %swap3A_1844 = arith.constant 1984 : index
    %swap3A_1845 = arith.constant 97 : index
    %swap3A_1846 = vector.load %arg2[%swap3A_1843, %swap3A_1844, %swap3A_1845] : memref<1x2048x112xf32, #tpu.memory_space<vmem>>, vector<1x64x15xf32>
    %swap3A_1847 = vector.shape_cast %swap3A_1846 : vector<1x64x15xf32> to vector<64x15xf32>
    %swap3A_1848 = vector.shape_cast %broadcast_in_dim3A_1842 : vector<64x15xf32> to vector<1x64x15xf32>
    tpu.vector_store %arg2[%swap3A_1843, %swap3A_1844, %swap3A_1845], %swap3A_1848 {strides = array<i32>} : memref<1x2048x112xf32, #tpu.memory_space<vmem>>, vector<1x64x15xf32>,
    return
  }
  func.func @transform_0(%arg0: i32) -> (i32, i32, i32) {
    %c0_i32 = arith.constant 0 : i32
    %c0_i32_0 = arith.constant 0 : i32
    %c0_i32_1 = arith.constant 0 : i32
    return %arg0, %c0_i32, %c0_i32_0 : i32, i32, i32
  }
  func.func @transform_1(%arg0: i32) -> (i32, i32, i32) {
    %c0_i32 = arith.constant 0 : i32
    %c0_i32_0 = arith.constant 0 : i32
    %c0_i32_1 = arith.constant 0 : i32
    return %arg0, %c0_i32, %c0_i32_0 : i32, i32, i32
  }
}

module attributes {stable_mosaic.version = 14 : i64} {
  func.func @_combine_body(%arg0: i32, %arg1: memref<1x4x2048x112xf32, #tpu.memory_space<vmem>>, %arg2: memref<1x2048x96xf32, #tpu.memory_space<vmem>>) attributes {dimension_semantics = [#tpu.dimension_semantics<arbitrary>], iteration_bounds = array<i64: 8>, scalar_prefetch = 0 : i64, scratch_operands = 0 : i64, tpu.core_type = #tpu.core_type<tc>, window_params = [{transform_indices = @transform_0, window_bounds = array<i64: 1, 4, 2048, 112>}, {transform_indices = @transform_1, window_bounds = array<i64: 1, 2048, 96>}]} {
    %get3A = arith.constant 0 : index
    %get3A_0 = arith.constant 0 : index
    %get3A_1 = arith.constant 0 : index
    %get3A_2 = arith.constant 96 : index
    %get3A_3 = vector.load %arg1[%get3A, %get3A_0, %get3A_1, %get3A_2] : memref<1x4x2048x112xf32, #tpu.memory_space<vmem>>, vector<1x1x2048x1xf32>
    %get3A_4 = vector.shape_cast %get3A_3 : vector<1x1x2048x1xf32> to vector<2048x1xf32>
    %get3A_5 = arith.constant 0 : index
    %get3A_6 = arith.constant 1 : index
    %get3A_7 = arith.constant 0 : index
    %get3A_8 = arith.constant 96 : index
    %get3A_9 = vector.load %arg1[%get3A_5, %get3A_6, %get3A_7, %get3A_8] : memref<1x4x2048x112xf32, #tpu.memory_space<vmem>>, vector<1x1x2048x1xf32>
    %get3A_10 = vector.shape_cast %get3A_9 : vector<1x1x2048x1xf32> to vector<2048x1xf32>
    %get3A_11 = arith.constant 0 : index
    %get3A_12 = arith.constant 2 : index
    %get3A_13 = arith.constant 0 : index
    %get3A_14 = arith.constant 96 : index
    %get3A_15 = vector.load %arg1[%get3A_11, %get3A_12, %get3A_13, %get3A_14] : memref<1x4x2048x112xf32, #tpu.memory_space<vmem>>, vector<1x1x2048x1xf32>
    %get3A_16 = vector.shape_cast %get3A_15 : vector<1x1x2048x1xf32> to vector<2048x1xf32>
    %get3A_17 = arith.constant 0 : index
    %get3A_18 = arith.constant 3 : index
    %get3A_19 = arith.constant 0 : index
    %get3A_20 = arith.constant 96 : index
    %get3A_21 = vector.load %arg1[%get3A_17, %get3A_18, %get3A_19, %get3A_20] : memref<1x4x2048x112xf32, #tpu.memory_space<vmem>>, vector<1x1x2048x1xf32>
    %get3A_22 = vector.shape_cast %get3A_21 : vector<1x1x2048x1xf32> to vector<2048x1xf32>
    %max3A = arith.maximumf %get3A_4, %get3A_10 : vector<2048x1xf32>
    %max3A_23 = arith.maximumf %max3A, %get3A_16 : vector<2048x1xf32>
    %max3A_24 = arith.maximumf %max3A_23, %get3A_22 : vector<2048x1xf32>
    %sub3A = arith.subf %get3A_4, %max3A_24 : vector<2048x1xf32>
    %exp3A = math.exp %sub3A : vector<2048x1xf32>
    %sub3A_25 = arith.subf %get3A_10, %max3A_24 : vector<2048x1xf32>
    %exp3A_26 = math.exp %sub3A_25 : vector<2048x1xf32>
    %sub3A_27 = arith.subf %get3A_16, %max3A_24 : vector<2048x1xf32>
    %exp3A_28 = math.exp %sub3A_27 : vector<2048x1xf32>
    %sub3A_29 = arith.subf %get3A_22, %max3A_24 : vector<2048x1xf32>
    %exp3A_30 = math.exp %sub3A_29 : vector<2048x1xf32>
    %add3A = arith.addf %exp3A, %exp3A_26 : vector<2048x1xf32>
    %add3A_31 = arith.addf %add3A, %exp3A_28 : vector<2048x1xf32>
    %add3A_32 = arith.addf %add3A_31, %exp3A_30 : vector<2048x1xf32>
    %get3A_33 = arith.constant 0 : index
    %get3A_34 = arith.constant 0 : index
    %get3A_35 = arith.constant 0 : index
    %get3A_36 = arith.constant 0 : index
    %get3A_37 = vector.load %arg1[%get3A_33, %get3A_34, %get3A_35, %get3A_36] : memref<1x4x2048x112xf32, #tpu.memory_space<vmem>>, vector<1x1x2048x96xf32>
    %get3A_38 = vector.shape_cast %get3A_37 : vector<1x1x2048x96xf32> to vector<2048x96xf32>
    %mul3A = vector.broadcast %exp3A : vector<2048x1xf32> to vector<2048x96xf32>
    %mul3A_39 = arith.mulf %mul3A, %get3A_38 : vector<2048x96xf32>
    %get3A_40 = arith.constant 0 : index
    %get3A_41 = arith.constant 1 : index
    %get3A_42 = arith.constant 0 : index
    %get3A_43 = arith.constant 0 : index
    %get3A_44 = vector.load %arg1[%get3A_40, %get3A_41, %get3A_42, %get3A_43] : memref<1x4x2048x112xf32, #tpu.memory_space<vmem>>, vector<1x1x2048x96xf32>
    %get3A_45 = vector.shape_cast %get3A_44 : vector<1x1x2048x96xf32> to vector<2048x96xf32>
    %mul3A_46 = vector.broadcast %exp3A_26 : vector<2048x1xf32> to vector<2048x96xf32>
    %mul3A_47 = arith.mulf %mul3A_46, %get3A_45 : vector<2048x96xf32>
    %add3A_48 = arith.addf %mul3A_39, %mul3A_47 : vector<2048x96xf32>
    %get3A_49 = arith.constant 0 : index
    %get3A_50 = arith.constant 2 : index
    %get3A_51 = arith.constant 0 : index
    %get3A_52 = arith.constant 0 : index
    %get3A_53 = vector.load %arg1[%get3A_49, %get3A_50, %get3A_51, %get3A_52] : memref<1x4x2048x112xf32, #tpu.memory_space<vmem>>, vector<1x1x2048x96xf32>
    %get3A_54 = vector.shape_cast %get3A_53 : vector<1x1x2048x96xf32> to vector<2048x96xf32>
    %mul3A_55 = vector.broadcast %exp3A_28 : vector<2048x1xf32> to vector<2048x96xf32>
    %mul3A_56 = arith.mulf %mul3A_55, %get3A_54 : vector<2048x96xf32>
    %add3A_57 = arith.addf %add3A_48, %mul3A_56 : vector<2048x96xf32>
    %get3A_58 = arith.constant 0 : index
    %get3A_59 = arith.constant 3 : index
    %get3A_60 = arith.constant 0 : index
    %get3A_61 = arith.constant 0 : index
    %get3A_62 = vector.load %arg1[%get3A_58, %get3A_59, %get3A_60, %get3A_61] : memref<1x4x2048x112xf32, #tpu.memory_space<vmem>>, vector<1x1x2048x96xf32>
    %get3A_63 = vector.shape_cast %get3A_62 : vector<1x1x2048x96xf32> to vector<2048x96xf32>
    %mul3A_64 = vector.broadcast %exp3A_30 : vector<2048x1xf32> to vector<2048x96xf32>
    %mul3A_65 = arith.mulf %mul3A_64, %get3A_63 : vector<2048x96xf32>
    %add3A_66 = arith.addf %add3A_57, %mul3A_65 : vector<2048x96xf32>
    %div3A = vector.broadcast %add3A_32 : vector<2048x1xf32> to vector<2048x96xf32>
    %div3A_67 = arith.divf %add3A_66, %div3A : vector<2048x96xf32>
    %swap3A = arith.constant 0 : index
    %swap3A_68 = arith.constant 0 : index
    %swap3A_69 = arith.constant 0 : index
    %swap3A_70 = vector.load %arg2[%swap3A, %swap3A_68, %swap3A_69] : memref<1x2048x96xf32, #tpu.memory_space<vmem>>, vector<1x2048x96xf32>
    %swap3A_71 = vector.shape_cast %swap3A_70 : vector<1x2048x96xf32> to vector<2048x96xf32>
    %swap3A_72 = vector.shape_cast %div3A_67 : vector<2048x96xf32> to vector<1x2048x96xf32>
    tpu.vector_store %arg2[%swap3A, %swap3A_68, %swap3A_69], %swap3A_72 {strides = array<i32>} : memref<1x2048x96xf32, #tpu.memory_space<vmem>>, vector<1x2048x96xf32>,
    return
  }
  func.func @transform_0(%arg0: i32) -> (i32, i32, i32, i32) {
    %c0_i32 = arith.constant 0 : i32
    %c0_i32_0 = arith.constant 0 : i32
    %c0_i32_1 = arith.constant 0 : i32
    %c0_i32_2 = arith.constant 0 : i32
    return %arg0, %c0_i32, %c0_i32_0, %c0_i32_1 : i32, i32, i32, i32
  }
  func.func @transform_1(%arg0: i32) -> (i32, i32, i32) {
    %c0_i32 = arith.constant 0 : i32
    %c0_i32_0 = arith.constant 0 : i32
    %c0_i32_1 = arith.constant 0 : i32
    return %arg0, %c0_i32, %c0_i32_0 : i32, i32, i32
  }
}

module attributes {stable_mosaic.version = 14 : i64} {
  func.func @_post1_body(%arg0: i32, %arg1: memref<256x768xf32, #tpu.memory_space<vmem>>, %arg2: memref<256x768xf32, #tpu.memory_space<vmem>>, %arg3: memref<768x768xf32, #tpu.memory_space<vmem>>, %arg4: memref<256x768xf32, #tpu.memory_space<vmem>>) attributes {dimension_semantics = [#tpu.dimension_semantics<arbitrary>], iteration_bounds = array<i64: 8>, scalar_prefetch = 0 : i64, scratch_operands = 0 : i64, tpu.core_type = #tpu.core_type<tc>, window_params = [{transform_indices = @transform_0, window_bounds = array<i64: 256, 768>}, {transform_indices = @transform_1, window_bounds = array<i64: 256, 768>}, {pipeline_mode = #tpu.pipeline_mode<synchronous>, transform_indices = @transform_2, window_bounds = array<i64: 768, 768>}, {transform_indices = @transform_3, window_bounds = array<i64: 256, 768>}]} {
    %get3A = arith.constant 0 : index
    %get3A_0 = arith.constant 0 : index
    %get3A_1 = vector.load %arg1[%get3A, %get3A_0] : memref<256x768xf32, #tpu.memory_space<vmem>>, vector<256x768xf32>
    %get3A_2 = arith.constant 0 : index
    %get3A_3 = arith.constant 0 : index
    %get3A_4 = vector.load %arg3[%get3A_2, %get3A_3] : memref<768x768xf32, #tpu.memory_space<vmem>>, vector<768x768xf32>
    %dot_general3A = arith.constant dense<0.000000e+00> : vector<256x768xf32>
    %dot_general3A_5 = tpu.matmul %get3A_1, %get3A_4, %dot_general3A {dimension_numbers = #tpu.dot_dimension_numbers<[1], [0], [0], [1], [0, 0, 1, 1], [], []>, transpose_lhs_hint = false} : vector<256x768xf32>, vector<768x768xf32>, vector<256x768xf32> -> vector<256x768xf32>
    %get3A_6 = arith.constant 0 : index
    %get3A_7 = arith.constant 0 : index
    %get3A_8 = vector.load %arg2[%get3A_6, %get3A_7] : memref<256x768xf32, #tpu.memory_space<vmem>>, vector<256x768xf32>
    %add3A = arith.addf %get3A_8, %dot_general3A_5 : vector<256x768xf32>
    %swap3A = arith.constant 0 : index
    %swap3A_9 = arith.constant 0 : index
    %swap3A_10 = vector.load %arg4[%swap3A, %swap3A_9] : memref<256x768xf32, #tpu.memory_space<vmem>>, vector<256x768xf32>
    tpu.vector_store %arg4[%swap3A, %swap3A_9], %add3A {strides = array<i32>} : memref<256x768xf32, #tpu.memory_space<vmem>>, vector<256x768xf32>,
    return
  }
  func.func @transform_0(%arg0: i32) -> (i32, i32) {
    %c0_i32 = arith.constant 0 : i32
    %c0_i32_0 = arith.constant 0 : i32
    return %arg0, %c0_i32 : i32, i32
  }
  func.func @transform_1(%arg0: i32) -> (i32, i32) {
    %c0_i32 = arith.constant 0 : i32
    %c0_i32_0 = arith.constant 0 : i32
    return %arg0, %c0_i32 : i32, i32
  }
  func.func @transform_2(%arg0: i32) -> (i32, i32) {
    %c0_i32 = arith.constant 0 : i32
    %c0_i32_0 = arith.constant 0 : i32
    %c0_i32_1 = arith.constant 0 : i32
    return %c0_i32, %c0_i32_0 : i32, i32
  }
  func.func @transform_3(%arg0: i32) -> (i32, i32) {
    %c0_i32 = arith.constant 0 : i32
    %c0_i32_0 = arith.constant 0 : i32
    return %arg0, %c0_i32 : i32, i32
  }
}

module attributes {stable_mosaic.version = 14 : i64} {
  func.func @_post2_body(%arg0: i32, %arg1: memref<256x768xf32, #tpu.memory_space<vmem>>, %arg2: memref<256x768xf32, #tpu.memory_space<vmem>>, %arg3: memref<768x3072xf32, #tpu.memory_space<vmem>>, %arg4: memref<1x3072xf32, #tpu.memory_space<vmem>>, %arg5: memref<3072x768xf32, #tpu.memory_space<vmem>>, %arg6: memref<1x768xf32, #tpu.memory_space<vmem>>, %arg7: memref<256x768xf32, #tpu.memory_space<vmem>>) attributes {dimension_semantics = [#tpu.dimension_semantics<arbitrary>], iteration_bounds = array<i64: 8>, scalar_prefetch = 0 : i64, scratch_operands = 0 : i64, tpu.core_type = #tpu.core_type<tc>, window_params = [{transform_indices = @transform_0, window_bounds = array<i64: 256, 768>}, {transform_indices = @transform_1, window_bounds = array<i64: 256, 768>}, {pipeline_mode = #tpu.pipeline_mode<synchronous>, transform_indices = @transform_2, window_bounds = array<i64: 768, 3072>}, {pipeline_mode = #tpu.pipeline_mode<synchronous>, transform_indices = @transform_3, window_bounds = array<i64: 1, 3072>}, {pipeline_mode = #tpu.pipeline_mode<synchronous>, transform_indices = @transform_4, window_bounds = array<i64: 3072, 768>}, {pipeline_mode = #tpu.pipeline_mode<synchronous>, transform_indices = @transform_5, window_bounds = array<i64: 1, 768>}, {transform_indices = @transform_6, window_bounds = array<i64: 256, 768>}]} {
    %get3A = arith.constant 0 : index
    %get3A_0 = arith.constant 0 : index
    %get3A_1 = vector.load %arg1[%get3A, %get3A_0] : memref<256x768xf32, #tpu.memory_space<vmem>>, vector<256x768xf32>
    %get3A_2 = arith.constant 0 : index
    %get3A_3 = arith.constant 0 : index
    %get3A_4 = vector.load %arg3[%get3A_2, %get3A_3] : memref<768x3072xf32, #tpu.memory_space<vmem>>, vector<768x3072xf32>
    %dot_general3A = arith.constant dense<0.000000e+00> : vector<256x3072xf32>
    %dot_general3A_5 = tpu.matmul %get3A_1, %get3A_4, %dot_general3A {dimension_numbers = #tpu.dot_dimension_numbers<[1], [0], [0], [1], [0, 0, 1, 1], [], []>, transpose_lhs_hint = false} : vector<256x768xf32>, vector<768x3072xf32>, vector<256x3072xf32> -> vector<256x3072xf32>
    %get3A_6 = arith.constant 0 : index
    %get3A_7 = arith.constant 0 : index
    %get3A_8 = vector.load %arg4[%get3A_6, %get3A_7] : memref<1x3072xf32, #tpu.memory_space<vmem>>, vector<1x3072xf32>
    %add3A = vector.broadcast %get3A_8 : vector<1x3072xf32> to vector<256x3072xf32>
    %add3A_9 = arith.addf %dot_general3A_5, %add3A : vector<256x3072xf32>
    %integer_pow3A = arith.mulf %add3A_9, %add3A_9 : vector<256x3072xf32>
    %integer_pow3A_10 = arith.mulf %add3A_9, %integer_pow3A : vector<256x3072xf32>
    %mul3A = arith.constant 4.471500e-02 : f32
    %mul3A_11 = vector.broadcast %mul3A : f32 to vector<256x3072xf32>
    %mul3A_12 = arith.mulf %mul3A_11, %integer_pow3A_10 : vector<256x3072xf32>
    %add3A_13 = arith.addf %add3A_9, %mul3A_12 : vector<256x3072xf32>
    %mul3A_14 = arith.constant 0.797884583 : f32
    %mul3A_15 = vector.broadcast %mul3A_14 : f32 to vector<256x3072xf32>
    %mul3A_16 = arith.mulf %mul3A_15, %add3A_13 : vector<256x3072xf32>
    %tanh3A = math.tanh %mul3A_16 : vector<256x3072xf32>
    %add3A_17 = arith.constant 1.000000e+00 : f32
    %add3A_18 = vector.broadcast %add3A_17 : f32 to vector<256x3072xf32>
    %add3A_19 = arith.addf %add3A_18, %tanh3A : vector<256x3072xf32>
    %mul3A_20 = arith.constant 5.000000e-01 : f32
    %mul3A_21 = vector.broadcast %mul3A_20 : f32 to vector<256x3072xf32>
    %mul3A_22 = arith.mulf %mul3A_21, %add3A_19 : vector<256x3072xf32>
    %mul3A_23 = arith.mulf %add3A_9, %mul3A_22 : vector<256x3072xf32>
    %get3A_24 = arith.constant 0 : index
    %get3A_25 = arith.constant 0 : index
    %get3A_26 = vector.load %arg5[%get3A_24, %get3A_25] : memref<3072x768xf32, #tpu.memory_space<vmem>>, vector<3072x768xf32>
    %dot_general3A_27 = arith.constant dense<0.000000e+00> : vector<256x768xf32>
    %dot_general3A_28 = tpu.matmul %mul3A_23, %get3A_26, %dot_general3A_27 {dimension_numbers = #tpu.dot_dimension_numbers<[1], [0], [0], [1], [0, 0, 1, 1], [], []>, transpose_lhs_hint = false} : vector<256x3072xf32>, vector<3072x768xf32>, vector<256x768xf32> -> vector<256x768xf32>
    %get3A_29 = arith.constant 0 : index
    %get3A_30 = arith.constant 0 : index
    %get3A_31 = vector.load %arg6[%get3A_29, %get3A_30] : memref<1x768xf32, #tpu.memory_space<vmem>>, vector<1x768xf32>
    %add3A_32 = vector.broadcast %get3A_31 : vector<1x768xf32> to vector<256x768xf32>
    %add3A_33 = arith.addf %dot_general3A_28, %add3A_32 : vector<256x768xf32>
    %get3A_34 = arith.constant 0 : index
    %get3A_35 = arith.constant 0 : index
    %get3A_36 = vector.load %arg2[%get3A_34, %get3A_35] : memref<256x768xf32, #tpu.memory_space<vmem>>, vector<256x768xf32>
    %add3A_37 = arith.addf %get3A_36, %add3A_33 : vector<256x768xf32>
    %swap3A = arith.constant 0 : index
    %swap3A_38 = arith.constant 0 : index
    %swap3A_39 = vector.load %arg7[%swap3A, %swap3A_38] : memref<256x768xf32, #tpu.memory_space<vmem>>, vector<256x768xf32>
    tpu.vector_store %arg7[%swap3A, %swap3A_38], %add3A_37 {strides = array<i32>} : memref<256x768xf32, #tpu.memory_space<vmem>>, vector<256x768xf32>,
    return
  }
  func.func @transform_0(%arg0: i32) -> (i32, i32) {
    %c0_i32 = arith.constant 0 : i32
    %c0_i32_0 = arith.constant 0 : i32
    return %arg0, %c0_i32 : i32, i32
  }
  func.func @transform_1(%arg0: i32) -> (i32, i32) {
    %c0_i32 = arith.constant 0 : i32
    %c0_i32_0 = arith.constant 0 : i32
    return %arg0, %c0_i32 : i32, i32
  }
  func.func @transform_2(%arg0: i32) -> (i32, i32) {
    %c0_i32 = arith.constant 0 : i32
    %c0_i32_0 = arith.constant 0 : i32
    %c0_i32_1 = arith.constant 0 : i32
    return %c0_i32, %c0_i32_0 : i32, i32
  }
  func.func @transform_3(%arg0: i32) -> (i32, i32) {
    %c0_i32 = arith.constant 0 : i32
    %c0_i32_0 = arith.constant 0 : i32
    %c0_i32_1 = arith.constant 0 : i32
    return %c0_i32, %c0_i32_0 : i32, i32
  }
  func.func @transform_4(%arg0: i32) -> (i32, i32) {
    %c0_i32 = arith.constant 0 : i32
    %c0_i32_0 = arith.constant 0 : i32
    %c0_i32_1 = arith.constant 0 : i32
    return %c0_i32, %c0_i32_0 : i32, i32
  }
  func.func @transform_5(%arg0: i32) -> (i32, i32) {
    %c0_i32 = arith.constant 0 : i32
    %c0_i32_0 = arith.constant 0 : i32
    %c0_i32_1 = arith.constant 0 : i32
    return %c0_i32, %c0_i32_0 : i32, i32
  }
  func.func @transform_6(%arg0: i32) -> (i32, i32) {
    %c0_i32 = arith.constant 0 : i32
    %c0_i32_0 = arith.constant 0 : i32
    return %arg0, %c0_i32 : i32, i32
  }
}

module attributes {stable_mosaic.version = 14 : i64} {
  func.func @_avg_body(%arg0: memref<2048x768xf32, #tpu.memory_space<vmem>>, %arg1: memref<2048x768xf32, #tpu.memory_space<vmem>>, %arg2: memref<2048x768xf32, #tpu.memory_space<vmem>>) attributes {dimension_semantics = [], scalar_prefetch = 0 : i64, scratch_operands = 0 : i64, tpu.core_type = #tpu.core_type<tc>} {
    %get3A = arith.constant 0 : index
    %get3A_0 = arith.constant 0 : index
    %get3A_1 = vector.load %arg0[%get3A, %get3A_0] : memref<2048x768xf32, #tpu.memory_space<vmem>>, vector<2048x768xf32>
    %get3A_2 = arith.constant 0 : index
    %get3A_3 = arith.constant 0 : index
    %get3A_4 = vector.load %arg1[%get3A_2, %get3A_3] : memref<2048x768xf32, #tpu.memory_space<vmem>>, vector<2048x768xf32>
    %add3A = arith.addf %get3A_1, %get3A_4 : vector<2048x768xf32>
    %mul3A = arith.constant 5.000000e-01 : f32
    %mul3A_5 = vector.broadcast %mul3A : f32 to vector<2048x768xf32>
    %mul3A_6 = arith.mulf %add3A, %mul3A_5 : vector<2048x768xf32>
    %swap3A = arith.constant 0 : index
    %swap3A_7 = arith.constant 0 : index
    %swap3A_8 = vector.load %arg2[%swap3A, %swap3A_7] : memref<2048x768xf32, #tpu.memory_space<vmem>>, vector<2048x768xf32>
    tpu.vector_store %arg2[%swap3A, %swap3A_7], %mul3A_6 {strides = array<i32>} : memref<2048x768xf32, #tpu.memory_space<vmem>>, vector<2048x768xf32>,
    return
  }
}

</mosaic_0001>

<sc_bundles>
// kernel: gather_offload_async_start.10
scs
__scs_entry_jumppad:
0x0: {  	(pc) =	sbr.rel $0x88, $3  }
0x1: {  	(tag) =	ssettag $0x0;
	lr =	simm.s32 $0x1  }
0x2: {  	[smem:$0x3F92] =	sst lr;
	_ =	strace $0xD0000000  }
0x3: {  	_ = 	snop  }
0x4: {  	_ = 	snop  }
0x5: {  	_ = 	snop  }
0x6: {  	_ = 	snop  }
0x7: {  	_ = 	snop  }
__scs_overlays_trampoline_lowered:
0x8: {  	[smem:$0x3FA1] =	sst s0  }
0x9: {  	[smem:$0x3FA2] =	sst s1  }
0xa: {  	[smem:$0x3FA3] =	sst s2  }
0xb: {  	[smem:$0x3FA4] =	sst s3  }
0xc: {  	[smem:$0x3FA5] =	sst s4  }
0xd: {  	[smem:$0x3FA6] =	sst s5  }
0xe: {  	[smem:$0x3FA7] =	sst s6  }
0xf: {  	[smem:$0x3FA8] =	sst s7  }
0x10: {  	[smem:$0x3FA9] =	sst s8  }
0x11: {  	[smem:$0x3FAA] =	sst s9;
	s0 =	simm.s32 @!p0 $0x0  }
0x12: {  	s1 =	sld [smem:$0x3F90];
	s0 =	simm.s32 @p0 $0x1  }
0x13: {  	[smem:$0x3FAB] =	sst s0;
	s0 =	simm.s32 @!p1 $0x0  }
0x14: {  	s2 =	sld [smem:$0x3F8F];
	s0 =	simm.s32 @p1 $0x1  }
0x15: {  	[smem:$0x3FAC] =	sst s0;
	s0 =	simm.s32 @!p2 $0x0  }
0x16: {  	s3 =	sld [smem:$0x3FDB];
	s0 =	simm.s32 @p2 $0x1  }
0x17: {  	s4 =	simm.s32 $0x1BF5;
	[smem:$0x3FAE] =	sst s0  }
0x18: {  	s0 =	sld [smem:$0x3F91];
	_ =	swait.ge [sflag:s4], $0x0  }
0x19: {  	s7 =	sld [smem:$0x3F92]  }
0x1a: {  	s8 =	sadd.s32 $0xFFFFE003, lr  }
0x1b: {  	s9 =	sadd.s32 $0xFFFFFEF7, lr;
	s5 =	simm.s32 $0xFFFFFFFF;
	p2 =	slt.u32 s8, $0xFFFFF086  }
0x1c: {  	p1 =	slt.u32 s9, $0xF7A;
	s5 =	simm.s32 @!p2 $0x0  }
0x1d: {  	s5 =	simm.s32 @p1 $0x1;
	p0 =	seq.s32 s7, s2  }
0x1e: {  	s7 =	smul.u32 @!p0 $0xF7A, s2;
	p2 =	seq.s32 @!p0 s5, $0x0  }
0x1f: {  	s9 =	smul.u32 $0xF7A, s1;
	s8 =	simm.s32 @!p0 $0x1BF5;
	p2 =	por !p2, p0  }
0x20: {  	[sflag:s8] =	ssyncset.s32 @!p0 $0xFFFFF086;
	s6 =	sadd.s32 @!p0 s3, s7;
	s7 =	simm.s32 @!p0 $0x108  }
0x21: {  	s3 =	sadd.s32 s3, s9;
	s6 =	sadd.s32 @!p0 $0x88, s6;
	s7 =	simm.s32 @p2 $0x1082  }
0x22: {  	[simem:s7], [sflag:s8] =	dma.local @!p0 [hbm:s6], $0xF7A  }
0x23: {  	s9 =	sor.u32 $0xD0000000, s2;
	s6 =	simm.s32 $0x108;
	_ =	swait.ge @!p0 [sflag:s8], $0x0  }
0x24: {  	s3 =	sadd.s32 $0x88, s3;
	s6 =	simm.s32 @!p1 $0x1082;
	[sflag:s4] =	ssyncset.s32 $0xFFFFF086  }
0x25: {  	[simem:s6], [sflag:s4] =	dma.local [hbm:s3], $0xF7A  }
0x26: {  	[smem:$0x3F92] =	sst s1;
	(tag) =	ssettag s2;
	_ =	strace s9  }
0x27: {  	s1 =	sld [smem:$0x3FA2]  }
0x28: {  	s2 =	sld [smem:$0x3FA3]  }
0x29: {  	s4 =	sld [smem:$0x3FA5]  }
0x2a: {  	p0 =	seq.s32 s5, $0x0;
	s5 =	sld [smem:$0x3FA6]  }
0x2b: {  	s6 =	sld [smem:$0x3FA7]  }
0x2c: {  	s7 =	sld [smem:$0x3FA8]  }
0x2d: {  	s3 =	simm.s32 $0x108;
	s8 =	sld [smem:$0x3FA9]  }
0x2e: {  	s3 =	simm.s32 @!p0 $0x1082;
	s9 =	sld [smem:$0x3FAA]  }
0x2f: {  	lr =	sadd.s32 s0, s3;
	s0 =	sld [smem:$0x3FA1]  }
0x30: {  	s3 =	sld [smem:$0x3FA4]  }
0x31: {  	[smem:$0x3FAD] =	sst s10  }
0x32: {  	s10 =	sld [smem:$0x3FAB];
	_ =	sdelay $0x3  }
0x33: {  	p0 =	seq.s32 s10, $0x1;
	s10 =	sld [smem:$0x3FAD];
	_ =	sdelay $0x3  }
0x34: {  	[smem:$0x3FAD] =	sst s10  }
0x35: {  	s10 =	sld [smem:$0x3FAC];
	_ =	sdelay $0x3  }
0x36: {  	p1 =	seq.s32 s10, $0x1;
	s10 =	sld [smem:$0x3FAD];
	_ =	sdelay $0x3  }
0x37: {  	[smem:$0x3FAD] =	sst s10  }
0x38: {  	s10 =	sld [smem:$0x3FAE]  }
0x39: {  	_ = 	snop;
	(pc) =	sbr.ind lr, $3  }
0x3a: {  	_ = 	snop  }
0x3b: {  	_ = 	snop  }
0x3c: {  	p2 =	seq.s32 s10, $0x1;
	s10 =	sld [smem:$0x3FAD]  }
0x3d: {  	_ =	shalt  }
0x3e: {  	_ =	shalt  }
0x3f: {  	_ =	shalt  }
0x40: {  	_ =	shalt  }
0x41: {  	_ =	shalt  }
0x42: {  	_ =	shalt  }
0x43: {  	_ =	shalt  }
0x44: {  	_ =	shalt  }
0x45: {  	_ =	shalt  }
0x46: {  	_ =	shalt  }
0x47: {  	_ =	shalt  }
0x48: {  	_ =	shalt  }
0x49: {  	_ =	shalt  }
0x4a: {  	_ =	shalt  }
0x4b: {  	_ =	shalt  }
0x4c: {  	_ =	shalt  }
0x4d: {  	_ =	shalt  }
0x4e: {  	_ =	shalt  }
0x4f: {  	_ =	shalt  }
0x50: {  	_ =	shalt  }
0x51: {  	_ =	shalt  }
0x52: {  	_ =	shalt  }
0x53: {  	_ =	shalt  }
0x54: {  	_ =	shalt  }
0x55: {  	_ =	shalt  }
0x56: {  	_ =	shalt  }
0x57: {  	_ =	shalt  }
0x58: {  	_ =	shalt  }
0x59: {  	_ =	shalt  }
0x5a: {  	_ =	shalt  }
0x5b: {  	_ =	shalt  }
0x5c: {  	_ =	shalt  }
0x5d: {  	_ =	shalt  }
0x5e: {  	_ =	shalt  }
0x5f: {  	_ =	shalt  }
0x60: {  	_ =	shalt  }
0x61: {  	_ =	shalt  }
0x62: {  	_ =	shalt  }
0x63: {  	_ =	shalt  }
0x64: {  	_ =	shalt  }
0x65: {  	_ =	shalt  }
0x66: {  	_ =	shalt  }
0x67: {  	_ =	shalt  }
0x68: {  	_ =	shalt  }
0x69: {  	_ =	shalt  }
0x6a: {  	_ =	shalt  }
0x6b: {  	_ =	shalt  }
0x6c: {  	_ =	shalt  }
0x6d: {  	_ =	shalt  }
0x6e: {  	_ =	shalt  }
0x6f: {  	_ =	shalt  }
0x70: {  	_ =	shalt  }
0x71: {  	_ =	shalt  }
0x72: {  	_ =	shalt  }
0x73: {  	_ =	shalt  }
0x74: {  	_ =	shalt  }
0x75: {  	_ =	shalt  }
0x76: {  	_ =	shalt  }
0x77: {  	_ =	shalt  }
0x78: {  	_ =	shalt  }
0x79: {  	_ =	shalt  }
0x7a: {  	_ =	shalt  }
0x7b: {  	_ =	shalt  }
0x7c: {  	_ =	shalt  }
0x7d: {  	_ =	shalt  }
0x7e: {  	_ =	shalt  }
0x7f: {  	_ =	shalt  }
0x80: {  	_ =	shalt  }
0x81: {  	_ =	shalt  }
0x82: {  	_ =	shalt  }
0x83: {  	_ =	shalt  }
0x84: {  	_ =	shalt  }
0x85: {  	_ =	shalt  }
0x86: {  	_ =	shalt  }
0x87: {  	_ =	shalt  }
.Lfunc_end0:
.L_simem_size_0:
called_computation.10_lowered:
.L_overlay_start_0:
0x88: {  	s2 =	sld [smem:$0x3FD9]  }
0x89: {  	s3 =	sld [smem:$0x3FFE];
	_ =	sdelay $0x1  }
0x8a: {  	s1 =	srdreg.scid  }
0x8b: {  	s0 =	sand.u32 $0x1, s1  }
0x8c: {  	s16 =	sshll.u32 s0, $0xA;
	s2 =	sadd.s32 s3, s2  }
0x8d: {  	s2 =	sadd.s32 s2, s16  }
0x8e: {  	[smem:$0x3FB9] =	sst s2  }
0x8f: {  	_ = 	snop  }
0x90: {  	(tm) =	ssettm $0x1  }
0x91: {  	s17 =	sld [smem:$0x3FFB];
	_ =	sdelay $0x3  }
0x92: {  	_ =	strace s17  }
0x93: {  	s2 =	sld [smem:$0x3FFC];
	_ =	sdelay $0x3  }
0x94: {  	_ =	strace s2  }
0x95: {  	s2 =	sld [smem:$0x3FFD];
	_ =	sdelay $0x3  }
0x96: {  	_ =	strace s2  }
0x97: {  	_ =	strace $0x8FFFFFFF  }
0x98: {  	s18 =	sld [smem:$0x3FDB];
	_ =	sdelay $0x1  }
0x99: {  	s19 =	simm.s32 $_scs_section_size  }
0x9a: {  	s4 =	simm.s32 $_size__tile_overlayer_lowered;
	s5 =	simm.s32 $_tile_overlayer_lowered  }
0x9b: {  	s22 =	simm.s32 $0x1BFF;
	s21 =	sshll.u32 s5, $0x1;
	s2 =	sadd.s32 s19, s18  }
0x9c: {  	s6 =	simm.s32 $0x0;
	s20 =	sshll.u32 s4, $0x1;
	s4 =	sadd.s32 s21, s2  }
0x9d: {  	[timem:s6], [sflag:s22] =	dma.local [hbm:s4], s20  }
0x9e: {  	_ =	swait.ge [sflag:s22], s20  }
0x9f: {  	s3 =	ssub.s32 $0x0, s20;
	[sflag:s22] =	ssyncset.done $0x0  }
0xa0: {  	[sflag:s22] =	ssyncadd.s32 s3;
	_ =	sdelay $0x1  }
0xa1: {  	s23 =	simm.s32 $0x1B8B  }
0xa2: {  	_ =	swait.ge [sflag:s23], $0x1  }
0xa3: {  	[sflag:s23] =	ssyncset.done $0x0  }
0xa4: {  	s25 =	simm.s32 $0x1B8E;
	s24 =	sld [smem:$0x3FFE];
	[sflag:s23] =	ssyncadd.s32 $0xFFFFFFFF  }
0xa5: {  	s26 =	simm.s32 $execute0_lowered;
	[smem:$0x3FD2] =	sst s25  }
0xa6: {  	s4 =	sshll.u32 s26, $0x1;
	_ =	strace $0x80000064;
	[dreg:$0x1] =	wrdreg $0xFFFFFFFF  }
0xa7: {  	s28 =	simm.s32 $_size_execute0_lowered;
	s2 =	sadd.s32 s2, s4;
	[dreg:$0x0] =	wrdreg $0x0  }
0xa8: {  	s4 =	sshll.u32 s28, $0x1;
	[dreg:$0x2] =	wrdreg s2  }
0xa9: {  	[dreg:$0x3] =	wrdreg s4  }
0xaa: {  	[dreg:$0x4] =	wrdreg $0xC0  }
0xab: {  	_ =	task [dreg:s6], $0x5FFFF  }
0xac: {  	[dreg:$0x1] =	wrdreg $0xFFFFFFFF  }
0xad: {  	[dreg:$0x0] =	wrdreg $0x60  }
0xae: {  	[dreg:$0x2] =	wrdreg s24  }
0xaf: {  	[dreg:$0x3] =	wrdreg $0x9  }
0xb0: {  	_ =	task.clear_ibuf [dreg:s6], $0x4FFFF;
	_ =	strace $0x90000064  }
0xb1: {  	s29 =	simm.s32 $0x9;
	_ =	strace $0x80000066  }
0xb2: {  	_ =	swait.ge [sflag:s29], $0x1  }
0xb3: {  	[sflag:s29] =	ssyncadd.s32 $0xFFFFFFFF  }
0xb4: {  	_ =	strace $0x90000066  }
0xb5: {  	_ =	sfence  }
0xb6: {  	s30 =	sld [smem:$0x0];
	_ =	sdelay $0x2  }
0xb7: {  	s31 =	sshll.u32 s1, $0xD;
	s1 =	sshrl.u32 s1, $0x2  }
0xb8: {  	s3 =	sand.u32 $0x4000, s31;
	s1 =	sadd.s32 s1, s30  }
0xb9: {  	s0 =	sor.u32 s3, s0;
	s1 =	sshll.u32 s1, $0x11  }
0xba: {  	s0 =	sor.u32 s1, s0  }
0xbb: {  	s0 =	sadd.s32 $0x8F2B, s0  }
0xbc: {  	[sflag:s0] =	ssyncadd.remote.s32 $0x1  }
0xbd: {  	_ =	sfence.sel $0xFFFF  }
0xbe: {  	[dreg:$0x0] =	wrdreg $0xFFFFFFFF;
	(pc) =	sbr.abs _section_cstart, $3  }
0xbf: {  	[dreg:$0x1] =	wrdreg $0xFFFFFFFF  }
0xc0: {  	_ =	task.clear_ibuf [dreg:s6], $0x2FFFF;
	_ =	strace $0x9FFFFFFF  }
0xc1: {  	(tm) =	ssettm $0x7FFFFFFF  }
tec
execute0_lowered:
.L_overlay_start_1:
0x0: {  	(tag) =	ssettag $0x1  }
0x1: {  	s7 =	rddreg [dreg:$0x0]  }
0x2: {  	s0 =	rddreg [dreg:$0x1];
	_ =	strace $0x80000065  }
0x3: {  	s1 =	srdreg.scid;
	s4 =	simm.s32 $0x1;
	s9 =	simm.s32 $0x3  }
0x4: {  	s11 =	simm.s32 $0x0;
	p0 =	por $0x0, $0x0;
	s5 =	sshll.u32 s1, $0x4  }
.Ltmp0:
0x5: {  	s1 =	stileid.u32;
	s5 =	sand.u32 $0x10, s5;
	(pc) =	sbr.rel .LBB2_1-.Ltmp0, $4  }
0x6: {  	s2 =	sadd.s32 $0x104200, s7;
	s3 =	sadd.s32 $0xB4000, s7;
	s6 =	sor.u32 s1, s5  }
0x7: {  	[sflag:s4] =	ssyncpa.u1 $0x0;
	s5 =	simm.s32 $0x2;
	s6 =	sshll.u32 s6, $0xB  }
0x8: {  	s7 =	sadd.s32 $0x404200, s7;
	[sflag:s5] =	ssyncpa.u1 $0x0;
	s8 =	sadd.s32 $0x800, s6  }
0x9: {  	vm0 =	vmmov $0xff;
	vm1 =	vcmask $0x3F20;
	[sflag:s9] =	ssyncpa.u1 $0x0;
	s10 =	smov.u32 s6;
	s9 =	simm.s32 $0x0  }
.LBB2_8:
0xa: {  	[hbm:s15] =	stream.linear.scatter [tilespmem:s12], [sflag:$0x3], $0x800, $0x38;
	[tilespmem:$0x10100] =	vst v63  }
.LBB2_9:
0xb: {  	p1 =	slt.u32 s9, $0x2;
	s11 =	sadd.s32 $0x80, s10  }
0xc: {  	s13 =	smov.u32 s6;
	s9 =	sadd.s32 $0x1, s9;
	p2 =	slt.s32 s11, s8  }
0xd: {  	s13 =	smov.u32 @p2 s11;
	p2 =	sne.s32 s9, $0x12  }
.Ltmp1:
0xe: {  	_ = 	snop;
	(pc) =	sbr.rel @!p2 .LBB2_10-.Ltmp1, $4  }
0xf: {  	s12 =	simm.s32 @!p1 $0x3  }
0x10: {  	_ =	swait.ge @!p1 [sflag:s12], $0x8000  }
0x11: {  	p0 =	por !p0, !p0;
	[sflag:s12] =	ssyncset.done @!p1 $0x0  }
0x12: {  	s11 =	smov.u32 s10;
	s10 =	smov.u32 s13;
	[sflag:s12] =	ssyncadd.s32 @!p1 $0xFFFF8000  }
.LBB2_1:
0x13: {  	p1 =	sgt.u32 s9, $0xF  }
0x14: {  	s12 =	sxor.u32 @!p1 $0xFFFFFFFF, s9  }
0x15: {  	s13 =	sshrl.u32 @!p1 s10, $0x3;
	s12 =	sshll.u32 @!p1 s12, $0x7  }
0x16: {  	s14 =	sand.u32 @!p1 $0x7, s10;
	s13 =	sadd.s32 @!p1 s3, s13;
	s12 =	sand.u32 @!p1 $0x80, s12  }
0x17: {  	[tilespmem:s12], [sflag:$0x2] =	stream.linear.gather @!p1 [hbm4b:s13+s14], $0x80, $0x38;
	[tilespmem:$0x10100] =	vst v63  }
0x18: {  	p1 =	seq.s32 s9, $0x0  }
0x19: {  	p2 =	seq.s32 @!p1 s9, $0x11  }
0x1a: {  	p1 =	por p1, p2  }
.Ltmp2:
0x1b: {  	_ = 	snop;
	(pc) =	sbr.rel @p1 .LBB2_9-.Ltmp2, $1  }
0x1c: {  	_ =	sdelay $0x3  }
0x1d: {  	s12 =	simm.s32 $0x1;
	_ =	swait.ge [sflag:s5], $0x80;
	s13 =	sand.u32 $0x1, s9  }
0x1e: {  	s15 =	simm.s32 $0x0;
	s12 =	simm.s32 @!p0 $0x0;
	[sflag:s5] =	ssyncset.done $0x0  }
0x1f: {  	s14 =	sshll.u32 s13, $0xF;
	s13 =	sshll.u32 s13, $0x7;
	s12 =	sshll.u32 s12, $0xF  }
0x20: {  	[sflag:s5] =	ssyncadd.s32 $0xFFFFFF80;
	s14 =	sor.u32 $0x100, s14;
	s12 =	sor.u32 $0x100, s12  }
.LBB2_3:
0x21: {  	s16 =	sshll.u32 s15, $0x4  }
0x22: {  	s16 =	sand.u32 $0x3FFFFFF0, s16  }
0x23: {  	s16 =	sadd.s32 s16, s13  }
0x24: {  	v0 =	vld.msk [tilespmem:s16+$0x0 ss:$0x1], $0xffff;
	_ =	sdelay $0x4  }
0x25: {  	v1 =	vshrl.u32 v0, $0x5  }
0x26: {  	vm2 =	veq.s32 v0, $0x80000000;
	v1 =	vand.u32 $0x7FF, v1  }
0x27: {  	v0 =	vshll.u32 v0, $0x13;
	v1 =	vsel vm2, $0xFFFFFFFF, v1  }
0x28: {  	v0 =	vand.u32 $0xF80000, v0;
	v2 =	vshll.u32 v1, $0x8  }
0x29: {  	v0 =	vsel vm2, $0xFFF80000, v0;
	v1 =	vshll.u32 v1, $0x7;
	v2 =	vand.u32 $0xFFFFF800, v2  }
0x2a: {  	s31 =	sshll.u32 s15, $0xC;
	v1 =	vand.u32 $0x380, v1;
	v0 =	vadd.s32 v0, v2  }
0x2b: {  	s16 =	sand.u32 $0x3FFFF000, s31;
	v0 =	vor.u32 v1, v0  }
0x2c: {  	p1 =	por $0x1, $0x1;
	s17 =	simm.s32 $0x0;
	s16 =	sadd.s32 s16, s14;
	v0 =	vshrl.u32 v0, $0x3  }
.LBB2_4:
0x2d: {  	_ =	sdelay $0x1  }
0x2e: {  	s17 =	sshra.s32 s17, $0x2;
	p2 =	por p1, p1  }
.Ltmp3:
0x2f: {  	s17 =	sadd.s32 s17, s16;
	(pc) =	sbr.rel @p2 .LBB2_4-.Ltmp3, $4  }
0x30: {  	[tilespmem:s17], [sflag:$0x1] =	stream.indirect_vreg.gather [hbm:s2], $0x80, v0, vm0, $0x38;
	[tilespmem:$0x10100] =	vst v63  }
0x31: {  	s17 =	sadd.s32 $0x800, s17  }
0x32: {  	[tilespmem:s17], [sflag:$0x1] =	stream.indirect_vreg.gather [hbm:s2], $0x80, v0, vm1, $0x38;
	[tilespmem:$0x10100] =	vst v63  }
0x33: {  	p1 =	por $0x0, $0x0;
	v0 =	vadd.s32 $0x80, v0;
	s17 =	simm.s32 $0x1000  }
0x34: {  	s15 =	sadd.s32 $0x1, s15  }
0x35: {  	p1 =	sne.s32 s15, $0x8  }
.Ltmp4:
0x36: {  	_ = 	snop;
	(pc) =	sbr.rel @p1 .LBB2_3-.Ltmp4, $1  }
0x37: {  	_ =	sdelay $0x3  }
0x38: {  	s13 =	sshll.u32 s11, $0x5  }
0x39: {  	s31 =	sshll.u32 s11, $0x4;
	s13 =	sand.u32 $0xFFFFFF00, s13  }
0x3a: {  	_ =	swait.ge [sflag:s4], $0x8000;
	s11 =	sand.u32 $0x70, s31;
	s13 =	sadd.s32 s13, s7  }
0x3b: {  	s14 =	sadd.s32 $0x800, s12;
	[sflag:s4] =	ssyncset.done $0x0;
	s11 =	sadd.s32 s11, s13  }
0x3c: {  	[sflag:s4] =	ssyncadd.s32 $0xFFFF8000;
	s13 =	simm.s32 $0x100;
	s15 =	sadd.s32 $0x0, s11  }
.LBB2_7:
0x3d: {  	[hbm:s15] =	stream.linear.scatter [tilespmem:s12], [sflag:$0x3], $0x800, $0x38;
	[tilespmem:$0x10100] =	vst v63  }
0x3e: {  	s15 =	smov.u32 s13;
	s12 =	smov.u32 s14;
	p1 =	sne.s32 s13, $0xF00  }
.Ltmp5:
0x3f: {  	s13 =	sadd.s32 $0x100, s13;
	(pc) =	sbr.rel @p1 .LBB2_7-.Ltmp5, $2  }
0x40: {  	_ =	sdelay $0x2  }
0x41: {  	s14 =	sadd.s32 $0x800, s14;
	s15 =	sadd.s32 s15, s11  }
.Ltmp6:
0x42: {  	_ = 	snop;
	(pc) =	sbr.rel .LBB2_8-.Ltmp6, $1  }
0x43: {  	_ =	sdelay $0x3  }
.LBB2_10:
0x44: {  	_ =	sfence.sel $0x180000  }
0x45: {  	s2 =	simm.s32 $0x2;
	[bflag:$0x0] =	sbarrier.arrive $0xFFFF  }
0x46: {  	s30 =	simm.s32 $0x3;
	[sflag:s2] =	ssyncpa.u1 $0x1  }
0x47: {  	s31 =	simm.s32 $0x1;
	[sflag:s30] =	ssyncpa.u1 $0x1  }
0x48: {  	[sflag:s31] =	ssyncpa.u1 $0x1  }
0x49: {  	p0 =	sne.s32 s1, $0x0;
	_ =	strace $0x90000065  }
0x4a: {  	s0 =	sadd.s32 @!p0 $0x100000, s0;
	[bflag:$0x2] =	sbarrier.arrive $0xFFFF  }
0x4b: {  	[sflag:s0] =	ssyncadd.tile.s32 @!p0 $0x1;
	_ =	shalt  }
.Lfunc_end2:
_tile_overlayer_lowered:
.L_overlay_start_2:
0x4c: {  	(tag) =	ssettag $0x2  }
0x4d: {  	s0 =	rddreg [dreg:$0x0];
	s2 =	stileid.u32  }
0x4e: {  	s1 =	rddreg [dreg:$0x1];
	p0 =	sne.s32 s2, $0x0  }
0x4f: {  	s3 =	rddreg [dreg:$0x2];
	[bflag:$0x3] =	sbarrier.arrive $0xFFFF;
	s2 =	simm.s32 @!p0 $0x1C01  }
0x50: {  	[timem:s3], [sflag:s2] =	dma.local @!p0 [hbm:s0], s1  }
0x51: {  	s0 =	simm.s32 @!p0 $0x1  }
0x52: {  	_ =	swait.ge @!p0 [sflag:s0], s1  }
0x53: {  	s1 =	ssub.s32 @!p0 $0x0, s1;
	[sflag:s0] =	ssyncset.done @!p0 $0x0  }
0x54: {  	[sflag:s0] =	ssyncadd.s32 @!p0 s1  }
0x55: {  	[bflag:$0x3] =	sbarrier.arrive $0xFFFF  }
0x56: {  	_ =	shalt  }

// kernel: gather_offload_async_start.11
scs
__scs_entry_jumppad:
0x0: {  	(pc) =	sbr.rel $0x88, $3  }
0x1: {  	(tag) =	ssettag $0x0;
	lr =	simm.s32 $0x1  }
0x2: {  	[smem:$0x3F92] =	sst lr;
	_ =	strace $0xD0000000  }
0x3: {  	_ = 	snop  }
0x4: {  	_ = 	snop  }
0x5: {  	_ = 	snop  }
0x6: {  	_ = 	snop  }
0x7: {  	_ = 	snop  }
__scs_overlays_trampoline_lowered:
0x8: {  	[smem:$0x3FA1] =	sst s0  }
0x9: {  	[smem:$0x3FA2] =	sst s1  }
0xa: {  	[smem:$0x3FA3] =	sst s2  }
0xb: {  	[smem:$0x3FA4] =	sst s3  }
0xc: {  	[smem:$0x3FA5] =	sst s4  }
0xd: {  	[smem:$0x3FA6] =	sst s5  }
0xe: {  	[smem:$0x3FA7] =	sst s6  }
0xf: {  	[smem:$0x3FA8] =	sst s7  }
0x10: {  	[smem:$0x3FA9] =	sst s8  }
0x11: {  	[smem:$0x3FAA] =	sst s9;
	s0 =	simm.s32 @!p0 $0x0  }
0x12: {  	s1 =	sld [smem:$0x3F90];
	s0 =	simm.s32 @p0 $0x1  }
0x13: {  	[smem:$0x3FAB] =	sst s0;
	s0 =	simm.s32 @!p1 $0x0  }
0x14: {  	s2 =	sld [smem:$0x3F8F];
	s0 =	simm.s32 @p1 $0x1  }
0x15: {  	[smem:$0x3FAC] =	sst s0;
	s0 =	simm.s32 @!p2 $0x0  }
0x16: {  	s3 =	sld [smem:$0x3FDB];
	s0 =	simm.s32 @p2 $0x1  }
0x17: {  	s4 =	simm.s32 $0x1BF5;
	[smem:$0x3FAE] =	sst s0  }
0x18: {  	s0 =	sld [smem:$0x3F91];
	_ =	swait.ge [sflag:s4], $0x0  }
0x19: {  	s7 =	sld [smem:$0x3F92]  }
0x1a: {  	s8 =	sadd.s32 $0xFFFFE003, lr  }
0x1b: {  	s9 =	sadd.s32 $0xFFFFFEF7, lr;
	s5 =	simm.s32 $0xFFFFFFFF;
	p2 =	slt.u32 s8, $0xFFFFF086  }
0x1c: {  	p1 =	slt.u32 s9, $0xF7A;
	s5 =	simm.s32 @!p2 $0x0  }
0x1d: {  	s5 =	simm.s32 @p1 $0x1;
	p0 =	seq.s32 s7, s2  }
0x1e: {  	s7 =	smul.u32 @!p0 $0xF7A, s2;
	p2 =	seq.s32 @!p0 s5, $0x0  }
0x1f: {  	s9 =	smul.u32 $0xF7A, s1;
	s8 =	simm.s32 @!p0 $0x1BF5;
	p2 =	por !p2, p0  }
0x20: {  	[sflag:s8] =	ssyncset.s32 @!p0 $0xFFFFF086;
	s6 =	sadd.s32 @!p0 s3, s7;
	s7 =	simm.s32 @!p0 $0x108  }
0x21: {  	s3 =	sadd.s32 s3, s9;
	s6 =	sadd.s32 @!p0 $0x88, s6;
	s7 =	simm.s32 @p2 $0x1082  }
0x22: {  	[simem:s7], [sflag:s8] =	dma.local @!p0 [hbm:s6], $0xF7A  }
0x23: {  	s9 =	sor.u32 $0xD0000000, s2;
	s6 =	simm.s32 $0x108;
	_ =	swait.ge @!p0 [sflag:s8], $0x0  }
0x24: {  	s3 =	sadd.s32 $0x88, s3;
	s6 =	simm.s32 @!p1 $0x1082;
	[sflag:s4] =	ssyncset.s32 $0xFFFFF086  }
0x25: {  	[simem:s6], [sflag:s4] =	dma.local [hbm:s3], $0xF7A  }
0x26: {  	[smem:$0x3F92] =	sst s1;
	(tag) =	ssettag s2;
	_ =	strace s9  }
0x27: {  	s1 =	sld [smem:$0x3FA2]  }
0x28: {  	s2 =	sld [smem:$0x3FA3]  }
0x29: {  	s4 =	sld [smem:$0x3FA5]  }
0x2a: {  	p0 =	seq.s32 s5, $0x0;
	s5 =	sld [smem:$0x3FA6]  }
0x2b: {  	s6 =	sld [smem:$0x3FA7]  }
0x2c: {  	s7 =	sld [smem:$0x3FA8]  }
0x2d: {  	s3 =	simm.s32 $0x108;
	s8 =	sld [smem:$0x3FA9]  }
0x2e: {  	s3 =	simm.s32 @!p0 $0x1082;
	s9 =	sld [smem:$0x3FAA]  }
0x2f: {  	lr =	sadd.s32 s0, s3;
	s0 =	sld [smem:$0x3FA1]  }
0x30: {  	s3 =	sld [smem:$0x3FA4]  }
0x31: {  	[smem:$0x3FAD] =	sst s10  }
0x32: {  	s10 =	sld [smem:$0x3FAB];
	_ =	sdelay $0x3  }
0x33: {  	p0 =	seq.s32 s10, $0x1;
	s10 =	sld [smem:$0x3FAD];
	_ =	sdelay $0x3  }
0x34: {  	[smem:$0x3FAD] =	sst s10  }
0x35: {  	s10 =	sld [smem:$0x3FAC];
	_ =	sdelay $0x3  }
0x36: {  	p1 =	seq.s32 s10, $0x1;
	s10 =	sld [smem:$0x3FAD];
	_ =	sdelay $0x3  }
0x37: {  	[smem:$0x3FAD] =	sst s10  }
0x38: {  	s10 =	sld [smem:$0x3FAE]  }
0x39: {  	_ = 	snop;
	(pc) =	sbr.ind lr, $3  }
0x3a: {  	_ = 	snop  }
0x3b: {  	_ = 	snop  }
0x3c: {  	p2 =	seq.s32 s10, $0x1;
	s10 =	sld [smem:$0x3FAD]  }
0x3d: {  	_ =	shalt  }
0x3e: {  	_ =	shalt  }
0x3f: {  	_ =	shalt  }
0x40: {  	_ =	shalt  }
0x41: {  	_ =	shalt  }
0x42: {  	_ =	shalt  }
0x43: {  	_ =	shalt  }
0x44: {  	_ =	shalt  }
0x45: {  	_ =	shalt  }
0x46: {  	_ =	shalt  }
0x47: {  	_ =	shalt  }
0x48: {  	_ =	shalt  }
0x49: {  	_ =	shalt  }
0x4a: {  	_ =	shalt  }
0x4b: {  	_ =	shalt  }
0x4c: {  	_ =	shalt  }
0x4d: {  	_ =	shalt  }
0x4e: {  	_ =	shalt  }
0x4f: {  	_ =	shalt  }
0x50: {  	_ =	shalt  }
0x51: {  	_ =	shalt  }
0x52: {  	_ =	shalt  }
0x53: {  	_ =	shalt  }
0x54: {  	_ =	shalt  }
0x55: {  	_ =	shalt  }
0x56: {  	_ =	shalt  }
0x57: {  	_ =	shalt  }
0x58: {  	_ =	shalt  }
0x59: {  	_ =	shalt  }
0x5a: {  	_ =	shalt  }
0x5b: {  	_ =	shalt  }
0x5c: {  	_ =	shalt  }
0x5d: {  	_ =	shalt  }
0x5e: {  	_ =	shalt  }
0x5f: {  	_ =	shalt  }
0x60: {  	_ =	shalt  }
0x61: {  	_ =	shalt  }
0x62: {  	_ =	shalt  }
0x63: {  	_ =	shalt  }
0x64: {  	_ =	shalt  }
0x65: {  	_ =	shalt  }
0x66: {  	_ =	shalt  }
0x67: {  	_ =	shalt  }
0x68: {  	_ =	shalt  }
0x69: {  	_ =	shalt  }
0x6a: {  	_ =	shalt  }
0x6b: {  	_ =	shalt  }
0x6c: {  	_ =	shalt  }
0x6d: {  	_ =	shalt  }
0x6e: {  	_ =	shalt  }
0x6f: {  	_ =	shalt  }
0x70: {  	_ =	shalt  }
0x71: {  	_ =	shalt  }
0x72: {  	_ =	shalt  }
0x73: {  	_ =	shalt  }
0x74: {  	_ =	shalt  }
0x75: {  	_ =	shalt  }
0x76: {  	_ =	shalt  }
0x77: {  	_ =	shalt  }
0x78: {  	_ =	shalt  }
0x79: {  	_ =	shalt  }
0x7a: {  	_ =	shalt  }
0x7b: {  	_ =	shalt  }
0x7c: {  	_ =	shalt  }
0x7d: {  	_ =	shalt  }
0x7e: {  	_ =	shalt  }
0x7f: {  	_ =	shalt  }
0x80: {  	_ =	shalt  }
0x81: {  	_ =	shalt  }
0x82: {  	_ =	shalt  }
0x83: {  	_ =	shalt  }
0x84: {  	_ =	shalt  }
0x85: {  	_ =	shalt  }
0x86: {  	_ =	shalt  }
0x87: {  	_ =	shalt  }
.Lfunc_end0:
.L_simem_size_0:
called_computation.11_lowered:
.L_overlay_start_0:
0x88: {  	s2 =	sld [smem:$0x3FD9]  }
0x89: {  	s3 =	sld [smem:$0x3FFE];
	_ =	sdelay $0x1  }
0x8a: {  	s1 =	srdreg.scid  }
0x8b: {  	s0 =	sand.u32 $0x1, s1  }
0x8c: {  	s16 =	sshll.u32 s0, $0xA;
	s2 =	sadd.s32 s3, s2  }
0x8d: {  	s2 =	sadd.s32 s2, s16  }
0x8e: {  	[smem:$0x3FB9] =	sst s2  }
0x8f: {  	_ = 	snop  }
0x90: {  	(tm) =	ssettm $0x1  }
0x91: {  	s17 =	sld [smem:$0x3FFB];
	_ =	sdelay $0x3  }
0x92: {  	_ =	strace s17  }
0x93: {  	s2 =	sld [smem:$0x3FFC];
	_ =	sdelay $0x3  }
0x94: {  	_ =	strace s2  }
0x95: {  	s2 =	sld [smem:$0x3FFD];
	_ =	sdelay $0x3  }
0x96: {  	_ =	strace s2  }
0x97: {  	_ =	strace $0x8FFFFFFF  }
0x98: {  	s18 =	sld [smem:$0x3FDB];
	_ =	sdelay $0x1  }
0x99: {  	s19 =	simm.s32 $_scs_section_size  }
0x9a: {  	s4 =	simm.s32 $_size__tile_overlayer_lowered;
	s5 =	simm.s32 $_tile_overlayer_lowered  }
0x9b: {  	s22 =	simm.s32 $0x1BFF;
	s21 =	sshll.u32 s5, $0x1;
	s2 =	sadd.s32 s19, s18  }
0x9c: {  	s6 =	simm.s32 $0x0;
	s20 =	sshll.u32 s4, $0x1;
	s4 =	sadd.s32 s21, s2  }
0x9d: {  	[timem:s6], [sflag:s22] =	dma.local [hbm:s4], s20  }
0x9e: {  	_ =	swait.ge [sflag:s22], s20  }
0x9f: {  	s3 =	ssub.s32 $0x0, s20;
	[sflag:s22] =	ssyncset.done $0x0  }
0xa0: {  	[sflag:s22] =	ssyncadd.s32 s3;
	_ =	sdelay $0x1  }
0xa1: {  	s23 =	simm.s32 $0x1B8B  }
0xa2: {  	_ =	swait.ge [sflag:s23], $0x1  }
0xa3: {  	[sflag:s23] =	ssyncset.done $0x0  }
0xa4: {  	s25 =	simm.s32 $0x1B8E;
	s24 =	sld [smem:$0x3FFE];
	[sflag:s23] =	ssyncadd.s32 $0xFFFFFFFF  }
0xa5: {  	s26 =	simm.s32 $execute0_lowered;
	[smem:$0x3FD2] =	sst s25  }
0xa6: {  	s4 =	sshll.u32 s26, $0x1;
	_ =	strace $0x80000067;
	[dreg:$0x1] =	wrdreg $0xFFFFFFFF  }
0xa7: {  	s28 =	simm.s32 $_size_execute0_lowered;
	s2 =	sadd.s32 s2, s4;
	[dreg:$0x0] =	wrdreg $0x0  }
0xa8: {  	s4 =	sshll.u32 s28, $0x1;
	[dreg:$0x2] =	wrdreg s2  }
0xa9: {  	[dreg:$0x3] =	wrdreg s4  }
0xaa: {  	[dreg:$0x4] =	wrdreg $0xC0  }
0xab: {  	_ =	task [dreg:s6], $0x5FFFF  }
0xac: {  	[dreg:$0x1] =	wrdreg $0xFFFFFFFF  }
0xad: {  	[dreg:$0x0] =	wrdreg $0x60  }
0xae: {  	[dreg:$0x2] =	wrdreg s24  }
0xaf: {  	[dreg:$0x3] =	wrdreg $0x9  }
0xb0: {  	_ =	task.clear_ibuf [dreg:s6], $0x4FFFF;
	_ =	strace $0x90000067  }
0xb1: {  	s29 =	simm.s32 $0x9;
	_ =	strace $0x80000069  }
0xb2: {  	_ =	swait.ge [sflag:s29], $0x1  }
0xb3: {  	[sflag:s29] =	ssyncadd.s32 $0xFFFFFFFF  }
0xb4: {  	_ =	strace $0x90000069  }
0xb5: {  	_ =	sfence  }
0xb6: {  	s30 =	sld [smem:$0x0];
	_ =	sdelay $0x2  }
0xb7: {  	s31 =	sshll.u32 s1, $0xD;
	s1 =	sshrl.u32 s1, $0x2  }
0xb8: {  	s3 =	sand.u32 $0x4000, s31;
	s1 =	sadd.s32 s1, s30  }
0xb9: {  	s0 =	sor.u32 s3, s0;
	s1 =	sshll.u32 s1, $0x11  }
0xba: {  	s0 =	sor.u32 s1, s0  }
0xbb: {  	s0 =	sadd.s32 $0x8F2B, s0  }
0xbc: {  	[sflag:s0] =	ssyncadd.remote.s32 $0x1  }
0xbd: {  	_ =	sfence.sel $0xFFFF  }
0xbe: {  	[dreg:$0x0] =	wrdreg $0xFFFFFFFF;
	(pc) =	sbr.abs _section_cstart, $3  }
0xbf: {  	[dreg:$0x1] =	wrdreg $0xFFFFFFFF  }
0xc0: {  	_ =	task.clear_ibuf [dreg:s6], $0x2FFFF;
	_ =	strace $0x9FFFFFFF  }
0xc1: {  	(tm) =	ssettm $0x7FFFFFFF  }
tec
execute0_lowered:
.L_overlay_start_1:
0x0: {  	(tag) =	ssettag $0x1  }
0x1: {  	s2 =	rddreg [dreg:$0x0]  }
0x2: {  	s0 =	rddreg [dreg:$0x1]  }
0x3: {  	s1 =	srdreg.scid;
	_ =	strace $0x80000068;
	s4 =	simm.s32 $0x1  }
0x4: {  	s9 =	simm.s32 $0x3;
	s11 =	simm.s32 $0x0;
	s5 =	sshll.u32 s1, $0x4  }
.Ltmp0:
0x5: {  	s1 =	stileid.u32;
	s5 =	sand.u32 $0x10, s5;
	(pc) =	sbr.rel .LBB2_1-.Ltmp0, $4  }
0x6: {  	p0 =	por $0x0, $0x0;
	s3 =	sadd.s32 $0x404200, s2;
	s6 =	sor.u32 s1, s5  }
0x7: {  	[sflag:s4] =	ssyncpa.u1 $0x0;
	s5 =	simm.s32 $0x2;
	s6 =	sshll.u32 s6, $0xB  }
0x8: {  	s7 =	sadd.s32 $0x104200, s2;
	[sflag:s5] =	ssyncpa.u1 $0x0;
	s8 =	sadd.s32 $0x800, s6  }
0x9: {  	vm0 =	vmmov $0xff;
	vm1 =	vcmask $0x3F20;
	[sflag:s9] =	ssyncpa.u1 $0x0;
	s10 =	smov.u32 s6;
	s9 =	simm.s32 $0x0  }
.LBB2_7:
0xa: {  	p1 =	slt.u32 s9, $0x2;
	s11 =	sadd.s32 $0x100, s10  }
0xb: {  	s13 =	smov.u32 s6;
	s9 =	sadd.s32 $0x1, s9;
	p2 =	slt.s32 s11, s8  }
0xc: {  	s13 =	smov.u32 @p2 s11;
	p2 =	sne.s32 s9, $0xA  }
.Ltmp1:
0xd: {  	_ = 	snop;
	(pc) =	sbr.rel @!p2 .LBB2_8-.Ltmp1, $4  }
0xe: {  	s12 =	simm.s32 @!p1 $0x3  }
0xf: {  	_ =	swait.ge @!p1 [sflag:s12], $0x8000  }
0x10: {  	p0 =	por !p0, !p0;
	[sflag:s12] =	ssyncset.done @!p1 $0x0  }
0x11: {  	s11 =	smov.u32 s10;
	s10 =	smov.u32 s13;
	[sflag:s12] =	ssyncadd.s32 @!p1 $0xFFFF8000  }
.LBB2_1:
0x12: {  	p1 =	sgt.u32 s9, $0x7  }
0x13: {  	s12 =	sxor.u32 @!p1 $0xFFFFFFFF, s9  }
0x14: {  	s13 =	sshrl.u32 @!p1 s10, $0x3;
	s12 =	sshll.u32 @!p1 s12, $0x8  }
0x15: {  	s14 =	sand.u32 @!p1 $0x7, s10;
	s13 =	sadd.s32 @!p1 s2, s13;
	s12 =	sand.u32 @!p1 $0x100, s12  }
0x16: {  	[tilespmem:s12], [sflag:$0x2] =	stream.linear.gather @!p1 [hbm4b:s13+s14], $0x100, $0x38;
	[tilespmem:$0x10200] =	vst v63  }
0x17: {  	p1 =	seq.s32 s9, $0x0  }
0x18: {  	p2 =	seq.s32 @!p1 s9, $0x9  }
0x19: {  	p1 =	por p1, p2  }
.Ltmp2:
0x1a: {  	_ = 	snop;
	(pc) =	sbr.rel @p1 .LBB2_7-.Ltmp2, $1  }
0x1b: {  	_ =	sdelay $0x3  }
0x1c: {  	s12 =	simm.s32 $0x1  }
0x1d: {  	_ =	swait.ge [sflag:s5], $0x100;
	s12 =	simm.s32 @!p0 $0x0  }
0x1e: {  	[sflag:s5] =	ssyncset.done $0x0;
	s14 =	sshll.u32 s12, $0x8  }
0x1f: {  	[sflag:s5] =	ssyncadd.s32 $0xFFFFFF00;
	s13 =	sadd.s32 $0x0, s14  }
0x20: {  	v0 =	vld.msk [tilespmem:s13+$0x0 ss:$0x1], $0xffff;
	_ =	sdelay $0x4  }
0x21: {  	v1 =	vshll.u32 v0, $0x2  }
0x22: {  	vm2 =	veq.s32 v0, $0x80000000;
	v0 =	vshll.u32 v0, $0x12;
	v1 =	vand.u32 $0x3FF80, v1  }
0x23: {  	v0 =	vand.u32 $0x7C0000, v0;
	v1 =	vsel vm2, $0xFFFFFF80, v1  }
0x24: {  	v0 =	vsel vm2, $0xFFFC0000, v0;
	v2 =	vand.u32 $0xFFFFFC00, v1  }
0x25: {  	v1 =	vand.u32 $0x380, v1;
	v0 =	vadd.s32 v0, v2  }
0x26: {  	v0 =	vor.u32 v1, v0  }
0x27: {  	v0 =	vshrl.u32 v0, $0x3;
	_ =	sdelay $0x2  }
0x28: {  	s12 =	sshll.u32 s12, $0xF  }
0x29: {  	s12 =	sor.u32 $0x200, s12  }
0x2a: {  	[tilespmem:s12], [sflag:$0x1] =	stream.indirect_vreg.gather [hbm:s3], $0x80, v0, vm0, $0x38;
	[tilespmem:$0x10200] =	vst v63  }
0x2b: {  	s15 =	sadd.s32 $0x10, s14;
	s13 =	sadd.s32 $0x400, s12  }
0x2c: {  	[tilespmem:s13], [sflag:$0x1] =	stream.indirect_vreg.gather [hbm:s3], $0x80, v0, vm1, $0x38;
	[tilespmem:$0x10200] =	vst v63  }
0x2d: {  	s16 =	simm.s32 $0x80;
	v0 =	vld.msk [tilespmem:s15+$0x0 ss:$0x1], $0xffff;
	s15 =	smov.u32 s12  }
.LBB2_3:
0x2e: {  	p1 =	sne.s32 s16, $0x3C0;
	_ =	sdelay $0x4  }
0x2f: {  	v1 =	vshll.u32 v0, $0x2  }
0x30: {  	vm2 =	veq.s32 v0, $0x80000000;
	v0 =	vshll.u32 v0, $0x12;
	v1 =	vand.u32 $0x3FF80, v1  }
0x31: {  	v0 =	vand.u32 $0x7C0000, v0;
	v1 =	vsel vm2, $0xFFFFFF80, v1  }
0x32: {  	v0 =	vsel vm2, $0xFFFC0000, v0;
	v2 =	vand.u32 $0xFFFFFC00, v1  }
0x33: {  	v1 =	vand.u32 $0x380, v1;
	v0 =	vadd.s32 v0, v2  }
0x34: {  	v0 =	vor.u32 v1, v0  }
0x35: {  	v0 =	vshrl.u32 v0, $0x3;
	_ =	sdelay $0x3  }
.Ltmp3:
0x36: {  	s17 =	sshra.s32 s16, $0x2;
	s15 =	sadd.s32 $0x800, s15;
	(pc) =	sbr.rel @p1 .LBB2_3-.Ltmp3, $4  }
0x37: {  	[tilespmem:s15], [sflag:$0x1] =	stream.indirect_vreg.gather [hbm:s3], $0x80, v0, vm0, $0x38;
	[tilespmem:$0x10200] =	vst v63  }
0x38: {  	s17 =	sadd.s32 s17, s14;
	s18 =	sadd.s32 $0x400, s15  }
0x39: {  	[tilespmem:s18], [sflag:$0x1] =	stream.indirect_vreg.gather [hbm:s3], $0x80, v0, vm1, $0x38;
	[tilespmem:$0x10200] =	vst v63  }
0x3a: {  	s16 =	sadd.s32 $0x40, s16;
	v0 =	vld.msk [tilespmem:s17+$0x0 ss:$0x1], $0xffff  }
0x3b: {  	_ =	sdelay $0x3  }
0x3c: {  	v1 =	vshll.u32 v0, $0x2  }
0x3d: {  	vm2 =	veq.s32 v0, $0x80000000;
	v63 =	vshll.u32 v0, $0x12;
	v1 =	vand.u32 $0x3FF80, v1  }
0x3e: {  	v0 =	vand.u32 $0x7C0000, v63;
	v1 =	vsel vm2, $0xFFFFFF80, v1  }
0x3f: {  	v0 =	vsel vm2, $0xFFFC0000, v0;
	v2 =	vand.u32 $0xFFFFFC00, v1  }
0x40: {  	v1 =	vand.u32 $0x380, v1;
	v0 =	vadd.s32 v0, v2  }
0x41: {  	v0 =	vor.u32 v1, v0  }
0x42: {  	v0 =	vshrl.u32 v0, $0x3;
	_ =	sdelay $0x3  }
0x43: {  	s14 =	sadd.s32 $0x800, s15  }
0x44: {  	[tilespmem:s14], [sflag:$0x1] =	stream.indirect_vreg.gather [hbm:s3], $0x80, v0, vm0, $0x38;
	[tilespmem:$0x10200] =	vst v63  }
0x45: {  	s14 =	sadd.s32 $0x400, s14  }
0x46: {  	[tilespmem:s14], [sflag:$0x1] =	stream.indirect_vreg.gather [hbm:s3], $0x80, v0, vm1, $0x38;
	[tilespmem:$0x10200] =	vst v63  }
0x47: {  	s11 =	sshll.u32 s11, $0x4;
	_ =	swait.ge [sflag:s4], $0x8000  }
0x48: {  	s11 =	sadd.s32 s11, s7;
	[sflag:s4] =	ssyncset.done $0x0  }
0x49: {  	s15 =	sadd.s32 $0x0, s11;
	s14 =	simm.s32 $0x80;
	[sflag:s4] =	ssyncadd.s32 $0xFFFF8000  }
.LBB2_5:
0x4a: {  	[hbm:s15] =	stream.linear.scatter [tilespmem:s12], [sflag:$0x3], $0x400, $0x38;
	[tilespmem:$0x10200] =	vst v63  }
0x4b: {  	s15 =	smov.u32 s14;
	s12 =	smov.u32 s13;
	p1 =	sne.s32 s14, $0xF80  }
.Ltmp4:
0x4c: {  	s14 =	sadd.s32 $0x80, s14;
	(pc) =	sbr.rel @p1 .LBB2_5-.Ltmp4, $2  }
0x4d: {  	_ =	sdelay $0x2  }
0x4e: {  	s13 =	sadd.s32 $0x400, s13;
	s15 =	sadd.s32 s15, s11  }
.Ltmp5:
0x4f: {  	(pc) =	sbr.rel .LBB2_7-.Ltmp5, $2  }
0x50: {  	_ =	sdelay $0x2  }
0x51: {  	[hbm:s15] =	stream.linear.scatter [tilespmem:s12], [sflag:$0x3], $0x400, $0x38;
	[tilespmem:$0x10200] =	vst v63  }
.LBB2_8:
0x52: {  	_ =	sfence.sel $0x180000  }
0x53: {  	s2 =	simm.s32 $0x2;
	[bflag:$0x0] =	sbarrier.arrive $0xFFFF  }
0x54: {  	s30 =	simm.s32 $0x3;
	[sflag:s2] =	ssyncpa.u1 $0x1  }
0x55: {  	s31 =	simm.s32 $0x1;
	[sflag:s30] =	ssyncpa.u1 $0x1  }
0x56: {  	[sflag:s31] =	ssyncpa.u1 $0x1  }
0x57: {  	p0 =	sne.s32 s1, $0x0;
	_ =	strace $0x90000068  }
0x58: {  	s0 =	sadd.s32 @!p0 $0x100000, s0;
	[bflag:$0x2] =	sbarrier.arrive $0xFFFF  }
0x59: {  	[sflag:s0] =	ssyncadd.tile.s32 @!p0 $0x1;
	_ =	shalt  }
.Lfunc_end2:
_tile_overlayer_lowered:
.L_overlay_start_2:
0x5a: {  	(tag) =	ssettag $0x2  }
0x5b: {  	s0 =	rddreg [dreg:$0x0];
	s2 =	stileid.u32  }
0x5c: {  	s1 =	rddreg [dreg:$0x1];
	p0 =	sne.s32 s2, $0x0  }
0x5d: {  	s3 =	rddreg [dreg:$0x2];
	[bflag:$0x3] =	sbarrier.arrive $0xFFFF;
	s2 =	simm.s32 @!p0 $0x1C01  }
0x5e: {  	[timem:s3], [sflag:s2] =	dma.local @!p0 [hbm:s0], s1  }
0x5f: {  	s0 =	simm.s32 @!p0 $0x1  }
0x60: {  	_ =	swait.ge @!p0 [sflag:s0], s1  }
0x61: {  	s1 =	ssub.s32 @!p0 $0x0, s1;
	[sflag:s0] =	ssyncset.done @!p0 $0x0  }
0x62: {  	[sflag:s0] =	ssyncadd.s32 @!p0 s1  }
0x63: {  	[bflag:$0x3] =	sbarrier.arrive $0xFFFF  }
0x64: {  	_ =	shalt  }

// kernel: gather_offload_async_start.1
scs
__scs_entry_jumppad:
0x0: {  	(pc) =	sbr.rel $0x88, $3  }
0x1: {  	(tag) =	ssettag $0x0;
	lr =	simm.s32 $0x1  }
0x2: {  	[smem:$0x3F92] =	sst lr;
	_ =	strace $0xD0000000  }
0x3: {  	_ = 	snop  }
0x4: {  	_ = 	snop  }
0x5: {  	_ = 	snop  }
0x6: {  	_ = 	snop  }
0x7: {  	_ = 	snop  }
__scs_overlays_trampoline_lowered:
0x8: {  	[smem:$0x3FA1] =	sst s0  }
0x9: {  	[smem:$0x3FA2] =	sst s1  }
0xa: {  	[smem:$0x3FA3] =	sst s2  }
0xb: {  	[smem:$0x3FA4] =	sst s3  }
0xc: {  	[smem:$0x3FA5] =	sst s4  }
0xd: {  	[smem:$0x3FA6] =	sst s5  }
0xe: {  	[smem:$0x3FA7] =	sst s6  }
0xf: {  	[smem:$0x3FA8] =	sst s7  }
0x10: {  	[smem:$0x3FA9] =	sst s8  }
0x11: {  	[smem:$0x3FAA] =	sst s9;
	s0 =	simm.s32 @!p0 $0x0  }
0x12: {  	s1 =	sld [smem:$0x3F90];
	s0 =	simm.s32 @p0 $0x1  }
0x13: {  	[smem:$0x3FAB] =	sst s0;
	s0 =	simm.s32 @!p1 $0x0  }
0x14: {  	s2 =	sld [smem:$0x3F8F];
	s0 =	simm.s32 @p1 $0x1  }
0x15: {  	[smem:$0x3FAC] =	sst s0;
	s0 =	simm.s32 @!p2 $0x0  }
0x16: {  	s3 =	sld [smem:$0x3FDB];
	s0 =	simm.s32 @p2 $0x1  }
0x17: {  	s4 =	simm.s32 $0x1BF5;
	[smem:$0x3FAE] =	sst s0  }
0x18: {  	s0 =	sld [smem:$0x3F91];
	_ =	swait.ge [sflag:s4], $0x0  }
0x19: {  	s7 =	sld [smem:$0x3F92]  }
0x1a: {  	s8 =	sadd.s32 $0xFFFFE003, lr  }
0x1b: {  	s9 =	sadd.s32 $0xFFFFFEF7, lr;
	s5 =	simm.s32 $0xFFFFFFFF;
	p2 =	slt.u32 s8, $0xFFFFF086  }
0x1c: {  	p1 =	slt.u32 s9, $0xF7A;
	s5 =	simm.s32 @!p2 $0x0  }
0x1d: {  	s5 =	simm.s32 @p1 $0x1;
	p0 =	seq.s32 s7, s2  }
0x1e: {  	s7 =	smul.u32 @!p0 $0xF7A, s2;
	p2 =	seq.s32 @!p0 s5, $0x0  }
0x1f: {  	s9 =	smul.u32 $0xF7A, s1;
	s8 =	simm.s32 @!p0 $0x1BF5;
	p2 =	por !p2, p0  }
0x20: {  	[sflag:s8] =	ssyncset.s32 @!p0 $0xFFFFF086;
	s6 =	sadd.s32 @!p0 s3, s7;
	s7 =	simm.s32 @!p0 $0x108  }
0x21: {  	s3 =	sadd.s32 s3, s9;
	s6 =	sadd.s32 @!p0 $0x88, s6;
	s7 =	simm.s32 @p2 $0x1082  }
0x22: {  	[simem:s7], [sflag:s8] =	dma.local @!p0 [hbm:s6], $0xF7A  }
0x23: {  	s9 =	sor.u32 $0xD0000000, s2;
	s6 =	simm.s32 $0x108;
	_ =	swait.ge @!p0 [sflag:s8], $0x0  }
0x24: {  	s3 =	sadd.s32 $0x88, s3;
	s6 =	simm.s32 @!p1 $0x1082;
	[sflag:s4] =	ssyncset.s32 $0xFFFFF086  }
0x25: {  	[simem:s6], [sflag:s4] =	dma.local [hbm:s3], $0xF7A  }
0x26: {  	[smem:$0x3F92] =	sst s1;
	(tag) =	ssettag s2;
	_ =	strace s9  }
0x27: {  	s1 =	sld [smem:$0x3FA2]  }
0x28: {  	s2 =	sld [smem:$0x3FA3]  }
0x29: {  	s4 =	sld [smem:$0x3FA5]  }
0x2a: {  	p0 =	seq.s32 s5, $0x0;
	s5 =	sld [smem:$0x3FA6]  }
0x2b: {  	s6 =	sld [smem:$0x3FA7]  }
0x2c: {  	s7 =	sld [smem:$0x3FA8]  }
0x2d: {  	s3 =	simm.s32 $0x108;
	s8 =	sld [smem:$0x3FA9]  }
0x2e: {  	s3 =	simm.s32 @!p0 $0x1082;
	s9 =	sld [smem:$0x3FAA]  }
0x2f: {  	lr =	sadd.s32 s0, s3;
	s0 =	sld [smem:$0x3FA1]  }
0x30: {  	s3 =	sld [smem:$0x3FA4]  }
0x31: {  	[smem:$0x3FAD] =	sst s10  }
0x32: {  	s10 =	sld [smem:$0x3FAB];
	_ =	sdelay $0x3  }
0x33: {  	p0 =	seq.s32 s10, $0x1;
	s10 =	sld [smem:$0x3FAD];
	_ =	sdelay $0x3  }
0x34: {  	[smem:$0x3FAD] =	sst s10  }
0x35: {  	s10 =	sld [smem:$0x3FAC];
	_ =	sdelay $0x3  }
0x36: {  	p1 =	seq.s32 s10, $0x1;
	s10 =	sld [smem:$0x3FAD];
	_ =	sdelay $0x3  }
0x37: {  	[smem:$0x3FAD] =	sst s10  }
0x38: {  	s10 =	sld [smem:$0x3FAE]  }
0x39: {  	_ = 	snop;
	(pc) =	sbr.ind lr, $3  }
0x3a: {  	_ = 	snop  }
0x3b: {  	_ = 	snop  }
0x3c: {  	p2 =	seq.s32 s10, $0x1;
	s10 =	sld [smem:$0x3FAD]  }
0x3d: {  	_ =	shalt  }
0x3e: {  	_ =	shalt  }
0x3f: {  	_ =	shalt  }
0x40: {  	_ =	shalt  }
0x41: {  	_ =	shalt  }
0x42: {  	_ =	shalt  }
0x43: {  	_ =	shalt  }
0x44: {  	_ =	shalt  }
0x45: {  	_ =	shalt  }
0x46: {  	_ =	shalt  }
0x47: {  	_ =	shalt  }
0x48: {  	_ =	shalt  }
0x49: {  	_ =	shalt  }
0x4a: {  	_ =	shalt  }
0x4b: {  	_ =	shalt  }
0x4c: {  	_ =	shalt  }
0x4d: {  	_ =	shalt  }
0x4e: {  	_ =	shalt  }
0x4f: {  	_ =	shalt  }
0x50: {  	_ =	shalt  }
0x51: {  	_ =	shalt  }
0x52: {  	_ =	shalt  }
0x53: {  	_ =	shalt  }
0x54: {  	_ =	shalt  }
0x55: {  	_ =	shalt  }
0x56: {  	_ =	shalt  }
0x57: {  	_ =	shalt  }
0x58: {  	_ =	shalt  }
0x59: {  	_ =	shalt  }
0x5a: {  	_ =	shalt  }
0x5b: {  	_ =	shalt  }
0x5c: {  	_ =	shalt  }
0x5d: {  	_ =	shalt  }
0x5e: {  	_ =	shalt  }
0x5f: {  	_ =	shalt  }
0x60: {  	_ =	shalt  }
0x61: {  	_ =	shalt  }
0x62: {  	_ =	shalt  }
0x63: {  	_ =	shalt  }
0x64: {  	_ =	shalt  }
0x65: {  	_ =	shalt  }
0x66: {  	_ =	shalt  }
0x67: {  	_ =	shalt  }
0x68: {  	_ =	shalt  }
0x69: {  	_ =	shalt  }
0x6a: {  	_ =	shalt  }
0x6b: {  	_ =	shalt  }
0x6c: {  	_ =	shalt  }
0x6d: {  	_ =	shalt  }
0x6e: {  	_ =	shalt  }
0x6f: {  	_ =	shalt  }
0x70: {  	_ =	shalt  }
0x71: {  	_ =	shalt  }
0x72: {  	_ =	shalt  }
0x73: {  	_ =	shalt  }
0x74: {  	_ =	shalt  }
0x75: {  	_ =	shalt  }
0x76: {  	_ =	shalt  }
0x77: {  	_ =	shalt  }
0x78: {  	_ =	shalt  }
0x79: {  	_ =	shalt  }
0x7a: {  	_ =	shalt  }
0x7b: {  	_ =	shalt  }
0x7c: {  	_ =	shalt  }
0x7d: {  	_ =	shalt  }
0x7e: {  	_ =	shalt  }
0x7f: {  	_ =	shalt  }
0x80: {  	_ =	shalt  }
0x81: {  	_ =	shalt  }
0x82: {  	_ =	shalt  }
0x83: {  	_ =	shalt  }
0x84: {  	_ =	shalt  }
0x85: {  	_ =	shalt  }
0x86: {  	_ =	shalt  }
0x87: {  	_ =	shalt  }
.Lfunc_end0:
.L_simem_size_0:
called_computation.1_lowered:
.L_overlay_start_0:
0x88: {  	s2 =	sld [smem:$0x3FD9]  }
0x89: {  	s3 =	sld [smem:$0x3FFE];
	_ =	sdelay $0x1  }
0x8a: {  	s1 =	srdreg.scid  }
0x8b: {  	s0 =	sand.u32 $0x1, s1  }
0x8c: {  	s16 =	sshll.u32 s0, $0xA;
	s2 =	sadd.s32 s3, s2  }
0x8d: {  	s2 =	sadd.s32 s2, s16  }
0x8e: {  	[smem:$0x3FB9] =	sst s2  }
0x8f: {  	_ = 	snop  }
0x90: {  	(tm) =	ssettm $0x1  }
0x91: {  	s17 =	sld [smem:$0x3FFB];
	_ =	sdelay $0x3  }
0x92: {  	_ =	strace s17  }
0x93: {  	s2 =	sld [smem:$0x3FFC];
	_ =	sdelay $0x3  }
0x94: {  	_ =	strace s2  }
0x95: {  	s2 =	sld [smem:$0x3FFD];
	_ =	sdelay $0x3  }
0x96: {  	_ =	strace s2  }
0x97: {  	_ =	strace $0x8FFFFFFF  }
0x98: {  	s18 =	sld [smem:$0x3FDB];
	_ =	sdelay $0x1  }
0x99: {  	s19 =	simm.s32 $_scs_section_size  }
0x9a: {  	s4 =	simm.s32 $_size__tile_overlayer_lowered;
	s5 =	simm.s32 $_tile_overlayer_lowered  }
0x9b: {  	s22 =	simm.s32 $0x1BFF;
	s21 =	sshll.u32 s5, $0x1;
	s2 =	sadd.s32 s19, s18  }
0x9c: {  	s6 =	simm.s32 $0x0;
	s20 =	sshll.u32 s4, $0x1;
	s4 =	sadd.s32 s21, s2  }
0x9d: {  	[timem:s6], [sflag:s22] =	dma.local [hbm:s4], s20  }
0x9e: {  	_ =	swait.ge [sflag:s22], s20  }
0x9f: {  	s3 =	ssub.s32 $0x0, s20;
	[sflag:s22] =	ssyncset.done $0x0  }
0xa0: {  	[sflag:s22] =	ssyncadd.s32 s3;
	_ =	sdelay $0x1  }
0xa1: {  	s23 =	simm.s32 $0x1B8B  }
0xa2: {  	_ =	swait.ge [sflag:s23], $0x1  }
0xa3: {  	[sflag:s23] =	ssyncset.done $0x0  }
0xa4: {  	s25 =	simm.s32 $0x1B8E;
	s24 =	sld [smem:$0x3FFE];
	[sflag:s23] =	ssyncadd.s32 $0xFFFFFFFF  }
0xa5: {  	s26 =	simm.s32 $execute0_lowered;
	[smem:$0x3FD2] =	sst s25  }
0xa6: {  	s4 =	sshll.u32 s26, $0x1;
	_ =	strace $0x80000049;
	[dreg:$0x1] =	wrdreg $0xFFFFFFFF  }
0xa7: {  	s28 =	simm.s32 $_size_execute0_lowered;
	s2 =	sadd.s32 s2, s4;
	[dreg:$0x0] =	wrdreg $0x0  }
0xa8: {  	s4 =	sshll.u32 s28, $0x1;
	[dreg:$0x2] =	wrdreg s2  }
0xa9: {  	[dreg:$0x3] =	wrdreg s4  }
0xaa: {  	[dreg:$0x4] =	wrdreg $0xC0  }
0xab: {  	_ =	task [dreg:s6], $0x5FFFF  }
0xac: {  	[dreg:$0x1] =	wrdreg $0xFFFFFFFF  }
0xad: {  	[dreg:$0x0] =	wrdreg $0x60  }
0xae: {  	[dreg:$0x2] =	wrdreg s24  }
0xaf: {  	[dreg:$0x3] =	wrdreg $0x9  }
0xb0: {  	_ =	task.clear_ibuf [dreg:s6], $0x4FFFF;
	_ =	strace $0x90000049  }
0xb1: {  	s29 =	simm.s32 $0x9;
	_ =	strace $0x8000004B  }
0xb2: {  	_ =	swait.ge [sflag:s29], $0x1  }
0xb3: {  	[sflag:s29] =	ssyncadd.s32 $0xFFFFFFFF  }
0xb4: {  	_ =	strace $0x9000004B  }
0xb5: {  	_ =	sfence  }
0xb6: {  	s30 =	sld [smem:$0x0];
	_ =	sdelay $0x2  }
0xb7: {  	s31 =	sshll.u32 s1, $0xD;
	s1 =	sshrl.u32 s1, $0x2  }
0xb8: {  	s3 =	sand.u32 $0x4000, s31;
	s1 =	sadd.s32 s1, s30  }
0xb9: {  	s0 =	sor.u32 s3, s0;
	s1 =	sshll.u32 s1, $0x11  }
0xba: {  	s0 =	sor.u32 s1, s0  }
0xbb: {  	s0 =	sadd.s32 $0x8F2B, s0  }
0xbc: {  	[sflag:s0] =	ssyncadd.remote.s32 $0x1  }
0xbd: {  	_ =	sfence.sel $0xFFFF  }
0xbe: {  	[dreg:$0x0] =	wrdreg $0xFFFFFFFF;
	(pc) =	sbr.abs _section_cstart, $3  }
0xbf: {  	[dreg:$0x1] =	wrdreg $0xFFFFFFFF  }
0xc0: {  	_ =	task.clear_ibuf [dreg:s6], $0x2FFFF;
	_ =	strace $0x9FFFFFFF  }
0xc1: {  	(tm) =	ssettm $0x7FFFFFFF  }
tec
execute0_lowered:
.L_overlay_start_1:
0x0: {  	(tag) =	ssettag $0x1  }
0x1: {  	s2 =	rddreg [dreg:$0x0]  }
0x2: {  	s0 =	rddreg [dreg:$0x1]  }
0x3: {  	s1 =	srdreg.scid;
	_ =	strace $0x8000004A;
	s4 =	simm.s32 $0x1  }
0x4: {  	s9 =	simm.s32 $0x3;
	s11 =	simm.s32 $0x0;
	s5 =	sshll.u32 s1, $0x4  }
.Ltmp0:
0x5: {  	s1 =	stileid.u32;
	s5 =	sand.u32 $0x10, s5;
	(pc) =	sbr.rel .LBB2_1-.Ltmp0, $4  }
0x6: {  	p0 =	por $0x0, $0x0;
	s3 =	sadd.s32 $0x4000, s2;
	s6 =	sor.u32 s1, s5  }
0x7: {  	[sflag:s4] =	ssyncpa.u1 $0x0;
	s5 =	simm.s32 $0x2;
	s6 =	sshll.u32 s6, $0xB  }
0x8: {  	s7 =	sadd.s32 $0x300000, s2;
	[sflag:s5] =	ssyncpa.u1 $0x0;
	s8 =	sadd.s32 $0x800, s6  }
0x9: {  	vm0 =	vmmov $0xff;
	vm1 =	vcmask $0x3F20;
	[sflag:s9] =	ssyncpa.u1 $0x0;
	s10 =	smov.u32 s6;
	s9 =	simm.s32 $0x0  }
.LBB2_7:
0xa: {  	p1 =	slt.u32 s9, $0x2;
	s11 =	sadd.s32 $0x100, s10  }
0xb: {  	s13 =	smov.u32 s6;
	s9 =	sadd.s32 $0x1, s9;
	p2 =	slt.s32 s11, s8  }
0xc: {  	s13 =	smov.u32 @p2 s11;
	p2 =	sne.s32 s9, $0xA  }
.Ltmp1:
0xd: {  	_ = 	snop;
	(pc) =	sbr.rel @!p2 .LBB2_8-.Ltmp1, $4  }
0xe: {  	s12 =	simm.s32 @!p1 $0x3  }
0xf: {  	_ =	swait.ge @!p1 [sflag:s12], $0x8000  }
0x10: {  	p0 =	por !p0, !p0;
	[sflag:s12] =	ssyncset.done @!p1 $0x0  }
0x11: {  	s11 =	smov.u32 s10;
	s10 =	smov.u32 s13;
	[sflag:s12] =	ssyncadd.s32 @!p1 $0xFFFF8000  }
.LBB2_1:
0x12: {  	p1 =	sgt.u32 s9, $0x7  }
0x13: {  	s12 =	sxor.u32 @!p1 $0xFFFFFFFF, s9  }
0x14: {  	s13 =	sshrl.u32 @!p1 s10, $0x3;
	s12 =	sshll.u32 @!p1 s12, $0x8  }
0x15: {  	s14 =	sand.u32 @!p1 $0x7, s10;
	s13 =	sadd.s32 @!p1 s2, s13;
	s12 =	sand.u32 @!p1 $0x100, s12  }
0x16: {  	[tilespmem:s12], [sflag:$0x2] =	stream.linear.gather @!p1 [hbm4b:s13+s14], $0x100, $0x38;
	[tilespmem:$0x10200] =	vst v63  }
0x17: {  	p1 =	seq.s32 s9, $0x0  }
0x18: {  	p2 =	seq.s32 @!p1 s9, $0x9  }
0x19: {  	p1 =	por p1, p2  }
.Ltmp2:
0x1a: {  	_ = 	snop;
	(pc) =	sbr.rel @p1 .LBB2_7-.Ltmp2, $1  }
0x1b: {  	_ =	sdelay $0x3  }
0x1c: {  	s12 =	simm.s32 $0x1  }
0x1d: {  	_ =	swait.ge [sflag:s5], $0x100;
	s12 =	simm.s32 @!p0 $0x0  }
0x1e: {  	[sflag:s5] =	ssyncset.done $0x0;
	s14 =	sshll.u32 s12, $0x8  }
0x1f: {  	[sflag:s5] =	ssyncadd.s32 $0xFFFFFF00;
	s13 =	sadd.s32 $0x0, s14  }
0x20: {  	v0 =	vld.msk [tilespmem:s13+$0x0 ss:$0x1], $0xffff;
	_ =	sdelay $0x4  }
0x21: {  	v1 =	vshll.u32 v0, $0x2  }
0x22: {  	vm2 =	veq.s32 v0, $0x80000000;
	v0 =	vshll.u32 v0, $0x12;
	v1 =	vand.u32 $0x3FF80, v1  }
0x23: {  	v0 =	vand.u32 $0x7C0000, v0;
	v1 =	vsel vm2, $0xFFFFFF80, v1  }
0x24: {  	v0 =	vsel vm2, $0xFFFC0000, v0;
	v2 =	vand.u32 $0xFFFFFC00, v1  }
0x25: {  	v1 =	vand.u32 $0x380, v1;
	v0 =	vadd.s32 v0, v2  }
0x26: {  	v0 =	vor.u32 v1, v0  }
0x27: {  	v0 =	vshrl.u32 v0, $0x3;
	_ =	sdelay $0x2  }
0x28: {  	s12 =	sshll.u32 s12, $0xF  }
0x29: {  	s12 =	sor.u32 $0x200, s12  }
0x2a: {  	[tilespmem:s12], [sflag:$0x1] =	stream.indirect_vreg.gather [hbm:s3], $0x80, v0, vm0, $0x38;
	[tilespmem:$0x10200] =	vst v63  }
0x2b: {  	s15 =	sadd.s32 $0x10, s14;
	s13 =	sadd.s32 $0x400, s12  }
0x2c: {  	[tilespmem:s13], [sflag:$0x1] =	stream.indirect_vreg.gather [hbm:s3], $0x80, v0, vm1, $0x38;
	[tilespmem:$0x10200] =	vst v63  }
0x2d: {  	s16 =	simm.s32 $0x80;
	v0 =	vld.msk [tilespmem:s15+$0x0 ss:$0x1], $0xffff;
	s15 =	smov.u32 s12  }
.LBB2_3:
0x2e: {  	p1 =	sne.s32 s16, $0x3C0;
	_ =	sdelay $0x4  }
0x2f: {  	v1 =	vshll.u32 v0, $0x2  }
0x30: {  	vm2 =	veq.s32 v0, $0x80000000;
	v0 =	vshll.u32 v0, $0x12;
	v1 =	vand.u32 $0x3FF80, v1  }
0x31: {  	v0 =	vand.u32 $0x7C0000, v0;
	v1 =	vsel vm2, $0xFFFFFF80, v1  }
0x32: {  	v0 =	vsel vm2, $0xFFFC0000, v0;
	v2 =	vand.u32 $0xFFFFFC00, v1  }
0x33: {  	v1 =	vand.u32 $0x380, v1;
	v0 =	vadd.s32 v0, v2  }
0x34: {  	v0 =	vor.u32 v1, v0  }
0x35: {  	v0 =	vshrl.u32 v0, $0x3;
	_ =	sdelay $0x3  }
.Ltmp3:
0x36: {  	s17 =	sshra.s32 s16, $0x2;
	s15 =	sadd.s32 $0x800, s15;
	(pc) =	sbr.rel @p1 .LBB2_3-.Ltmp3, $4  }
0x37: {  	[tilespmem:s15], [sflag:$0x1] =	stream.indirect_vreg.gather [hbm:s3], $0x80, v0, vm0, $0x38;
	[tilespmem:$0x10200] =	vst v63  }
0x38: {  	s17 =	sadd.s32 s17, s14;
	s18 =	sadd.s32 $0x400, s15  }
0x39: {  	[tilespmem:s18], [sflag:$0x1] =	stream.indirect_vreg.gather [hbm:s3], $0x80, v0, vm1, $0x38;
	[tilespmem:$0x10200] =	vst v63  }
0x3a: {  	s16 =	sadd.s32 $0x40, s16;
	v0 =	vld.msk [tilespmem:s17+$0x0 ss:$0x1], $0xffff  }
0x3b: {  	_ =	sdelay $0x3  }
0x3c: {  	v1 =	vshll.u32 v0, $0x2  }
0x3d: {  	vm2 =	veq.s32 v0, $0x80000000;
	v63 =	vshll.u32 v0, $0x12;
	v1 =	vand.u32 $0x3FF80, v1  }
0x3e: {  	v0 =	vand.u32 $0x7C0000, v63;
	v1 =	vsel vm2, $0xFFFFFF80, v1  }
0x3f: {  	v0 =	vsel vm2, $0xFFFC0000, v0;
	v2 =	vand.u32 $0xFFFFFC00, v1  }
0x40: {  	v1 =	vand.u32 $0x380, v1;
	v0 =	vadd.s32 v0, v2  }
0x41: {  	v0 =	vor.u32 v1, v0  }
0x42: {  	v0 =	vshrl.u32 v0, $0x3;
	_ =	sdelay $0x3  }
0x43: {  	s14 =	sadd.s32 $0x800, s15  }
0x44: {  	[tilespmem:s14], [sflag:$0x1] =	stream.indirect_vreg.gather [hbm:s3], $0x80, v0, vm0, $0x38;
	[tilespmem:$0x10200] =	vst v63  }
0x45: {  	s14 =	sadd.s32 $0x400, s14  }
0x46: {  	[tilespmem:s14], [sflag:$0x1] =	stream.indirect_vreg.gather [hbm:s3], $0x80, v0, vm1, $0x38;
	[tilespmem:$0x10200] =	vst v63  }
0x47: {  	s11 =	sshll.u32 s11, $0x4;
	_ =	swait.ge [sflag:s4], $0x8000  }
0x48: {  	s11 =	sadd.s32 s11, s7;
	[sflag:s4] =	ssyncset.done $0x0  }
0x49: {  	s15 =	sadd.s32 $0x0, s11;
	s14 =	simm.s32 $0x80;
	[sflag:s4] =	ssyncadd.s32 $0xFFFF8000  }
.LBB2_5:
0x4a: {  	[hbm:s15] =	stream.linear.scatter [tilespmem:s12], [sflag:$0x3], $0x400, $0x38;
	[tilespmem:$0x10200] =	vst v63  }
0x4b: {  	s15 =	smov.u32 s14;
	s12 =	smov.u32 s13;
	p1 =	sne.s32 s14, $0xF80  }
.Ltmp4:
0x4c: {  	s14 =	sadd.s32 $0x80, s14;
	(pc) =	sbr.rel @p1 .LBB2_5-.Ltmp4, $2  }
0x4d: {  	_ =	sdelay $0x2  }
0x4e: {  	s13 =	sadd.s32 $0x400, s13;
	s15 =	sadd.s32 s15, s11  }
.Ltmp5:
0x4f: {  	(pc) =	sbr.rel .LBB2_7-.Ltmp5, $2  }
0x50: {  	_ =	sdelay $0x2  }
0x51: {  	[hbm:s15] =	stream.linear.scatter [tilespmem:s12], [sflag:$0x3], $0x400, $0x38;
	[tilespmem:$0x10200] =	vst v63  }
.LBB2_8:
0x52: {  	_ =	sfence.sel $0x180000  }
0x53: {  	s2 =	simm.s32 $0x2;
	[bflag:$0x0] =	sbarrier.arrive $0xFFFF  }
0x54: {  	s30 =	simm.s32 $0x3;
	[sflag:s2] =	ssyncpa.u1 $0x1  }
0x55: {  	s31 =	simm.s32 $0x1;
	[sflag:s30] =	ssyncpa.u1 $0x1  }
0x56: {  	[sflag:s31] =	ssyncpa.u1 $0x1  }
0x57: {  	p0 =	sne.s32 s1, $0x0;
	_ =	strace $0x9000004A  }
0x58: {  	s0 =	sadd.s32 @!p0 $0x100000, s0;
	[bflag:$0x2] =	sbarrier.arrive $0xFFFF  }
0x59: {  	[sflag:s0] =	ssyncadd.tile.s32 @!p0 $0x1;
	_ =	shalt  }
.Lfunc_end2:
_tile_overlayer_lowered:
.L_overlay_start_2:
0x5a: {  	(tag) =	ssettag $0x2  }
0x5b: {  	s0 =	rddreg [dreg:$0x0];
	s2 =	stileid.u32  }
0x5c: {  	s1 =	rddreg [dreg:$0x1];
	p0 =	sne.s32 s2, $0x0  }
0x5d: {  	s3 =	rddreg [dreg:$0x2];
	[bflag:$0x3] =	sbarrier.arrive $0xFFFF;
	s2 =	simm.s32 @!p0 $0x1C01  }
0x5e: {  	[timem:s3], [sflag:s2] =	dma.local @!p0 [hbm:s0], s1  }
0x5f: {  	s0 =	simm.s32 @!p0 $0x1  }
0x60: {  	_ =	swait.ge @!p0 [sflag:s0], s1  }
0x61: {  	s1 =	ssub.s32 @!p0 $0x0, s1;
	[sflag:s0] =	ssyncset.done @!p0 $0x0  }
0x62: {  	[sflag:s0] =	ssyncadd.s32 @!p0 s1  }
0x63: {  	[bflag:$0x3] =	sbarrier.arrive $0xFFFF  }
0x64: {  	_ =	shalt  }

// kernel: gather_offload_async_start.2
scs
__scs_entry_jumppad:
0x0: {  	(pc) =	sbr.rel $0x88, $3  }
0x1: {  	(tag) =	ssettag $0x0;
	lr =	simm.s32 $0x1  }
0x2: {  	[smem:$0x3F92] =	sst lr;
	_ =	strace $0xD0000000  }
0x3: {  	_ = 	snop  }
0x4: {  	_ = 	snop  }
0x5: {  	_ = 	snop  }
0x6: {  	_ = 	snop  }
0x7: {  	_ = 	snop  }
__scs_overlays_trampoline_lowered:
0x8: {  	[smem:$0x3FA1] =	sst s0  }
0x9: {  	[smem:$0x3FA2] =	sst s1  }
0xa: {  	[smem:$0x3FA3] =	sst s2  }
0xb: {  	[smem:$0x3FA4] =	sst s3  }
0xc: {  	[smem:$0x3FA5] =	sst s4  }
0xd: {  	[smem:$0x3FA6] =	sst s5  }
0xe: {  	[smem:$0x3FA7] =	sst s6  }
0xf: {  	[smem:$0x3FA8] =	sst s7  }
0x10: {  	[smem:$0x3FA9] =	sst s8  }
0x11: {  	[smem:$0x3FAA] =	sst s9;
	s0 =	simm.s32 @!p0 $0x0  }
0x12: {  	s1 =	sld [smem:$0x3F90];
	s0 =	simm.s32 @p0 $0x1  }
0x13: {  	[smem:$0x3FAB] =	sst s0;
	s0 =	simm.s32 @!p1 $0x0  }
0x14: {  	s2 =	sld [smem:$0x3F8F];
	s0 =	simm.s32 @p1 $0x1  }
0x15: {  	[smem:$0x3FAC] =	sst s0;
	s0 =	simm.s32 @!p2 $0x0  }
0x16: {  	s3 =	sld [smem:$0x3FDB];
	s0 =	simm.s32 @p2 $0x1  }
0x17: {  	s4 =	simm.s32 $0x1BF5;
	[smem:$0x3FAE] =	sst s0  }
0x18: {  	s0 =	sld [smem:$0x3F91];
	_ =	swait.ge [sflag:s4], $0x0  }
0x19: {  	s7 =	sld [smem:$0x3F92]  }
0x1a: {  	s8 =	sadd.s32 $0xFFFFE003, lr  }
0x1b: {  	s9 =	sadd.s32 $0xFFFFFEF7, lr;
	s5 =	simm.s32 $0xFFFFFFFF;
	p2 =	slt.u32 s8, $0xFFFFF086  }
0x1c: {  	p1 =	slt.u32 s9, $0xF7A;
	s5 =	simm.s32 @!p2 $0x0  }
0x1d: {  	s5 =	simm.s32 @p1 $0x1;
	p0 =	seq.s32 s7, s2  }
0x1e: {  	s7 =	smul.u32 @!p0 $0xF7A, s2;
	p2 =	seq.s32 @!p0 s5, $0x0  }
0x1f: {  	s9 =	smul.u32 $0xF7A, s1;
	s8 =	simm.s32 @!p0 $0x1BF5;
	p2 =	por !p2, p0  }
0x20: {  	[sflag:s8] =	ssyncset.s32 @!p0 $0xFFFFF086;
	s6 =	sadd.s32 @!p0 s3, s7;
	s7 =	simm.s32 @!p0 $0x108  }
0x21: {  	s3 =	sadd.s32 s3, s9;
	s6 =	sadd.s32 @!p0 $0x88, s6;
	s7 =	simm.s32 @p2 $0x1082  }
0x22: {  	[simem:s7], [sflag:s8] =	dma.local @!p0 [hbm:s6], $0xF7A  }
0x23: {  	s9 =	sor.u32 $0xD0000000, s2;
	s6 =	simm.s32 $0x108;
	_ =	swait.ge @!p0 [sflag:s8], $0x0  }
0x24: {  	s3 =	sadd.s32 $0x88, s3;
	s6 =	simm.s32 @!p1 $0x1082;
	[sflag:s4] =	ssyncset.s32 $0xFFFFF086  }
0x25: {  	[simem:s6], [sflag:s4] =	dma.local [hbm:s3], $0xF7A  }
0x26: {  	[smem:$0x3F92] =	sst s1;
	(tag) =	ssettag s2;
	_ =	strace s9  }
0x27: {  	s1 =	sld [smem:$0x3FA2]  }
0x28: {  	s2 =	sld [smem:$0x3FA3]  }
0x29: {  	s4 =	sld [smem:$0x3FA5]  }
0x2a: {  	p0 =	seq.s32 s5, $0x0;
	s5 =	sld [smem:$0x3FA6]  }
0x2b: {  	s6 =	sld [smem:$0x3FA7]  }
0x2c: {  	s7 =	sld [smem:$0x3FA8]  }
0x2d: {  	s3 =	simm.s32 $0x108;
	s8 =	sld [smem:$0x3FA9]  }
0x2e: {  	s3 =	simm.s32 @!p0 $0x1082;
	s9 =	sld [smem:$0x3FAA]  }
0x2f: {  	lr =	sadd.s32 s0, s3;
	s0 =	sld [smem:$0x3FA1]  }
0x30: {  	s3 =	sld [smem:$0x3FA4]  }
0x31: {  	[smem:$0x3FAD] =	sst s10  }
0x32: {  	s10 =	sld [smem:$0x3FAB];
	_ =	sdelay $0x3  }
0x33: {  	p0 =	seq.s32 s10, $0x1;
	s10 =	sld [smem:$0x3FAD];
	_ =	sdelay $0x3  }
0x34: {  	[smem:$0x3FAD] =	sst s10  }
0x35: {  	s10 =	sld [smem:$0x3FAC];
	_ =	sdelay $0x3  }
0x36: {  	p1 =	seq.s32 s10, $0x1;
	s10 =	sld [smem:$0x3FAD];
	_ =	sdelay $0x3  }
0x37: {  	[smem:$0x3FAD] =	sst s10  }
0x38: {  	s10 =	sld [smem:$0x3FAE]  }
0x39: {  	_ = 	snop;
	(pc) =	sbr.ind lr, $3  }
0x3a: {  	_ = 	snop  }
0x3b: {  	_ = 	snop  }
0x3c: {  	p2 =	seq.s32 s10, $0x1;
	s10 =	sld [smem:$0x3FAD]  }
0x3d: {  	_ =	shalt  }
0x3e: {  	_ =	shalt  }
0x3f: {  	_ =	shalt  }
0x40: {  	_ =	shalt  }
0x41: {  	_ =	shalt  }
0x42: {  	_ =	shalt  }
0x43: {  	_ =	shalt  }
0x44: {  	_ =	shalt  }
0x45: {  	_ =	shalt  }
0x46: {  	_ =	shalt  }
0x47: {  	_ =	shalt  }
0x48: {  	_ =	shalt  }
0x49: {  	_ =	shalt  }
0x4a: {  	_ =	shalt  }
0x4b: {  	_ =	shalt  }
0x4c: {  	_ =	shalt  }
0x4d: {  	_ =	shalt  }
0x4e: {  	_ =	shalt  }
0x4f: {  	_ =	shalt  }
0x50: {  	_ =	shalt  }
0x51: {  	_ =	shalt  }
0x52: {  	_ =	shalt  }
0x53: {  	_ =	shalt  }
0x54: {  	_ =	shalt  }
0x55: {  	_ =	shalt  }
0x56: {  	_ =	shalt  }
0x57: {  	_ =	shalt  }
0x58: {  	_ =	shalt  }
0x59: {  	_ =	shalt  }
0x5a: {  	_ =	shalt  }
0x5b: {  	_ =	shalt  }
0x5c: {  	_ =	shalt  }
0x5d: {  	_ =	shalt  }
0x5e: {  	_ =	shalt  }
0x5f: {  	_ =	shalt  }
0x60: {  	_ =	shalt  }
0x61: {  	_ =	shalt  }
0x62: {  	_ =	shalt  }
0x63: {  	_ =	shalt  }
0x64: {  	_ =	shalt  }
0x65: {  	_ =	shalt  }
0x66: {  	_ =	shalt  }
0x67: {  	_ =	shalt  }
0x68: {  	_ =	shalt  }
0x69: {  	_ =	shalt  }
0x6a: {  	_ =	shalt  }
0x6b: {  	_ =	shalt  }
0x6c: {  	_ =	shalt  }
0x6d: {  	_ =	shalt  }
0x6e: {  	_ =	shalt  }
0x6f: {  	_ =	shalt  }
0x70: {  	_ =	shalt  }
0x71: {  	_ =	shalt  }
0x72: {  	_ =	shalt  }
0x73: {  	_ =	shalt  }
0x74: {  	_ =	shalt  }
0x75: {  	_ =	shalt  }
0x76: {  	_ =	shalt  }
0x77: {  	_ =	shalt  }
0x78: {  	_ =	shalt  }
0x79: {  	_ =	shalt  }
0x7a: {  	_ =	shalt  }
0x7b: {  	_ =	shalt  }
0x7c: {  	_ =	shalt  }
0x7d: {  	_ =	shalt  }
0x7e: {  	_ =	shalt  }
0x7f: {  	_ =	shalt  }
0x80: {  	_ =	shalt  }
0x81: {  	_ =	shalt  }
0x82: {  	_ =	shalt  }
0x83: {  	_ =	shalt  }
0x84: {  	_ =	shalt  }
0x85: {  	_ =	shalt  }
0x86: {  	_ =	shalt  }
0x87: {  	_ =	shalt  }
.Lfunc_end0:
.L_simem_size_0:
called_computation.2_lowered:
.L_overlay_start_0:
0x88: {  	s2 =	sld [smem:$0x3FD9]  }
0x89: {  	s3 =	sld [smem:$0x3FFE];
	_ =	sdelay $0x1  }
0x8a: {  	s1 =	srdreg.scid  }
0x8b: {  	s0 =	sand.u32 $0x1, s1  }
0x8c: {  	s16 =	sshll.u32 s0, $0xA;
	s2 =	sadd.s32 s3, s2  }
0x8d: {  	s2 =	sadd.s32 s2, s16  }
0x8e: {  	[smem:$0x3FB9] =	sst s2  }
0x8f: {  	_ = 	snop  }
0x90: {  	(tm) =	ssettm $0x1  }
0x91: {  	s17 =	sld [smem:$0x3FFB];
	_ =	sdelay $0x3  }
0x92: {  	_ =	strace s17  }
0x93: {  	s2 =	sld [smem:$0x3FFC];
	_ =	sdelay $0x3  }
0x94: {  	_ =	strace s2  }
0x95: {  	s2 =	sld [smem:$0x3FFD];
	_ =	sdelay $0x3  }
0x96: {  	_ =	strace s2  }
0x97: {  	_ =	strace $0x8FFFFFFF  }
0x98: {  	s18 =	sld [smem:$0x3FDB];
	_ =	sdelay $0x1  }
0x99: {  	s19 =	simm.s32 $_scs_section_size  }
0x9a: {  	s4 =	simm.s32 $_size__tile_overlayer_lowered;
	s5 =	simm.s32 $_tile_overlayer_lowered  }
0x9b: {  	s22 =	simm.s32 $0x1BFF;
	s21 =	sshll.u32 s5, $0x1;
	s2 =	sadd.s32 s19, s18  }
0x9c: {  	s6 =	simm.s32 $0x0;
	s20 =	sshll.u32 s4, $0x1;
	s4 =	sadd.s32 s21, s2  }
0x9d: {  	[timem:s6], [sflag:s22] =	dma.local [hbm:s4], s20  }
0x9e: {  	_ =	swait.ge [sflag:s22], s20  }
0x9f: {  	s3 =	ssub.s32 $0x0, s20;
	[sflag:s22] =	ssyncset.done $0x0  }
0xa0: {  	[sflag:s22] =	ssyncadd.s32 s3;
	_ =	sdelay $0x1  }
0xa1: {  	s23 =	simm.s32 $0x1B8B  }
0xa2: {  	_ =	swait.ge [sflag:s23], $0x1  }
0xa3: {  	[sflag:s23] =	ssyncset.done $0x0  }
0xa4: {  	s25 =	simm.s32 $0x1B8E;
	s24 =	sld [smem:$0x3FFE];
	[sflag:s23] =	ssyncadd.s32 $0xFFFFFFFF  }
0xa5: {  	s26 =	simm.s32 $execute0_lowered;
	[smem:$0x3FD2] =	sst s25  }
0xa6: {  	s4 =	sshll.u32 s26, $0x1;
	_ =	strace $0x8000004C;
	[dreg:$0x1] =	wrdreg $0xFFFFFFFF  }
0xa7: {  	s28 =	simm.s32 $_size_execute0_lowered;
	s2 =	sadd.s32 s2, s4;
	[dreg:$0x0] =	wrdreg $0x0  }
0xa8: {  	s4 =	sshll.u32 s28, $0x1;
	[dreg:$0x2] =	wrdreg s2  }
0xa9: {  	[dreg:$0x3] =	wrdreg s4  }
0xaa: {  	[dreg:$0x4] =	wrdreg $0xC0  }
0xab: {  	_ =	task [dreg:s6], $0x5FFFF  }
0xac: {  	[dreg:$0x1] =	wrdreg $0xFFFFFFFF  }
0xad: {  	[dreg:$0x0] =	wrdreg $0x60  }
0xae: {  	[dreg:$0x2] =	wrdreg s24  }
0xaf: {  	[dreg:$0x3] =	wrdreg $0x9  }
0xb0: {  	_ =	task.clear_ibuf [dreg:s6], $0x4FFFF;
	_ =	strace $0x9000004C  }
0xb1: {  	s29 =	simm.s32 $0x9;
	_ =	strace $0x8000004E  }
0xb2: {  	_ =	swait.ge [sflag:s29], $0x1  }
0xb3: {  	[sflag:s29] =	ssyncadd.s32 $0xFFFFFFFF  }
0xb4: {  	_ =	strace $0x9000004E  }
0xb5: {  	_ =	sfence  }
0xb6: {  	s30 =	sld [smem:$0x0];
	_ =	sdelay $0x2  }
0xb7: {  	s31 =	sshll.u32 s1, $0xD;
	s1 =	sshrl.u32 s1, $0x2  }
0xb8: {  	s3 =	sand.u32 $0x4000, s31;
	s1 =	sadd.s32 s1, s30  }
0xb9: {  	s0 =	sor.u32 s3, s0;
	s1 =	sshll.u32 s1, $0x11  }
0xba: {  	s0 =	sor.u32 s1, s0  }
0xbb: {  	s0 =	sadd.s32 $0x8F2B, s0  }
0xbc: {  	[sflag:s0] =	ssyncadd.remote.s32 $0x1  }
0xbd: {  	_ =	sfence.sel $0xFFFF  }
0xbe: {  	[dreg:$0x0] =	wrdreg $0xFFFFFFFF;
	(pc) =	sbr.abs _section_cstart, $3  }
0xbf: {  	[dreg:$0x1] =	wrdreg $0xFFFFFFFF  }
0xc0: {  	_ =	task.clear_ibuf [dreg:s6], $0x2FFFF;
	_ =	strace $0x9FFFFFFF  }
0xc1: {  	(tm) =	ssettm $0x7FFFFFFF  }
tec
execute0_lowered:
.L_overlay_start_1:
0x0: {  	(tag) =	ssettag $0x1  }
0x1: {  	s7 =	rddreg [dreg:$0x0]  }
0x2: {  	s0 =	rddreg [dreg:$0x1];
	_ =	strace $0x8000004D  }
0x3: {  	s1 =	srdreg.scid;
	s4 =	simm.s32 $0x1;
	s9 =	simm.s32 $0x3  }
0x4: {  	s11 =	simm.s32 $0x0;
	p0 =	por $0x0, $0x0;
	s5 =	sshll.u32 s1, $0x4  }
.Ltmp0:
0x5: {  	s1 =	stileid.u32;
	s5 =	sand.u32 $0x10, s5;
	(pc) =	sbr.rel .LBB2_1-.Ltmp0, $4  }
0x6: {  	s2 =	sadd.s32 $0x104200, s7;
	s3 =	sadd.s32 $0xB6000, s7;
	s6 =	sor.u32 s1, s5  }
0x7: {  	[sflag:s4] =	ssyncpa.u1 $0x0;
	s5 =	simm.s32 $0x2;
	s6 =	sshll.u32 s6, $0xB  }
0x8: {  	s7 =	sadd.s32 $0x404200, s7;
	[sflag:s5] =	ssyncpa.u1 $0x0;
	s8 =	sadd.s32 $0x800, s6  }
0x9: {  	vm0 =	vmmov $0xff;
	vm1 =	vcmask $0x3F20;
	[sflag:s9] =	ssyncpa.u1 $0x0;
	s10 =	smov.u32 s6;
	s9 =	simm.s32 $0x0  }
.LBB2_8:
0xa: {  	[hbm:s15] =	stream.linear.scatter [tilespmem:s12], [sflag:$0x3], $0x800, $0x38;
	[tilespmem:$0x10100] =	vst v63  }
.LBB2_9:
0xb: {  	p1 =	slt.u32 s9, $0x2;
	s11 =	sadd.s32 $0x80, s10  }
0xc: {  	s13 =	smov.u32 s6;
	s9 =	sadd.s32 $0x1, s9;
	p2 =	slt.s32 s11, s8  }
0xd: {  	s13 =	smov.u32 @p2 s11;
	p2 =	sne.s32 s9, $0x12  }
.Ltmp1:
0xe: {  	_ = 	snop;
	(pc) =	sbr.rel @!p2 .LBB2_10-.Ltmp1, $4  }
0xf: {  	s12 =	simm.s32 @!p1 $0x3  }
0x10: {  	_ =	swait.ge @!p1 [sflag:s12], $0x8000  }
0x11: {  	p0 =	por !p0, !p0;
	[sflag:s12] =	ssyncset.done @!p1 $0x0  }
0x12: {  	s11 =	smov.u32 s10;
	s10 =	smov.u32 s13;
	[sflag:s12] =	ssyncadd.s32 @!p1 $0xFFFF8000  }
.LBB2_1:
0x13: {  	p1 =	sgt.u32 s9, $0xF  }
0x14: {  	s12 =	sxor.u32 @!p1 $0xFFFFFFFF, s9  }
0x15: {  	s13 =	sshrl.u32 @!p1 s10, $0x3;
	s12 =	sshll.u32 @!p1 s12, $0x7  }
0x16: {  	s14 =	sand.u32 @!p1 $0x7, s10;
	s13 =	sadd.s32 @!p1 s3, s13;
	s12 =	sand.u32 @!p1 $0x80, s12  }
0x17: {  	[tilespmem:s12], [sflag:$0x2] =	stream.linear.gather @!p1 [hbm4b:s13+s14], $0x80, $0x38;
	[tilespmem:$0x10100] =	vst v63  }
0x18: {  	p1 =	seq.s32 s9, $0x0  }
0x19: {  	p2 =	seq.s32 @!p1 s9, $0x11  }
0x1a: {  	p1 =	por p1, p2  }
.Ltmp2:
0x1b: {  	_ = 	snop;
	(pc) =	sbr.rel @p1 .LBB2_9-.Ltmp2, $1  }
0x1c: {  	_ =	sdelay $0x3  }
0x1d: {  	s12 =	simm.s32 $0x1;
	_ =	swait.ge [sflag:s5], $0x80;
	s13 =	sand.u32 $0x1, s9  }
0x1e: {  	s15 =	simm.s32 $0x0;
	s12 =	simm.s32 @!p0 $0x0;
	[sflag:s5] =	ssyncset.done $0x0  }
0x1f: {  	s14 =	sshll.u32 s13, $0xF;
	s13 =	sshll.u32 s13, $0x7;
	s12 =	sshll.u32 s12, $0xF  }
0x20: {  	[sflag:s5] =	ssyncadd.s32 $0xFFFFFF80;
	s14 =	sor.u32 $0x100, s14;
	s12 =	sor.u32 $0x100, s12  }
.LBB2_3:
0x21: {  	s16 =	sshll.u32 s15, $0x4  }
0x22: {  	s16 =	sand.u32 $0x3FFFFFF0, s16  }
0x23: {  	s16 =	sadd.s32 s16, s13  }
0x24: {  	v0 =	vld.msk [tilespmem:s16+$0x0 ss:$0x1], $0xffff;
	_ =	sdelay $0x4  }
0x25: {  	v1 =	vshrl.u32 v0, $0x5  }
0x26: {  	vm2 =	veq.s32 v0, $0x80000000;
	v1 =	vand.u32 $0x7FF, v1  }
0x27: {  	v0 =	vshll.u32 v0, $0x13;
	v1 =	vsel vm2, $0xFFFFFFFF, v1  }
0x28: {  	v0 =	vand.u32 $0xF80000, v0;
	v2 =	vshll.u32 v1, $0x8  }
0x29: {  	v0 =	vsel vm2, $0xFFF80000, v0;
	v1 =	vshll.u32 v1, $0x7;
	v2 =	vand.u32 $0xFFFFF800, v2  }
0x2a: {  	s31 =	sshll.u32 s15, $0xC;
	v1 =	vand.u32 $0x380, v1;
	v0 =	vadd.s32 v0, v2  }
0x2b: {  	s16 =	sand.u32 $0x3FFFF000, s31;
	v0 =	vor.u32 v1, v0  }
0x2c: {  	p1 =	por $0x1, $0x1;
	s17 =	simm.s32 $0x0;
	s16 =	sadd.s32 s16, s14;
	v0 =	vshrl.u32 v0, $0x3  }
.LBB2_4:
0x2d: {  	_ =	sdelay $0x1  }
0x2e: {  	s17 =	sshra.s32 s17, $0x2;
	p2 =	por p1, p1  }
.Ltmp3:
0x2f: {  	s17 =	sadd.s32 s17, s16;
	(pc) =	sbr.rel @p2 .LBB2_4-.Ltmp3, $4  }
0x30: {  	[tilespmem:s17], [sflag:$0x1] =	stream.indirect_vreg.gather [hbm:s2], $0x80, v0, vm0, $0x38;
	[tilespmem:$0x10100] =	vst v63  }
0x31: {  	s17 =	sadd.s32 $0x800, s17  }
0x32: {  	[tilespmem:s17], [sflag:$0x1] =	stream.indirect_vreg.gather [hbm:s2], $0x80, v0, vm1, $0x38;
	[tilespmem:$0x10100] =	vst v63  }
0x33: {  	p1 =	por $0x0, $0x0;
	v0 =	vadd.s32 $0x80, v0;
	s17 =	simm.s32 $0x1000  }
0x34: {  	s15 =	sadd.s32 $0x1, s15  }
0x35: {  	p1 =	sne.s32 s15, $0x8  }
.Ltmp4:
0x36: {  	_ = 	snop;
	(pc) =	sbr.rel @p1 .LBB2_3-.Ltmp4, $1  }
0x37: {  	_ =	sdelay $0x3  }
0x38: {  	s13 =	sshll.u32 s11, $0x5  }
0x39: {  	s31 =	sshll.u32 s11, $0x4;
	s13 =	sand.u32 $0xFFFFFF00, s13  }
0x3a: {  	_ =	swait.ge [sflag:s4], $0x8000;
	s11 =	sand.u32 $0x70, s31;
	s13 =	sadd.s32 s13, s7  }
0x3b: {  	s14 =	sadd.s32 $0x800, s12;
	[sflag:s4] =	ssyncset.done $0x0;
	s11 =	sadd.s32 s11, s13  }
0x3c: {  	[sflag:s4] =	ssyncadd.s32 $0xFFFF8000;
	s13 =	simm.s32 $0x100;
	s15 =	sadd.s32 $0x0, s11  }
.LBB2_7:
0x3d: {  	[hbm:s15] =	stream.linear.scatter [tilespmem:s12], [sflag:$0x3], $0x800, $0x38;
	[tilespmem:$0x10100] =	vst v63  }
0x3e: {  	s15 =	smov.u32 s13;
	s12 =	smov.u32 s14;
	p1 =	sne.s32 s13, $0xF00  }
.Ltmp5:
0x3f: {  	s13 =	sadd.s32 $0x100, s13;
	(pc) =	sbr.rel @p1 .LBB2_7-.Ltmp5, $2  }
0x40: {  	_ =	sdelay $0x2  }
0x41: {  	s14 =	sadd.s32 $0x800, s14;
	s15 =	sadd.s32 s15, s11  }
.Ltmp6:
0x42: {  	_ = 	snop;
	(pc) =	sbr.rel .LBB2_8-.Ltmp6, $1  }
0x43: {  	_ =	sdelay $0x3  }
.LBB2_10:
0x44: {  	_ =	sfence.sel $0x180000  }
0x45: {  	s2 =	simm.s32 $0x2;
	[bflag:$0x0] =	sbarrier.arrive $0xFFFF  }
0x46: {  	s30 =	simm.s32 $0x3;
	[sflag:s2] =	ssyncpa.u1 $0x1  }
0x47: {  	s31 =	simm.s32 $0x1;
	[sflag:s30] =	ssyncpa.u1 $0x1  }
0x48: {  	[sflag:s31] =	ssyncpa.u1 $0x1  }
0x49: {  	p0 =	sne.s32 s1, $0x0;
	_ =	strace $0x9000004D  }
0x4a: {  	s0 =	sadd.s32 @!p0 $0x100000, s0;
	[bflag:$0x2] =	sbarrier.arrive $0xFFFF  }
0x4b: {  	[sflag:s0] =	ssyncadd.tile.s32 @!p0 $0x1;
	_ =	shalt  }
.Lfunc_end2:
_tile_overlayer_lowered:
.L_overlay_start_2:
0x4c: {  	(tag) =	ssettag $0x2  }
0x4d: {  	s0 =	rddreg [dreg:$0x0];
	s2 =	stileid.u32  }
0x4e: {  	s1 =	rddreg [dreg:$0x1];
	p0 =	sne.s32 s2, $0x0  }
0x4f: {  	s3 =	rddreg [dreg:$0x2];
	[bflag:$0x3] =	sbarrier.arrive $0xFFFF;
	s2 =	simm.s32 @!p0 $0x1C01  }
0x50: {  	[timem:s3], [sflag:s2] =	dma.local @!p0 [hbm:s0], s1  }
0x51: {  	s0 =	simm.s32 @!p0 $0x1  }
0x52: {  	_ =	swait.ge @!p0 [sflag:s0], s1  }
0x53: {  	s1 =	ssub.s32 @!p0 $0x0, s1;
	[sflag:s0] =	ssyncset.done @!p0 $0x0  }
0x54: {  	[sflag:s0] =	ssyncadd.s32 @!p0 s1  }
0x55: {  	[bflag:$0x3] =	sbarrier.arrive $0xFFFF  }
0x56: {  	_ =	shalt  }

// kernel: gather_offload_async_start.3
scs
__scs_entry_jumppad:
0x0: {  	(pc) =	sbr.rel $0x88, $3  }
0x1: {  	(tag) =	ssettag $0x0;
	lr =	simm.s32 $0x1  }
0x2: {  	[smem:$0x3F92] =	sst lr;
	_ =	strace $0xD0000000  }
0x3: {  	_ = 	snop  }
0x4: {  	_ = 	snop  }
0x5: {  	_ = 	snop  }
0x6: {  	_ = 	snop  }
0x7: {  	_ = 	snop  }
__scs_overlays_trampoline_lowered:
0x8: {  	[smem:$0x3FA1] =	sst s0  }
0x9: {  	[smem:$0x3FA2] =	sst s1  }
0xa: {  	[smem:$0x3FA3] =	sst s2  }
0xb: {  	[smem:$0x3FA4] =	sst s3  }
0xc: {  	[smem:$0x3FA5] =	sst s4  }
0xd: {  	[smem:$0x3FA6] =	sst s5  }
0xe: {  	[smem:$0x3FA7] =	sst s6  }
0xf: {  	[smem:$0x3FA8] =	sst s7  }
0x10: {  	[smem:$0x3FA9] =	sst s8  }
0x11: {  	[smem:$0x3FAA] =	sst s9;
	s0 =	simm.s32 @!p0 $0x0  }
0x12: {  	s1 =	sld [smem:$0x3F90];
	s0 =	simm.s32 @p0 $0x1  }
0x13: {  	[smem:$0x3FAB] =	sst s0;
	s0 =	simm.s32 @!p1 $0x0  }
0x14: {  	s2 =	sld [smem:$0x3F8F];
	s0 =	simm.s32 @p1 $0x1  }
0x15: {  	[smem:$0x3FAC] =	sst s0;
	s0 =	simm.s32 @!p2 $0x0  }
0x16: {  	s3 =	sld [smem:$0x3FDB];
	s0 =	simm.s32 @p2 $0x1  }
0x17: {  	s4 =	simm.s32 $0x1BF5;
	[smem:$0x3FAE] =	sst s0  }
0x18: {  	s0 =	sld [smem:$0x3F91];
	_ =	swait.ge [sflag:s4], $0x0  }
0x19: {  	s7 =	sld [smem:$0x3F92]  }
0x1a: {  	s8 =	sadd.s32 $0xFFFFE003, lr  }
0x1b: {  	s9 =	sadd.s32 $0xFFFFFEF7, lr;
	s5 =	simm.s32 $0xFFFFFFFF;
	p2 =	slt.u32 s8, $0xFFFFF086  }
0x1c: {  	p1 =	slt.u32 s9, $0xF7A;
	s5 =	simm.s32 @!p2 $0x0  }
0x1d: {  	s5 =	simm.s32 @p1 $0x1;
	p0 =	seq.s32 s7, s2  }
0x1e: {  	s7 =	smul.u32 @!p0 $0xF7A, s2;
	p2 =	seq.s32 @!p0 s5, $0x0  }
0x1f: {  	s9 =	smul.u32 $0xF7A, s1;
	s8 =	simm.s32 @!p0 $0x1BF5;
	p2 =	por !p2, p0  }
0x20: {  	[sflag:s8] =	ssyncset.s32 @!p0 $0xFFFFF086;
	s6 =	sadd.s32 @!p0 s3, s7;
	s7 =	simm.s32 @!p0 $0x108  }
0x21: {  	s3 =	sadd.s32 s3, s9;
	s6 =	sadd.s32 @!p0 $0x88, s6;
	s7 =	simm.s32 @p2 $0x1082  }
0x22: {  	[simem:s7], [sflag:s8] =	dma.local @!p0 [hbm:s6], $0xF7A  }
0x23: {  	s9 =	sor.u32 $0xD0000000, s2;
	s6 =	simm.s32 $0x108;
	_ =	swait.ge @!p0 [sflag:s8], $0x0  }
0x24: {  	s3 =	sadd.s32 $0x88, s3;
	s6 =	simm.s32 @!p1 $0x1082;
	[sflag:s4] =	ssyncset.s32 $0xFFFFF086  }
0x25: {  	[simem:s6], [sflag:s4] =	dma.local [hbm:s3], $0xF7A  }
0x26: {  	[smem:$0x3F92] =	sst s1;
	(tag) =	ssettag s2;
	_ =	strace s9  }
0x27: {  	s1 =	sld [smem:$0x3FA2]  }
0x28: {  	s2 =	sld [smem:$0x3FA3]  }
0x29: {  	s4 =	sld [smem:$0x3FA5]  }
0x2a: {  	p0 =	seq.s32 s5, $0x0;
	s5 =	sld [smem:$0x3FA6]  }
0x2b: {  	s6 =	sld [smem:$0x3FA7]  }
0x2c: {  	s7 =	sld [smem:$0x3FA8]  }
0x2d: {  	s3 =	simm.s32 $0x108;
	s8 =	sld [smem:$0x3FA9]  }
0x2e: {  	s3 =	simm.s32 @!p0 $0x1082;
	s9 =	sld [smem:$0x3FAA]  }
0x2f: {  	lr =	sadd.s32 s0, s3;
	s0 =	sld [smem:$0x3FA1]  }
0x30: {  	s3 =	sld [smem:$0x3FA4]  }
0x31: {  	[smem:$0x3FAD] =	sst s10  }
0x32: {  	s10 =	sld [smem:$0x3FAB];
	_ =	sdelay $0x3  }
0x33: {  	p0 =	seq.s32 s10, $0x1;
	s10 =	sld [smem:$0x3FAD];
	_ =	sdelay $0x3  }
0x34: {  	[smem:$0x3FAD] =	sst s10  }
0x35: {  	s10 =	sld [smem:$0x3FAC];
	_ =	sdelay $0x3  }
0x36: {  	p1 =	seq.s32 s10, $0x1;
	s10 =	sld [smem:$0x3FAD];
	_ =	sdelay $0x3  }
0x37: {  	[smem:$0x3FAD] =	sst s10  }
0x38: {  	s10 =	sld [smem:$0x3FAE]  }
0x39: {  	_ = 	snop;
	(pc) =	sbr.ind lr, $3  }
0x3a: {  	_ = 	snop  }
0x3b: {  	_ = 	snop  }
0x3c: {  	p2 =	seq.s32 s10, $0x1;
	s10 =	sld [smem:$0x3FAD]  }
0x3d: {  	_ =	shalt  }
0x3e: {  	_ =	shalt  }
0x3f: {  	_ =	shalt  }
0x40: {  	_ =	shalt  }
0x41: {  	_ =	shalt  }
0x42: {  	_ =	shalt  }
0x43: {  	_ =	shalt  }
0x44: {  	_ =	shalt  }
0x45: {  	_ =	shalt  }
0x46: {  	_ =	shalt  }
0x47: {  	_ =	shalt  }
0x48: {  	_ =	shalt  }
0x49: {  	_ =	shalt  }
0x4a: {  	_ =	shalt  }
0x4b: {  	_ =	shalt  }
0x4c: {  	_ =	shalt  }
0x4d: {  	_ =	shalt  }
0x4e: {  	_ =	shalt  }
0x4f: {  	_ =	shalt  }
0x50: {  	_ =	shalt  }
0x51: {  	_ =	shalt  }
0x52: {  	_ =	shalt  }
0x53: {  	_ =	shalt  }
0x54: {  	_ =	shalt  }
0x55: {  	_ =	shalt  }
0x56: {  	_ =	shalt  }
0x57: {  	_ =	shalt  }
0x58: {  	_ =	shalt  }
0x59: {  	_ =	shalt  }
0x5a: {  	_ =	shalt  }
0x5b: {  	_ =	shalt  }
0x5c: {  	_ =	shalt  }
0x5d: {  	_ =	shalt  }
0x5e: {  	_ =	shalt  }
0x5f: {  	_ =	shalt  }
0x60: {  	_ =	shalt  }
0x61: {  	_ =	shalt  }
0x62: {  	_ =	shalt  }
0x63: {  	_ =	shalt  }
0x64: {  	_ =	shalt  }
0x65: {  	_ =	shalt  }
0x66: {  	_ =	shalt  }
0x67: {  	_ =	shalt  }
0x68: {  	_ =	shalt  }
0x69: {  	_ =	shalt  }
0x6a: {  	_ =	shalt  }
0x6b: {  	_ =	shalt  }
0x6c: {  	_ =	shalt  }
0x6d: {  	_ =	shalt  }
0x6e: {  	_ =	shalt  }
0x6f: {  	_ =	shalt  }
0x70: {  	_ =	shalt  }
0x71: {  	_ =	shalt  }
0x72: {  	_ =	shalt  }
0x73: {  	_ =	shalt  }
0x74: {  	_ =	shalt  }
0x75: {  	_ =	shalt  }
0x76: {  	_ =	shalt  }
0x77: {  	_ =	shalt  }
0x78: {  	_ =	shalt  }
0x79: {  	_ =	shalt  }
0x7a: {  	_ =	shalt  }
0x7b: {  	_ =	shalt  }
0x7c: {  	_ =	shalt  }
0x7d: {  	_ =	shalt  }
0x7e: {  	_ =	shalt  }
0x7f: {  	_ =	shalt  }
0x80: {  	_ =	shalt  }
0x81: {  	_ =	shalt  }
0x82: {  	_ =	shalt  }
0x83: {  	_ =	shalt  }
0x84: {  	_ =	shalt  }
0x85: {  	_ =	shalt  }
0x86: {  	_ =	shalt  }
0x87: {  	_ =	shalt  }
.Lfunc_end0:
.L_simem_size_0:
called_computation.3_lowered:
.L_overlay_start_0:
0x88: {  	s2 =	sld [smem:$0x3FD9]  }
0x89: {  	s3 =	sld [smem:$0x3FFE];
	_ =	sdelay $0x1  }
0x8a: {  	s1 =	srdreg.scid  }
0x8b: {  	s0 =	sand.u32 $0x1, s1  }
0x8c: {  	s16 =	sshll.u32 s0, $0xA;
	s2 =	sadd.s32 s3, s2  }
0x8d: {  	s2 =	sadd.s32 s2, s16  }
0x8e: {  	[smem:$0x3FB9] =	sst s2  }
0x8f: {  	_ = 	snop  }
0x90: {  	(tm) =	ssettm $0x1  }
0x91: {  	s17 =	sld [smem:$0x3FFB];
	_ =	sdelay $0x3  }
0x92: {  	_ =	strace s17  }
0x93: {  	s2 =	sld [smem:$0x3FFC];
	_ =	sdelay $0x3  }
0x94: {  	_ =	strace s2  }
0x95: {  	s2 =	sld [smem:$0x3FFD];
	_ =	sdelay $0x3  }
0x96: {  	_ =	strace s2  }
0x97: {  	_ =	strace $0x8FFFFFFF  }
0x98: {  	s18 =	sld [smem:$0x3FDB];
	_ =	sdelay $0x1  }
0x99: {  	s19 =	simm.s32 $_scs_section_size  }
0x9a: {  	s4 =	simm.s32 $_size__tile_overlayer_lowered;
	s5 =	simm.s32 $_tile_overlayer_lowered  }
0x9b: {  	s22 =	simm.s32 $0x1BFF;
	s21 =	sshll.u32 s5, $0x1;
	s2 =	sadd.s32 s19, s18  }
0x9c: {  	s6 =	simm.s32 $0x0;
	s20 =	sshll.u32 s4, $0x1;
	s4 =	sadd.s32 s21, s2  }
0x9d: {  	[timem:s6], [sflag:s22] =	dma.local [hbm:s4], s20  }
0x9e: {  	_ =	swait.ge [sflag:s22], s20  }
0x9f: {  	s3 =	ssub.s32 $0x0, s20;
	[sflag:s22] =	ssyncset.done $0x0  }
0xa0: {  	[sflag:s22] =	ssyncadd.s32 s3;
	_ =	sdelay $0x1  }
0xa1: {  	s23 =	simm.s32 $0x1B8B  }
0xa2: {  	_ =	swait.ge [sflag:s23], $0x1  }
0xa3: {  	[sflag:s23] =	ssyncset.done $0x0  }
0xa4: {  	s25 =	simm.s32 $0x1B8E;
	s24 =	sld [smem:$0x3FFE];
	[sflag:s23] =	ssyncadd.s32 $0xFFFFFFFF  }
0xa5: {  	s26 =	simm.s32 $execute0_lowered;
	[smem:$0x3FD2] =	sst s25  }
0xa6: {  	s4 =	sshll.u32 s26, $0x1;
	_ =	strace $0x8000004F;
	[dreg:$0x1] =	wrdreg $0xFFFFFFFF  }
0xa7: {  	s28 =	simm.s32 $_size_execute0_lowered;
	s2 =	sadd.s32 s2, s4;
	[dreg:$0x0] =	wrdreg $0x0  }
0xa8: {  	s4 =	sshll.u32 s28, $0x1;
	[dreg:$0x2] =	wrdreg s2  }
0xa9: {  	[dreg:$0x3] =	wrdreg s4  }
0xaa: {  	[dreg:$0x4] =	wrdreg $0xC0  }
0xab: {  	_ =	task [dreg:s6], $0x5FFFF  }
0xac: {  	[dreg:$0x1] =	wrdreg $0xFFFFFFFF  }
0xad: {  	[dreg:$0x0] =	wrdreg $0x60  }
0xae: {  	[dreg:$0x2] =	wrdreg s24  }
0xaf: {  	[dreg:$0x3] =	wrdreg $0x9  }
0xb0: {  	_ =	task.clear_ibuf [dreg:s6], $0x4FFFF;
	_ =	strace $0x9000004F  }
0xb1: {  	s29 =	simm.s32 $0x9;
	_ =	strace $0x80000051  }
0xb2: {  	_ =	swait.ge [sflag:s29], $0x1  }
0xb3: {  	[sflag:s29] =	ssyncadd.s32 $0xFFFFFFFF  }
0xb4: {  	_ =	strace $0x90000051  }
0xb5: {  	_ =	sfence  }
0xb6: {  	s30 =	sld [smem:$0x0];
	_ =	sdelay $0x2  }
0xb7: {  	s31 =	sshll.u32 s1, $0xD;
	s1 =	sshrl.u32 s1, $0x2  }
0xb8: {  	s3 =	sand.u32 $0x4000, s31;
	s1 =	sadd.s32 s1, s30  }
0xb9: {  	s0 =	sor.u32 s3, s0;
	s1 =	sshll.u32 s1, $0x11  }
0xba: {  	s0 =	sor.u32 s1, s0  }
0xbb: {  	s0 =	sadd.s32 $0x8F2B, s0  }
0xbc: {  	[sflag:s0] =	ssyncadd.remote.s32 $0x1  }
0xbd: {  	_ =	sfence.sel $0xFFFF  }
0xbe: {  	[dreg:$0x0] =	wrdreg $0xFFFFFFFF;
	(pc) =	sbr.abs _section_cstart, $3  }
0xbf: {  	[dreg:$0x1] =	wrdreg $0xFFFFFFFF  }
0xc0: {  	_ =	task.clear_ibuf [dreg:s6], $0x2FFFF;
	_ =	strace $0x9FFFFFFF  }
0xc1: {  	(tm) =	ssettm $0x7FFFFFFF  }
tec
execute0_lowered:
.L_overlay_start_1:
0x0: {  	(tag) =	ssettag $0x1  }
0x1: {  	s2 =	rddreg [dreg:$0x0]  }
0x2: {  	s0 =	rddreg [dreg:$0x1]  }
0x3: {  	s1 =	srdreg.scid;
	_ =	strace $0x80000050;
	s4 =	simm.s32 $0x1  }
0x4: {  	s9 =	simm.s32 $0x3;
	s11 =	simm.s32 $0x0;
	s5 =	sshll.u32 s1, $0x4  }
.Ltmp0:
0x5: {  	s1 =	stileid.u32;
	s5 =	sand.u32 $0x10, s5;
	(pc) =	sbr.rel .LBB2_1-.Ltmp0, $4  }
0x6: {  	p0 =	por $0x0, $0x0;
	s3 =	sadd.s32 $0x404200, s2;
	s6 =	sor.u32 s1, s5  }
0x7: {  	[sflag:s4] =	ssyncpa.u1 $0x0;
	s5 =	simm.s32 $0x2;
	s6 =	sshll.u32 s6, $0xB  }
0x8: {  	s7 =	sadd.s32 $0x104200, s2;
	[sflag:s5] =	ssyncpa.u1 $0x0;
	s8 =	sadd.s32 $0x800, s6  }
0x9: {  	vm0 =	vmmov $0xff;
	vm1 =	vcmask $0x3F20;
	[sflag:s9] =	ssyncpa.u1 $0x0;
	s10 =	smov.u32 s6;
	s9 =	simm.s32 $0x0  }
.LBB2_7:
0xa: {  	p1 =	slt.u32 s9, $0x2;
	s11 =	sadd.s32 $0x100, s10  }
0xb: {  	s13 =	smov.u32 s6;
	s9 =	sadd.s32 $0x1, s9;
	p2 =	slt.s32 s11, s8  }
0xc: {  	s13 =	smov.u32 @p2 s11;
	p2 =	sne.s32 s9, $0xA  }
.Ltmp1:
0xd: {  	_ = 	snop;
	(pc) =	sbr.rel @!p2 .LBB2_8-.Ltmp1, $4  }
0xe: {  	s12 =	simm.s32 @!p1 $0x3  }
0xf: {  	_ =	swait.ge @!p1 [sflag:s12], $0x8000  }
0x10: {  	p0 =	por !p0, !p0;
	[sflag:s12] =	ssyncset.done @!p1 $0x0  }
0x11: {  	s11 =	smov.u32 s10;
	s10 =	smov.u32 s13;
	[sflag:s12] =	ssyncadd.s32 @!p1 $0xFFFF8000  }
.LBB2_1:
0x12: {  	p1 =	sgt.u32 s9, $0x7  }
0x13: {  	s12 =	sxor.u32 @!p1 $0xFFFFFFFF, s9  }
0x14: {  	s13 =	sshrl.u32 @!p1 s10, $0x3;
	s12 =	sshll.u32 @!p1 s12, $0x8  }
0x15: {  	s14 =	sand.u32 @!p1 $0x7, s10;
	s13 =	sadd.s32 @!p1 s2, s13;
	s12 =	sand.u32 @!p1 $0x100, s12  }
0x16: {  	[tilespmem:s12], [sflag:$0x2] =	stream.linear.gather @!p1 [hbm4b:s13+s14], $0x100, $0x38;
	[tilespmem:$0x10200] =	vst v63  }
0x17: {  	p1 =	seq.s32 s9, $0x0  }
0x18: {  	p2 =	seq.s32 @!p1 s9, $0x9  }
0x19: {  	p1 =	por p1, p2  }
.Ltmp2:
0x1a: {  	_ = 	snop;
	(pc) =	sbr.rel @p1 .LBB2_7-.Ltmp2, $1  }
0x1b: {  	_ =	sdelay $0x3  }
0x1c: {  	s12 =	simm.s32 $0x1  }
0x1d: {  	_ =	swait.ge [sflag:s5], $0x100;
	s12 =	simm.s32 @!p0 $0x0  }
0x1e: {  	[sflag:s5] =	ssyncset.done $0x0;
	s14 =	sshll.u32 s12, $0x8  }
0x1f: {  	[sflag:s5] =	ssyncadd.s32 $0xFFFFFF00;
	s13 =	sadd.s32 $0x0, s14  }
0x20: {  	v0 =	vld.msk [tilespmem:s13+$0x0 ss:$0x1], $0xffff;
	_ =	sdelay $0x4  }
0x21: {  	v1 =	vshll.u32 v0, $0x2  }
0x22: {  	vm2 =	veq.s32 v0, $0x80000000;
	v0 =	vshll.u32 v0, $0x12;
	v1 =	vand.u32 $0x3FF80, v1  }
0x23: {  	v0 =	vand.u32 $0x7C0000, v0;
	v1 =	vsel vm2, $0xFFFFFF80, v1  }
0x24: {  	v0 =	vsel vm2, $0xFFFC0000, v0;
	v2 =	vand.u32 $0xFFFFFC00, v1  }
0x25: {  	v1 =	vand.u32 $0x380, v1;
	v0 =	vadd.s32 v0, v2  }
0x26: {  	v0 =	vor.u32 v1, v0  }
0x27: {  	v0 =	vshrl.u32 v0, $0x3;
	_ =	sdelay $0x2  }
0x28: {  	s12 =	sshll.u32 s12, $0xF  }
0x29: {  	s12 =	sor.u32 $0x200, s12  }
0x2a: {  	[tilespmem:s12], [sflag:$0x1] =	stream.indirect_vreg.gather [hbm:s3], $0x80, v0, vm0, $0x38;
	[tilespmem:$0x10200] =	vst v63  }
0x2b: {  	s15 =	sadd.s32 $0x10, s14;
	s13 =	sadd.s32 $0x400, s12  }
0x2c: {  	[tilespmem:s13], [sflag:$0x1] =	stream.indirect_vreg.gather [hbm:s3], $0x80, v0, vm1, $0x38;
	[tilespmem:$0x10200] =	vst v63  }
0x2d: {  	s16 =	simm.s32 $0x80;
	v0 =	vld.msk [tilespmem:s15+$0x0 ss:$0x1], $0xffff;
	s15 =	smov.u32 s12  }
.LBB2_3:
0x2e: {  	p1 =	sne.s32 s16, $0x3C0;
	_ =	sdelay $0x4  }
0x2f: {  	v1 =	vshll.u32 v0, $0x2  }
0x30: {  	vm2 =	veq.s32 v0, $0x80000000;
	v0 =	vshll.u32 v0, $0x12;
	v1 =	vand.u32 $0x3FF80, v1  }
0x31: {  	v0 =	vand.u32 $0x7C0000, v0;
	v1 =	vsel vm2, $0xFFFFFF80, v1  }
0x32: {  	v0 =	vsel vm2, $0xFFFC0000, v0;
	v2 =	vand.u32 $0xFFFFFC00, v1  }
0x33: {  	v1 =	vand.u32 $0x380, v1;
	v0 =	vadd.s32 v0, v2  }
0x34: {  	v0 =	vor.u32 v1, v0  }
0x35: {  	v0 =	vshrl.u32 v0, $0x3;
	_ =	sdelay $0x3  }
.Ltmp3:
0x36: {  	s17 =	sshra.s32 s16, $0x2;
	s15 =	sadd.s32 $0x800, s15;
	(pc) =	sbr.rel @p1 .LBB2_3-.Ltmp3, $4  }
0x37: {  	[tilespmem:s15], [sflag:$0x1] =	stream.indirect_vreg.gather [hbm:s3], $0x80, v0, vm0, $0x38;
	[tilespmem:$0x10200] =	vst v63  }
0x38: {  	s17 =	sadd.s32 s17, s14;
	s18 =	sadd.s32 $0x400, s15  }
0x39: {  	[tilespmem:s18], [sflag:$0x1] =	stream.indirect_vreg.gather [hbm:s3], $0x80, v0, vm1, $0x38;
	[tilespmem:$0x10200] =	vst v63  }
0x3a: {  	s16 =	sadd.s32 $0x40, s16;
	v0 =	vld.msk [tilespmem:s17+$0x0 ss:$0x1], $0xffff  }
0x3b: {  	_ =	sdelay $0x3  }
0x3c: {  	v1 =	vshll.u32 v0, $0x2  }
0x3d: {  	vm2 =	veq.s32 v0, $0x80000000;
	v63 =	vshll.u32 v0, $0x12;
	v1 =	vand.u32 $0x3FF80, v1  }
0x3e: {  	v0 =	vand.u32 $0x7C0000, v63;
	v1 =	vsel vm2, $0xFFFFFF80, v1  }
0x3f: {  	v0 =	vsel vm2, $0xFFFC0000, v0;
	v2 =	vand.u32 $0xFFFFFC00, v1  }
0x40: {  	v1 =	vand.u32 $0x380, v1;
	v0 =	vadd.s32 v0, v2  }
0x41: {  	v0 =	vor.u32 v1, v0  }
0x42: {  	v0 =	vshrl.u32 v0, $0x3;
	_ =	sdelay $0x3  }
0x43: {  	s14 =	sadd.s32 $0x800, s15  }
0x44: {  	[tilespmem:s14], [sflag:$0x1] =	stream.indirect_vreg.gather [hbm:s3], $0x80, v0, vm0, $0x38;
	[tilespmem:$0x10200] =	vst v63  }
0x45: {  	s14 =	sadd.s32 $0x400, s14  }
0x46: {  	[tilespmem:s14], [sflag:$0x1] =	stream.indirect_vreg.gather [hbm:s3], $0x80, v0, vm1, $0x38;
	[tilespmem:$0x10200] =	vst v63  }
0x47: {  	s11 =	sshll.u32 s11, $0x4;
	_ =	swait.ge [sflag:s4], $0x8000  }
0x48: {  	s11 =	sadd.s32 s11, s7;
	[sflag:s4] =	ssyncset.done $0x0  }
0x49: {  	s15 =	sadd.s32 $0x0, s11;
	s14 =	simm.s32 $0x80;
	[sflag:s4] =	ssyncadd.s32 $0xFFFF8000  }
.LBB2_5:
0x4a: {  	[hbm:s15] =	stream.linear.scatter [tilespmem:s12], [sflag:$0x3], $0x400, $0x38;
	[tilespmem:$0x10200] =	vst v63  }
0x4b: {  	s15 =	smov.u32 s14;
	s12 =	smov.u32 s13;
	p1 =	sne.s32 s14, $0xF80  }
.Ltmp4:
0x4c: {  	s14 =	sadd.s32 $0x80, s14;
	(pc) =	sbr.rel @p1 .LBB2_5-.Ltmp4, $2  }
0x4d: {  	_ =	sdelay $0x2  }
0x4e: {  	s13 =	sadd.s32 $0x400, s13;
	s15 =	sadd.s32 s15, s11  }
.Ltmp5:
0x4f: {  	(pc) =	sbr.rel .LBB2_7-.Ltmp5, $2  }
0x50: {  	_ =	sdelay $0x2  }
0x51: {  	[hbm:s15] =	stream.linear.scatter [tilespmem:s12], [sflag:$0x3], $0x400, $0x38;
	[tilespmem:$0x10200] =	vst v63  }
.LBB2_8:
0x52: {  	_ =	sfence.sel $0x180000  }
0x53: {  	s2 =	simm.s32 $0x2;
	[bflag:$0x0] =	sbarrier.arrive $0xFFFF  }
0x54: {  	s30 =	simm.s32 $0x3;
	[sflag:s2] =	ssyncpa.u1 $0x1  }
0x55: {  	s31 =	simm.s32 $0x1;
	[sflag:s30] =	ssyncpa.u1 $0x1  }
0x56: {  	[sflag:s31] =	ssyncpa.u1 $0x1  }
0x57: {  	p0 =	sne.s32 s1, $0x0;
	_ =	strace $0x90000050  }
0x58: {  	s0 =	sadd.s32 @!p0 $0x100000, s0;
	[bflag:$0x2] =	sbarrier.arrive $0xFFFF  }
0x59: {  	[sflag:s0] =	ssyncadd.tile.s32 @!p0 $0x1;
	_ =	shalt  }
.Lfunc_end2:
_tile_overlayer_lowered:
.L_overlay_start_2:
0x5a: {  	(tag) =	ssettag $0x2  }
0x5b: {  	s0 =	rddreg [dreg:$0x0];
	s2 =	stileid.u32  }
0x5c: {  	s1 =	rddreg [dreg:$0x1];
	p0 =	sne.s32 s2, $0x0  }
0x5d: {  	s3 =	rddreg [dreg:$0x2];
	[bflag:$0x3] =	sbarrier.arrive $0xFFFF;
	s2 =	simm.s32 @!p0 $0x1C01  }
0x5e: {  	[timem:s3], [sflag:s2] =	dma.local @!p0 [hbm:s0], s1  }
0x5f: {  	s0 =	simm.s32 @!p0 $0x1  }
0x60: {  	_ =	swait.ge @!p0 [sflag:s0], s1  }
0x61: {  	s1 =	ssub.s32 @!p0 $0x0, s1;
	[sflag:s0] =	ssyncset.done @!p0 $0x0  }
0x62: {  	[sflag:s0] =	ssyncadd.s32 @!p0 s1  }
0x63: {  	[bflag:$0x3] =	sbarrier.arrive $0xFFFF  }
0x64: {  	_ =	shalt  }

// kernel: gather_offload_async_start.4
scs
__scs_entry_jumppad:
0x0: {  	(pc) =	sbr.rel $0x88, $3  }
0x1: {  	(tag) =	ssettag $0x0;
	lr =	simm.s32 $0x1  }
0x2: {  	[smem:$0x3F92] =	sst lr;
	_ =	strace $0xD0000000  }
0x3: {  	_ = 	snop  }
0x4: {  	_ = 	snop  }
0x5: {  	_ = 	snop  }
0x6: {  	_ = 	snop  }
0x7: {  	_ = 	snop  }
__scs_overlays_trampoline_lowered:
0x8: {  	[smem:$0x3FA1] =	sst s0  }
0x9: {  	[smem:$0x3FA2] =	sst s1  }
0xa: {  	[smem:$0x3FA3] =	sst s2  }
0xb: {  	[smem:$0x3FA4] =	sst s3  }
0xc: {  	[smem:$0x3FA5] =	sst s4  }
0xd: {  	[smem:$0x3FA6] =	sst s5  }
0xe: {  	[smem:$0x3FA7] =	sst s6  }
0xf: {  	[smem:$0x3FA8] =	sst s7  }
0x10: {  	[smem:$0x3FA9] =	sst s8  }
0x11: {  	[smem:$0x3FAA] =	sst s9;
	s0 =	simm.s32 @!p0 $0x0  }
0x12: {  	s1 =	sld [smem:$0x3F90];
	s0 =	simm.s32 @p0 $0x1  }
0x13: {  	[smem:$0x3FAB] =	sst s0;
	s0 =	simm.s32 @!p1 $0x0  }
0x14: {  	s2 =	sld [smem:$0x3F8F];
	s0 =	simm.s32 @p1 $0x1  }
0x15: {  	[smem:$0x3FAC] =	sst s0;
	s0 =	simm.s32 @!p2 $0x0  }
0x16: {  	s3 =	sld [smem:$0x3FDB];
	s0 =	simm.s32 @p2 $0x1  }
0x17: {  	s4 =	simm.s32 $0x1BF5;
	[smem:$0x3FAE] =	sst s0  }
0x18: {  	s0 =	sld [smem:$0x3F91];
	_ =	swait.ge [sflag:s4], $0x0  }
0x19: {  	s7 =	sld [smem:$0x3F92]  }
0x1a: {  	s8 =	sadd.s32 $0xFFFFE003, lr  }
0x1b: {  	s9 =	sadd.s32 $0xFFFFFEF7, lr;
	s5 =	simm.s32 $0xFFFFFFFF;
	p2 =	slt.u32 s8, $0xFFFFF086  }
0x1c: {  	p1 =	slt.u32 s9, $0xF7A;
	s5 =	simm.s32 @!p2 $0x0  }
0x1d: {  	s5 =	simm.s32 @p1 $0x1;
	p0 =	seq.s32 s7, s2  }
0x1e: {  	s7 =	smul.u32 @!p0 $0xF7A, s2;
	p2 =	seq.s32 @!p0 s5, $0x0  }
0x1f: {  	s9 =	smul.u32 $0xF7A, s1;
	s8 =	simm.s32 @!p0 $0x1BF5;
	p2 =	por !p2, p0  }
0x20: {  	[sflag:s8] =	ssyncset.s32 @!p0 $0xFFFFF086;
	s6 =	sadd.s32 @!p0 s3, s7;
	s7 =	simm.s32 @!p0 $0x108  }
0x21: {  	s3 =	sadd.s32 s3, s9;
	s6 =	sadd.s32 @!p0 $0x88, s6;
	s7 =	simm.s32 @p2 $0x1082  }
0x22: {  	[simem:s7], [sflag:s8] =	dma.local @!p0 [hbm:s6], $0xF7A  }
0x23: {  	s9 =	sor.u32 $0xD0000000, s2;
	s6 =	simm.s32 $0x108;
	_ =	swait.ge @!p0 [sflag:s8], $0x0  }
0x24: {  	s3 =	sadd.s32 $0x88, s3;
	s6 =	simm.s32 @!p1 $0x1082;
	[sflag:s4] =	ssyncset.s32 $0xFFFFF086  }
0x25: {  	[simem:s6], [sflag:s4] =	dma.local [hbm:s3], $0xF7A  }
0x26: {  	[smem:$0x3F92] =	sst s1;
	(tag) =	ssettag s2;
	_ =	strace s9  }
0x27: {  	s1 =	sld [smem:$0x3FA2]  }
0x28: {  	s2 =	sld [smem:$0x3FA3]  }
0x29: {  	s4 =	sld [smem:$0x3FA5]  }
0x2a: {  	p0 =	seq.s32 s5, $0x0;
	s5 =	sld [smem:$0x3FA6]  }
0x2b: {  	s6 =	sld [smem:$0x3FA7]  }
0x2c: {  	s7 =	sld [smem:$0x3FA8]  }
0x2d: {  	s3 =	simm.s32 $0x108;
	s8 =	sld [smem:$0x3FA9]  }
0x2e: {  	s3 =	simm.s32 @!p0 $0x1082;
	s9 =	sld [smem:$0x3FAA]  }
0x2f: {  	lr =	sadd.s32 s0, s3;
	s0 =	sld [smem:$0x3FA1]  }
0x30: {  	s3 =	sld [smem:$0x3FA4]  }
0x31: {  	[smem:$0x3FAD] =	sst s10  }
0x32: {  	s10 =	sld [smem:$0x3FAB];
	_ =	sdelay $0x3  }
0x33: {  	p0 =	seq.s32 s10, $0x1;
	s10 =	sld [smem:$0x3FAD];
	_ =	sdelay $0x3  }
0x34: {  	[smem:$0x3FAD] =	sst s10  }
0x35: {  	s10 =	sld [smem:$0x3FAC];
	_ =	sdelay $0x3  }
0x36: {  	p1 =	seq.s32 s10, $0x1;
	s10 =	sld [smem:$0x3FAD];
	_ =	sdelay $0x3  }
0x37: {  	[smem:$0x3FAD] =	sst s10  }
0x38: {  	s10 =	sld [smem:$0x3FAE]  }
0x39: {  	_ = 	snop;
	(pc) =	sbr.ind lr, $3  }
0x3a: {  	_ = 	snop  }
0x3b: {  	_ = 	snop  }
0x3c: {  	p2 =	seq.s32 s10, $0x1;
	s10 =	sld [smem:$0x3FAD]  }
0x3d: {  	_ =	shalt  }
0x3e: {  	_ =	shalt  }
0x3f: {  	_ =	shalt  }
0x40: {  	_ =	shalt  }
0x41: {  	_ =	shalt  }
0x42: {  	_ =	shalt  }
0x43: {  	_ =	shalt  }
0x44: {  	_ =	shalt  }
0x45: {  	_ =	shalt  }
0x46: {  	_ =	shalt  }
0x47: {  	_ =	shalt  }
0x48: {  	_ =	shalt  }
0x49: {  	_ =	shalt  }
0x4a: {  	_ =	shalt  }
0x4b: {  	_ =	shalt  }
0x4c: {  	_ =	shalt  }
0x4d: {  	_ =	shalt  }
0x4e: {  	_ =	shalt  }
0x4f: {  	_ =	shalt  }
0x50: {  	_ =	shalt  }
0x51: {  	_ =	shalt  }
0x52: {  	_ =	shalt  }
0x53: {  	_ =	shalt  }
0x54: {  	_ =	shalt  }
0x55: {  	_ =	shalt  }
0x56: {  	_ =	shalt  }
0x57: {  	_ =	shalt  }
0x58: {  	_ =	shalt  }
0x59: {  	_ =	shalt  }
0x5a: {  	_ =	shalt  }
0x5b: {  	_ =	shalt  }
0x5c: {  	_ =	shalt  }
0x5d: {  	_ =	shalt  }
0x5e: {  	_ =	shalt  }
0x5f: {  	_ =	shalt  }
0x60: {  	_ =	shalt  }
0x61: {  	_ =	shalt  }
0x62: {  	_ =	shalt  }
0x63: {  	_ =	shalt  }
0x64: {  	_ =	shalt  }
0x65: {  	_ =	shalt  }
0x66: {  	_ =	shalt  }
0x67: {  	_ =	shalt  }
0x68: {  	_ =	shalt  }
0x69: {  	_ =	shalt  }
0x6a: {  	_ =	shalt  }
0x6b: {  	_ =	shalt  }
0x6c: {  	_ =	shalt  }
0x6d: {  	_ =	shalt  }
0x6e: {  	_ =	shalt  }
0x6f: {  	_ =	shalt  }
0x70: {  	_ =	shalt  }
0x71: {  	_ =	shalt  }
0x72: {  	_ =	shalt  }
0x73: {  	_ =	shalt  }
0x74: {  	_ =	shalt  }
0x75: {  	_ =	shalt  }
0x76: {  	_ =	shalt  }
0x77: {  	_ =	shalt  }
0x78: {  	_ =	shalt  }
0x79: {  	_ =	shalt  }
0x7a: {  	_ =	shalt  }
0x7b: {  	_ =	shalt  }
0x7c: {  	_ =	shalt  }
0x7d: {  	_ =	shalt  }
0x7e: {  	_ =	shalt  }
0x7f: {  	_ =	shalt  }
0x80: {  	_ =	shalt  }
0x81: {  	_ =	shalt  }
0x82: {  	_ =	shalt  }
0x83: {  	_ =	shalt  }
0x84: {  	_ =	shalt  }
0x85: {  	_ =	shalt  }
0x86: {  	_ =	shalt  }
0x87: {  	_ =	shalt  }
.Lfunc_end0:
.L_simem_size_0:
called_computation.4_lowered:
.L_overlay_start_0:
0x88: {  	s2 =	sld [smem:$0x3FD9]  }
0x89: {  	s3 =	sld [smem:$0x3FFE];
	_ =	sdelay $0x1  }
0x8a: {  	s1 =	srdreg.scid  }
0x8b: {  	s0 =	sand.u32 $0x1, s1  }
0x8c: {  	s16 =	sshll.u32 s0, $0xA;
	s2 =	sadd.s32 s3, s2  }
0x8d: {  	s2 =	sadd.s32 s2, s16  }
0x8e: {  	[smem:$0x3FB9] =	sst s2  }
0x8f: {  	_ = 	snop  }
0x90: {  	(tm) =	ssettm $0x1  }
0x91: {  	s17 =	sld [smem:$0x3FFB];
	_ =	sdelay $0x3  }
0x92: {  	_ =	strace s17  }
0x93: {  	s2 =	sld [smem:$0x3FFC];
	_ =	sdelay $0x3  }
0x94: {  	_ =	strace s2  }
0x95: {  	s2 =	sld [smem:$0x3FFD];
	_ =	sdelay $0x3  }
0x96: {  	_ =	strace s2  }
0x97: {  	_ =	strace $0x8FFFFFFF  }
0x98: {  	s18 =	sld [smem:$0x3FDB];
	_ =	sdelay $0x1  }
0x99: {  	s19 =	simm.s32 $_scs_section_size  }
0x9a: {  	s4 =	simm.s32 $_size__tile_overlayer_lowered;
	s5 =	simm.s32 $_tile_overlayer_lowered  }
0x9b: {  	s22 =	simm.s32 $0x1BFF;
	s21 =	sshll.u32 s5, $0x1;
	s2 =	sadd.s32 s19, s18  }
0x9c: {  	s6 =	simm.s32 $0x0;
	s20 =	sshll.u32 s4, $0x1;
	s4 =	sadd.s32 s21, s2  }
0x9d: {  	[timem:s6], [sflag:s22] =	dma.local [hbm:s4], s20  }
0x9e: {  	_ =	swait.ge [sflag:s22], s20  }
0x9f: {  	s3 =	ssub.s32 $0x0, s20;
	[sflag:s22] =	ssyncset.done $0x0  }
0xa0: {  	[sflag:s22] =	ssyncadd.s32 s3;
	_ =	sdelay $0x1  }
0xa1: {  	s23 =	simm.s32 $0x1B8B  }
0xa2: {  	_ =	swait.ge [sflag:s23], $0x1  }
0xa3: {  	[sflag:s23] =	ssyncset.done $0x0  }
0xa4: {  	s25 =	simm.s32 $0x1B8E;
	s24 =	sld [smem:$0x3FFE];
	[sflag:s23] =	ssyncadd.s32 $0xFFFFFFFF  }
0xa5: {  	s26 =	simm.s32 $execute0_lowered;
	[smem:$0x3FD2] =	sst s25  }
0xa6: {  	s4 =	sshll.u32 s26, $0x1;
	_ =	strace $0x80000052;
	[dreg:$0x1] =	wrdreg $0xFFFFFFFF  }
0xa7: {  	s28 =	simm.s32 $_size_execute0_lowered;
	s2 =	sadd.s32 s2, s4;
	[dreg:$0x0] =	wrdreg $0x0  }
0xa8: {  	s4 =	sshll.u32 s28, $0x1;
	[dreg:$0x2] =	wrdreg s2  }
0xa9: {  	[dreg:$0x3] =	wrdreg s4  }
0xaa: {  	[dreg:$0x4] =	wrdreg $0xC0  }
0xab: {  	_ =	task [dreg:s6], $0x5FFFF  }
0xac: {  	[dreg:$0x1] =	wrdreg $0xFFFFFFFF  }
0xad: {  	[dreg:$0x0] =	wrdreg $0x60  }
0xae: {  	[dreg:$0x2] =	wrdreg s24  }
0xaf: {  	[dreg:$0x3] =	wrdreg $0x9  }
0xb0: {  	_ =	task.clear_ibuf [dreg:s6], $0x4FFFF;
	_ =	strace $0x90000052  }
0xb1: {  	s29 =	simm.s32 $0x9;
	_ =	strace $0x80000054  }
0xb2: {  	_ =	swait.ge [sflag:s29], $0x1  }
0xb3: {  	[sflag:s29] =	ssyncadd.s32 $0xFFFFFFFF  }
0xb4: {  	_ =	strace $0x90000054  }
0xb5: {  	_ =	sfence  }
0xb6: {  	s30 =	sld [smem:$0x0];
	_ =	sdelay $0x2  }
0xb7: {  	s31 =	sshll.u32 s1, $0xD;
	s1 =	sshrl.u32 s1, $0x2  }
0xb8: {  	s3 =	sand.u32 $0x4000, s31;
	s1 =	sadd.s32 s1, s30  }
0xb9: {  	s0 =	sor.u32 s3, s0;
	s1 =	sshll.u32 s1, $0x11  }
0xba: {  	s0 =	sor.u32 s1, s0  }
0xbb: {  	s0 =	sadd.s32 $0x8F2B, s0  }
0xbc: {  	[sflag:s0] =	ssyncadd.remote.s32 $0x1  }
0xbd: {  	_ =	sfence.sel $0xFFFF  }
0xbe: {  	[dreg:$0x0] =	wrdreg $0xFFFFFFFF;
	(pc) =	sbr.abs _section_cstart, $3  }
0xbf: {  	[dreg:$0x1] =	wrdreg $0xFFFFFFFF  }
0xc0: {  	_ =	task.clear_ibuf [dreg:s6], $0x2FFFF;
	_ =	strace $0x9FFFFFFF  }
0xc1: {  	(tm) =	ssettm $0x7FFFFFFF  }
tec
execute0_lowered:
.L_overlay_start_1:
0x0: {  	(tag) =	ssettag $0x1  }
0x1: {  	s7 =	rddreg [dreg:$0x0]  }
0x2: {  	s0 =	rddreg [dreg:$0x1];
	_ =	strace $0x80000053  }
0x3: {  	s1 =	srdreg.scid;
	s4 =	simm.s32 $0x1;
	s9 =	simm.s32 $0x3  }
0x4: {  	s11 =	simm.s32 $0x0;
	p0 =	por $0x0, $0x0;
	s5 =	sshll.u32 s1, $0x4  }
.Ltmp0:
0x5: {  	s1 =	stileid.u32;
	s5 =	sand.u32 $0x10, s5;
	(pc) =	sbr.rel .LBB2_1-.Ltmp0, $4  }
0x6: {  	s2 =	sadd.s32 $0x104200, s7;
	s3 =	sadd.s32 $0xB6000, s7;
	s6 =	sor.u32 s1, s5  }
0x7: {  	[sflag:s4] =	ssyncpa.u1 $0x0;
	s5 =	simm.s32 $0x2;
	s6 =	sshll.u32 s6, $0xB  }
0x8: {  	s7 =	sadd.s32 $0x404200, s7;
	[sflag:s5] =	ssyncpa.u1 $0x0;
	s8 =	sadd.s32 $0x800, s6  }
0x9: {  	vm0 =	vmmov $0xff;
	vm1 =	vcmask $0x3F20;
	[sflag:s9] =	ssyncpa.u1 $0x0;
	s10 =	smov.u32 s6;
	s9 =	simm.s32 $0x0  }
.LBB2_8:
0xa: {  	[hbm:s15] =	stream.linear.scatter [tilespmem:s12], [sflag:$0x3], $0x800, $0x38;
	[tilespmem:$0x10100] =	vst v63  }
.LBB2_9:
0xb: {  	p1 =	slt.u32 s9, $0x2;
	s11 =	sadd.s32 $0x80, s10  }
0xc: {  	s13 =	smov.u32 s6;
	s9 =	sadd.s32 $0x1, s9;
	p2 =	slt.s32 s11, s8  }
0xd: {  	s13 =	smov.u32 @p2 s11;
	p2 =	sne.s32 s9, $0x12  }
.Ltmp1:
0xe: {  	_ = 	snop;
	(pc) =	sbr.rel @!p2 .LBB2_10-.Ltmp1, $4  }
0xf: {  	s12 =	simm.s32 @!p1 $0x3  }
0x10: {  	_ =	swait.ge @!p1 [sflag:s12], $0x8000  }
0x11: {  	p0 =	por !p0, !p0;
	[sflag:s12] =	ssyncset.done @!p1 $0x0  }
0x12: {  	s11 =	smov.u32 s10;
	s10 =	smov.u32 s13;
	[sflag:s12] =	ssyncadd.s32 @!p1 $0xFFFF8000  }
.LBB2_1:
0x13: {  	p1 =	sgt.u32 s9, $0xF  }
0x14: {  	s12 =	sxor.u32 @!p1 $0xFFFFFFFF, s9  }
0x15: {  	s13 =	sshrl.u32 @!p1 s10, $0x3;
	s12 =	sshll.u32 @!p1 s12, $0x7  }
0x16: {  	s14 =	sand.u32 @!p1 $0x7, s10;
	s13 =	sadd.s32 @!p1 s3, s13;
	s12 =	sand.u32 @!p1 $0x80, s12  }
0x17: {  	[tilespmem:s12], [sflag:$0x2] =	stream.linear.gather @!p1 [hbm4b:s13+s14], $0x80, $0x38;
	[tilespmem:$0x10100] =	vst v63  }
0x18: {  	p1 =	seq.s32 s9, $0x0  }
0x19: {  	p2 =	seq.s32 @!p1 s9, $0x11  }
0x1a: {  	p1 =	por p1, p2  }
.Ltmp2:
0x1b: {  	_ = 	snop;
	(pc) =	sbr.rel @p1 .LBB2_9-.Ltmp2, $1  }
0x1c: {  	_ =	sdelay $0x3  }
0x1d: {  	s12 =	simm.s32 $0x1;
	_ =	swait.ge [sflag:s5], $0x80;
	s13 =	sand.u32 $0x1, s9  }
0x1e: {  	s15 =	simm.s32 $0x0;
	s12 =	simm.s32 @!p0 $0x0;
	[sflag:s5] =	ssyncset.done $0x0  }
0x1f: {  	s14 =	sshll.u32 s13, $0xF;
	s13 =	sshll.u32 s13, $0x7;
	s12 =	sshll.u32 s12, $0xF  }
0x20: {  	[sflag:s5] =	ssyncadd.s32 $0xFFFFFF80;
	s14 =	sor.u32 $0x100, s14;
	s12 =	sor.u32 $0x100, s12  }
.LBB2_3:
0x21: {  	s16 =	sshll.u32 s15, $0x4  }
0x22: {  	s16 =	sand.u32 $0x3FFFFFF0, s16  }
0x23: {  	s16 =	sadd.s32 s16, s13  }
0x24: {  	v0 =	vld.msk [tilespmem:s16+$0x0 ss:$0x1], $0xffff;
	_ =	sdelay $0x4  }
0x25: {  	v1 =	vshrl.u32 v0, $0x5  }
0x26: {  	vm2 =	veq.s32 v0, $0x80000000;
	v1 =	vand.u32 $0x7FF, v1  }
0x27: {  	v0 =	vshll.u32 v0, $0x13;
	v1 =	vsel vm2, $0xFFFFFFFF, v1  }
0x28: {  	v0 =	vand.u32 $0xF80000, v0;
	v2 =	vshll.u32 v1, $0x8  }
0x29: {  	v0 =	vsel vm2, $0xFFF80000, v0;
	v1 =	vshll.u32 v1, $0x7;
	v2 =	vand.u32 $0xFFFFF800, v2  }
0x2a: {  	s31 =	sshll.u32 s15, $0xC;
	v1 =	vand.u32 $0x380, v1;
	v0 =	vadd.s32 v0, v2  }
0x2b: {  	s16 =	sand.u32 $0x3FFFF000, s31;
	v0 =	vor.u32 v1, v0  }
0x2c: {  	p1 =	por $0x1, $0x1;
	s17 =	simm.s32 $0x0;
	s16 =	sadd.s32 s16, s14;
	v0 =	vshrl.u32 v0, $0x3  }
.LBB2_4:
0x2d: {  	_ =	sdelay $0x1  }
0x2e: {  	s17 =	sshra.s32 s17, $0x2;
	p2 =	por p1, p1  }
.Ltmp3:
0x2f: {  	s17 =	sadd.s32 s17, s16;
	(pc) =	sbr.rel @p2 .LBB2_4-.Ltmp3, $4  }
0x30: {  	[tilespmem:s17], [sflag:$0x1] =	stream.indirect_vreg.gather [hbm:s2], $0x80, v0, vm0, $0x38;
	[tilespmem:$0x10100] =	vst v63  }
0x31: {  	s17 =	sadd.s32 $0x800, s17  }
0x32: {  	[tilespmem:s17], [sflag:$0x1] =	stream.indirect_vreg.gather [hbm:s2], $0x80, v0, vm1, $0x38;
	[tilespmem:$0x10100] =	vst v63  }
0x33: {  	p1 =	por $0x0, $0x0;
	v0 =	vadd.s32 $0x80, v0;
	s17 =	simm.s32 $0x1000  }
0x34: {  	s15 =	sadd.s32 $0x1, s15  }
0x35: {  	p1 =	sne.s32 s15, $0x8  }
.Ltmp4:
0x36: {  	_ = 	snop;
	(pc) =	sbr.rel @p1 .LBB2_3-.Ltmp4, $1  }
0x37: {  	_ =	sdelay $0x3  }
0x38: {  	s13 =	sshll.u32 s11, $0x5  }
0x39: {  	s31 =	sshll.u32 s11, $0x4;
	s13 =	sand.u32 $0xFFFFFF00, s13  }
0x3a: {  	_ =	swait.ge [sflag:s4], $0x8000;
	s11 =	sand.u32 $0x70, s31;
	s13 =	sadd.s32 s13, s7  }
0x3b: {  	s14 =	sadd.s32 $0x800, s12;
	[sflag:s4] =	ssyncset.done $0x0;
	s11 =	sadd.s32 s11, s13  }
0x3c: {  	[sflag:s4] =	ssyncadd.s32 $0xFFFF8000;
	s13 =	simm.s32 $0x100;
	s15 =	sadd.s32 $0x0, s11  }
.LBB2_7:
0x3d: {  	[hbm:s15] =	stream.linear.scatter [tilespmem:s12], [sflag:$0x3], $0x800, $0x38;
	[tilespmem:$0x10100] =	vst v63  }
0x3e: {  	s15 =	smov.u32 s13;
	s12 =	smov.u32 s14;
	p1 =	sne.s32 s13, $0xF00  }
.Ltmp5:
0x3f: {  	s13 =	sadd.s32 $0x100, s13;
	(pc) =	sbr.rel @p1 .LBB2_7-.Ltmp5, $2  }
0x40: {  	_ =	sdelay $0x2  }
0x41: {  	s14 =	sadd.s32 $0x800, s14;
	s15 =	sadd.s32 s15, s11  }
.Ltmp6:
0x42: {  	_ = 	snop;
	(pc) =	sbr.rel .LBB2_8-.Ltmp6, $1  }
0x43: {  	_ =	sdelay $0x3  }
.LBB2_10:
0x44: {  	_ =	sfence.sel $0x180000  }
0x45: {  	s2 =	simm.s32 $0x2;
	[bflag:$0x0] =	sbarrier.arrive $0xFFFF  }
0x46: {  	s30 =	simm.s32 $0x3;
	[sflag:s2] =	ssyncpa.u1 $0x1  }
0x47: {  	s31 =	simm.s32 $0x1;
	[sflag:s30] =	ssyncpa.u1 $0x1  }
0x48: {  	[sflag:s31] =	ssyncpa.u1 $0x1  }
0x49: {  	p0 =	sne.s32 s1, $0x0;
	_ =	strace $0x90000053  }
0x4a: {  	s0 =	sadd.s32 @!p0 $0x100000, s0;
	[bflag:$0x2] =	sbarrier.arrive $0xFFFF  }
0x4b: {  	[sflag:s0] =	ssyncadd.tile.s32 @!p0 $0x1;
	_ =	shalt  }
.Lfunc_end2:
_tile_overlayer_lowered:
.L_overlay_start_2:
0x4c: {  	(tag) =	ssettag $0x2  }
0x4d: {  	s0 =	rddreg [dreg:$0x0];
	s2 =	stileid.u32  }
0x4e: {  	s1 =	rddreg [dreg:$0x1];
	p0 =	sne.s32 s2, $0x0  }
0x4f: {  	s3 =	rddreg [dreg:$0x2];
	[bflag:$0x3] =	sbarrier.arrive $0xFFFF;
	s2 =	simm.s32 @!p0 $0x1C01  }
0x50: {  	[timem:s3], [sflag:s2] =	dma.local @!p0 [hbm:s0], s1  }
0x51: {  	s0 =	simm.s32 @!p0 $0x1  }
0x52: {  	_ =	swait.ge @!p0 [sflag:s0], s1  }
0x53: {  	s1 =	ssub.s32 @!p0 $0x0, s1;
	[sflag:s0] =	ssyncset.done @!p0 $0x0  }
0x54: {  	[sflag:s0] =	ssyncadd.s32 @!p0 s1  }
0x55: {  	[bflag:$0x3] =	sbarrier.arrive $0xFFFF  }
0x56: {  	_ =	shalt  }

// kernel: gather_offload_async_start.5
scs
__scs_entry_jumppad:
0x0: {  	(pc) =	sbr.rel $0x88, $3  }
0x1: {  	(tag) =	ssettag $0x0;
	lr =	simm.s32 $0x1  }
0x2: {  	[smem:$0x3F92] =	sst lr;
	_ =	strace $0xD0000000  }
0x3: {  	_ = 	snop  }
0x4: {  	_ = 	snop  }
0x5: {  	_ = 	snop  }
0x6: {  	_ = 	snop  }
0x7: {  	_ = 	snop  }
__scs_overlays_trampoline_lowered:
0x8: {  	[smem:$0x3FA1] =	sst s0  }
0x9: {  	[smem:$0x3FA2] =	sst s1  }
0xa: {  	[smem:$0x3FA3] =	sst s2  }
0xb: {  	[smem:$0x3FA4] =	sst s3  }
0xc: {  	[smem:$0x3FA5] =	sst s4  }
0xd: {  	[smem:$0x3FA6] =	sst s5  }
0xe: {  	[smem:$0x3FA7] =	sst s6  }
0xf: {  	[smem:$0x3FA8] =	sst s7  }
0x10: {  	[smem:$0x3FA9] =	sst s8  }
0x11: {  	[smem:$0x3FAA] =	sst s9;
	s0 =	simm.s32 @!p0 $0x0  }
0x12: {  	s1 =	sld [smem:$0x3F90];
	s0 =	simm.s32 @p0 $0x1  }
0x13: {  	[smem:$0x3FAB] =	sst s0;
	s0 =	simm.s32 @!p1 $0x0  }
0x14: {  	s2 =	sld [smem:$0x3F8F];
	s0 =	simm.s32 @p1 $0x1  }
0x15: {  	[smem:$0x3FAC] =	sst s0;
	s0 =	simm.s32 @!p2 $0x0  }
0x16: {  	s3 =	sld [smem:$0x3FDB];
	s0 =	simm.s32 @p2 $0x1  }
0x17: {  	s4 =	simm.s32 $0x1BF5;
	[smem:$0x3FAE] =	sst s0  }
0x18: {  	s0 =	sld [smem:$0x3F91];
	_ =	swait.ge [sflag:s4], $0x0  }
0x19: {  	s7 =	sld [smem:$0x3F92]  }
0x1a: {  	s8 =	sadd.s32 $0xFFFFE003, lr  }
0x1b: {  	s9 =	sadd.s32 $0xFFFFFEF7, lr;
	s5 =	simm.s32 $0xFFFFFFFF;
	p2 =	slt.u32 s8, $0xFFFFF086  }
0x1c: {  	p1 =	slt.u32 s9, $0xF7A;
	s5 =	simm.s32 @!p2 $0x0  }
0x1d: {  	s5 =	simm.s32 @p1 $0x1;
	p0 =	seq.s32 s7, s2  }
0x1e: {  	s7 =	smul.u32 @!p0 $0xF7A, s2;
	p2 =	seq.s32 @!p0 s5, $0x0  }
0x1f: {  	s9 =	smul.u32 $0xF7A, s1;
	s8 =	simm.s32 @!p0 $0x1BF5;
	p2 =	por !p2, p0  }
0x20: {  	[sflag:s8] =	ssyncset.s32 @!p0 $0xFFFFF086;
	s6 =	sadd.s32 @!p0 s3, s7;
	s7 =	simm.s32 @!p0 $0x108  }
0x21: {  	s3 =	sadd.s32 s3, s9;
	s6 =	sadd.s32 @!p0 $0x88, s6;
	s7 =	simm.s32 @p2 $0x1082  }
0x22: {  	[simem:s7], [sflag:s8] =	dma.local @!p0 [hbm:s6], $0xF7A  }
0x23: {  	s9 =	sor.u32 $0xD0000000, s2;
	s6 =	simm.s32 $0x108;
	_ =	swait.ge @!p0 [sflag:s8], $0x0  }
0x24: {  	s3 =	sadd.s32 $0x88, s3;
	s6 =	simm.s32 @!p1 $0x1082;
	[sflag:s4] =	ssyncset.s32 $0xFFFFF086  }
0x25: {  	[simem:s6], [sflag:s4] =	dma.local [hbm:s3], $0xF7A  }
0x26: {  	[smem:$0x3F92] =	sst s1;
	(tag) =	ssettag s2;
	_ =	strace s9  }
0x27: {  	s1 =	sld [smem:$0x3FA2]  }
0x28: {  	s2 =	sld [smem:$0x3FA3]  }
0x29: {  	s4 =	sld [smem:$0x3FA5]  }
0x2a: {  	p0 =	seq.s32 s5, $0x0;
	s5 =	sld [smem:$0x3FA6]  }
0x2b: {  	s6 =	sld [smem:$0x3FA7]  }
0x2c: {  	s7 =	sld [smem:$0x3FA8]  }
0x2d: {  	s3 =	simm.s32 $0x108;
	s8 =	sld [smem:$0x3FA9]  }
0x2e: {  	s3 =	simm.s32 @!p0 $0x1082;
	s9 =	sld [smem:$0x3FAA]  }
0x2f: {  	lr =	sadd.s32 s0, s3;
	s0 =	sld [smem:$0x3FA1]  }
0x30: {  	s3 =	sld [smem:$0x3FA4]  }
0x31: {  	[smem:$0x3FAD] =	sst s10  }
0x32: {  	s10 =	sld [smem:$0x3FAB];
	_ =	sdelay $0x3  }
0x33: {  	p0 =	seq.s32 s10, $0x1;
	s10 =	sld [smem:$0x3FAD];
	_ =	sdelay $0x3  }
0x34: {  	[smem:$0x3FAD] =	sst s10  }
0x35: {  	s10 =	sld [smem:$0x3FAC];
	_ =	sdelay $0x3  }
0x36: {  	p1 =	seq.s32 s10, $0x1;
	s10 =	sld [smem:$0x3FAD];
	_ =	sdelay $0x3  }
0x37: {  	[smem:$0x3FAD] =	sst s10  }
0x38: {  	s10 =	sld [smem:$0x3FAE]  }
0x39: {  	_ = 	snop;
	(pc) =	sbr.ind lr, $3  }
0x3a: {  	_ = 	snop  }
0x3b: {  	_ = 	snop  }
0x3c: {  	p2 =	seq.s32 s10, $0x1;
	s10 =	sld [smem:$0x3FAD]  }
0x3d: {  	_ =	shalt  }
0x3e: {  	_ =	shalt  }
0x3f: {  	_ =	shalt  }
0x40: {  	_ =	shalt  }
0x41: {  	_ =	shalt  }
0x42: {  	_ =	shalt  }
0x43: {  	_ =	shalt  }
0x44: {  	_ =	shalt  }
0x45: {  	_ =	shalt  }
0x46: {  	_ =	shalt  }
0x47: {  	_ =	shalt  }
0x48: {  	_ =	shalt  }
0x49: {  	_ =	shalt  }
0x4a: {  	_ =	shalt  }
0x4b: {  	_ =	shalt  }
0x4c: {  	_ =	shalt  }
0x4d: {  	_ =	shalt  }
0x4e: {  	_ =	shalt  }
0x4f: {  	_ =	shalt  }
0x50: {  	_ =	shalt  }
0x51: {  	_ =	shalt  }
0x52: {  	_ =	shalt  }
0x53: {  	_ =	shalt  }
0x54: {  	_ =	shalt  }
0x55: {  	_ =	shalt  }
0x56: {  	_ =	shalt  }
0x57: {  	_ =	shalt  }
0x58: {  	_ =	shalt  }
0x59: {  	_ =	shalt  }
0x5a: {  	_ =	shalt  }
0x5b: {  	_ =	shalt  }
0x5c: {  	_ =	shalt  }
0x5d: {  	_ =	shalt  }
0x5e: {  	_ =	shalt  }
0x5f: {  	_ =	shalt  }
0x60: {  	_ =	shalt  }
0x61: {  	_ =	shalt  }
0x62: {  	_ =	shalt  }
0x63: {  	_ =	shalt  }
0x64: {  	_ =	shalt  }
0x65: {  	_ =	shalt  }
0x66: {  	_ =	shalt  }
0x67: {  	_ =	shalt  }
0x68: {  	_ =	shalt  }
0x69: {  	_ =	shalt  }
0x6a: {  	_ =	shalt  }
0x6b: {  	_ =	shalt  }
0x6c: {  	_ =	shalt  }
0x6d: {  	_ =	shalt  }
0x6e: {  	_ =	shalt  }
0x6f: {  	_ =	shalt  }
0x70: {  	_ =	shalt  }
0x71: {  	_ =	shalt  }
0x72: {  	_ =	shalt  }
0x73: {  	_ =	shalt  }
0x74: {  	_ =	shalt  }
0x75: {  	_ =	shalt  }
0x76: {  	_ =	shalt  }
0x77: {  	_ =	shalt  }
0x78: {  	_ =	shalt  }
0x79: {  	_ =	shalt  }
0x7a: {  	_ =	shalt  }
0x7b: {  	_ =	shalt  }
0x7c: {  	_ =	shalt  }
0x7d: {  	_ =	shalt  }
0x7e: {  	_ =	shalt  }
0x7f: {  	_ =	shalt  }
0x80: {  	_ =	shalt  }
0x81: {  	_ =	shalt  }
0x82: {  	_ =	shalt  }
0x83: {  	_ =	shalt  }
0x84: {  	_ =	shalt  }
0x85: {  	_ =	shalt  }
0x86: {  	_ =	shalt  }
0x87: {  	_ =	shalt  }
.Lfunc_end0:
.L_simem_size_0:
called_computation.5_lowered:
.L_overlay_start_0:
0x88: {  	s2 =	sld [smem:$0x3FD9]  }
0x89: {  	s3 =	sld [smem:$0x3FFE];
	_ =	sdelay $0x1  }
0x8a: {  	s1 =	srdreg.scid  }
0x8b: {  	s0 =	sand.u32 $0x1, s1  }
0x8c: {  	s16 =	sshll.u32 s0, $0xA;
	s2 =	sadd.s32 s3, s2  }
0x8d: {  	s2 =	sadd.s32 s2, s16  }
0x8e: {  	[smem:$0x3FB9] =	sst s2  }
0x8f: {  	_ = 	snop  }
0x90: {  	(tm) =	ssettm $0x1  }
0x91: {  	s17 =	sld [smem:$0x3FFB];
	_ =	sdelay $0x3  }
0x92: {  	_ =	strace s17  }
0x93: {  	s2 =	sld [smem:$0x3FFC];
	_ =	sdelay $0x3  }
0x94: {  	_ =	strace s2  }
0x95: {  	s2 =	sld [smem:$0x3FFD];
	_ =	sdelay $0x3  }
0x96: {  	_ =	strace s2  }
0x97: {  	_ =	strace $0x8FFFFFFF  }
0x98: {  	s18 =	sld [smem:$0x3FDB];
	_ =	sdelay $0x1  }
0x99: {  	s19 =	simm.s32 $_scs_section_size  }
0x9a: {  	s4 =	simm.s32 $_size__tile_overlayer_lowered;
	s5 =	simm.s32 $_tile_overlayer_lowered  }
0x9b: {  	s22 =	simm.s32 $0x1BFF;
	s21 =	sshll.u32 s5, $0x1;
	s2 =	sadd.s32 s19, s18  }
0x9c: {  	s6 =	simm.s32 $0x0;
	s20 =	sshll.u32 s4, $0x1;
	s4 =	sadd.s32 s21, s2  }
0x9d: {  	[timem:s6], [sflag:s22] =	dma.local [hbm:s4], s20  }
0x9e: {  	_ =	swait.ge [sflag:s22], s20  }
0x9f: {  	s3 =	ssub.s32 $0x0, s20;
	[sflag:s22] =	ssyncset.done $0x0  }
0xa0: {  	[sflag:s22] =	ssyncadd.s32 s3;
	_ =	sdelay $0x1  }
0xa1: {  	s23 =	simm.s32 $0x1B8B  }
0xa2: {  	_ =	swait.ge [sflag:s23], $0x1  }
0xa3: {  	[sflag:s23] =	ssyncset.done $0x0  }
0xa4: {  	s25 =	simm.s32 $0x1B8E;
	s24 =	sld [smem:$0x3FFE];
	[sflag:s23] =	ssyncadd.s32 $0xFFFFFFFF  }
0xa5: {  	s26 =	simm.s32 $execute0_lowered;
	[smem:$0x3FD2] =	sst s25  }
0xa6: {  	s4 =	sshll.u32 s26, $0x1;
	_ =	strace $0x80000055;
	[dreg:$0x1] =	wrdreg $0xFFFFFFFF  }
0xa7: {  	s28 =	simm.s32 $_size_execute0_lowered;
	s2 =	sadd.s32 s2, s4;
	[dreg:$0x0] =	wrdreg $0x0  }
0xa8: {  	s4 =	sshll.u32 s28, $0x1;
	[dreg:$0x2] =	wrdreg s2  }
0xa9: {  	[dreg:$0x3] =	wrdreg s4  }
0xaa: {  	[dreg:$0x4] =	wrdreg $0xC0  }
0xab: {  	_ =	task [dreg:s6], $0x5FFFF  }
0xac: {  	[dreg:$0x1] =	wrdreg $0xFFFFFFFF  }
0xad: {  	[dreg:$0x0] =	wrdreg $0x60  }
0xae: {  	[dreg:$0x2] =	wrdreg s24  }
0xaf: {  	[dreg:$0x3] =	wrdreg $0x9  }
0xb0: {  	_ =	task.clear_ibuf [dreg:s6], $0x4FFFF;
	_ =	strace $0x90000055  }
0xb1: {  	s29 =	simm.s32 $0x9;
	_ =	strace $0x80000057  }
0xb2: {  	_ =	swait.ge [sflag:s29], $0x1  }
0xb3: {  	[sflag:s29] =	ssyncadd.s32 $0xFFFFFFFF  }
0xb4: {  	_ =	strace $0x90000057  }
0xb5: {  	_ =	sfence  }
0xb6: {  	s30 =	sld [smem:$0x0];
	_ =	sdelay $0x2  }
0xb7: {  	s31 =	sshll.u32 s1, $0xD;
	s1 =	sshrl.u32 s1, $0x2  }
0xb8: {  	s3 =	sand.u32 $0x4000, s31;
	s1 =	sadd.s32 s1, s30  }
0xb9: {  	s0 =	sor.u32 s3, s0;
	s1 =	sshll.u32 s1, $0x11  }
0xba: {  	s0 =	sor.u32 s1, s0  }
0xbb: {  	s0 =	sadd.s32 $0x8F2B, s0  }
0xbc: {  	[sflag:s0] =	ssyncadd.remote.s32 $0x1  }
0xbd: {  	_ =	sfence.sel $0xFFFF  }
0xbe: {  	[dreg:$0x0] =	wrdreg $0xFFFFFFFF;
	(pc) =	sbr.abs _section_cstart, $3  }
0xbf: {  	[dreg:$0x1] =	wrdreg $0xFFFFFFFF  }
0xc0: {  	_ =	task.clear_ibuf [dreg:s6], $0x2FFFF;
	_ =	strace $0x9FFFFFFF  }
0xc1: {  	(tm) =	ssettm $0x7FFFFFFF  }
tec
execute0_lowered:
.L_overlay_start_1:
0x0: {  	(tag) =	ssettag $0x1  }
0x1: {  	s2 =	rddreg [dreg:$0x0]  }
0x2: {  	s0 =	rddreg [dreg:$0x1]  }
0x3: {  	s1 =	srdreg.scid;
	_ =	strace $0x80000056;
	s4 =	simm.s32 $0x1  }
0x4: {  	s9 =	simm.s32 $0x3;
	s11 =	simm.s32 $0x0;
	s5 =	sshll.u32 s1, $0x4  }
.Ltmp0:
0x5: {  	s1 =	stileid.u32;
	s5 =	sand.u32 $0x10, s5;
	(pc) =	sbr.rel .LBB2_1-.Ltmp0, $4  }
0x6: {  	p0 =	por $0x0, $0x0;
	s3 =	sadd.s32 $0x404200, s2;
	s6 =	sor.u32 s1, s5  }
0x7: {  	[sflag:s4] =	ssyncpa.u1 $0x0;
	s5 =	simm.s32 $0x2;
	s6 =	sshll.u32 s6, $0xB  }
0x8: {  	s7 =	sadd.s32 $0x104200, s2;
	[sflag:s5] =	ssyncpa.u1 $0x0;
	s8 =	sadd.s32 $0x800, s6  }
0x9: {  	vm0 =	vmmov $0xff;
	vm1 =	vcmask $0x3F20;
	[sflag:s9] =	ssyncpa.u1 $0x0;
	s10 =	smov.u32 s6;
	s9 =	simm.s32 $0x0  }
.LBB2_7:
0xa: {  	p1 =	slt.u32 s9, $0x2;
	s11 =	sadd.s32 $0x100, s10  }
0xb: {  	s13 =	smov.u32 s6;
	s9 =	sadd.s32 $0x1, s9;
	p2 =	slt.s32 s11, s8  }
0xc: {  	s13 =	smov.u32 @p2 s11;
	p2 =	sne.s32 s9, $0xA  }
.Ltmp1:
0xd: {  	_ = 	snop;
	(pc) =	sbr.rel @!p2 .LBB2_8-.Ltmp1, $4  }
0xe: {  	s12 =	simm.s32 @!p1 $0x3  }
0xf: {  	_ =	swait.ge @!p1 [sflag:s12], $0x8000  }
0x10: {  	p0 =	por !p0, !p0;
	[sflag:s12] =	ssyncset.done @!p1 $0x0  }
0x11: {  	s11 =	smov.u32 s10;
	s10 =	smov.u32 s13;
	[sflag:s12] =	ssyncadd.s32 @!p1 $0xFFFF8000  }
.LBB2_1:
0x12: {  	p1 =	sgt.u32 s9, $0x7  }
0x13: {  	s12 =	sxor.u32 @!p1 $0xFFFFFFFF, s9  }
0x14: {  	s13 =	sshrl.u32 @!p1 s10, $0x3;
	s12 =	sshll.u32 @!p1 s12, $0x8  }
0x15: {  	s14 =	sand.u32 @!p1 $0x7, s10;
	s13 =	sadd.s32 @!p1 s2, s13;
	s12 =	sand.u32 @!p1 $0x100, s12  }
0x16: {  	[tilespmem:s12], [sflag:$0x2] =	stream.linear.gather @!p1 [hbm4b:s13+s14], $0x100, $0x38;
	[tilespmem:$0x10200] =	vst v63  }
0x17: {  	p1 =	seq.s32 s9, $0x0  }
0x18: {  	p2 =	seq.s32 @!p1 s9, $0x9  }
0x19: {  	p1 =	por p1, p2  }
.Ltmp2:
0x1a: {  	_ = 	snop;
	(pc) =	sbr.rel @p1 .LBB2_7-.Ltmp2, $1  }
0x1b: {  	_ =	sdelay $0x3  }
0x1c: {  	s12 =	simm.s32 $0x1  }
0x1d: {  	_ =	swait.ge [sflag:s5], $0x100;
	s12 =	simm.s32 @!p0 $0x0  }
0x1e: {  	[sflag:s5] =	ssyncset.done $0x0;
	s14 =	sshll.u32 s12, $0x8  }
0x1f: {  	[sflag:s5] =	ssyncadd.s32 $0xFFFFFF00;
	s13 =	sadd.s32 $0x0, s14  }
0x20: {  	v0 =	vld.msk [tilespmem:s13+$0x0 ss:$0x1], $0xffff;
	_ =	sdelay $0x4  }
0x21: {  	v1 =	vshll.u32 v0, $0x2  }
0x22: {  	vm2 =	veq.s32 v0, $0x80000000;
	v0 =	vshll.u32 v0, $0x12;
	v1 =	vand.u32 $0x3FF80, v1  }
0x23: {  	v0 =	vand.u32 $0x7C0000, v0;
	v1 =	vsel vm2, $0xFFFFFF80, v1  }
0x24: {  	v0 =	vsel vm2, $0xFFFC0000, v0;
	v2 =	vand.u32 $0xFFFFFC00, v1  }
0x25: {  	v1 =	vand.u32 $0x380, v1;
	v0 =	vadd.s32 v0, v2  }
0x26: {  	v0 =	vor.u32 v1, v0  }
0x27: {  	v0 =	vshrl.u32 v0, $0x3;
	_ =	sdelay $0x2  }
0x28: {  	s12 =	sshll.u32 s12, $0xF  }
0x29: {  	s12 =	sor.u32 $0x200, s12  }
0x2a: {  	[tilespmem:s12], [sflag:$0x1] =	stream.indirect_vreg.gather [hbm:s3], $0x80, v0, vm0, $0x38;
	[tilespmem:$0x10200] =	vst v63  }
0x2b: {  	s15 =	sadd.s32 $0x10, s14;
	s13 =	sadd.s32 $0x400, s12  }
0x2c: {  	[tilespmem:s13], [sflag:$0x1] =	stream.indirect_vreg.gather [hbm:s3], $0x80, v0, vm1, $0x38;
	[tilespmem:$0x10200] =	vst v63  }
0x2d: {  	s16 =	simm.s32 $0x80;
	v0 =	vld.msk [tilespmem:s15+$0x0 ss:$0x1], $0xffff;
	s15 =	smov.u32 s12  }
.LBB2_3:
0x2e: {  	p1 =	sne.s32 s16, $0x3C0;
	_ =	sdelay $0x4  }
0x2f: {  	v1 =	vshll.u32 v0, $0x2  }
0x30: {  	vm2 =	veq.s32 v0, $0x80000000;
	v0 =	vshll.u32 v0, $0x12;
	v1 =	vand.u32 $0x3FF80, v1  }
0x31: {  	v0 =	vand.u32 $0x7C0000, v0;
	v1 =	vsel vm2, $0xFFFFFF80, v1  }
0x32: {  	v0 =	vsel vm2, $0xFFFC0000, v0;
	v2 =	vand.u32 $0xFFFFFC00, v1  }
0x33: {  	v1 =	vand.u32 $0x380, v1;
	v0 =	vadd.s32 v0, v2  }
0x34: {  	v0 =	vor.u32 v1, v0  }
0x35: {  	v0 =	vshrl.u32 v0, $0x3;
	_ =	sdelay $0x3  }
.Ltmp3:
0x36: {  	s17 =	sshra.s32 s16, $0x2;
	s15 =	sadd.s32 $0x800, s15;
	(pc) =	sbr.rel @p1 .LBB2_3-.Ltmp3, $4  }
0x37: {  	[tilespmem:s15], [sflag:$0x1] =	stream.indirect_vreg.gather [hbm:s3], $0x80, v0, vm0, $0x38;
	[tilespmem:$0x10200] =	vst v63  }
0x38: {  	s17 =	sadd.s32 s17, s14;
	s18 =	sadd.s32 $0x400, s15  }
0x39: {  	[tilespmem:s18], [sflag:$0x1] =	stream.indirect_vreg.gather [hbm:s3], $0x80, v0, vm1, $0x38;
	[tilespmem:$0x10200] =	vst v63  }
0x3a: {  	s16 =	sadd.s32 $0x40, s16;
	v0 =	vld.msk [tilespmem:s17+$0x0 ss:$0x1], $0xffff  }
0x3b: {  	_ =	sdelay $0x3  }
0x3c: {  	v1 =	vshll.u32 v0, $0x2  }
0x3d: {  	vm2 =	veq.s32 v0, $0x80000000;
	v63 =	vshll.u32 v0, $0x12;
	v1 =	vand.u32 $0x3FF80, v1  }
0x3e: {  	v0 =	vand.u32 $0x7C0000, v63;
	v1 =	vsel vm2, $0xFFFFFF80, v1  }
0x3f: {  	v0 =	vsel vm2, $0xFFFC0000, v0;
	v2 =	vand.u32 $0xFFFFFC00, v1  }
0x40: {  	v1 =	vand.u32 $0x380, v1;
	v0 =	vadd.s32 v0, v2  }
0x41: {  	v0 =	vor.u32 v1, v0  }
0x42: {  	v0 =	vshrl.u32 v0, $0x3;
	_ =	sdelay $0x3  }
0x43: {  	s14 =	sadd.s32 $0x800, s15  }
0x44: {  	[tilespmem:s14], [sflag:$0x1] =	stream.indirect_vreg.gather [hbm:s3], $0x80, v0, vm0, $0x38;
	[tilespmem:$0x10200] =	vst v63  }
0x45: {  	s14 =	sadd.s32 $0x400, s14  }
0x46: {  	[tilespmem:s14], [sflag:$0x1] =	stream.indirect_vreg.gather [hbm:s3], $0x80, v0, vm1, $0x38;
	[tilespmem:$0x10200] =	vst v63  }
0x47: {  	s11 =	sshll.u32 s11, $0x4;
	_ =	swait.ge [sflag:s4], $0x8000  }
0x48: {  	s11 =	sadd.s32 s11, s7;
	[sflag:s4] =	ssyncset.done $0x0  }
0x49: {  	s15 =	sadd.s32 $0x0, s11;
	s14 =	simm.s32 $0x80;
	[sflag:s4] =	ssyncadd.s32 $0xFFFF8000  }
.LBB2_5:
0x4a: {  	[hbm:s15] =	stream.linear.scatter [tilespmem:s12], [sflag:$0x3], $0x400, $0x38;
	[tilespmem:$0x10200] =	vst v63  }
0x4b: {  	s15 =	smov.u32 s14;
	s12 =	smov.u32 s13;
	p1 =	sne.s32 s14, $0xF80  }
.Ltmp4:
0x4c: {  	s14 =	sadd.s32 $0x80, s14;
	(pc) =	sbr.rel @p1 .LBB2_5-.Ltmp4, $2  }
0x4d: {  	_ =	sdelay $0x2  }
0x4e: {  	s13 =	sadd.s32 $0x400, s13;
	s15 =	sadd.s32 s15, s11  }
.Ltmp5:
0x4f: {  	(pc) =	sbr.rel .LBB2_7-.Ltmp5, $2  }
0x50: {  	_ =	sdelay $0x2  }
0x51: {  	[hbm:s15] =	stream.linear.scatter [tilespmem:s12], [sflag:$0x3], $0x400, $0x38;
	[tilespmem:$0x10200] =	vst v63  }
.LBB2_8:
0x52: {  	_ =	sfence.sel $0x180000  }
0x53: {  	s2 =	simm.s32 $0x2;
	[bflag:$0x0] =	sbarrier.arrive $0xFFFF  }
0x54: {  	s30 =	simm.s32 $0x3;
	[sflag:s2] =	ssyncpa.u1 $0x1  }
0x55: {  	s31 =	simm.s32 $0x1;
	[sflag:s30] =	ssyncpa.u1 $0x1  }
0x56: {  	[sflag:s31] =	ssyncpa.u1 $0x1  }
0x57: {  	p0 =	sne.s32 s1, $0x0;
	_ =	strace $0x90000056  }
0x58: {  	s0 =	sadd.s32 @!p0 $0x100000, s0;
	[bflag:$0x2] =	sbarrier.arrive $0xFFFF  }
0x59: {  	[sflag:s0] =	ssyncadd.tile.s32 @!p0 $0x1;
	_ =	shalt  }
.Lfunc_end2:
_tile_overlayer_lowered:
.L_overlay_start_2:
0x5a: {  	(tag) =	ssettag $0x2  }
0x5b: {  	s0 =	rddreg [dreg:$0x0];
	s2 =	stileid.u32  }
0x5c: {  	s1 =	rddreg [dreg:$0x1];
	p0 =	sne.s32 s2, $0x0  }
0x5d: {  	s3 =	rddreg [dreg:$0x2];
	[bflag:$0x3] =	sbarrier.arrive $0xFFFF;
	s2 =	simm.s32 @!p0 $0x1C01  }
0x5e: {  	[timem:s3], [sflag:s2] =	dma.local @!p0 [hbm:s0], s1  }
0x5f: {  	s0 =	simm.s32 @!p0 $0x1  }
0x60: {  	_ =	swait.ge @!p0 [sflag:s0], s1  }
0x61: {  	s1 =	ssub.s32 @!p0 $0x0, s1;
	[sflag:s0] =	ssyncset.done @!p0 $0x0  }
0x62: {  	[sflag:s0] =	ssyncadd.s32 @!p0 s1  }
0x63: {  	[bflag:$0x3] =	sbarrier.arrive $0xFFFF  }
0x64: {  	_ =	shalt  }

// kernel: gather_offload_async_start.6
scs
__scs_entry_jumppad:
0x0: {  	(pc) =	sbr.rel $0x88, $3  }
0x1: {  	(tag) =	ssettag $0x0;
	lr =	simm.s32 $0x1  }
0x2: {  	[smem:$0x3F92] =	sst lr;
	_ =	strace $0xD0000000  }
0x3: {  	_ = 	snop  }
0x4: {  	_ = 	snop  }
0x5: {  	_ = 	snop  }
0x6: {  	_ = 	snop  }
0x7: {  	_ = 	snop  }
__scs_overlays_trampoline_lowered:
0x8: {  	[smem:$0x3FA1] =	sst s0  }
0x9: {  	[smem:$0x3FA2] =	sst s1  }
0xa: {  	[smem:$0x3FA3] =	sst s2  }
0xb: {  	[smem:$0x3FA4] =	sst s3  }
0xc: {  	[smem:$0x3FA5] =	sst s4  }
0xd: {  	[smem:$0x3FA6] =	sst s5  }
0xe: {  	[smem:$0x3FA7] =	sst s6  }
0xf: {  	[smem:$0x3FA8] =	sst s7  }
0x10: {  	[smem:$0x3FA9] =	sst s8  }
0x11: {  	[smem:$0x3FAA] =	sst s9;
	s0 =	simm.s32 @!p0 $0x0  }
0x12: {  	s1 =	sld [smem:$0x3F90];
	s0 =	simm.s32 @p0 $0x1  }
0x13: {  	[smem:$0x3FAB] =	sst s0;
	s0 =	simm.s32 @!p1 $0x0  }
0x14: {  	s2 =	sld [smem:$0x3F8F];
	s0 =	simm.s32 @p1 $0x1  }
0x15: {  	[smem:$0x3FAC] =	sst s0;
	s0 =	simm.s32 @!p2 $0x0  }
0x16: {  	s3 =	sld [smem:$0x3FDB];
	s0 =	simm.s32 @p2 $0x1  }
0x17: {  	s4 =	simm.s32 $0x1BF5;
	[smem:$0x3FAE] =	sst s0  }
0x18: {  	s0 =	sld [smem:$0x3F91];
	_ =	swait.ge [sflag:s4], $0x0  }
0x19: {  	s7 =	sld [smem:$0x3F92]  }
0x1a: {  	s8 =	sadd.s32 $0xFFFFE003, lr  }
0x1b: {  	s9 =	sadd.s32 $0xFFFFFEF7, lr;
	s5 =	simm.s32 $0xFFFFFFFF;
	p2 =	slt.u32 s8, $0xFFFFF086  }
0x1c: {  	p1 =	slt.u32 s9, $0xF7A;
	s5 =	simm.s32 @!p2 $0x0  }
0x1d: {  	s5 =	simm.s32 @p1 $0x1;
	p0 =	seq.s32 s7, s2  }
0x1e: {  	s7 =	smul.u32 @!p0 $0xF7A, s2;
	p2 =	seq.s32 @!p0 s5, $0x0  }
0x1f: {  	s9 =	smul.u32 $0xF7A, s1;
	s8 =	simm.s32 @!p0 $0x1BF5;
	p2 =	por !p2, p0  }
0x20: {  	[sflag:s8] =	ssyncset.s32 @!p0 $0xFFFFF086;
	s6 =	sadd.s32 @!p0 s3, s7;
	s7 =	simm.s32 @!p0 $0x108  }
0x21: {  	s3 =	sadd.s32 s3, s9;
	s6 =	sadd.s32 @!p0 $0x88, s6;
	s7 =	simm.s32 @p2 $0x1082  }
0x22: {  	[simem:s7], [sflag:s8] =	dma.local @!p0 [hbm:s6], $0xF7A  }
0x23: {  	s9 =	sor.u32 $0xD0000000, s2;
	s6 =	simm.s32 $0x108;
	_ =	swait.ge @!p0 [sflag:s8], $0x0  }
0x24: {  	s3 =	sadd.s32 $0x88, s3;
	s6 =	simm.s32 @!p1 $0x1082;
	[sflag:s4] =	ssyncset.s32 $0xFFFFF086  }
0x25: {  	[simem:s6], [sflag:s4] =	dma.local [hbm:s3], $0xF7A  }
0x26: {  	[smem:$0x3F92] =	sst s1;
	(tag) =	ssettag s2;
	_ =	strace s9  }
0x27: {  	s1 =	sld [smem:$0x3FA2]  }
0x28: {  	s2 =	sld [smem:$0x3FA3]  }
0x29: {  	s4 =	sld [smem:$0x3FA5]  }
0x2a: {  	p0 =	seq.s32 s5, $0x0;
	s5 =	sld [smem:$0x3FA6]  }
0x2b: {  	s6 =	sld [smem:$0x3FA7]  }
0x2c: {  	s7 =	sld [smem:$0x3FA8]  }
0x2d: {  	s3 =	simm.s32 $0x108;
	s8 =	sld [smem:$0x3FA9]  }
0x2e: {  	s3 =	simm.s32 @!p0 $0x1082;
	s9 =	sld [smem:$0x3FAA]  }
0x2f: {  	lr =	sadd.s32 s0, s3;
	s0 =	sld [smem:$0x3FA1]  }
0x30: {  	s3 =	sld [smem:$0x3FA4]  }
0x31: {  	[smem:$0x3FAD] =	sst s10  }
0x32: {  	s10 =	sld [smem:$0x3FAB];
	_ =	sdelay $0x3  }
0x33: {  	p0 =	seq.s32 s10, $0x1;
	s10 =	sld [smem:$0x3FAD];
	_ =	sdelay $0x3  }
0x34: {  	[smem:$0x3FAD] =	sst s10  }
0x35: {  	s10 =	sld [smem:$0x3FAC];
	_ =	sdelay $0x3  }
0x36: {  	p1 =	seq.s32 s10, $0x1;
	s10 =	sld [smem:$0x3FAD];
	_ =	sdelay $0x3  }
0x37: {  	[smem:$0x3FAD] =	sst s10  }
0x38: {  	s10 =	sld [smem:$0x3FAE]  }
0x39: {  	_ = 	snop;
	(pc) =	sbr.ind lr, $3  }
0x3a: {  	_ = 	snop  }
0x3b: {  	_ = 	snop  }
0x3c: {  	p2 =	seq.s32 s10, $0x1;
	s10 =	sld [smem:$0x3FAD]  }
0x3d: {  	_ =	shalt  }
0x3e: {  	_ =	shalt  }
0x3f: {  	_ =	shalt  }
0x40: {  	_ =	shalt  }
0x41: {  	_ =	shalt  }
0x42: {  	_ =	shalt  }
0x43: {  	_ =	shalt  }
0x44: {  	_ =	shalt  }
0x45: {  	_ =	shalt  }
0x46: {  	_ =	shalt  }
0x47: {  	_ =	shalt  }
0x48: {  	_ =	shalt  }
0x49: {  	_ =	shalt  }
0x4a: {  	_ =	shalt  }
0x4b: {  	_ =	shalt  }
0x4c: {  	_ =	shalt  }
0x4d: {  	_ =	shalt  }
0x4e: {  	_ =	shalt  }
0x4f: {  	_ =	shalt  }
0x50: {  	_ =	shalt  }
0x51: {  	_ =	shalt  }
0x52: {  	_ =	shalt  }
0x53: {  	_ =	shalt  }
0x54: {  	_ =	shalt  }
0x55: {  	_ =	shalt  }
0x56: {  	_ =	shalt  }
0x57: {  	_ =	shalt  }
0x58: {  	_ =	shalt  }
0x59: {  	_ =	shalt  }
0x5a: {  	_ =	shalt  }
0x5b: {  	_ =	shalt  }
0x5c: {  	_ =	shalt  }
0x5d: {  	_ =	shalt  }
0x5e: {  	_ =	shalt  }
0x5f: {  	_ =	shalt  }
0x60: {  	_ =	shalt  }
0x61: {  	_ =	shalt  }
0x62: {  	_ =	shalt  }
0x63: {  	_ =	shalt  }
0x64: {  	_ =	shalt  }
0x65: {  	_ =	shalt  }
0x66: {  	_ =	shalt  }
0x67: {  	_ =	shalt  }
0x68: {  	_ =	shalt  }
0x69: {  	_ =	shalt  }
0x6a: {  	_ =	shalt  }
0x6b: {  	_ =	shalt  }
0x6c: {  	_ =	shalt  }
0x6d: {  	_ =	shalt  }
0x6e: {  	_ =	shalt  }
0x6f: {  	_ =	shalt  }
0x70: {  	_ =	shalt  }
0x71: {  	_ =	shalt  }
0x72: {  	_ =	shalt  }
0x73: {  	_ =	shalt  }
0x74: {  	_ =	shalt  }
0x75: {  	_ =	shalt  }
0x76: {  	_ =	shalt  }
0x77: {  	_ =	shalt  }
0x78: {  	_ =	shalt  }
0x79: {  	_ =	shalt  }
0x7a: {  	_ =	shalt  }
0x7b: {  	_ =	shalt  }
0x7c: {  	_ =	shalt  }
0x7d: {  	_ =	shalt  }
0x7e: {  	_ =	shalt  }
0x7f: {  	_ =	shalt  }
0x80: {  	_ =	shalt  }
0x81: {  	_ =	shalt  }
0x82: {  	_ =	shalt  }
0x83: {  	_ =	shalt  }
0x84: {  	_ =	shalt  }
0x85: {  	_ =	shalt  }
0x86: {  	_ =	shalt  }
0x87: {  	_ =	shalt  }
.Lfunc_end0:
.L_simem_size_0:
called_computation.6_lowered:
.L_overlay_start_0:
0x88: {  	s2 =	sld [smem:$0x3FD9]  }
0x89: {  	s3 =	sld [smem:$0x3FFE];
	_ =	sdelay $0x1  }
0x8a: {  	s1 =	srdreg.scid  }
0x8b: {  	s0 =	sand.u32 $0x1, s1  }
0x8c: {  	s16 =	sshll.u32 s0, $0xA;
	s2 =	sadd.s32 s3, s2  }
0x8d: {  	s2 =	sadd.s32 s2, s16  }
0x8e: {  	[smem:$0x3FB9] =	sst s2  }
0x8f: {  	_ = 	snop  }
0x90: {  	(tm) =	ssettm $0x1  }
0x91: {  	s17 =	sld [smem:$0x3FFB];
	_ =	sdelay $0x3  }
0x92: {  	_ =	strace s17  }
0x93: {  	s2 =	sld [smem:$0x3FFC];
	_ =	sdelay $0x3  }
0x94: {  	_ =	strace s2  }
0x95: {  	s2 =	sld [smem:$0x3FFD];
	_ =	sdelay $0x3  }
0x96: {  	_ =	strace s2  }
0x97: {  	_ =	strace $0x8FFFFFFF  }
0x98: {  	s18 =	sld [smem:$0x3FDB];
	_ =	sdelay $0x1  }
0x99: {  	s19 =	simm.s32 $_scs_section_size  }
0x9a: {  	s4 =	simm.s32 $_size__tile_overlayer_lowered;
	s5 =	simm.s32 $_tile_overlayer_lowered  }
0x9b: {  	s22 =	simm.s32 $0x1BFF;
	s21 =	sshll.u32 s5, $0x1;
	s2 =	sadd.s32 s19, s18  }
0x9c: {  	s6 =	simm.s32 $0x0;
	s20 =	sshll.u32 s4, $0x1;
	s4 =	sadd.s32 s21, s2  }
0x9d: {  	[timem:s6], [sflag:s22] =	dma.local [hbm:s4], s20  }
0x9e: {  	_ =	swait.ge [sflag:s22], s20  }
0x9f: {  	s3 =	ssub.s32 $0x0, s20;
	[sflag:s22] =	ssyncset.done $0x0  }
0xa0: {  	[sflag:s22] =	ssyncadd.s32 s3;
	_ =	sdelay $0x1  }
0xa1: {  	s23 =	simm.s32 $0x1B8B  }
0xa2: {  	_ =	swait.ge [sflag:s23], $0x1  }
0xa3: {  	[sflag:s23] =	ssyncset.done $0x0  }
0xa4: {  	s25 =	simm.s32 $0x1B8E;
	s24 =	sld [smem:$0x3FFE];
	[sflag:s23] =	ssyncadd.s32 $0xFFFFFFFF  }
0xa5: {  	s26 =	simm.s32 $execute0_lowered;
	[smem:$0x3FD2] =	sst s25  }
0xa6: {  	s4 =	sshll.u32 s26, $0x1;
	_ =	strace $0x80000058;
	[dreg:$0x1] =	wrdreg $0xFFFFFFFF  }
0xa7: {  	s28 =	simm.s32 $_size_execute0_lowered;
	s2 =	sadd.s32 s2, s4;
	[dreg:$0x0] =	wrdreg $0x0  }
0xa8: {  	s4 =	sshll.u32 s28, $0x1;
	[dreg:$0x2] =	wrdreg s2  }
0xa9: {  	[dreg:$0x3] =	wrdreg s4  }
0xaa: {  	[dreg:$0x4] =	wrdreg $0xC0  }
0xab: {  	_ =	task [dreg:s6], $0x5FFFF  }
0xac: {  	[dreg:$0x1] =	wrdreg $0xFFFFFFFF  }
0xad: {  	[dreg:$0x0] =	wrdreg $0x60  }
0xae: {  	[dreg:$0x2] =	wrdreg s24  }
0xaf: {  	[dreg:$0x3] =	wrdreg $0x9  }
0xb0: {  	_ =	task.clear_ibuf [dreg:s6], $0x4FFFF;
	_ =	strace $0x90000058  }
0xb1: {  	s29 =	simm.s32 $0x9;
	_ =	strace $0x8000005A  }
0xb2: {  	_ =	swait.ge [sflag:s29], $0x1  }
0xb3: {  	[sflag:s29] =	ssyncadd.s32 $0xFFFFFFFF  }
0xb4: {  	_ =	strace $0x9000005A  }
0xb5: {  	_ =	sfence  }
0xb6: {  	s30 =	sld [smem:$0x0];
	_ =	sdelay $0x2  }
0xb7: {  	s31 =	sshll.u32 s1, $0xD;
	s1 =	sshrl.u32 s1, $0x2  }
0xb8: {  	s3 =	sand.u32 $0x4000, s31;
	s1 =	sadd.s32 s1, s30  }
0xb9: {  	s0 =	sor.u32 s3, s0;
	s1 =	sshll.u32 s1, $0x11  }
0xba: {  	s0 =	sor.u32 s1, s0  }
0xbb: {  	s0 =	sadd.s32 $0x8F2B, s0  }
0xbc: {  	[sflag:s0] =	ssyncadd.remote.s32 $0x1  }
0xbd: {  	_ =	sfence.sel $0xFFFF  }
0xbe: {  	[dreg:$0x0] =	wrdreg $0xFFFFFFFF;
	(pc) =	sbr.abs _section_cstart, $3  }
0xbf: {  	[dreg:$0x1] =	wrdreg $0xFFFFFFFF  }
0xc0: {  	_ =	task.clear_ibuf [dreg:s6], $0x2FFFF;
	_ =	strace $0x9FFFFFFF  }
0xc1: {  	(tm) =	ssettm $0x7FFFFFFF  }
tec
execute0_lowered:
.L_overlay_start_1:
0x0: {  	(tag) =	ssettag $0x1  }
0x1: {  	s7 =	rddreg [dreg:$0x0]  }
0x2: {  	s0 =	rddreg [dreg:$0x1];
	_ =	strace $0x80000059  }
0x3: {  	s1 =	srdreg.scid;
	s4 =	simm.s32 $0x1;
	s9 =	simm.s32 $0x3  }
0x4: {  	s11 =	simm.s32 $0x0;
	p0 =	por $0x0, $0x0;
	s5 =	sshll.u32 s1, $0x4  }
.Ltmp0:
0x5: {  	s1 =	stileid.u32;
	s5 =	sand.u32 $0x10, s5;
	(pc) =	sbr.rel .LBB2_1-.Ltmp0, $4  }
0x6: {  	s2 =	sadd.s32 $0x104200, s7;
	s3 =	sadd.s32 $0xB6000, s7;
	s6 =	sor.u32 s1, s5  }
0x7: {  	[sflag:s4] =	ssyncpa.u1 $0x0;
	s5 =	simm.s32 $0x2;
	s6 =	sshll.u32 s6, $0xB  }
0x8: {  	s7 =	sadd.s32 $0x404200, s7;
	[sflag:s5] =	ssyncpa.u1 $0x0;
	s8 =	sadd.s32 $0x800, s6  }
0x9: {  	vm0 =	vmmov $0xff;
	vm1 =	vcmask $0x3F20;
	[sflag:s9] =	ssyncpa.u1 $0x0;
	s10 =	smov.u32 s6;
	s9 =	simm.s32 $0x0  }
.LBB2_8:
0xa: {  	[hbm:s15] =	stream.linear.scatter [tilespmem:s12], [sflag:$0x3], $0x800, $0x38;
	[tilespmem:$0x10100] =	vst v63  }
.LBB2_9:
0xb: {  	p1 =	slt.u32 s9, $0x2;
	s11 =	sadd.s32 $0x80, s10  }
0xc: {  	s13 =	smov.u32 s6;
	s9 =	sadd.s32 $0x1, s9;
	p2 =	slt.s32 s11, s8  }
0xd: {  	s13 =	smov.u32 @p2 s11;
	p2 =	sne.s32 s9, $0x12  }
.Ltmp1:
0xe: {  	_ = 	snop;
	(pc) =	sbr.rel @!p2 .LBB2_10-.Ltmp1, $4  }
0xf: {  	s12 =	simm.s32 @!p1 $0x3  }
0x10: {  	_ =	swait.ge @!p1 [sflag:s12], $0x8000  }
0x11: {  	p0 =	por !p0, !p0;
	[sflag:s12] =	ssyncset.done @!p1 $0x0  }
0x12: {  	s11 =	smov.u32 s10;
	s10 =	smov.u32 s13;
	[sflag:s12] =	ssyncadd.s32 @!p1 $0xFFFF8000  }
.LBB2_1:
0x13: {  	p1 =	sgt.u32 s9, $0xF  }
0x14: {  	s12 =	sxor.u32 @!p1 $0xFFFFFFFF, s9  }
0x15: {  	s13 =	sshrl.u32 @!p1 s10, $0x3;
	s12 =	sshll.u32 @!p1 s12, $0x7  }
0x16: {  	s14 =	sand.u32 @!p1 $0x7, s10;
	s13 =	sadd.s32 @!p1 s3, s13;
	s12 =	sand.u32 @!p1 $0x80, s12  }
0x17: {  	[tilespmem:s12], [sflag:$0x2] =	stream.linear.gather @!p1 [hbm4b:s13+s14], $0x80, $0x38;
	[tilespmem:$0x10100] =	vst v63  }
0x18: {  	p1 =	seq.s32 s9, $0x0  }
0x19: {  	p2 =	seq.s32 @!p1 s9, $0x11  }
0x1a: {  	p1 =	por p1, p2  }
.Ltmp2:
0x1b: {  	_ = 	snop;
	(pc) =	sbr.rel @p1 .LBB2_9-.Ltmp2, $1  }
0x1c: {  	_ =	sdelay $0x3  }
0x1d: {  	s12 =	simm.s32 $0x1;
	_ =	swait.ge [sflag:s5], $0x80;
	s13 =	sand.u32 $0x1, s9  }
0x1e: {  	s15 =	simm.s32 $0x0;
	s12 =	simm.s32 @!p0 $0x0;
	[sflag:s5] =	ssyncset.done $0x0  }
0x1f: {  	s14 =	sshll.u32 s13, $0xF;
	s13 =	sshll.u32 s13, $0x7;
	s12 =	sshll.u32 s12, $0xF  }
0x20: {  	[sflag:s5] =	ssyncadd.s32 $0xFFFFFF80;
	s14 =	sor.u32 $0x100, s14;
	s12 =	sor.u32 $0x100, s12  }
.LBB2_3:
0x21: {  	s16 =	sshll.u32 s15, $0x4  }
0x22: {  	s16 =	sand.u32 $0x3FFFFFF0, s16  }
0x23: {  	s16 =	sadd.s32 s16, s13  }
0x24: {  	v0 =	vld.msk [tilespmem:s16+$0x0 ss:$0x1], $0xffff;
	_ =	sdelay $0x4  }
0x25: {  	v1 =	vshrl.u32 v0, $0x5  }
0x26: {  	vm2 =	veq.s32 v0, $0x80000000;
	v1 =	vand.u32 $0x7FF, v1  }
0x27: {  	v0 =	vshll.u32 v0, $0x13;
	v1 =	vsel vm2, $0xFFFFFFFF, v1  }
0x28: {  	v0 =	vand.u32 $0xF80000, v0;
	v2 =	vshll.u32 v1, $0x8  }
0x29: {  	v0 =	vsel vm2, $0xFFF80000, v0;
	v1 =	vshll.u32 v1, $0x7;
	v2 =	vand.u32 $0xFFFFF800, v2  }
0x2a: {  	s31 =	sshll.u32 s15, $0xC;
	v1 =	vand.u32 $0x380, v1;
	v0 =	vadd.s32 v0, v2  }
0x2b: {  	s16 =	sand.u32 $0x3FFFF000, s31;
	v0 =	vor.u32 v1, v0  }
0x2c: {  	p1 =	por $0x1, $0x1;
	s17 =	simm.s32 $0x0;
	s16 =	sadd.s32 s16, s14;
	v0 =	vshrl.u32 v0, $0x3  }
.LBB2_4:
0x2d: {  	_ =	sdelay $0x1  }
0x2e: {  	s17 =	sshra.s32 s17, $0x2;
	p2 =	por p1, p1  }
.Ltmp3:
0x2f: {  	s17 =	sadd.s32 s17, s16;
	(pc) =	sbr.rel @p2 .LBB2_4-.Ltmp3, $4  }
0x30: {  	[tilespmem:s17], [sflag:$0x1] =	stream.indirect_vreg.gather [hbm:s2], $0x80, v0, vm0, $0x38;
	[tilespmem:$0x10100] =	vst v63  }
0x31: {  	s17 =	sadd.s32 $0x800, s17  }
0x32: {  	[tilespmem:s17], [sflag:$0x1] =	stream.indirect_vreg.gather [hbm:s2], $0x80, v0, vm1, $0x38;
	[tilespmem:$0x10100] =	vst v63  }
0x33: {  	p1 =	por $0x0, $0x0;
	v0 =	vadd.s32 $0x80, v0;
	s17 =	simm.s32 $0x1000  }
0x34: {  	s15 =	sadd.s32 $0x1, s15  }
0x35: {  	p1 =	sne.s32 s15, $0x8  }
.Ltmp4:
0x36: {  	_ = 	snop;
	(pc) =	sbr.rel @p1 .LBB2_3-.Ltmp4, $1  }
0x37: {  	_ =	sdelay $0x3  }
0x38: {  	s13 =	sshll.u32 s11, $0x5  }
0x39: {  	s31 =	sshll.u32 s11, $0x4;
	s13 =	sand.u32 $0xFFFFFF00, s13  }
0x3a: {  	_ =	swait.ge [sflag:s4], $0x8000;
	s11 =	sand.u32 $0x70, s31;
	s13 =	sadd.s32 s13, s7  }
0x3b: {  	s14 =	sadd.s32 $0x800, s12;
	[sflag:s4] =	ssyncset.done $0x0;
	s11 =	sadd.s32 s11, s13  }
0x3c: {  	[sflag:s4] =	ssyncadd.s32 $0xFFFF8000;
	s13 =	simm.s32 $0x100;
	s15 =	sadd.s32 $0x0, s11  }
.LBB2_7:
0x3d: {  	[hbm:s15] =	stream.linear.scatter [tilespmem:s12], [sflag:$0x3], $0x800, $0x38;
	[tilespmem:$0x10100] =	vst v63  }
0x3e: {  	s15 =	smov.u32 s13;
	s12 =	smov.u32 s14;
	p1 =	sne.s32 s13, $0xF00  }
.Ltmp5:
0x3f: {  	s13 =	sadd.s32 $0x100, s13;
	(pc) =	sbr.rel @p1 .LBB2_7-.Ltmp5, $2  }
0x40: {  	_ =	sdelay $0x2  }
0x41: {  	s14 =	sadd.s32 $0x800, s14;
	s15 =	sadd.s32 s15, s11  }
.Ltmp6:
0x42: {  	_ = 	snop;
	(pc) =	sbr.rel .LBB2_8-.Ltmp6, $1  }
0x43: {  	_ =	sdelay $0x3  }
.LBB2_10:
0x44: {  	_ =	sfence.sel $0x180000  }
0x45: {  	s2 =	simm.s32 $0x2;
	[bflag:$0x0] =	sbarrier.arrive $0xFFFF  }
0x46: {  	s30 =	simm.s32 $0x3;
	[sflag:s2] =	ssyncpa.u1 $0x1  }
0x47: {  	s31 =	simm.s32 $0x1;
	[sflag:s30] =	ssyncpa.u1 $0x1  }
0x48: {  	[sflag:s31] =	ssyncpa.u1 $0x1  }
0x49: {  	p0 =	sne.s32 s1, $0x0;
	_ =	strace $0x90000059  }
0x4a: {  	s0 =	sadd.s32 @!p0 $0x100000, s0;
	[bflag:$0x2] =	sbarrier.arrive $0xFFFF  }
0x4b: {  	[sflag:s0] =	ssyncadd.tile.s32 @!p0 $0x1;
	_ =	shalt  }
.Lfunc_end2:
_tile_overlayer_lowered:
.L_overlay_start_2:
0x4c: {  	(tag) =	ssettag $0x2  }
0x4d: {  	s0 =	rddreg [dreg:$0x0];
	s2 =	stileid.u32  }
0x4e: {  	s1 =	rddreg [dreg:$0x1];
	p0 =	sne.s32 s2, $0x0  }
0x4f: {  	s3 =	rddreg [dreg:$0x2];
	[bflag:$0x3] =	sbarrier.arrive $0xFFFF;
	s2 =	simm.s32 @!p0 $0x1C01  }
0x50: {  	[timem:s3], [sflag:s2] =	dma.local @!p0 [hbm:s0], s1  }
0x51: {  	s0 =	simm.s32 @!p0 $0x1  }
0x52: {  	_ =	swait.ge @!p0 [sflag:s0], s1  }
0x53: {  	s1 =	ssub.s32 @!p0 $0x0, s1;
	[sflag:s0] =	ssyncset.done @!p0 $0x0  }
0x54: {  	[sflag:s0] =	ssyncadd.s32 @!p0 s1  }
0x55: {  	[bflag:$0x3] =	sbarrier.arrive $0xFFFF  }
0x56: {  	_ =	shalt  }

// kernel: gather_offload_async_start.7
scs
__scs_entry_jumppad:
0x0: {  	(pc) =	sbr.rel $0x88, $3  }
0x1: {  	(tag) =	ssettag $0x0;
	lr =	simm.s32 $0x1  }
0x2: {  	[smem:$0x3F92] =	sst lr;
	_ =	strace $0xD0000000  }
0x3: {  	_ = 	snop  }
0x4: {  	_ = 	snop  }
0x5: {  	_ = 	snop  }
0x6: {  	_ = 	snop  }
0x7: {  	_ = 	snop  }
__scs_overlays_trampoline_lowered:
0x8: {  	[smem:$0x3FA1] =	sst s0  }
0x9: {  	[smem:$0x3FA2] =	sst s1  }
0xa: {  	[smem:$0x3FA3] =	sst s2  }
0xb: {  	[smem:$0x3FA4] =	sst s3  }
0xc: {  	[smem:$0x3FA5] =	sst s4  }
0xd: {  	[smem:$0x3FA6] =	sst s5  }
0xe: {  	[smem:$0x3FA7] =	sst s6  }
0xf: {  	[smem:$0x3FA8] =	sst s7  }
0x10: {  	[smem:$0x3FA9] =	sst s8  }
0x11: {  	[smem:$0x3FAA] =	sst s9;
	s0 =	simm.s32 @!p0 $0x0  }
0x12: {  	s1 =	sld [smem:$0x3F90];
	s0 =	simm.s32 @p0 $0x1  }
0x13: {  	[smem:$0x3FAB] =	sst s0;
	s0 =	simm.s32 @!p1 $0x0  }
0x14: {  	s2 =	sld [smem:$0x3F8F];
	s0 =	simm.s32 @p1 $0x1  }
0x15: {  	[smem:$0x3FAC] =	sst s0;
	s0 =	simm.s32 @!p2 $0x0  }
0x16: {  	s3 =	sld [smem:$0x3FDB];
	s0 =	simm.s32 @p2 $0x1  }
0x17: {  	s4 =	simm.s32 $0x1BF5;
	[smem:$0x3FAE] =	sst s0  }
0x18: {  	s0 =	sld [smem:$0x3F91];
	_ =	swait.ge [sflag:s4], $0x0  }
0x19: {  	s7 =	sld [smem:$0x3F92]  }
0x1a: {  	s8 =	sadd.s32 $0xFFFFE003, lr  }
0x1b: {  	s9 =	sadd.s32 $0xFFFFFEF7, lr;
	s5 =	simm.s32 $0xFFFFFFFF;
	p2 =	slt.u32 s8, $0xFFFFF086  }
0x1c: {  	p1 =	slt.u32 s9, $0xF7A;
	s5 =	simm.s32 @!p2 $0x0  }
0x1d: {  	s5 =	simm.s32 @p1 $0x1;
	p0 =	seq.s32 s7, s2  }
0x1e: {  	s7 =	smul.u32 @!p0 $0xF7A, s2;
	p2 =	seq.s32 @!p0 s5, $0x0  }
0x1f: {  	s9 =	smul.u32 $0xF7A, s1;
	s8 =	simm.s32 @!p0 $0x1BF5;
	p2 =	por !p2, p0  }
0x20: {  	[sflag:s8] =	ssyncset.s32 @!p0 $0xFFFFF086;
	s6 =	sadd.s32 @!p0 s3, s7;
	s7 =	simm.s32 @!p0 $0x108  }
0x21: {  	s3 =	sadd.s32 s3, s9;
	s6 =	sadd.s32 @!p0 $0x88, s6;
	s7 =	simm.s32 @p2 $0x1082  }
0x22: {  	[simem:s7], [sflag:s8] =	dma.local @!p0 [hbm:s6], $0xF7A  }
0x23: {  	s9 =	sor.u32 $0xD0000000, s2;
	s6 =	simm.s32 $0x108;
	_ =	swait.ge @!p0 [sflag:s8], $0x0  }
0x24: {  	s3 =	sadd.s32 $0x88, s3;
	s6 =	simm.s32 @!p1 $0x1082;
	[sflag:s4] =	ssyncset.s32 $0xFFFFF086  }
0x25: {  	[simem:s6], [sflag:s4] =	dma.local [hbm:s3], $0xF7A  }
0x26: {  	[smem:$0x3F92] =	sst s1;
	(tag) =	ssettag s2;
	_ =	strace s9  }
0x27: {  	s1 =	sld [smem:$0x3FA2]  }
0x28: {  	s2 =	sld [smem:$0x3FA3]  }
0x29: {  	s4 =	sld [smem:$0x3FA5]  }
0x2a: {  	p0 =	seq.s32 s5, $0x0;
	s5 =	sld [smem:$0x3FA6]  }
0x2b: {  	s6 =	sld [smem:$0x3FA7]  }
0x2c: {  	s7 =	sld [smem:$0x3FA8]  }
0x2d: {  	s3 =	simm.s32 $0x108;
	s8 =	sld [smem:$0x3FA9]  }
0x2e: {  	s3 =	simm.s32 @!p0 $0x1082;
	s9 =	sld [smem:$0x3FAA]  }
0x2f: {  	lr =	sadd.s32 s0, s3;
	s0 =	sld [smem:$0x3FA1]  }
0x30: {  	s3 =	sld [smem:$0x3FA4]  }
0x31: {  	[smem:$0x3FAD] =	sst s10  }
0x32: {  	s10 =	sld [smem:$0x3FAB];
	_ =	sdelay $0x3  }
0x33: {  	p0 =	seq.s32 s10, $0x1;
	s10 =	sld [smem:$0x3FAD];
	_ =	sdelay $0x3  }
0x34: {  	[smem:$0x3FAD] =	sst s10  }
0x35: {  	s10 =	sld [smem:$0x3FAC];
	_ =	sdelay $0x3  }
0x36: {  	p1 =	seq.s32 s10, $0x1;
	s10 =	sld [smem:$0x3FAD];
	_ =	sdelay $0x3  }
0x37: {  	[smem:$0x3FAD] =	sst s10  }
0x38: {  	s10 =	sld [smem:$0x3FAE]  }
0x39: {  	_ = 	snop;
	(pc) =	sbr.ind lr, $3  }
0x3a: {  	_ = 	snop  }
0x3b: {  	_ = 	snop  }
0x3c: {  	p2 =	seq.s32 s10, $0x1;
	s10 =	sld [smem:$0x3FAD]  }
0x3d: {  	_ =	shalt  }
0x3e: {  	_ =	shalt  }
0x3f: {  	_ =	shalt  }
0x40: {  	_ =	shalt  }
0x41: {  	_ =	shalt  }
0x42: {  	_ =	shalt  }
0x43: {  	_ =	shalt  }
0x44: {  	_ =	shalt  }
0x45: {  	_ =	shalt  }
0x46: {  	_ =	shalt  }
0x47: {  	_ =	shalt  }
0x48: {  	_ =	shalt  }
0x49: {  	_ =	shalt  }
0x4a: {  	_ =	shalt  }
0x4b: {  	_ =	shalt  }
0x4c: {  	_ =	shalt  }
0x4d: {  	_ =	shalt  }
0x4e: {  	_ =	shalt  }
0x4f: {  	_ =	shalt  }
0x50: {  	_ =	shalt  }
0x51: {  	_ =	shalt  }
0x52: {  	_ =	shalt  }
0x53: {  	_ =	shalt  }
0x54: {  	_ =	shalt  }
0x55: {  	_ =	shalt  }
0x56: {  	_ =	shalt  }
0x57: {  	_ =	shalt  }
0x58: {  	_ =	shalt  }
0x59: {  	_ =	shalt  }
0x5a: {  	_ =	shalt  }
0x5b: {  	_ =	shalt  }
0x5c: {  	_ =	shalt  }
0x5d: {  	_ =	shalt  }
0x5e: {  	_ =	shalt  }
0x5f: {  	_ =	shalt  }
0x60: {  	_ =	shalt  }
0x61: {  	_ =	shalt  }
0x62: {  	_ =	shalt  }
0x63: {  	_ =	shalt  }
0x64: {  	_ =	shalt  }
0x65: {  	_ =	shalt  }
0x66: {  	_ =	shalt  }
0x67: {  	_ =	shalt  }
0x68: {  	_ =	shalt  }
0x69: {  	_ =	shalt  }
0x6a: {  	_ =	shalt  }
0x6b: {  	_ =	shalt  }
0x6c: {  	_ =	shalt  }
0x6d: {  	_ =	shalt  }
0x6e: {  	_ =	shalt  }
0x6f: {  	_ =	shalt  }
0x70: {  	_ =	shalt  }
0x71: {  	_ =	shalt  }
0x72: {  	_ =	shalt  }
0x73: {  	_ =	shalt  }
0x74: {  	_ =	shalt  }
0x75: {  	_ =	shalt  }
0x76: {  	_ =	shalt  }
0x77: {  	_ =	shalt  }
0x78: {  	_ =	shalt  }
0x79: {  	_ =	shalt  }
0x7a: {  	_ =	shalt  }
0x7b: {  	_ =	shalt  }
0x7c: {  	_ =	shalt  }
0x7d: {  	_ =	shalt  }
0x7e: {  	_ =	shalt  }
0x7f: {  	_ =	shalt  }
0x80: {  	_ =	shalt  }
0x81: {  	_ =	shalt  }
0x82: {  	_ =	shalt  }
0x83: {  	_ =	shalt  }
0x84: {  	_ =	shalt  }
0x85: {  	_ =	shalt  }
0x86: {  	_ =	shalt  }
0x87: {  	_ =	shalt  }
.Lfunc_end0:
.L_simem_size_0:
called_computation.7_lowered:
.L_overlay_start_0:
0x88: {  	s2 =	sld [smem:$0x3FD9]  }
0x89: {  	s3 =	sld [smem:$0x3FFE];
	_ =	sdelay $0x1  }
0x8a: {  	s1 =	srdreg.scid  }
0x8b: {  	s0 =	sand.u32 $0x1, s1  }
0x8c: {  	s16 =	sshll.u32 s0, $0xA;
	s2 =	sadd.s32 s3, s2  }
0x8d: {  	s2 =	sadd.s32 s2, s16  }
0x8e: {  	[smem:$0x3FB9] =	sst s2  }
0x8f: {  	_ = 	snop  }
0x90: {  	(tm) =	ssettm $0x1  }
0x91: {  	s17 =	sld [smem:$0x3FFB];
	_ =	sdelay $0x3  }
0x92: {  	_ =	strace s17  }
0x93: {  	s2 =	sld [smem:$0x3FFC];
	_ =	sdelay $0x3  }
0x94: {  	_ =	strace s2  }
0x95: {  	s2 =	sld [smem:$0x3FFD];
	_ =	sdelay $0x3  }
0x96: {  	_ =	strace s2  }
0x97: {  	_ =	strace $0x8FFFFFFF  }
0x98: {  	s18 =	sld [smem:$0x3FDB];
	_ =	sdelay $0x1  }
0x99: {  	s19 =	simm.s32 $_scs_section_size  }
0x9a: {  	s4 =	simm.s32 $_size__tile_overlayer_lowered;
	s5 =	simm.s32 $_tile_overlayer_lowered  }
0x9b: {  	s22 =	simm.s32 $0x1BFF;
	s21 =	sshll.u32 s5, $0x1;
	s2 =	sadd.s32 s19, s18  }
0x9c: {  	s6 =	simm.s32 $0x0;
	s20 =	sshll.u32 s4, $0x1;
	s4 =	sadd.s32 s21, s2  }
0x9d: {  	[timem:s6], [sflag:s22] =	dma.local [hbm:s4], s20  }
0x9e: {  	_ =	swait.ge [sflag:s22], s20  }
0x9f: {  	s3 =	ssub.s32 $0x0, s20;
	[sflag:s22] =	ssyncset.done $0x0  }
0xa0: {  	[sflag:s22] =	ssyncadd.s32 s3;
	_ =	sdelay $0x1  }
0xa1: {  	s23 =	simm.s32 $0x1B8B  }
0xa2: {  	_ =	swait.ge [sflag:s23], $0x1  }
0xa3: {  	[sflag:s23] =	ssyncset.done $0x0  }
0xa4: {  	s25 =	simm.s32 $0x1B8E;
	s24 =	sld [smem:$0x3FFE];
	[sflag:s23] =	ssyncadd.s32 $0xFFFFFFFF  }
0xa5: {  	s26 =	simm.s32 $execute0_lowered;
	[smem:$0x3FD2] =	sst s25  }
0xa6: {  	s4 =	sshll.u32 s26, $0x1;
	_ =	strace $0x8000005B;
	[dreg:$0x1] =	wrdreg $0xFFFFFFFF  }
0xa7: {  	s28 =	simm.s32 $_size_execute0_lowered;
	s2 =	sadd.s32 s2, s4;
	[dreg:$0x0] =	wrdreg $0x0  }
0xa8: {  	s4 =	sshll.u32 s28, $0x1;
	[dreg:$0x2] =	wrdreg s2  }
0xa9: {  	[dreg:$0x3] =	wrdreg s4  }
0xaa: {  	[dreg:$0x4] =	wrdreg $0xC0  }
0xab: {  	_ =	task [dreg:s6], $0x5FFFF  }
0xac: {  	[dreg:$0x1] =	wrdreg $0xFFFFFFFF  }
0xad: {  	[dreg:$0x0] =	wrdreg $0x60  }
0xae: {  	[dreg:$0x2] =	wrdreg s24  }
0xaf: {  	[dreg:$0x3] =	wrdreg $0x9  }
0xb0: {  	_ =	task.clear_ibuf [dreg:s6], $0x4FFFF;
	_ =	strace $0x9000005B  }
0xb1: {  	s29 =	simm.s32 $0x9;
	_ =	strace $0x8000005D  }
0xb2: {  	_ =	swait.ge [sflag:s29], $0x1  }
0xb3: {  	[sflag:s29] =	ssyncadd.s32 $0xFFFFFFFF  }
0xb4: {  	_ =	strace $0x9000005D  }
0xb5: {  	_ =	sfence  }
0xb6: {  	s30 =	sld [smem:$0x0];
	_ =	sdelay $0x2  }
0xb7: {  	s31 =	sshll.u32 s1, $0xD;
	s1 =	sshrl.u32 s1, $0x2  }
0xb8: {  	s3 =	sand.u32 $0x4000, s31;
	s1 =	sadd.s32 s1, s30  }
0xb9: {  	s0 =	sor.u32 s3, s0;
	s1 =	sshll.u32 s1, $0x11  }
0xba: {  	s0 =	sor.u32 s1, s0  }
0xbb: {  	s0 =	sadd.s32 $0x8F2B, s0  }
0xbc: {  	[sflag:s0] =	ssyncadd.remote.s32 $0x1  }
0xbd: {  	_ =	sfence.sel $0xFFFF  }
0xbe: {  	[dreg:$0x0] =	wrdreg $0xFFFFFFFF;
	(pc) =	sbr.abs _section_cstart, $3  }
0xbf: {  	[dreg:$0x1] =	wrdreg $0xFFFFFFFF  }
0xc0: {  	_ =	task.clear_ibuf [dreg:s6], $0x2FFFF;
	_ =	strace $0x9FFFFFFF  }
0xc1: {  	(tm) =	ssettm $0x7FFFFFFF  }
tec
execute0_lowered:
.L_overlay_start_1:
0x0: {  	(tag) =	ssettag $0x1  }
0x1: {  	s2 =	rddreg [dreg:$0x0]  }
0x2: {  	s0 =	rddreg [dreg:$0x1]  }
0x3: {  	s1 =	srdreg.scid;
	_ =	strace $0x8000005C;
	s4 =	simm.s32 $0x1  }
0x4: {  	s9 =	simm.s32 $0x3;
	s11 =	simm.s32 $0x0;
	s5 =	sshll.u32 s1, $0x4  }
.Ltmp0:
0x5: {  	s1 =	stileid.u32;
	s5 =	sand.u32 $0x10, s5;
	(pc) =	sbr.rel .LBB2_1-.Ltmp0, $4  }
0x6: {  	p0 =	por $0x0, $0x0;
	s3 =	sadd.s32 $0x404200, s2;
	s6 =	sor.u32 s1, s5  }
0x7: {  	[sflag:s4] =	ssyncpa.u1 $0x0;
	s5 =	simm.s32 $0x2;
	s6 =	sshll.u32 s6, $0xB  }
0x8: {  	s7 =	sadd.s32 $0x104200, s2;
	[sflag:s5] =	ssyncpa.u1 $0x0;
	s8 =	sadd.s32 $0x800, s6  }
0x9: {  	vm0 =	vmmov $0xff;
	vm1 =	vcmask $0x3F20;
	[sflag:s9] =	ssyncpa.u1 $0x0;
	s10 =	smov.u32 s6;
	s9 =	simm.s32 $0x0  }
.LBB2_7:
0xa: {  	p1 =	slt.u32 s9, $0x2;
	s11 =	sadd.s32 $0x100, s10  }
0xb: {  	s13 =	smov.u32 s6;
	s9 =	sadd.s32 $0x1, s9;
	p2 =	slt.s32 s11, s8  }
0xc: {  	s13 =	smov.u32 @p2 s11;
	p2 =	sne.s32 s9, $0xA  }
.Ltmp1:
0xd: {  	_ = 	snop;
	(pc) =	sbr.rel @!p2 .LBB2_8-.Ltmp1, $4  }
0xe: {  	s12 =	simm.s32 @!p1 $0x3  }
0xf: {  	_ =	swait.ge @!p1 [sflag:s12], $0x8000  }
0x10: {  	p0 =	por !p0, !p0;
	[sflag:s12] =	ssyncset.done @!p1 $0x0  }
0x11: {  	s11 =	smov.u32 s10;
	s10 =	smov.u32 s13;
	[sflag:s12] =	ssyncadd.s32 @!p1 $0xFFFF8000  }
.LBB2_1:
0x12: {  	p1 =	sgt.u32 s9, $0x7  }
0x13: {  	s12 =	sxor.u32 @!p1 $0xFFFFFFFF, s9  }
0x14: {  	s13 =	sshrl.u32 @!p1 s10, $0x3;
	s12 =	sshll.u32 @!p1 s12, $0x8  }
0x15: {  	s14 =	sand.u32 @!p1 $0x7, s10;
	s13 =	sadd.s32 @!p1 s2, s13;
	s12 =	sand.u32 @!p1 $0x100, s12  }
0x16: {  	[tilespmem:s12], [sflag:$0x2] =	stream.linear.gather @!p1 [hbm4b:s13+s14], $0x100, $0x38;
	[tilespmem:$0x10200] =	vst v63  }
0x17: {  	p1 =	seq.s32 s9, $0x0  }
0x18: {  	p2 =	seq.s32 @!p1 s9, $0x9  }
0x19: {  	p1 =	por p1, p2  }
.Ltmp2:
0x1a: {  	_ = 	snop;
	(pc) =	sbr.rel @p1 .LBB2_7-.Ltmp2, $1  }
0x1b: {  	_ =	sdelay $0x3  }
0x1c: {  	s12 =	simm.s32 $0x1  }
0x1d: {  	_ =	swait.ge [sflag:s5], $0x100;
	s12 =	simm.s32 @!p0 $0x0  }
0x1e: {  	[sflag:s5] =	ssyncset.done $0x0;
	s14 =	sshll.u32 s12, $0x8  }
0x1f: {  	[sflag:s5] =	ssyncadd.s32 $0xFFFFFF00;
	s13 =	sadd.s32 $0x0, s14  }
0x20: {  	v0 =	vld.msk [tilespmem:s13+$0x0 ss:$0x1], $0xffff;
	_ =	sdelay $0x4  }
0x21: {  	v1 =	vshll.u32 v0, $0x2  }
0x22: {  	vm2 =	veq.s32 v0, $0x80000000;
	v0 =	vshll.u32 v0, $0x12;
	v1 =	vand.u32 $0x3FF80, v1  }
0x23: {  	v0 =	vand.u32 $0x7C0000, v0;
	v1 =	vsel vm2, $0xFFFFFF80, v1  }
0x24: {  	v0 =	vsel vm2, $0xFFFC0000, v0;
	v2 =	vand.u32 $0xFFFFFC00, v1  }
0x25: {  	v1 =	vand.u32 $0x380, v1;
	v0 =	vadd.s32 v0, v2  }
0x26: {  	v0 =	vor.u32 v1, v0  }
0x27: {  	v0 =	vshrl.u32 v0, $0x3;
	_ =	sdelay $0x2  }
0x28: {  	s12 =	sshll.u32 s12, $0xF  }
0x29: {  	s12 =	sor.u32 $0x200, s12  }
0x2a: {  	[tilespmem:s12], [sflag:$0x1] =	stream.indirect_vreg.gather [hbm:s3], $0x80, v0, vm0, $0x38;
	[tilespmem:$0x10200] =	vst v63  }
0x2b: {  	s15 =	sadd.s32 $0x10, s14;
	s13 =	sadd.s32 $0x400, s12  }
0x2c: {  	[tilespmem:s13], [sflag:$0x1] =	stream.indirect_vreg.gather [hbm:s3], $0x80, v0, vm1, $0x38;
	[tilespmem:$0x10200] =	vst v63  }
0x2d: {  	s16 =	simm.s32 $0x80;
	v0 =	vld.msk [tilespmem:s15+$0x0 ss:$0x1], $0xffff;
	s15 =	smov.u32 s12  }
.LBB2_3:
0x2e: {  	p1 =	sne.s32 s16, $0x3C0;
	_ =	sdelay $0x4  }
0x2f: {  	v1 =	vshll.u32 v0, $0x2  }
0x30: {  	vm2 =	veq.s32 v0, $0x80000000;
	v0 =	vshll.u32 v0, $0x12;
	v1 =	vand.u32 $0x3FF80, v1  }
0x31: {  	v0 =	vand.u32 $0x7C0000, v0;
	v1 =	vsel vm2, $0xFFFFFF80, v1  }
0x32: {  	v0 =	vsel vm2, $0xFFFC0000, v0;
	v2 =	vand.u32 $0xFFFFFC00, v1  }
0x33: {  	v1 =	vand.u32 $0x380, v1;
	v0 =	vadd.s32 v0, v2  }
0x34: {  	v0 =	vor.u32 v1, v0  }
0x35: {  	v0 =	vshrl.u32 v0, $0x3;
	_ =	sdelay $0x3  }
.Ltmp3:
0x36: {  	s17 =	sshra.s32 s16, $0x2;
	s15 =	sadd.s32 $0x800, s15;
	(pc) =	sbr.rel @p1 .LBB2_3-.Ltmp3, $4  }
0x37: {  	[tilespmem:s15], [sflag:$0x1] =	stream.indirect_vreg.gather [hbm:s3], $0x80, v0, vm0, $0x38;
	[tilespmem:$0x10200] =	vst v63  }
0x38: {  	s17 =	sadd.s32 s17, s14;
	s18 =	sadd.s32 $0x400, s15  }
0x39: {  	[tilespmem:s18], [sflag:$0x1] =	stream.indirect_vreg.gather [hbm:s3], $0x80, v0, vm1, $0x38;
	[tilespmem:$0x10200] =	vst v63  }
0x3a: {  	s16 =	sadd.s32 $0x40, s16;
	v0 =	vld.msk [tilespmem:s17+$0x0 ss:$0x1], $0xffff  }
0x3b: {  	_ =	sdelay $0x3  }
0x3c: {  	v1 =	vshll.u32 v0, $0x2  }
0x3d: {  	vm2 =	veq.s32 v0, $0x80000000;
	v63 =	vshll.u32 v0, $0x12;
	v1 =	vand.u32 $0x3FF80, v1  }
0x3e: {  	v0 =	vand.u32 $0x7C0000, v63;
	v1 =	vsel vm2, $0xFFFFFF80, v1  }
0x3f: {  	v0 =	vsel vm2, $0xFFFC0000, v0;
	v2 =	vand.u32 $0xFFFFFC00, v1  }
0x40: {  	v1 =	vand.u32 $0x380, v1;
	v0 =	vadd.s32 v0, v2  }
0x41: {  	v0 =	vor.u32 v1, v0  }
0x42: {  	v0 =	vshrl.u32 v0, $0x3;
	_ =	sdelay $0x3  }
0x43: {  	s14 =	sadd.s32 $0x800, s15  }
0x44: {  	[tilespmem:s14], [sflag:$0x1] =	stream.indirect_vreg.gather [hbm:s3], $0x80, v0, vm0, $0x38;
	[tilespmem:$0x10200] =	vst v63  }
0x45: {  	s14 =	sadd.s32 $0x400, s14  }
0x46: {  	[tilespmem:s14], [sflag:$0x1] =	stream.indirect_vreg.gather [hbm:s3], $0x80, v0, vm1, $0x38;
	[tilespmem:$0x10200] =	vst v63  }
0x47: {  	s11 =	sshll.u32 s11, $0x4;
	_ =	swait.ge [sflag:s4], $0x8000  }
0x48: {  	s11 =	sadd.s32 s11, s7;
	[sflag:s4] =	ssyncset.done $0x0  }
0x49: {  	s15 =	sadd.s32 $0x0, s11;
	s14 =	simm.s32 $0x80;
	[sflag:s4] =	ssyncadd.s32 $0xFFFF8000  }
.LBB2_5:
0x4a: {  	[hbm:s15] =	stream.linear.scatter [tilespmem:s12], [sflag:$0x3], $0x400, $0x38;
	[tilespmem:$0x10200] =	vst v63  }
0x4b: {  	s15 =	smov.u32 s14;
	s12 =	smov.u32 s13;
	p1 =	sne.s32 s14, $0xF80  }
.Ltmp4:
0x4c: {  	s14 =	sadd.s32 $0x80, s14;
	(pc) =	sbr.rel @p1 .LBB2_5-.Ltmp4, $2  }
0x4d: {  	_ =	sdelay $0x2  }
0x4e: {  	s13 =	sadd.s32 $0x400, s13;
	s15 =	sadd.s32 s15, s11  }
.Ltmp5:
0x4f: {  	(pc) =	sbr.rel .LBB2_7-.Ltmp5, $2  }
0x50: {  	_ =	sdelay $0x2  }
0x51: {  	[hbm:s15] =	stream.linear.scatter [tilespmem:s12], [sflag:$0x3], $0x400, $0x38;
	[tilespmem:$0x10200] =	vst v63  }
.LBB2_8:
0x52: {  	_ =	sfence.sel $0x180000  }
0x53: {  	s2 =	simm.s32 $0x2;
	[bflag:$0x0] =	sbarrier.arrive $0xFFFF  }
0x54: {  	s30 =	simm.s32 $0x3;
	[sflag:s2] =	ssyncpa.u1 $0x1  }
0x55: {  	s31 =	simm.s32 $0x1;
	[sflag:s30] =	ssyncpa.u1 $0x1  }
0x56: {  	[sflag:s31] =	ssyncpa.u1 $0x1  }
0x57: {  	p0 =	sne.s32 s1, $0x0;
	_ =	strace $0x9000005C  }
0x58: {  	s0 =	sadd.s32 @!p0 $0x100000, s0;
	[bflag:$0x2] =	sbarrier.arrive $0xFFFF  }
0x59: {  	[sflag:s0] =	ssyncadd.tile.s32 @!p0 $0x1;
	_ =	shalt  }
.Lfunc_end2:
_tile_overlayer_lowered:
.L_overlay_start_2:
0x5a: {  	(tag) =	ssettag $0x2  }
0x5b: {  	s0 =	rddreg [dreg:$0x0];
	s2 =	stileid.u32  }
0x5c: {  	s1 =	rddreg [dreg:$0x1];
	p0 =	sne.s32 s2, $0x0  }
0x5d: {  	s3 =	rddreg [dreg:$0x2];
	[bflag:$0x3] =	sbarrier.arrive $0xFFFF;
	s2 =	simm.s32 @!p0 $0x1C01  }
0x5e: {  	[timem:s3], [sflag:s2] =	dma.local @!p0 [hbm:s0], s1  }
0x5f: {  	s0 =	simm.s32 @!p0 $0x1  }
0x60: {  	_ =	swait.ge @!p0 [sflag:s0], s1  }
0x61: {  	s1 =	ssub.s32 @!p0 $0x0, s1;
	[sflag:s0] =	ssyncset.done @!p0 $0x0  }
0x62: {  	[sflag:s0] =	ssyncadd.s32 @!p0 s1  }
0x63: {  	[bflag:$0x3] =	sbarrier.arrive $0xFFFF  }
0x64: {  	_ =	shalt  }

// kernel: gather_offload_async_start.8
scs
__scs_entry_jumppad:
0x0: {  	(pc) =	sbr.rel $0x88, $3  }
0x1: {  	(tag) =	ssettag $0x0;
	lr =	simm.s32 $0x1  }
0x2: {  	[smem:$0x3F92] =	sst lr;
	_ =	strace $0xD0000000  }
0x3: {  	_ = 	snop  }
0x4: {  	_ = 	snop  }
0x5: {  	_ = 	snop  }
0x6: {  	_ = 	snop  }
0x7: {  	_ = 	snop  }
__scs_overlays_trampoline_lowered:
0x8: {  	[smem:$0x3FA1] =	sst s0  }
0x9: {  	[smem:$0x3FA2] =	sst s1  }
0xa: {  	[smem:$0x3FA3] =	sst s2  }
0xb: {  	[smem:$0x3FA4] =	sst s3  }
0xc: {  	[smem:$0x3FA5] =	sst s4  }
0xd: {  	[smem:$0x3FA6] =	sst s5  }
0xe: {  	[smem:$0x3FA7] =	sst s6  }
0xf: {  	[smem:$0x3FA8] =	sst s7  }
0x10: {  	[smem:$0x3FA9] =	sst s8  }
0x11: {  	[smem:$0x3FAA] =	sst s9;
	s0 =	simm.s32 @!p0 $0x0  }
0x12: {  	s1 =	sld [smem:$0x3F90];
	s0 =	simm.s32 @p0 $0x1  }
0x13: {  	[smem:$0x3FAB] =	sst s0;
	s0 =	simm.s32 @!p1 $0x0  }
0x14: {  	s2 =	sld [smem:$0x3F8F];
	s0 =	simm.s32 @p1 $0x1  }
0x15: {  	[smem:$0x3FAC] =	sst s0;
	s0 =	simm.s32 @!p2 $0x0  }
0x16: {  	s3 =	sld [smem:$0x3FDB];
	s0 =	simm.s32 @p2 $0x1  }
0x17: {  	s4 =	simm.s32 $0x1BF5;
	[smem:$0x3FAE] =	sst s0  }
0x18: {  	s0 =	sld [smem:$0x3F91];
	_ =	swait.ge [sflag:s4], $0x0  }
0x19: {  	s7 =	sld [smem:$0x3F92]  }
0x1a: {  	s8 =	sadd.s32 $0xFFFFE003, lr  }
0x1b: {  	s9 =	sadd.s32 $0xFFFFFEF7, lr;
	s5 =	simm.s32 $0xFFFFFFFF;
	p2 =	slt.u32 s8, $0xFFFFF086  }
0x1c: {  	p1 =	slt.u32 s9, $0xF7A;
	s5 =	simm.s32 @!p2 $0x0  }
0x1d: {  	s5 =	simm.s32 @p1 $0x1;
	p0 =	seq.s32 s7, s2  }
0x1e: {  	s7 =	smul.u32 @!p0 $0xF7A, s2;
	p2 =	seq.s32 @!p0 s5, $0x0  }
0x1f: {  	s9 =	smul.u32 $0xF7A, s1;
	s8 =	simm.s32 @!p0 $0x1BF5;
	p2 =	por !p2, p0  }
0x20: {  	[sflag:s8] =	ssyncset.s32 @!p0 $0xFFFFF086;
	s6 =	sadd.s32 @!p0 s3, s7;
	s7 =	simm.s32 @!p0 $0x108  }
0x21: {  	s3 =	sadd.s32 s3, s9;
	s6 =	sadd.s32 @!p0 $0x88, s6;
	s7 =	simm.s32 @p2 $0x1082  }
0x22: {  	[simem:s7], [sflag:s8] =	dma.local @!p0 [hbm:s6], $0xF7A  }
0x23: {  	s9 =	sor.u32 $0xD0000000, s2;
	s6 =	simm.s32 $0x108;
	_ =	swait.ge @!p0 [sflag:s8], $0x0  }
0x24: {  	s3 =	sadd.s32 $0x88, s3;
	s6 =	simm.s32 @!p1 $0x1082;
	[sflag:s4] =	ssyncset.s32 $0xFFFFF086  }
0x25: {  	[simem:s6], [sflag:s4] =	dma.local [hbm:s3], $0xF7A  }
0x26: {  	[smem:$0x3F92] =	sst s1;
	(tag) =	ssettag s2;
	_ =	strace s9  }
0x27: {  	s1 =	sld [smem:$0x3FA2]  }
0x28: {  	s2 =	sld [smem:$0x3FA3]  }
0x29: {  	s4 =	sld [smem:$0x3FA5]  }
0x2a: {  	p0 =	seq.s32 s5, $0x0;
	s5 =	sld [smem:$0x3FA6]  }
0x2b: {  	s6 =	sld [smem:$0x3FA7]  }
0x2c: {  	s7 =	sld [smem:$0x3FA8]  }
0x2d: {  	s3 =	simm.s32 $0x108;
	s8 =	sld [smem:$0x3FA9]  }
0x2e: {  	s3 =	simm.s32 @!p0 $0x1082;
	s9 =	sld [smem:$0x3FAA]  }
0x2f: {  	lr =	sadd.s32 s0, s3;
	s0 =	sld [smem:$0x3FA1]  }
0x30: {  	s3 =	sld [smem:$0x3FA4]  }
0x31: {  	[smem:$0x3FAD] =	sst s10  }
0x32: {  	s10 =	sld [smem:$0x3FAB];
	_ =	sdelay $0x3  }
0x33: {  	p0 =	seq.s32 s10, $0x1;
	s10 =	sld [smem:$0x3FAD];
	_ =	sdelay $0x3  }
0x34: {  	[smem:$0x3FAD] =	sst s10  }
0x35: {  	s10 =	sld [smem:$0x3FAC];
	_ =	sdelay $0x3  }
0x36: {  	p1 =	seq.s32 s10, $0x1;
	s10 =	sld [smem:$0x3FAD];
	_ =	sdelay $0x3  }
0x37: {  	[smem:$0x3FAD] =	sst s10  }
0x38: {  	s10 =	sld [smem:$0x3FAE]  }
0x39: {  	_ = 	snop;
	(pc) =	sbr.ind lr, $3  }
0x3a: {  	_ = 	snop  }
0x3b: {  	_ = 	snop  }
0x3c: {  	p2 =	seq.s32 s10, $0x1;
	s10 =	sld [smem:$0x3FAD]  }
0x3d: {  	_ =	shalt  }
0x3e: {  	_ =	shalt  }
0x3f: {  	_ =	shalt  }
0x40: {  	_ =	shalt  }
0x41: {  	_ =	shalt  }
0x42: {  	_ =	shalt  }
0x43: {  	_ =	shalt  }
0x44: {  	_ =	shalt  }
0x45: {  	_ =	shalt  }
0x46: {  	_ =	shalt  }
0x47: {  	_ =	shalt  }
0x48: {  	_ =	shalt  }
0x49: {  	_ =	shalt  }
0x4a: {  	_ =	shalt  }
0x4b: {  	_ =	shalt  }
0x4c: {  	_ =	shalt  }
0x4d: {  	_ =	shalt  }
0x4e: {  	_ =	shalt  }
0x4f: {  	_ =	shalt  }
0x50: {  	_ =	shalt  }
0x51: {  	_ =	shalt  }
0x52: {  	_ =	shalt  }
0x53: {  	_ =	shalt  }
0x54: {  	_ =	shalt  }
0x55: {  	_ =	shalt  }
0x56: {  	_ =	shalt  }
0x57: {  	_ =	shalt  }
0x58: {  	_ =	shalt  }
0x59: {  	_ =	shalt  }
0x5a: {  	_ =	shalt  }
0x5b: {  	_ =	shalt  }
0x5c: {  	_ =	shalt  }
0x5d: {  	_ =	shalt  }
0x5e: {  	_ =	shalt  }
0x5f: {  	_ =	shalt  }
0x60: {  	_ =	shalt  }
0x61: {  	_ =	shalt  }
0x62: {  	_ =	shalt  }
0x63: {  	_ =	shalt  }
0x64: {  	_ =	shalt  }
0x65: {  	_ =	shalt  }
0x66: {  	_ =	shalt  }
0x67: {  	_ =	shalt  }
0x68: {  	_ =	shalt  }
0x69: {  	_ =	shalt  }
0x6a: {  	_ =	shalt  }
0x6b: {  	_ =	shalt  }
0x6c: {  	_ =	shalt  }
0x6d: {  	_ =	shalt  }
0x6e: {  	_ =	shalt  }
0x6f: {  	_ =	shalt  }
0x70: {  	_ =	shalt  }
0x71: {  	_ =	shalt  }
0x72: {  	_ =	shalt  }
0x73: {  	_ =	shalt  }
0x74: {  	_ =	shalt  }
0x75: {  	_ =	shalt  }
0x76: {  	_ =	shalt  }
0x77: {  	_ =	shalt  }
0x78: {  	_ =	shalt  }
0x79: {  	_ =	shalt  }
0x7a: {  	_ =	shalt  }
0x7b: {  	_ =	shalt  }
0x7c: {  	_ =	shalt  }
0x7d: {  	_ =	shalt  }
0x7e: {  	_ =	shalt  }
0x7f: {  	_ =	shalt  }
0x80: {  	_ =	shalt  }
0x81: {  	_ =	shalt  }
0x82: {  	_ =	shalt  }
0x83: {  	_ =	shalt  }
0x84: {  	_ =	shalt  }
0x85: {  	_ =	shalt  }
0x86: {  	_ =	shalt  }
0x87: {  	_ =	shalt  }
.Lfunc_end0:
.L_simem_size_0:
called_computation.8_lowered:
.L_overlay_start_0:
0x88: {  	s2 =	sld [smem:$0x3FD9]  }
0x89: {  	s3 =	sld [smem:$0x3FFE];
	_ =	sdelay $0x1  }
0x8a: {  	s1 =	srdreg.scid  }
0x8b: {  	s0 =	sand.u32 $0x1, s1  }
0x8c: {  	s16 =	sshll.u32 s0, $0xA;
	s2 =	sadd.s32 s3, s2  }
0x8d: {  	s2 =	sadd.s32 s2, s16  }
0x8e: {  	[smem:$0x3FB9] =	sst s2  }
0x8f: {  	_ = 	snop  }
0x90: {  	(tm) =	ssettm $0x1  }
0x91: {  	s17 =	sld [smem:$0x3FFB];
	_ =	sdelay $0x3  }
0x92: {  	_ =	strace s17  }
0x93: {  	s2 =	sld [smem:$0x3FFC];
	_ =	sdelay $0x3  }
0x94: {  	_ =	strace s2  }
0x95: {  	s2 =	sld [smem:$0x3FFD];
	_ =	sdelay $0x3  }
0x96: {  	_ =	strace s2  }
0x97: {  	_ =	strace $0x8FFFFFFF  }
0x98: {  	s18 =	sld [smem:$0x3FDB];
	_ =	sdelay $0x1  }
0x99: {  	s19 =	simm.s32 $_scs_section_size  }
0x9a: {  	s4 =	simm.s32 $_size__tile_overlayer_lowered;
	s5 =	simm.s32 $_tile_overlayer_lowered  }
0x9b: {  	s22 =	simm.s32 $0x1BFF;
	s21 =	sshll.u32 s5, $0x1;
	s2 =	sadd.s32 s19, s18  }
0x9c: {  	s6 =	simm.s32 $0x0;
	s20 =	sshll.u32 s4, $0x1;
	s4 =	sadd.s32 s21, s2  }
0x9d: {  	[timem:s6], [sflag:s22] =	dma.local [hbm:s4], s20  }
0x9e: {  	_ =	swait.ge [sflag:s22], s20  }
0x9f: {  	s3 =	ssub.s32 $0x0, s20;
	[sflag:s22] =	ssyncset.done $0x0  }
0xa0: {  	[sflag:s22] =	ssyncadd.s32 s3;
	_ =	sdelay $0x1  }
0xa1: {  	s23 =	simm.s32 $0x1B8B  }
0xa2: {  	_ =	swait.ge [sflag:s23], $0x1  }
0xa3: {  	[sflag:s23] =	ssyncset.done $0x0  }
0xa4: {  	s25 =	simm.s32 $0x1B8E;
	s24 =	sld [smem:$0x3FFE];
	[sflag:s23] =	ssyncadd.s32 $0xFFFFFFFF  }
0xa5: {  	s26 =	simm.s32 $execute0_lowered;
	[smem:$0x3FD2] =	sst s25  }
0xa6: {  	s4 =	sshll.u32 s26, $0x1;
	_ =	strace $0x8000005E;
	[dreg:$0x1] =	wrdreg $0xFFFFFFFF  }
0xa7: {  	s28 =	simm.s32 $_size_execute0_lowered;
	s2 =	sadd.s32 s2, s4;
	[dreg:$0x0] =	wrdreg $0x0  }
0xa8: {  	s4 =	sshll.u32 s28, $0x1;
	[dreg:$0x2] =	wrdreg s2  }
0xa9: {  	[dreg:$0x3] =	wrdreg s4  }
0xaa: {  	[dreg:$0x4] =	wrdreg $0xC0  }
0xab: {  	_ =	task [dreg:s6], $0x5FFFF  }
0xac: {  	[dreg:$0x1] =	wrdreg $0xFFFFFFFF  }
0xad: {  	[dreg:$0x0] =	wrdreg $0x60  }
0xae: {  	[dreg:$0x2] =	wrdreg s24  }
0xaf: {  	[dreg:$0x3] =	wrdreg $0x9  }
0xb0: {  	_ =	task.clear_ibuf [dreg:s6], $0x4FFFF;
	_ =	strace $0x9000005E  }
0xb1: {  	s29 =	simm.s32 $0x9;
	_ =	strace $0x80000060  }
0xb2: {  	_ =	swait.ge [sflag:s29], $0x1  }
0xb3: {  	[sflag:s29] =	ssyncadd.s32 $0xFFFFFFFF  }
0xb4: {  	_ =	strace $0x90000060  }
0xb5: {  	_ =	sfence  }
0xb6: {  	s30 =	sld [smem:$0x0];
	_ =	sdelay $0x2  }
0xb7: {  	s31 =	sshll.u32 s1, $0xD;
	s1 =	sshrl.u32 s1, $0x2  }
0xb8: {  	s3 =	sand.u32 $0x4000, s31;
	s1 =	sadd.s32 s1, s30  }
0xb9: {  	s0 =	sor.u32 s3, s0;
	s1 =	sshll.u32 s1, $0x11  }
0xba: {  	s0 =	sor.u32 s1, s0  }
0xbb: {  	s0 =	sadd.s32 $0x8F2B, s0  }
0xbc: {  	[sflag:s0] =	ssyncadd.remote.s32 $0x1  }
0xbd: {  	_ =	sfence.sel $0xFFFF  }
0xbe: {  	[dreg:$0x0] =	wrdreg $0xFFFFFFFF;
	(pc) =	sbr.abs _section_cstart, $3  }
0xbf: {  	[dreg:$0x1] =	wrdreg $0xFFFFFFFF  }
0xc0: {  	_ =	task.clear_ibuf [dreg:s6], $0x2FFFF;
	_ =	strace $0x9FFFFFFF  }
0xc1: {  	(tm) =	ssettm $0x7FFFFFFF  }
tec
execute0_lowered:
.L_overlay_start_1:
0x0: {  	(tag) =	ssettag $0x1  }
0x1: {  	s7 =	rddreg [dreg:$0x0]  }
0x2: {  	s0 =	rddreg [dreg:$0x1];
	_ =	strace $0x8000005F  }
0x3: {  	s1 =	srdreg.scid;
	s4 =	simm.s32 $0x1;
	s9 =	simm.s32 $0x3  }
0x4: {  	s11 =	simm.s32 $0x0;
	p0 =	por $0x0, $0x0;
	s5 =	sshll.u32 s1, $0x4  }
.Ltmp0:
0x5: {  	s1 =	stileid.u32;
	s5 =	sand.u32 $0x10, s5;
	(pc) =	sbr.rel .LBB2_1-.Ltmp0, $4  }
0x6: {  	s2 =	sadd.s32 $0x104200, s7;
	s3 =	sadd.s32 $0xB6000, s7;
	s6 =	sor.u32 s1, s5  }
0x7: {  	[sflag:s4] =	ssyncpa.u1 $0x0;
	s5 =	simm.s32 $0x2;
	s6 =	sshll.u32 s6, $0xB  }
0x8: {  	s7 =	sadd.s32 $0x404200, s7;
	[sflag:s5] =	ssyncpa.u1 $0x0;
	s8 =	sadd.s32 $0x800, s6  }
0x9: {  	vm0 =	vmmov $0xff;
	vm1 =	vcmask $0x3F20;
	[sflag:s9] =	ssyncpa.u1 $0x0;
	s10 =	smov.u32 s6;
	s9 =	simm.s32 $0x0  }
.LBB2_8:
0xa: {  	[hbm:s15] =	stream.linear.scatter [tilespmem:s12], [sflag:$0x3], $0x800, $0x38;
	[tilespmem:$0x10100] =	vst v63  }
.LBB2_9:
0xb: {  	p1 =	slt.u32 s9, $0x2;
	s11 =	sadd.s32 $0x80, s10  }
0xc: {  	s13 =	smov.u32 s6;
	s9 =	sadd.s32 $0x1, s9;
	p2 =	slt.s32 s11, s8  }
0xd: {  	s13 =	smov.u32 @p2 s11;
	p2 =	sne.s32 s9, $0x12  }
.Ltmp1:
0xe: {  	_ = 	snop;
	(pc) =	sbr.rel @!p2 .LBB2_10-.Ltmp1, $4  }
0xf: {  	s12 =	simm.s32 @!p1 $0x3  }
0x10: {  	_ =	swait.ge @!p1 [sflag:s12], $0x8000  }
0x11: {  	p0 =	por !p0, !p0;
	[sflag:s12] =	ssyncset.done @!p1 $0x0  }
0x12: {  	s11 =	smov.u32 s10;
	s10 =	smov.u32 s13;
	[sflag:s12] =	ssyncadd.s32 @!p1 $0xFFFF8000  }
.LBB2_1:
0x13: {  	p1 =	sgt.u32 s9, $0xF  }
0x14: {  	s12 =	sxor.u32 @!p1 $0xFFFFFFFF, s9  }
0x15: {  	s13 =	sshrl.u32 @!p1 s10, $0x3;
	s12 =	sshll.u32 @!p1 s12, $0x7  }
0x16: {  	s14 =	sand.u32 @!p1 $0x7, s10;
	s13 =	sadd.s32 @!p1 s3, s13;
	s12 =	sand.u32 @!p1 $0x80, s12  }
0x17: {  	[tilespmem:s12], [sflag:$0x2] =	stream.linear.gather @!p1 [hbm4b:s13+s14], $0x80, $0x38;
	[tilespmem:$0x10100] =	vst v63  }
0x18: {  	p1 =	seq.s32 s9, $0x0  }
0x19: {  	p2 =	seq.s32 @!p1 s9, $0x11  }
0x1a: {  	p1 =	por p1, p2  }
.Ltmp2:
0x1b: {  	_ = 	snop;
	(pc) =	sbr.rel @p1 .LBB2_9-.Ltmp2, $1  }
0x1c: {  	_ =	sdelay $0x3  }
0x1d: {  	s12 =	simm.s32 $0x1;
	_ =	swait.ge [sflag:s5], $0x80;
	s13 =	sand.u32 $0x1, s9  }
0x1e: {  	s15 =	simm.s32 $0x0;
	s12 =	simm.s32 @!p0 $0x0;
	[sflag:s5] =	ssyncset.done $0x0  }
0x1f: {  	s14 =	sshll.u32 s13, $0xF;
	s13 =	sshll.u32 s13, $0x7;
	s12 =	sshll.u32 s12, $0xF  }
0x20: {  	[sflag:s5] =	ssyncadd.s32 $0xFFFFFF80;
	s14 =	sor.u32 $0x100, s14;
	s12 =	sor.u32 $0x100, s12  }
.LBB2_3:
0x21: {  	s16 =	sshll.u32 s15, $0x4  }
0x22: {  	s16 =	sand.u32 $0x3FFFFFF0, s16  }
0x23: {  	s16 =	sadd.s32 s16, s13  }
0x24: {  	v0 =	vld.msk [tilespmem:s16+$0x0 ss:$0x1], $0xffff;
	_ =	sdelay $0x4  }
0x25: {  	v1 =	vshrl.u32 v0, $0x5  }
0x26: {  	vm2 =	veq.s32 v0, $0x80000000;
	v1 =	vand.u32 $0x7FF, v1  }
0x27: {  	v0 =	vshll.u32 v0, $0x13;
	v1 =	vsel vm2, $0xFFFFFFFF, v1  }
0x28: {  	v0 =	vand.u32 $0xF80000, v0;
	v2 =	vshll.u32 v1, $0x8  }
0x29: {  	v0 =	vsel vm2, $0xFFF80000, v0;
	v1 =	vshll.u32 v1, $0x7;
	v2 =	vand.u32 $0xFFFFF800, v2  }
0x2a: {  	s31 =	sshll.u32 s15, $0xC;
	v1 =	vand.u32 $0x380, v1;
	v0 =	vadd.s32 v0, v2  }
0x2b: {  	s16 =	sand.u32 $0x3FFFF000, s31;
	v0 =	vor.u32 v1, v0  }
0x2c: {  	p1 =	por $0x1, $0x1;
	s17 =	simm.s32 $0x0;
	s16 =	sadd.s32 s16, s14;
	v0 =	vshrl.u32 v0, $0x3  }
.LBB2_4:
0x2d: {  	_ =	sdelay $0x1  }
0x2e: {  	s17 =	sshra.s32 s17, $0x2;
	p2 =	por p1, p1  }
.Ltmp3:
0x2f: {  	s17 =	sadd.s32 s17, s16;
	(pc) =	sbr.rel @p2 .LBB2_4-.Ltmp3, $4  }
0x30: {  	[tilespmem:s17], [sflag:$0x1] =	stream.indirect_vreg.gather [hbm:s2], $0x80, v0, vm0, $0x38;
	[tilespmem:$0x10100] =	vst v63  }
0x31: {  	s17 =	sadd.s32 $0x800, s17  }
0x32: {  	[tilespmem:s17], [sflag:$0x1] =	stream.indirect_vreg.gather [hbm:s2], $0x80, v0, vm1, $0x38;
	[tilespmem:$0x10100] =	vst v63  }
0x33: {  	p1 =	por $0x0, $0x0;
	v0 =	vadd.s32 $0x80, v0;
	s17 =	simm.s32 $0x1000  }
0x34: {  	s15 =	sadd.s32 $0x1, s15  }
0x35: {  	p1 =	sne.s32 s15, $0x8  }
.Ltmp4:
0x36: {  	_ = 	snop;
	(pc) =	sbr.rel @p1 .LBB2_3-.Ltmp4, $1  }
0x37: {  	_ =	sdelay $0x3  }
0x38: {  	s13 =	sshll.u32 s11, $0x5  }
0x39: {  	s31 =	sshll.u32 s11, $0x4;
	s13 =	sand.u32 $0xFFFFFF00, s13  }
0x3a: {  	_ =	swait.ge [sflag:s4], $0x8000;
	s11 =	sand.u32 $0x70, s31;
	s13 =	sadd.s32 s13, s7  }
0x3b: {  	s14 =	sadd.s32 $0x800, s12;
	[sflag:s4] =	ssyncset.done $0x0;
	s11 =	sadd.s32 s11, s13  }
0x3c: {  	[sflag:s4] =	ssyncadd.s32 $0xFFFF8000;
	s13 =	simm.s32 $0x100;
	s15 =	sadd.s32 $0x0, s11  }
.LBB2_7:
0x3d: {  	[hbm:s15] =	stream.linear.scatter [tilespmem:s12], [sflag:$0x3], $0x800, $0x38;
	[tilespmem:$0x10100] =	vst v63  }
0x3e: {  	s15 =	smov.u32 s13;
	s12 =	smov.u32 s14;
	p1 =	sne.s32 s13, $0xF00  }
.Ltmp5:
0x3f: {  	s13 =	sadd.s32 $0x100, s13;
	(pc) =	sbr.rel @p1 .LBB2_7-.Ltmp5, $2  }
0x40: {  	_ =	sdelay $0x2  }
0x41: {  	s14 =	sadd.s32 $0x800, s14;
	s15 =	sadd.s32 s15, s11  }
.Ltmp6:
0x42: {  	_ = 	snop;
	(pc) =	sbr.rel .LBB2_8-.Ltmp6, $1  }
0x43: {  	_ =	sdelay $0x3  }
.LBB2_10:
0x44: {  	_ =	sfence.sel $0x180000  }
0x45: {  	s2 =	simm.s32 $0x2;
	[bflag:$0x0] =	sbarrier.arrive $0xFFFF  }
0x46: {  	s30 =	simm.s32 $0x3;
	[sflag:s2] =	ssyncpa.u1 $0x1  }
0x47: {  	s31 =	simm.s32 $0x1;
	[sflag:s30] =	ssyncpa.u1 $0x1  }
0x48: {  	[sflag:s31] =	ssyncpa.u1 $0x1  }
0x49: {  	p0 =	sne.s32 s1, $0x0;
	_ =	strace $0x9000005F  }
0x4a: {  	s0 =	sadd.s32 @!p0 $0x100000, s0;
	[bflag:$0x2] =	sbarrier.arrive $0xFFFF  }
0x4b: {  	[sflag:s0] =	ssyncadd.tile.s32 @!p0 $0x1;
	_ =	shalt  }
.Lfunc_end2:
_tile_overlayer_lowered:
.L_overlay_start_2:
0x4c: {  	(tag) =	ssettag $0x2  }
0x4d: {  	s0 =	rddreg [dreg:$0x0];
	s2 =	stileid.u32  }
0x4e: {  	s1 =	rddreg [dreg:$0x1];
	p0 =	sne.s32 s2, $0x0  }
0x4f: {  	s3 =	rddreg [dreg:$0x2];
	[bflag:$0x3] =	sbarrier.arrive $0xFFFF;
	s2 =	simm.s32 @!p0 $0x1C01  }
0x50: {  	[timem:s3], [sflag:s2] =	dma.local @!p0 [hbm:s0], s1  }
0x51: {  	s0 =	simm.s32 @!p0 $0x1  }
0x52: {  	_ =	swait.ge @!p0 [sflag:s0], s1  }
0x53: {  	s1 =	ssub.s32 @!p0 $0x0, s1;
	[sflag:s0] =	ssyncset.done @!p0 $0x0  }
0x54: {  	[sflag:s0] =	ssyncadd.s32 @!p0 s1  }
0x55: {  	[bflag:$0x3] =	sbarrier.arrive $0xFFFF  }
0x56: {  	_ =	shalt  }

// kernel: gather_offload_async_start.9
scs
__scs_entry_jumppad:
0x0: {  	(pc) =	sbr.rel $0x88, $3  }
0x1: {  	(tag) =	ssettag $0x0;
	lr =	simm.s32 $0x1  }
0x2: {  	[smem:$0x3F92] =	sst lr;
	_ =	strace $0xD0000000  }
0x3: {  	_ = 	snop  }
0x4: {  	_ = 	snop  }
0x5: {  	_ = 	snop  }
0x6: {  	_ = 	snop  }
0x7: {  	_ = 	snop  }
__scs_overlays_trampoline_lowered:
0x8: {  	[smem:$0x3FA1] =	sst s0  }
0x9: {  	[smem:$0x3FA2] =	sst s1  }
0xa: {  	[smem:$0x3FA3] =	sst s2  }
0xb: {  	[smem:$0x3FA4] =	sst s3  }
0xc: {  	[smem:$0x3FA5] =	sst s4  }
0xd: {  	[smem:$0x3FA6] =	sst s5  }
0xe: {  	[smem:$0x3FA7] =	sst s6  }
0xf: {  	[smem:$0x3FA8] =	sst s7  }
0x10: {  	[smem:$0x3FA9] =	sst s8  }
0x11: {  	[smem:$0x3FAA] =	sst s9;
	s0 =	simm.s32 @!p0 $0x0  }
0x12: {  	s1 =	sld [smem:$0x3F90];
	s0 =	simm.s32 @p0 $0x1  }
0x13: {  	[smem:$0x3FAB] =	sst s0;
	s0 =	simm.s32 @!p1 $0x0  }
0x14: {  	s2 =	sld [smem:$0x3F8F];
	s0 =	simm.s32 @p1 $0x1  }
0x15: {  	[smem:$0x3FAC] =	sst s0;
	s0 =	simm.s32 @!p2 $0x0  }
0x16: {  	s3 =	sld [smem:$0x3FDB];
	s0 =	simm.s32 @p2 $0x1  }
0x17: {  	s4 =	simm.s32 $0x1BF5;
	[smem:$0x3FAE] =	sst s0  }
0x18: {  	s0 =	sld [smem:$0x3F91];
	_ =	swait.ge [sflag:s4], $0x0  }
0x19: {  	s7 =	sld [smem:$0x3F92]  }
0x1a: {  	s8 =	sadd.s32 $0xFFFFE003, lr  }
0x1b: {  	s9 =	sadd.s32 $0xFFFFFEF7, lr;
	s5 =	simm.s32 $0xFFFFFFFF;
	p2 =	slt.u32 s8, $0xFFFFF086  }
0x1c: {  	p1 =	slt.u32 s9, $0xF7A;
	s5 =	simm.s32 @!p2 $0x0  }
0x1d: {  	s5 =	simm.s32 @p1 $0x1;
	p0 =	seq.s32 s7, s2  }
0x1e: {  	s7 =	smul.u32 @!p0 $0xF7A, s2;
	p2 =	seq.s32 @!p0 s5, $0x0  }
0x1f: {  	s9 =	smul.u32 $0xF7A, s1;
	s8 =	simm.s32 @!p0 $0x1BF5;
	p2 =	por !p2, p0  }
0x20: {  	[sflag:s8] =	ssyncset.s32 @!p0 $0xFFFFF086;
	s6 =	sadd.s32 @!p0 s3, s7;
	s7 =	simm.s32 @!p0 $0x108  }
0x21: {  	s3 =	sadd.s32 s3, s9;
	s6 =	sadd.s32 @!p0 $0x88, s6;
	s7 =	simm.s32 @p2 $0x1082  }
0x22: {  	[simem:s7], [sflag:s8] =	dma.local @!p0 [hbm:s6], $0xF7A  }
0x23: {  	s9 =	sor.u32 $0xD0000000, s2;
	s6 =	simm.s32 $0x108;
	_ =	swait.ge @!p0 [sflag:s8], $0x0  }
0x24: {  	s3 =	sadd.s32 $0x88, s3;
	s6 =	simm.s32 @!p1 $0x1082;
	[sflag:s4] =	ssyncset.s32 $0xFFFFF086  }
0x25: {  	[simem:s6], [sflag:s4] =	dma.local [hbm:s3], $0xF7A  }
0x26: {  	[smem:$0x3F92] =	sst s1;
	(tag) =	ssettag s2;
	_ =	strace s9  }
0x27: {  	s1 =	sld [smem:$0x3FA2]  }
0x28: {  	s2 =	sld [smem:$0x3FA3]  }
0x29: {  	s4 =	sld [smem:$0x3FA5]  }
0x2a: {  	p0 =	seq.s32 s5, $0x0;
	s5 =	sld [smem:$0x3FA6]  }
0x2b: {  	s6 =	sld [smem:$0x3FA7]  }
0x2c: {  	s7 =	sld [smem:$0x3FA8]  }
0x2d: {  	s3 =	simm.s32 $0x108;
	s8 =	sld [smem:$0x3FA9]  }
0x2e: {  	s3 =	simm.s32 @!p0 $0x1082;
	s9 =	sld [smem:$0x3FAA]  }
0x2f: {  	lr =	sadd.s32 s0, s3;
	s0 =	sld [smem:$0x3FA1]  }
0x30: {  	s3 =	sld [smem:$0x3FA4]  }
0x31: {  	[smem:$0x3FAD] =	sst s10  }
0x32: {  	s10 =	sld [smem:$0x3FAB];
	_ =	sdelay $0x3  }
0x33: {  	p0 =	seq.s32 s10, $0x1;
	s10 =	sld [smem:$0x3FAD];
	_ =	sdelay $0x3  }
0x34: {  	[smem:$0x3FAD] =	sst s10  }
0x35: {  	s10 =	sld [smem:$0x3FAC];
	_ =	sdelay $0x3  }
0x36: {  	p1 =	seq.s32 s10, $0x1;
	s10 =	sld [smem:$0x3FAD];
	_ =	sdelay $0x3  }
0x37: {  	[smem:$0x3FAD] =	sst s10  }
0x38: {  	s10 =	sld [smem:$0x3FAE]  }
0x39: {  	_ = 	snop;
	(pc) =	sbr.ind lr, $3  }
0x3a: {  	_ = 	snop  }
0x3b: {  	_ = 	snop  }
0x3c: {  	p2 =	seq.s32 s10, $0x1;
	s10 =	sld [smem:$0x3FAD]  }
0x3d: {  	_ =	shalt  }
0x3e: {  	_ =	shalt  }
0x3f: {  	_ =	shalt  }
0x40: {  	_ =	shalt  }
0x41: {  	_ =	shalt  }
0x42: {  	_ =	shalt  }
0x43: {  	_ =	shalt  }
0x44: {  	_ =	shalt  }
0x45: {  	_ =	shalt  }
0x46: {  	_ =	shalt  }
0x47: {  	_ =	shalt  }
0x48: {  	_ =	shalt  }
0x49: {  	_ =	shalt  }
0x4a: {  	_ =	shalt  }
0x4b: {  	_ =	shalt  }
0x4c: {  	_ =	shalt  }
0x4d: {  	_ =	shalt  }
0x4e: {  	_ =	shalt  }
0x4f: {  	_ =	shalt  }
0x50: {  	_ =	shalt  }
0x51: {  	_ =	shalt  }
0x52: {  	_ =	shalt  }
0x53: {  	_ =	shalt  }
0x54: {  	_ =	shalt  }
0x55: {  	_ =	shalt  }
0x56: {  	_ =	shalt  }
0x57: {  	_ =	shalt  }
0x58: {  	_ =	shalt  }
0x59: {  	_ =	shalt  }
0x5a: {  	_ =	shalt  }
0x5b: {  	_ =	shalt  }
0x5c: {  	_ =	shalt  }
0x5d: {  	_ =	shalt  }
0x5e: {  	_ =	shalt  }
0x5f: {  	_ =	shalt  }
0x60: {  	_ =	shalt  }
0x61: {  	_ =	shalt  }
0x62: {  	_ =	shalt  }
0x63: {  	_ =	shalt  }
0x64: {  	_ =	shalt  }
0x65: {  	_ =	shalt  }
0x66: {  	_ =	shalt  }
0x67: {  	_ =	shalt  }
0x68: {  	_ =	shalt  }
0x69: {  	_ =	shalt  }
0x6a: {  	_ =	shalt  }
0x6b: {  	_ =	shalt  }
0x6c: {  	_ =	shalt  }
0x6d: {  	_ =	shalt  }
0x6e: {  	_ =	shalt  }
0x6f: {  	_ =	shalt  }
0x70: {  	_ =	shalt  }
0x71: {  	_ =	shalt  }
0x72: {  	_ =	shalt  }
0x73: {  	_ =	shalt  }
0x74: {  	_ =	shalt  }
0x75: {  	_ =	shalt  }
0x76: {  	_ =	shalt  }
0x77: {  	_ =	shalt  }
0x78: {  	_ =	shalt  }
0x79: {  	_ =	shalt  }
0x7a: {  	_ =	shalt  }
0x7b: {  	_ =	shalt  }
0x7c: {  	_ =	shalt  }
0x7d: {  	_ =	shalt  }
0x7e: {  	_ =	shalt  }
0x7f: {  	_ =	shalt  }
0x80: {  	_ =	shalt  }
0x81: {  	_ =	shalt  }
0x82: {  	_ =	shalt  }
0x83: {  	_ =	shalt  }
0x84: {  	_ =	shalt  }
0x85: {  	_ =	shalt  }
0x86: {  	_ =	shalt  }
0x87: {  	_ =	shalt  }
.Lfunc_end0:
.L_simem_size_0:
called_computation.9_lowered:
.L_overlay_start_0:
0x88: {  	s2 =	sld [smem:$0x3FD9]  }
0x89: {  	s3 =	sld [smem:$0x3FFE];
	_ =	sdelay $0x1  }
0x8a: {  	s1 =	srdreg.scid  }
0x8b: {  	s0 =	sand.u32 $0x1, s1  }
0x8c: {  	s16 =	sshll.u32 s0, $0xA;
	s2 =	sadd.s32 s3, s2  }
0x8d: {  	s2 =	sadd.s32 s2, s16  }
0x8e: {  	[smem:$0x3FB9] =	sst s2  }
0x8f: {  	_ = 	snop  }
0x90: {  	(tm) =	ssettm $0x1  }
0x91: {  	s17 =	sld [smem:$0x3FFB];
	_ =	sdelay $0x3  }
0x92: {  	_ =	strace s17  }
0x93: {  	s2 =	sld [smem:$0x3FFC];
	_ =	sdelay $0x3  }
0x94: {  	_ =	strace s2  }
0x95: {  	s2 =	sld [smem:$0x3FFD];
	_ =	sdelay $0x3  }
0x96: {  	_ =	strace s2  }
0x97: {  	_ =	strace $0x8FFFFFFF  }
0x98: {  	s18 =	sld [smem:$0x3FDB];
	_ =	sdelay $0x1  }
0x99: {  	s19 =	simm.s32 $_scs_section_size  }
0x9a: {  	s4 =	simm.s32 $_size__tile_overlayer_lowered;
	s5 =	simm.s32 $_tile_overlayer_lowered  }
0x9b: {  	s22 =	simm.s32 $0x1BFF;
	s21 =	sshll.u32 s5, $0x1;
	s2 =	sadd.s32 s19, s18  }
0x9c: {  	s6 =	simm.s32 $0x0;
	s20 =	sshll.u32 s4, $0x1;
	s4 =	sadd.s32 s21, s2  }
0x9d: {  	[timem:s6], [sflag:s22] =	dma.local [hbm:s4], s20  }
0x9e: {  	_ =	swait.ge [sflag:s22], s20  }
0x9f: {  	s3 =	ssub.s32 $0x0, s20;
	[sflag:s22] =	ssyncset.done $0x0  }
0xa0: {  	[sflag:s22] =	ssyncadd.s32 s3;
	_ =	sdelay $0x1  }
0xa1: {  	s23 =	simm.s32 $0x1B8B  }
0xa2: {  	_ =	swait.ge [sflag:s23], $0x1  }
0xa3: {  	[sflag:s23] =	ssyncset.done $0x0  }
0xa4: {  	s25 =	simm.s32 $0x1B8E;
	s24 =	sld [smem:$0x3FFE];
	[sflag:s23] =	ssyncadd.s32 $0xFFFFFFFF  }
0xa5: {  	s26 =	simm.s32 $execute0_lowered;
	[smem:$0x3FD2] =	sst s25  }
0xa6: {  	s4 =	sshll.u32 s26, $0x1;
	_ =	strace $0x80000061;
	[dreg:$0x1] =	wrdreg $0xFFFFFFFF  }
0xa7: {  	s28 =	simm.s32 $_size_execute0_lowered;
	s2 =	sadd.s32 s2, s4;
	[dreg:$0x0] =	wrdreg $0x0  }
0xa8: {  	s4 =	sshll.u32 s28, $0x1;
	[dreg:$0x2] =	wrdreg s2  }
0xa9: {  	[dreg:$0x3] =	wrdreg s4  }
0xaa: {  	[dreg:$0x4] =	wrdreg $0xC0  }
0xab: {  	_ =	task [dreg:s6], $0x5FFFF  }
0xac: {  	[dreg:$0x1] =	wrdreg $0xFFFFFFFF  }
0xad: {  	[dreg:$0x0] =	wrdreg $0x60  }
0xae: {  	[dreg:$0x2] =	wrdreg s24  }
0xaf: {  	[dreg:$0x3] =	wrdreg $0x9  }
0xb0: {  	_ =	task.clear_ibuf [dreg:s6], $0x4FFFF;
	_ =	strace $0x90000061  }
0xb1: {  	s29 =	simm.s32 $0x9;
	_ =	strace $0x80000063  }
0xb2: {  	_ =	swait.ge [sflag:s29], $0x1  }
0xb3: {  	[sflag:s29] =	ssyncadd.s32 $0xFFFFFFFF  }
0xb4: {  	_ =	strace $0x90000063  }
0xb5: {  	_ =	sfence  }
0xb6: {  	s30 =	sld [smem:$0x0];
	_ =	sdelay $0x2  }
0xb7: {  	s31 =	sshll.u32 s1, $0xD;
	s1 =	sshrl.u32 s1, $0x2  }
0xb8: {  	s3 =	sand.u32 $0x4000, s31;
	s1 =	sadd.s32 s1, s30  }
0xb9: {  	s0 =	sor.u32 s3, s0;
	s1 =	sshll.u32 s1, $0x11  }
0xba: {  	s0 =	sor.u32 s1, s0  }
0xbb: {  	s0 =	sadd.s32 $0x8F2B, s0  }
0xbc: {  	[sflag:s0] =	ssyncadd.remote.s32 $0x1  }
0xbd: {  	_ =	sfence.sel $0xFFFF  }
0xbe: {  	[dreg:$0x0] =	wrdreg $0xFFFFFFFF;
	(pc) =	sbr.abs _section_cstart, $3  }
0xbf: {  	[dreg:$0x1] =	wrdreg $0xFFFFFFFF  }
0xc0: {  	_ =	task.clear_ibuf [dreg:s6], $0x2FFFF;
	_ =	strace $0x9FFFFFFF  }
0xc1: {  	(tm) =	ssettm $0x7FFFFFFF  }
tec
execute0_lowered:
.L_overlay_start_1:
0x0: {  	(tag) =	ssettag $0x1  }
0x1: {  	s2 =	rddreg [dreg:$0x0]  }
0x2: {  	s0 =	rddreg [dreg:$0x1]  }
0x3: {  	s1 =	srdreg.scid;
	_ =	strace $0x80000062;
	s4 =	simm.s32 $0x1  }
0x4: {  	s9 =	simm.s32 $0x3;
	s11 =	simm.s32 $0x0;
	s5 =	sshll.u32 s1, $0x4  }
.Ltmp0:
0x5: {  	s1 =	stileid.u32;
	s5 =	sand.u32 $0x10, s5;
	(pc) =	sbr.rel .LBB2_1-.Ltmp0, $4  }
0x6: {  	p0 =	por $0x0, $0x0;
	s3 =	sadd.s32 $0x404200, s2;
	s6 =	sor.u32 s1, s5  }
0x7: {  	[sflag:s4] =	ssyncpa.u1 $0x0;
	s5 =	simm.s32 $0x2;
	s6 =	sshll.u32 s6, $0xB  }
0x8: {  	s7 =	sadd.s32 $0x104200, s2;
	[sflag:s5] =	ssyncpa.u1 $0x0;
	s8 =	sadd.s32 $0x800, s6  }
0x9: {  	vm0 =	vmmov $0xff;
	vm1 =	vcmask $0x3F20;
	[sflag:s9] =	ssyncpa.u1 $0x0;
	s10 =	smov.u32 s6;
	s9 =	simm.s32 $0x0  }
.LBB2_7:
0xa: {  	p1 =	slt.u32 s9, $0x2;
	s11 =	sadd.s32 $0x100, s10  }
0xb: {  	s13 =	smov.u32 s6;
	s9 =	sadd.s32 $0x1, s9;
	p2 =	slt.s32 s11, s8  }
0xc: {  	s13 =	smov.u32 @p2 s11;
	p2 =	sne.s32 s9, $0xA  }
.Ltmp1:
0xd: {  	_ = 	snop;
	(pc) =	sbr.rel @!p2 .LBB2_8-.Ltmp1, $4  }
0xe: {  	s12 =	simm.s32 @!p1 $0x3  }
0xf: {  	_ =	swait.ge @!p1 [sflag:s12], $0x8000  }
0x10: {  	p0 =	por !p0, !p0;
	[sflag:s12] =	ssyncset.done @!p1 $0x0  }
0x11: {  	s11 =	smov.u32 s10;
	s10 =	smov.u32 s13;
	[sflag:s12] =	ssyncadd.s32 @!p1 $0xFFFF8000  }
.LBB2_1:
0x12: {  	p1 =	sgt.u32 s9, $0x7  }
0x13: {  	s12 =	sxor.u32 @!p1 $0xFFFFFFFF, s9  }
0x14: {  	s13 =	sshrl.u32 @!p1 s10, $0x3;
	s12 =	sshll.u32 @!p1 s12, $0x8  }
0x15: {  	s14 =	sand.u32 @!p1 $0x7, s10;
	s13 =	sadd.s32 @!p1 s2, s13;
	s12 =	sand.u32 @!p1 $0x100, s12  }
0x16: {  	[tilespmem:s12], [sflag:$0x2] =	stream.linear.gather @!p1 [hbm4b:s13+s14], $0x100, $0x38;
	[tilespmem:$0x10200] =	vst v63  }
0x17: {  	p1 =	seq.s32 s9, $0x0  }
0x18: {  	p2 =	seq.s32 @!p1 s9, $0x9  }
0x19: {  	p1 =	por p1, p2  }
.Ltmp2:
0x1a: {  	_ = 	snop;
	(pc) =	sbr.rel @p1 .LBB2_7-.Ltmp2, $1  }
0x1b: {  	_ =	sdelay $0x3  }
0x1c: {  	s12 =	simm.s32 $0x1  }
0x1d: {  	_ =	swait.ge [sflag:s5], $0x100;
	s12 =	simm.s32 @!p0 $0x0  }
0x1e: {  	[sflag:s5] =	ssyncset.done $0x0;
	s14 =	sshll.u32 s12, $0x8  }
0x1f: {  	[sflag:s5] =	ssyncadd.s32 $0xFFFFFF00;
	s13 =	sadd.s32 $0x0, s14  }
0x20: {  	v0 =	vld.msk [tilespmem:s13+$0x0 ss:$0x1], $0xffff;
	_ =	sdelay $0x4  }
0x21: {  	v1 =	vshll.u32 v0, $0x2  }
0x22: {  	vm2 =	veq.s32 v0, $0x80000000;
	v0 =	vshll.u32 v0, $0x12;
	v1 =	vand.u32 $0x3FF80, v1  }
0x23: {  	v0 =	vand.u32 $0x7C0000, v0;
	v1 =	vsel vm2, $0xFFFFFF80, v1  }
0x24: {  	v0 =	vsel vm2, $0xFFFC0000, v0;
	v2 =	vand.u32 $0xFFFFFC00, v1  }
0x25: {  	v1 =	vand.u32 $0x380, v1;
	v0 =	vadd.s32 v0, v2  }
0x26: {  	v0 =	vor.u32 v1, v0  }
0x27: {  	v0 =	vshrl.u32 v0, $0x3;
	_ =	sdelay $0x2  }
0x28: {  	s12 =	sshll.u32 s12, $0xF  }
0x29: {  	s12 =	sor.u32 $0x200, s12  }
0x2a: {  	[tilespmem:s12], [sflag:$0x1] =	stream.indirect_vreg.gather [hbm:s3], $0x80, v0, vm0, $0x38;
	[tilespmem:$0x10200] =	vst v63  }
0x2b: {  	s15 =	sadd.s32 $0x10, s14;
	s13 =	sadd.s32 $0x400, s12  }
0x2c: {  	[tilespmem:s13], [sflag:$0x1] =	stream.indirect_vreg.gather [hbm:s3], $0x80, v0, vm1, $0x38;
	[tilespmem:$0x10200] =	vst v63  }
0x2d: {  	s16 =	simm.s32 $0x80;
	v0 =	vld.msk [tilespmem:s15+$0x0 ss:$0x1], $0xffff;
	s15 =	smov.u32 s12  }
.LBB2_3:
0x2e: {  	p1 =	sne.s32 s16, $0x3C0;
	_ =	sdelay $0x4  }
0x2f: {  	v1 =	vshll.u32 v0, $0x2  }
0x30: {  	vm2 =	veq.s32 v0, $0x80000000;
	v0 =	vshll.u32 v0, $0x12;
	v1 =	vand.u32 $0x3FF80, v1  }
0x31: {  	v0 =	vand.u32 $0x7C0000, v0;
	v1 =	vsel vm2, $0xFFFFFF80, v1  }
0x32: {  	v0 =	vsel vm2, $0xFFFC0000, v0;
	v2 =	vand.u32 $0xFFFFFC00, v1  }
0x33: {  	v1 =	vand.u32 $0x380, v1;
	v0 =	vadd.s32 v0, v2  }
0x34: {  	v0 =	vor.u32 v1, v0  }
0x35: {  	v0 =	vshrl.u32 v0, $0x3;
	_ =	sdelay $0x3  }
.Ltmp3:
0x36: {  	s17 =	sshra.s32 s16, $0x2;
	s15 =	sadd.s32 $0x800, s15;
	(pc) =	sbr.rel @p1 .LBB2_3-.Ltmp3, $4  }
0x37: {  	[tilespmem:s15], [sflag:$0x1] =	stream.indirect_vreg.gather [hbm:s3], $0x80, v0, vm0, $0x38;
	[tilespmem:$0x10200] =	vst v63  }
0x38: {  	s17 =	sadd.s32 s17, s14;
	s18 =	sadd.s32 $0x400, s15  }
0x39: {  	[tilespmem:s18], [sflag:$0x1] =	stream.indirect_vreg.gather [hbm:s3], $0x80, v0, vm1, $0x38;
	[tilespmem:$0x10200] =	vst v63  }
0x3a: {  	s16 =	sadd.s32 $0x40, s16;
	v0 =	vld.msk [tilespmem:s17+$0x0 ss:$0x1], $0xffff  }
0x3b: {  	_ =	sdelay $0x3  }
0x3c: {  	v1 =	vshll.u32 v0, $0x2  }
0x3d: {  	vm2 =	veq.s32 v0, $0x80000000;
	v63 =	vshll.u32 v0, $0x12;
	v1 =	vand.u32 $0x3FF80, v1  }
0x3e: {  	v0 =	vand.u32 $0x7C0000, v63;
	v1 =	vsel vm2, $0xFFFFFF80, v1  }
0x3f: {  	v0 =	vsel vm2, $0xFFFC0000, v0;
	v2 =	vand.u32 $0xFFFFFC00, v1  }
0x40: {  	v1 =	vand.u32 $0x380, v1;
	v0 =	vadd.s32 v0, v2  }
0x41: {  	v0 =	vor.u32 v1, v0  }
0x42: {  	v0 =	vshrl.u32 v0, $0x3;
	_ =	sdelay $0x3  }
0x43: {  	s14 =	sadd.s32 $0x800, s15  }
0x44: {  	[tilespmem:s14], [sflag:$0x1] =	stream.indirect_vreg.gather [hbm:s3], $0x80, v0, vm0, $0x38;
	[tilespmem:$0x10200] =	vst v63  }
0x45: {  	s14 =	sadd.s32 $0x400, s14  }
0x46: {  	[tilespmem:s14], [sflag:$0x1] =	stream.indirect_vreg.gather [hbm:s3], $0x80, v0, vm1, $0x38;
	[tilespmem:$0x10200] =	vst v63  }
0x47: {  	s11 =	sshll.u32 s11, $0x4;
	_ =	swait.ge [sflag:s4], $0x8000  }
0x48: {  	s11 =	sadd.s32 s11, s7;
	[sflag:s4] =	ssyncset.done $0x0  }
0x49: {  	s15 =	sadd.s32 $0x0, s11;
	s14 =	simm.s32 $0x80;
	[sflag:s4] =	ssyncadd.s32 $0xFFFF8000  }
.LBB2_5:
0x4a: {  	[hbm:s15] =	stream.linear.scatter [tilespmem:s12], [sflag:$0x3], $0x400, $0x38;
	[tilespmem:$0x10200] =	vst v63  }
0x4b: {  	s15 =	smov.u32 s14;
	s12 =	smov.u32 s13;
	p1 =	sne.s32 s14, $0xF80  }
.Ltmp4:
0x4c: {  	s14 =	sadd.s32 $0x80, s14;
	(pc) =	sbr.rel @p1 .LBB2_5-.Ltmp4, $2  }
0x4d: {  	_ =	sdelay $0x2  }
0x4e: {  	s13 =	sadd.s32 $0x400, s13;
	s15 =	sadd.s32 s15, s11  }
.Ltmp5:
0x4f: {  	(pc) =	sbr.rel .LBB2_7-.Ltmp5, $2  }
0x50: {  	_ =	sdelay $0x2  }
0x51: {  	[hbm:s15] =	stream.linear.scatter [tilespmem:s12], [sflag:$0x3], $0x400, $0x38;
	[tilespmem:$0x10200] =	vst v63  }
.LBB2_8:
0x52: {  	_ =	sfence.sel $0x180000  }
0x53: {  	s2 =	simm.s32 $0x2;
	[bflag:$0x0] =	sbarrier.arrive $0xFFFF  }
0x54: {  	s30 =	simm.s32 $0x3;
	[sflag:s2] =	ssyncpa.u1 $0x1  }
0x55: {  	s31 =	simm.s32 $0x1;
	[sflag:s30] =	ssyncpa.u1 $0x1  }
0x56: {  	[sflag:s31] =	ssyncpa.u1 $0x1  }
0x57: {  	p0 =	sne.s32 s1, $0x0;
	_ =	strace $0x90000062  }
0x58: {  	s0 =	sadd.s32 @!p0 $0x100000, s0;
	[bflag:$0x2] =	sbarrier.arrive $0xFFFF  }
0x59: {  	[sflag:s0] =	ssyncadd.tile.s32 @!p0 $0x1;
	_ =	shalt  }
.Lfunc_end2:
_tile_overlayer_lowered:
.L_overlay_start_2:
0x5a: {  	(tag) =	ssettag $0x2  }
0x5b: {  	s0 =	rddreg [dreg:$0x0];
	s2 =	stileid.u32  }
0x5c: {  	s1 =	rddreg [dreg:$0x1];
	p0 =	sne.s32 s2, $0x0  }
0x5d: {  	s3 =	rddreg [dreg:$0x2];
	[bflag:$0x3] =	sbarrier.arrive $0xFFFF;
	s2 =	simm.s32 @!p0 $0x1C01  }
0x5e: {  	[timem:s3], [sflag:s2] =	dma.local @!p0 [hbm:s0], s1  }
0x5f: {  	s0 =	simm.s32 @!p0 $0x1  }
0x60: {  	_ =	swait.ge @!p0 [sflag:s0], s1  }
0x61: {  	s1 =	ssub.s32 @!p0 $0x0, s1;
	[sflag:s0] =	ssyncset.done @!p0 $0x0  }
0x62: {  	[sflag:s0] =	ssyncadd.s32 @!p0 s1  }
0x63: {  	[bflag:$0x3] =	sbarrier.arrive $0xFFFF  }
0x64: {  	_ =	shalt  }

// kernel: gather_offload_async_start
scs
__scs_entry_jumppad:
0x0: {  	(pc) =	sbr.rel $0x88, $3  }
0x1: {  	(tag) =	ssettag $0x0;
	lr =	simm.s32 $0x1  }
0x2: {  	[smem:$0x3F92] =	sst lr;
	_ =	strace $0xD0000000  }
0x3: {  	_ = 	snop  }
0x4: {  	_ = 	snop  }
0x5: {  	_ = 	snop  }
0x6: {  	_ = 	snop  }
0x7: {  	_ = 	snop  }
__scs_overlays_trampoline_lowered:
0x8: {  	[smem:$0x3FA1] =	sst s0  }
0x9: {  	[smem:$0x3FA2] =	sst s1  }
0xa: {  	[smem:$0x3FA3] =	sst s2  }
0xb: {  	[smem:$0x3FA4] =	sst s3  }
0xc: {  	[smem:$0x3FA5] =	sst s4  }
0xd: {  	[smem:$0x3FA6] =	sst s5  }
0xe: {  	[smem:$0x3FA7] =	sst s6  }
0xf: {  	[smem:$0x3FA8] =	sst s7  }
0x10: {  	[smem:$0x3FA9] =	sst s8  }
0x11: {  	[smem:$0x3FAA] =	sst s9;
	s0 =	simm.s32 @!p0 $0x0  }
0x12: {  	s1 =	sld [smem:$0x3F90];
	s0 =	simm.s32 @p0 $0x1  }
0x13: {  	[smem:$0x3FAB] =	sst s0;
	s0 =	simm.s32 @!p1 $0x0  }
0x14: {  	s2 =	sld [smem:$0x3F8F];
	s0 =	simm.s32 @p1 $0x1  }
0x15: {  	[smem:$0x3FAC] =	sst s0;
	s0 =	simm.s32 @!p2 $0x0  }
0x16: {  	s3 =	sld [smem:$0x3FDB];
	s0 =	simm.s32 @p2 $0x1  }
0x17: {  	s4 =	simm.s32 $0x1BF5;
	[smem:$0x3FAE] =	sst s0  }
0x18: {  	s0 =	sld [smem:$0x3F91];
	_ =	swait.ge [sflag:s4], $0x0  }
0x19: {  	s7 =	sld [smem:$0x3F92]  }
0x1a: {  	s8 =	sadd.s32 $0xFFFFE003, lr  }
0x1b: {  	s9 =	sadd.s32 $0xFFFFFEF7, lr;
	s5 =	simm.s32 $0xFFFFFFFF;
	p2 =	slt.u32 s8, $0xFFFFF086  }
0x1c: {  	p1 =	slt.u32 s9, $0xF7A;
	s5 =	simm.s32 @!p2 $0x0  }
0x1d: {  	s5 =	simm.s32 @p1 $0x1;
	p0 =	seq.s32 s7, s2  }
0x1e: {  	s7 =	smul.u32 @!p0 $0xF7A, s2;
	p2 =	seq.s32 @!p0 s5, $0x0  }
0x1f: {  	s9 =	smul.u32 $0xF7A, s1;
	s8 =	simm.s32 @!p0 $0x1BF5;
	p2 =	por !p2, p0  }
0x20: {  	[sflag:s8] =	ssyncset.s32 @!p0 $0xFFFFF086;
	s6 =	sadd.s32 @!p0 s3, s7;
	s7 =	simm.s32 @!p0 $0x108  }
0x21: {  	s3 =	sadd.s32 s3, s9;
	s6 =	sadd.s32 @!p0 $0x88, s6;
	s7 =	simm.s32 @p2 $0x1082  }
0x22: {  	[simem:s7], [sflag:s8] =	dma.local @!p0 [hbm:s6], $0xF7A  }
0x23: {  	s9 =	sor.u32 $0xD0000000, s2;
	s6 =	simm.s32 $0x108;
	_ =	swait.ge @!p0 [sflag:s8], $0x0  }
0x24: {  	s3 =	sadd.s32 $0x88, s3;
	s6 =	simm.s32 @!p1 $0x1082;
	[sflag:s4] =	ssyncset.s32 $0xFFFFF086  }
0x25: {  	[simem:s6], [sflag:s4] =	dma.local [hbm:s3], $0xF7A  }
0x26: {  	[smem:$0x3F92] =	sst s1;
	(tag) =	ssettag s2;
	_ =	strace s9  }
0x27: {  	s1 =	sld [smem:$0x3FA2]  }
0x28: {  	s2 =	sld [smem:$0x3FA3]  }
0x29: {  	s4 =	sld [smem:$0x3FA5]  }
0x2a: {  	p0 =	seq.s32 s5, $0x0;
	s5 =	sld [smem:$0x3FA6]  }
0x2b: {  	s6 =	sld [smem:$0x3FA7]  }
0x2c: {  	s7 =	sld [smem:$0x3FA8]  }
0x2d: {  	s3 =	simm.s32 $0x108;
	s8 =	sld [smem:$0x3FA9]  }
0x2e: {  	s3 =	simm.s32 @!p0 $0x1082;
	s9 =	sld [smem:$0x3FAA]  }
0x2f: {  	lr =	sadd.s32 s0, s3;
	s0 =	sld [smem:$0x3FA1]  }
0x30: {  	s3 =	sld [smem:$0x3FA4]  }
0x31: {  	[smem:$0x3FAD] =	sst s10  }
0x32: {  	s10 =	sld [smem:$0x3FAB];
	_ =	sdelay $0x3  }
0x33: {  	p0 =	seq.s32 s10, $0x1;
	s10 =	sld [smem:$0x3FAD];
	_ =	sdelay $0x3  }
0x34: {  	[smem:$0x3FAD] =	sst s10  }
0x35: {  	s10 =	sld [smem:$0x3FAC];
	_ =	sdelay $0x3  }
0x36: {  	p1 =	seq.s32 s10, $0x1;
	s10 =	sld [smem:$0x3FAD];
	_ =	sdelay $0x3  }
0x37: {  	[smem:$0x3FAD] =	sst s10  }
0x38: {  	s10 =	sld [smem:$0x3FAE]  }
0x39: {  	_ = 	snop;
	(pc) =	sbr.ind lr, $3  }
0x3a: {  	_ = 	snop  }
0x3b: {  	_ = 	snop  }
0x3c: {  	p2 =	seq.s32 s10, $0x1;
	s10 =	sld [smem:$0x3FAD]  }
0x3d: {  	_ =	shalt  }
0x3e: {  	_ =	shalt  }
0x3f: {  	_ =	shalt  }
0x40: {  	_ =	shalt  }
0x41: {  	_ =	shalt  }
0x42: {  	_ =	shalt  }
0x43: {  	_ =	shalt  }
0x44: {  	_ =	shalt  }
0x45: {  	_ =	shalt  }
0x46: {  	_ =	shalt  }
0x47: {  	_ =	shalt  }
0x48: {  	_ =	shalt  }
0x49: {  	_ =	shalt  }
0x4a: {  	_ =	shalt  }
0x4b: {  	_ =	shalt  }
0x4c: {  	_ =	shalt  }
0x4d: {  	_ =	shalt  }
0x4e: {  	_ =	shalt  }
0x4f: {  	_ =	shalt  }
0x50: {  	_ =	shalt  }
0x51: {  	_ =	shalt  }
0x52: {  	_ =	shalt  }
0x53: {  	_ =	shalt  }
0x54: {  	_ =	shalt  }
0x55: {  	_ =	shalt  }
0x56: {  	_ =	shalt  }
0x57: {  	_ =	shalt  }
0x58: {  	_ =	shalt  }
0x59: {  	_ =	shalt  }
0x5a: {  	_ =	shalt  }
0x5b: {  	_ =	shalt  }
0x5c: {  	_ =	shalt  }
0x5d: {  	_ =	shalt  }
0x5e: {  	_ =	shalt  }
0x5f: {  	_ =	shalt  }
0x60: {  	_ =	shalt  }
0x61: {  	_ =	shalt  }
0x62: {  	_ =	shalt  }
0x63: {  	_ =	shalt  }
0x64: {  	_ =	shalt  }
0x65: {  	_ =	shalt  }
0x66: {  	_ =	shalt  }
0x67: {  	_ =	shalt  }
0x68: {  	_ =	shalt  }
0x69: {  	_ =	shalt  }
0x6a: {  	_ =	shalt  }
0x6b: {  	_ =	shalt  }
0x6c: {  	_ =	shalt  }
0x6d: {  	_ =	shalt  }
0x6e: {  	_ =	shalt  }
0x6f: {  	_ =	shalt  }
0x70: {  	_ =	shalt  }
0x71: {  	_ =	shalt  }
0x72: {  	_ =	shalt  }
0x73: {  	_ =	shalt  }
0x74: {  	_ =	shalt  }
0x75: {  	_ =	shalt  }
0x76: {  	_ =	shalt  }
0x77: {  	_ =	shalt  }
0x78: {  	_ =	shalt  }
0x79: {  	_ =	shalt  }
0x7a: {  	_ =	shalt  }
0x7b: {  	_ =	shalt  }
0x7c: {  	_ =	shalt  }
0x7d: {  	_ =	shalt  }
0x7e: {  	_ =	shalt  }
0x7f: {  	_ =	shalt  }
0x80: {  	_ =	shalt  }
0x81: {  	_ =	shalt  }
0x82: {  	_ =	shalt  }
0x83: {  	_ =	shalt  }
0x84: {  	_ =	shalt  }
0x85: {  	_ =	shalt  }
0x86: {  	_ =	shalt  }
0x87: {  	_ =	shalt  }
.Lfunc_end0:
.L_simem_size_0:
called_computation_lowered:
.L_overlay_start_0:
0x88: {  	s2 =	sld [smem:$0x3FD9]  }
0x89: {  	s3 =	sld [smem:$0x3FFE];
	_ =	sdelay $0x1  }
0x8a: {  	s1 =	srdreg.scid  }
0x8b: {  	s0 =	sand.u32 $0x1, s1  }
0x8c: {  	s16 =	sshll.u32 s0, $0xA;
	s2 =	sadd.s32 s3, s2  }
0x8d: {  	s2 =	sadd.s32 s2, s16  }
0x8e: {  	[smem:$0x3FB9] =	sst s2  }
0x8f: {  	_ = 	snop  }
0x90: {  	(tm) =	ssettm $0x1  }
0x91: {  	s17 =	sld [smem:$0x3FFB];
	_ =	sdelay $0x3  }
0x92: {  	_ =	strace s17  }
0x93: {  	s2 =	sld [smem:$0x3FFC];
	_ =	sdelay $0x3  }
0x94: {  	_ =	strace s2  }
0x95: {  	s2 =	sld [smem:$0x3FFD];
	_ =	sdelay $0x3  }
0x96: {  	_ =	strace s2  }
0x97: {  	_ =	strace $0x8FFFFFFF  }
0x98: {  	s18 =	sld [smem:$0x3FDB];
	_ =	sdelay $0x1  }
0x99: {  	s19 =	simm.s32 $_scs_section_size  }
0x9a: {  	s4 =	simm.s32 $_size__tile_overlayer_lowered;
	s5 =	simm.s32 $_tile_overlayer_lowered  }
0x9b: {  	s22 =	simm.s32 $0x1BFF;
	s21 =	sshll.u32 s5, $0x1;
	s2 =	sadd.s32 s19, s18  }
0x9c: {  	s6 =	simm.s32 $0x0;
	s20 =	sshll.u32 s4, $0x1;
	s4 =	sadd.s32 s21, s2  }
0x9d: {  	[timem:s6], [sflag:s22] =	dma.local [hbm:s4], s20  }
0x9e: {  	_ =	swait.ge [sflag:s22], s20  }
0x9f: {  	s3 =	ssub.s32 $0x0, s20;
	[sflag:s22] =	ssyncset.done $0x0  }
0xa0: {  	[sflag:s22] =	ssyncadd.s32 s3;
	_ =	sdelay $0x1  }
0xa1: {  	s23 =	simm.s32 $0x1B8B  }
0xa2: {  	_ =	swait.ge [sflag:s23], $0x1  }
0xa3: {  	[sflag:s23] =	ssyncset.done $0x0  }
0xa4: {  	s25 =	simm.s32 $0x1B8E;
	s24 =	sld [smem:$0x3FFE];
	[sflag:s23] =	ssyncadd.s32 $0xFFFFFFFF  }
0xa5: {  	s26 =	simm.s32 $execute0_lowered;
	[smem:$0x3FD2] =	sst s25  }
0xa6: {  	s4 =	sshll.u32 s26, $0x1;
	_ =	strace $0x80000046;
	[dreg:$0x1] =	wrdreg $0xFFFFFFFF  }
0xa7: {  	s28 =	simm.s32 $_size_execute0_lowered;
	s2 =	sadd.s32 s2, s4;
	[dreg:$0x0] =	wrdreg $0x0  }
0xa8: {  	s4 =	sshll.u32 s28, $0x1;
	[dreg:$0x2] =	wrdreg s2  }
0xa9: {  	[dreg:$0x3] =	wrdreg s4  }
0xaa: {  	[dreg:$0x4] =	wrdreg $0xC0  }
0xab: {  	_ =	task [dreg:s6], $0x5FFFF  }
0xac: {  	[dreg:$0x1] =	wrdreg $0xFFFFFFFF  }
0xad: {  	[dreg:$0x0] =	wrdreg $0x60  }
0xae: {  	[dreg:$0x2] =	wrdreg s24  }
0xaf: {  	[dreg:$0x3] =	wrdreg $0x9  }
0xb0: {  	_ =	task.clear_ibuf [dreg:s6], $0x4FFFF;
	_ =	strace $0x90000046  }
0xb1: {  	s29 =	simm.s32 $0x9;
	_ =	strace $0x80000048  }
0xb2: {  	_ =	swait.ge [sflag:s29], $0x1  }
0xb3: {  	[sflag:s29] =	ssyncadd.s32 $0xFFFFFFFF  }
0xb4: {  	_ =	strace $0x90000048  }
0xb5: {  	_ =	sfence  }
0xb6: {  	s30 =	sld [smem:$0x0];
	_ =	sdelay $0x2  }
0xb7: {  	s31 =	sshll.u32 s1, $0xD;
	s1 =	sshrl.u32 s1, $0x2  }
0xb8: {  	s3 =	sand.u32 $0x4000, s31;
	s1 =	sadd.s32 s1, s30  }
0xb9: {  	s0 =	sor.u32 s3, s0;
	s1 =	sshll.u32 s1, $0x11  }
0xba: {  	s0 =	sor.u32 s1, s0  }
0xbb: {  	s0 =	sadd.s32 $0x8F2B, s0  }
0xbc: {  	[sflag:s0] =	ssyncadd.remote.s32 $0x1  }
0xbd: {  	_ =	sfence.sel $0xFFFF  }
0xbe: {  	[dreg:$0x0] =	wrdreg $0xFFFFFFFF;
	(pc) =	sbr.abs _section_cstart, $3  }
0xbf: {  	[dreg:$0x1] =	wrdreg $0xFFFFFFFF  }
0xc0: {  	_ =	task.clear_ibuf [dreg:s6], $0x2FFFF;
	_ =	strace $0x9FFFFFFF  }
0xc1: {  	(tm) =	ssettm $0x7FFFFFFF  }
tec
execute0_lowered:
.L_overlay_start_1:
0x0: {  	(tag) =	ssettag $0x1  }
0x1: {  	s7 =	rddreg [dreg:$0x0]  }
0x2: {  	s0 =	rddreg [dreg:$0x1];
	_ =	strace $0x80000047  }
0x3: {  	s1 =	srdreg.scid;
	s4 =	simm.s32 $0x1;
	s9 =	simm.s32 $0x3  }
0x4: {  	s11 =	simm.s32 $0x0;
	p0 =	por $0x0, $0x0;
	s5 =	sshll.u32 s1, $0x4  }
.Ltmp0:
0x5: {  	s1 =	stileid.u32;
	s5 =	sand.u32 $0x10, s5;
	(pc) =	sbr.rel .LBB2_1-.Ltmp0, $4  }
0x6: {  	s2 =	sadd.s32 $0x300000, s7;
	s3 =	sadd.s32 $0x6000, s7;
	s6 =	sor.u32 s1, s5  }
0x7: {  	[sflag:s4] =	ssyncpa.u1 $0x0;
	s5 =	simm.s32 $0x2;
	s6 =	sshll.u32 s6, $0xB  }
0x8: {  	s7 =	sadd.s32 $0x500000, s7;
	[sflag:s5] =	ssyncpa.u1 $0x0;
	s8 =	sadd.s32 $0x800, s6  }
0x9: {  	vm0 =	vmmov $0xff;
	vm1 =	vcmask $0x3F20;
	[sflag:s9] =	ssyncpa.u1 $0x0;
	s10 =	smov.u32 s6;
	s9 =	simm.s32 $0x0  }
.LBB2_8:
0xa: {  	[hbm:s15] =	stream.linear.scatter [tilespmem:s12], [sflag:$0x3], $0x800, $0x38;
	[tilespmem:$0x10100] =	vst v63  }
.LBB2_9:
0xb: {  	p1 =	slt.u32 s9, $0x2;
	s11 =	sadd.s32 $0x80, s10  }
0xc: {  	s13 =	smov.u32 s6;
	s9 =	sadd.s32 $0x1, s9;
	p2 =	slt.s32 s11, s8  }
0xd: {  	s13 =	smov.u32 @p2 s11;
	p2 =	sne.s32 s9, $0x12  }
.Ltmp1:
0xe: {  	_ = 	snop;
	(pc) =	sbr.rel @!p2 .LBB2_10-.Ltmp1, $4  }
0xf: {  	s12 =	simm.s32 @!p1 $0x3  }
0x10: {  	_ =	swait.ge @!p1 [sflag:s12], $0x8000  }
0x11: {  	p0 =	por !p0, !p0;
	[sflag:s12] =	ssyncset.done @!p1 $0x0  }
0x12: {  	s11 =	smov.u32 s10;
	s10 =	smov.u32 s13;
	[sflag:s12] =	ssyncadd.s32 @!p1 $0xFFFF8000  }
.LBB2_1:
0x13: {  	p1 =	sgt.u32 s9, $0xF  }
0x14: {  	s12 =	sxor.u32 @!p1 $0xFFFFFFFF, s9  }
0x15: {  	s13 =	sshrl.u32 @!p1 s10, $0x3;
	s12 =	sshll.u32 @!p1 s12, $0x7  }
0x16: {  	s14 =	sand.u32 @!p1 $0x7, s10;
	s13 =	sadd.s32 @!p1 s3, s13;
	s12 =	sand.u32 @!p1 $0x80, s12  }
0x17: {  	[tilespmem:s12], [sflag:$0x2] =	stream.linear.gather @!p1 [hbm4b:s13+s14], $0x80, $0x38;
	[tilespmem:$0x10100] =	vst v63  }
0x18: {  	p1 =	seq.s32 s9, $0x0  }
0x19: {  	p2 =	seq.s32 @!p1 s9, $0x11  }
0x1a: {  	p1 =	por p1, p2  }
.Ltmp2:
0x1b: {  	_ = 	snop;
	(pc) =	sbr.rel @p1 .LBB2_9-.Ltmp2, $1  }
0x1c: {  	_ =	sdelay $0x3  }
0x1d: {  	s12 =	simm.s32 $0x1;
	_ =	swait.ge [sflag:s5], $0x80;
	s13 =	sand.u32 $0x1, s9  }
0x1e: {  	s15 =	simm.s32 $0x0;
	s12 =	simm.s32 @!p0 $0x0;
	[sflag:s5] =	ssyncset.done $0x0  }
0x1f: {  	s14 =	sshll.u32 s13, $0xF;
	s13 =	sshll.u32 s13, $0x7;
	s12 =	sshll.u32 s12, $0xF  }
0x20: {  	[sflag:s5] =	ssyncadd.s32 $0xFFFFFF80;
	s14 =	sor.u32 $0x100, s14;
	s12 =	sor.u32 $0x100, s12  }
.LBB2_3:
0x21: {  	s16 =	sshll.u32 s15, $0x4  }
0x22: {  	s16 =	sand.u32 $0x3FFFFFF0, s16  }
0x23: {  	s16 =	sadd.s32 s16, s13  }
0x24: {  	v0 =	vld.msk [tilespmem:s16+$0x0 ss:$0x1], $0xffff;
	_ =	sdelay $0x4  }
0x25: {  	v1 =	vshrl.u32 v0, $0x5  }
0x26: {  	vm2 =	veq.s32 v0, $0x80000000;
	v1 =	vand.u32 $0x7FF, v1  }
0x27: {  	v0 =	vshll.u32 v0, $0x13;
	v1 =	vsel vm2, $0xFFFFFFFF, v1  }
0x28: {  	v0 =	vand.u32 $0xF80000, v0;
	v2 =	vshll.u32 v1, $0x8  }
0x29: {  	v0 =	vsel vm2, $0xFFF80000, v0;
	v1 =	vshll.u32 v1, $0x7;
	v2 =	vand.u32 $0xFFFFF800, v2  }
0x2a: {  	s31 =	sshll.u32 s15, $0xC;
	v1 =	vand.u32 $0x380, v1;
	v0 =	vadd.s32 v0, v2  }
0x2b: {  	s16 =	sand.u32 $0x3FFFF000, s31;
	v0 =	vor.u32 v1, v0  }
0x2c: {  	p1 =	por $0x1, $0x1;
	s17 =	simm.s32 $0x0;
	s16 =	sadd.s32 s16, s14;
	v0 =	vshrl.u32 v0, $0x3  }
.LBB2_4:
0x2d: {  	_ =	sdelay $0x1  }
0x2e: {  	s17 =	sshra.s32 s17, $0x2;
	p2 =	por p1, p1  }
.Ltmp3:
0x2f: {  	s17 =	sadd.s32 s17, s16;
	(pc) =	sbr.rel @p2 .LBB2_4-.Ltmp3, $4  }
0x30: {  	[tilespmem:s17], [sflag:$0x1] =	stream.indirect_vreg.gather [hbm:s2], $0x80, v0, vm0, $0x38;
	[tilespmem:$0x10100] =	vst v63  }
0x31: {  	s17 =	sadd.s32 $0x800, s17  }
0x32: {  	[tilespmem:s17], [sflag:$0x1] =	stream.indirect_vreg.gather [hbm:s2], $0x80, v0, vm1, $0x38;
	[tilespmem:$0x10100] =	vst v63  }
0x33: {  	p1 =	por $0x0, $0x0;
	v0 =	vadd.s32 $0x80, v0;
	s17 =	simm.s32 $0x1000  }
0x34: {  	s15 =	sadd.s32 $0x1, s15  }
0x35: {  	p1 =	sne.s32 s15, $0x8  }
.Ltmp4:
0x36: {  	_ = 	snop;
	(pc) =	sbr.rel @p1 .LBB2_3-.Ltmp4, $1  }
0x37: {  	_ =	sdelay $0x3  }
0x38: {  	s13 =	sshll.u32 s11, $0x5  }
0x39: {  	s31 =	sshll.u32 s11, $0x4;
	s13 =	sand.u32 $0xFFFFFF00, s13  }
0x3a: {  	_ =	swait.ge [sflag:s4], $0x8000;
	s11 =	sand.u32 $0x70, s31;
	s13 =	sadd.s32 s13, s7  }
0x3b: {  	s14 =	sadd.s32 $0x800, s12;
	[sflag:s4] =	ssyncset.done $0x0;
	s11 =	sadd.s32 s11, s13  }
0x3c: {  	[sflag:s4] =	ssyncadd.s32 $0xFFFF8000;
	s13 =	simm.s32 $0x100;
	s15 =	sadd.s32 $0x0, s11  }
.LBB2_7:
0x3d: {  	[hbm:s15] =	stream.linear.scatter [tilespmem:s12], [sflag:$0x3], $0x800, $0x38;
	[tilespmem:$0x10100] =	vst v63  }
0x3e: {  	s15 =	smov.u32 s13;
	s12 =	smov.u32 s14;
	p1 =	sne.s32 s13, $0xF00  }
.Ltmp5:
0x3f: {  	s13 =	sadd.s32 $0x100, s13;
	(pc) =	sbr.rel @p1 .LBB2_7-.Ltmp5, $2  }
0x40: {  	_ =	sdelay $0x2  }
0x41: {  	s14 =	sadd.s32 $0x800, s14;
	s15 =	sadd.s32 s15, s11  }
.Ltmp6:
0x42: {  	_ = 	snop;
	(pc) =	sbr.rel .LBB2_8-.Ltmp6, $1  }
0x43: {  	_ =	sdelay $0x3  }
.LBB2_10:
0x44: {  	_ =	sfence.sel $0x180000  }
0x45: {  	s2 =	simm.s32 $0x2;
	[bflag:$0x0] =	sbarrier.arrive $0xFFFF  }
0x46: {  	s30 =	simm.s32 $0x3;
	[sflag:s2] =	ssyncpa.u1 $0x1  }
0x47: {  	s31 =	simm.s32 $0x1;
	[sflag:s30] =	ssyncpa.u1 $0x1  }
0x48: {  	[sflag:s31] =	ssyncpa.u1 $0x1  }
0x49: {  	p0 =	sne.s32 s1, $0x0;
	_ =	strace $0x90000047  }
0x4a: {  	s0 =	sadd.s32 @!p0 $0x100000, s0;
	[bflag:$0x2] =	sbarrier.arrive $0xFFFF  }
0x4b: {  	[sflag:s0] =	ssyncadd.tile.s32 @!p0 $0x1;
	_ =	shalt  }
.Lfunc_end2:
_tile_overlayer_lowered:
.L_overlay_start_2:
0x4c: {  	(tag) =	ssettag $0x2  }
0x4d: {  	s0 =	rddreg [dreg:$0x0];
	s2 =	stileid.u32  }
0x4e: {  	s1 =	rddreg [dreg:$0x1];
	p0 =	sne.s32 s2, $0x0  }
0x4f: {  	s3 =	rddreg [dreg:$0x2];
	[bflag:$0x3] =	sbarrier.arrive $0xFFFF;
	s2 =	simm.s32 @!p0 $0x1C01  }
0x50: {  	[timem:s3], [sflag:s2] =	dma.local @!p0 [hbm:s0], s1  }
0x51: {  	s0 =	simm.s32 @!p0 $0x1  }
0x52: {  	_ =	swait.ge @!p0 [sflag:s0], s1  }
0x53: {  	s1 =	ssub.s32 @!p0 $0x0, s1;
	[sflag:s0] =	ssyncset.done @!p0 $0x0  }
0x54: {  	[sflag:s0] =	ssyncadd.s32 @!p0 s1  }
0x55: {  	[bflag:$0x3] =	sbarrier.arrive $0xFFFF  }
0x56: {  	_ =	shalt  }

</sc_bundles>
